<compile_context>
chip_gen: v7x
topology: tpu7x:2x2x1
jax: 0.10.2.dev20260603
libtpu: 0.0.44.dev20260713+nightly
codegen_flags: <defaults>
</compile_context>

<pallas_src>
import functools

import jax
import jax.numpy as jnp
from jax import lax
from jax.experimental import pallas as pl
from jax.experimental.pallas import tpu as pltpu
from jax.experimental.pallas import tpu_sc as plsc

_C = 5
_S = 4096
_Q = 8
_LANES = 16


def _compute_block(seq_v, out_v, q, pb):

    def j_body(j, carry):
        s = seq_v[pl.ds(q * _S + j * _LANES, _LANES)]
        for c in range(_C):
            out_v[pb, c, pl.ds(j * _LANES, _LANES)] = jnp.where(
                s == c, 1.0, 0.0
            ).astype(jnp.float32)
        return carry

    lax.fori_loop(0, _S // _LANES, j_body, 0, unroll=4)


def _sc_body(L, NW, stride, seq_hbm, out_hbm, seq_v, out_v, sem0, sem1):
    wid = lax.axis_index("s") * 2 + lax.axis_index("c")
    span = _Q * _S
    aligned = (L // 128) * 128
    base = pl.multiple_of(jnp.minimum(wid * stride, aligned - span), 128)
    sem = (sem0, sem1)

    pltpu.sync_copy(seq_hbm.at[pl.ds(base, span)], seq_v)

    out_cps = [[], []]
    for q in range(_Q):
        pb = q % 2
        for cp in out_cps[pb]:
            cp.wait()
        _compute_block(seq_v, out_v, q, pb)
        col0 = pl.multiple_of(base + q * _S, 128)
        out_cps[pb] = [
            pltpu.async_copy(
                out_v.at[pb],
                out_hbm.at[:, pl.ds(col0, _S)],
                sem[pb],
            )
        ]
    for pb in range(2):
        for cp in out_cps[pb]:
            cp.wait()


def _tail_body(seq_ref, _sc_ref, out_ref):
    s = seq_ref[:]
    classes = jax.lax.broadcasted_iota(jnp.int32, (_C, 128), 0)
    out_ref[:, :] = (s[None, :] == classes).astype(jnp.float32)


def kernel(seq):
    L = seq.shape[0]
    NW = 32
    span = _Q * _S
    aligned = (L // 128) * 128
    stride = -(-(aligned - span) // (NW - 1))
    stride = -(-stride // 128) * 128
    assert stride <= span
    mesh = plsc.VectorSubcoreMesh(core_axis_name="c", subcore_axis_name="s")
    body = functools.partial(_sc_body, L, NW, stride)
    sc_out = pl.kernel(
        body,
        mesh=mesh,
        compiler_params=pltpu.CompilerParams(use_tc_tiling_on_sc=True),
        out_type=jax.ShapeDtypeStruct((_C, L), jnp.float32),
        scratch_types=[
            pltpu.VMEM((span,), jnp.int32),
            pltpu.VMEM((2, _C, _S), jnp.float32),
            pltpu.SemaphoreType.DMA,
            pltpu.SemaphoreType.DMA,
        ],
    )(seq)
    if L % 128 == 0:
        return sc_out
    j = L // 128
    return pl.pallas_call(
        _tail_body,
        grid=(1,),
        in_specs=[
            pl.BlockSpec((128,), lambda i: (j,)),
            pl.BlockSpec(memory_space=pl.ANY),
        ],
        out_specs=pl.BlockSpec((_C, 128), lambda i: (0, j)),
        out_shape=jax.ShapeDtypeStruct((_C, L), jnp.float32),
        input_output_aliases={1: 0},
    )(seq, sc_out)

# --- scband reference (transcript-rebuilt; emitter-appended) ---
"""Pipeline reference for scband-seq2-tensor-51694226375269 (READ-ONLY COPY).

The authoritative reference and input builder live on the scoring server;
editing this copy changes nothing except your own understanding.
"""

import jax, jax.numpy as jnp
import numpy as np

SEQ_LEN = 1000000
NUM_CLASSES = 5  # A, T, G, C, N


def setup_inputs(seed: int = 0) -> dict:
    key = jax.random.key(seed)
    # Integer base codes in [0, 5); stands in for the string->n2id mapping
    seq = jax.random.randint(key, (SEQ_LEN,), 0, NUM_CLASSES, dtype=jnp.int64 if jax.config.jax_enable_x64 else jnp.int32)
    return {"seq": seq}


def reference(seq) -> jnp.ndarray:
    # Faithful translation of Seq2Tensor.forward:
    #   code = F.one_hot(code, num_classes=5).float()
    #   return code.transpose(0, 1)
    code = jax.nn.one_hot(seq, NUM_CLASSES, dtype=jnp.float32)  # [L, 5]
    return code.T  # [5, L]

if __name__ == "__main__":
    import jax
    _d = setup_inputs()
    print(jax.jit(kernel)(*tuple(_d.values())))

</pallas_src>

<mosaic_0001>
#map = affine_map<(d0, d1) -> (0)>
#map1 = affine_map<(d0, d1) -> (0, 0)>
module attributes {stable_mosaic.version = 14 : i64} {
  func.func @_sc_body(%arg0: i32, %arg1: i32, %arg2: memref<1000000xi32, #tpu.memory_space<hbm>>, %arg3: memref<5x1000000xf32, #tpu.memory_space<hbm>>, %arg4: memref<32768xi32, #tpu.memory_space<vmem>>, %arg5: memref<2x5x4096xf32, #tpu.memory_space<vmem>>, %arg6: memref<!tpu.dma_semaphore, #tpu.memory_space<semaphore_mem>>, %arg7: memref<!tpu.dma_semaphore, #tpu.memory_space<semaphore_mem>>) attributes {dimension_semantics = [#tpu.dimension_semantics<core_parallel>, #tpu.dimension_semantics<subcore_parallel>], iteration_bounds = array<i64: 2, 16>, scalar_prefetch = 0 : i64, scratch_operands = 4 : i64, tpu.core_type = #tpu.core_type<sc_vector_subcore>, window_params = [{transform_indices = #map}, {transform_indices = #map1}]} {
    %mul3A = arith.constant 2 : i32
    %mul3A_0 = arith.muli %arg1, %mul3A : i32
    %add3A = arith.addi %mul3A_0, %arg0 : i32
    %mul3A_1 = arith.constant 31232 : i32
    %mul3A_2 = arith.muli %add3A, %mul3A_1 : i32
    %min3A = arith.constant 967168 : i32
    %min3A_3 = arith.minsi %mul3A_2, %min3A : i32
    %multiple_of3A = tpu.assume_multiple %min3A_3, 128 : i32
    "tpu.region"() ({
      %run_scoped3A = tpu.sem_alloc : memref<!tpu.dma_semaphore, #tpu.memory_space<semaphore_mem>>
      %dma_start3A_281 = tpu.memref_slice %arg2[%multiple_of3A] : memref<1000000xi32, #tpu.memory_space<hbm>> -> memref<32768xi32, #tpu.memory_space<hbm>>
      %dma_start3A_282 = tpu.memref_slice %arg2[%multiple_of3A] : memref<1000000xi32, #tpu.memory_space<hbm>> -> memref<32768xi32, #tpu.memory_space<hbm>>
      tpu.enqueue_dma source(%dma_start3A_282 : memref<32768xi32, #tpu.memory_space<hbm>>) target(%arg4 : memref<32768xi32, #tpu.memory_space<vmem>>) target_semaphore(%run_scoped3A : memref<!tpu.dma_semaphore, #tpu.memory_space<semaphore_mem>>)
      %dma_wait3A_283 = tpu.memref_slice %arg2[%multiple_of3A] : memref<1000000xi32, #tpu.memory_space<hbm>> -> memref<32768xi32, #tpu.memory_space<hbm>>
      %dma_wait3A_284 = tpu.memref_slice %arg2[%multiple_of3A] : memref<1000000xi32, #tpu.memory_space<hbm>> -> memref<32768xi32, #tpu.memory_space<hbm>>
      tpu.wait_dma2 semaphore(%run_scoped3A : memref<!tpu.dma_semaphore, #tpu.memory_space<semaphore_mem>>) src(%dma_wait3A_284 : memref<32768xi32, #tpu.memory_space<hbm>>) dst(%arg4 : memref<32768xi32, #tpu.memory_space<vmem>>)
      tpu.yield
    }) : () -> ()
    %scan3A = arith.constant 0 : i32
    %scan3A_4 = arith.constant 0 : i32
    %scan3A_5 = arith.constant 256 : i32
    %scan3A_6 = arith.addi %scan3A_4, %scan3A_5 : i32
    %scan3A_7 = arith.constant 4 : i32
    scf.for %scan3A_281 = %scan3A_4 to %scan3A_6 step %scan3A_7  : i32 {
      %mul3A_282 = arith.constant 16 : i32
      %mul3A_283 = arith.muli %scan3A_281, %mul3A_282 : i32
      %add3A_284 = arith.constant 0 : i32
      %add3A_285 = arith.addi %add3A_284, %mul3A_283 : i32
      %get3A = arith.index_cast %add3A_285 : i32 to index
      %get3A_286 = tpu.vector_load %arg4[%get3A] {strides = array<i32>} : memref<32768xi32, #tpu.memory_space<vmem>>, vector<16xi32>,
      %get3A_287 = vector.shape_cast %get3A_286 : vector<16xi32> to vector<16xi32>
      %eq3A = arith.constant 0 : i32
      %eq3A_288 = vector.broadcast %eq3A : i32 to vector<16xi32>
      %eq3A_289 = arith.cmpi eq, %get3A_287, %eq3A_288 : vector<16xi32>
      %jit3A = arith.constant 1.000000e+00 : f32
      %jit3A_290 = arith.constant 0.000000e+00 : f32
      %broadcast_in_dim3A = vector.broadcast %jit3A : f32 to vector<16xf32>
      %broadcast_in_dim3A_291 = vector.broadcast %jit3A_290 : f32 to vector<16xf32>
      %select_n3A = arith.select %eq3A_289, %broadcast_in_dim3A, %broadcast_in_dim3A_291 : vector<16xi1>, vector<16xf32>
      %mul3A_292 = arith.constant 16 : i32
      %mul3A_293 = arith.muli %scan3A_281, %mul3A_292 : i32
      %swap3A = arith.constant 0 : i32
      %swap3A_294 = arith.constant 0 : i32
      %swap3A_295 = arith.index_cast %swap3A : i32 to index
      %swap3A_296 = arith.index_cast %swap3A_294 : i32 to index
      %swap3A_297 = arith.index_cast %mul3A_293 : i32 to index
      %swap3A_298 = tpu.vector_load %arg5[%swap3A_295, %swap3A_296, %swap3A_297] {strides = array<i32>} : memref<2x5x4096xf32, #tpu.memory_space<vmem>>, vector<1x1x16xf32>,
      %swap3A_299 = vector.shape_cast %swap3A_298 : vector<1x1x16xf32> to vector<16xf32>
      %swap3A_300 = vector.shape_cast %select_n3A : vector<16xf32> to vector<1x1x16xf32>
      tpu.vector_store %arg5[%swap3A_295, %swap3A_296, %swap3A_297], %swap3A_300 {strides = array<i32>} : memref<2x5x4096xf32, #tpu.memory_space<vmem>>, vector<1x1x16xf32>,
      %eq3A_301 = arith.constant 1 : i32
      %eq3A_302 = vector.broadcast %eq3A_301 : i32 to vector<16xi32>
      %eq3A_303 = arith.cmpi eq, %get3A_287, %eq3A_302 : vector<16xi32>
      %jit3A_304 = arith.constant 1.000000e+00 : f32
      %jit3A_305 = arith.constant 0.000000e+00 : f32
      %broadcast_in_dim3A_306 = vector.broadcast %jit3A_304 : f32 to vector<16xf32>
      %broadcast_in_dim3A_307 = vector.broadcast %jit3A_305 : f32 to vector<16xf32>
      %select_n3A_308 = arith.select %eq3A_303, %broadcast_in_dim3A_306, %broadcast_in_dim3A_307 : vector<16xi1>, vector<16xf32>
      %mul3A_309 = arith.constant 16 : i32
      %mul3A_310 = arith.muli %scan3A_281, %mul3A_309 : i32
      %swap3A_311 = arith.constant 0 : i32
      %swap3A_312 = arith.constant 1 : i32
      %swap3A_313 = arith.index_cast %swap3A_311 : i32 to index
      %swap3A_314 = arith.index_cast %swap3A_312 : i32 to index
      %swap3A_315 = arith.index_cast %mul3A_310 : i32 to index
      %swap3A_316 = tpu.vector_load %arg5[%swap3A_313, %swap3A_314, %swap3A_315] {strides = array<i32>} : memref<2x5x4096xf32, #tpu.memory_space<vmem>>, vector<1x1x16xf32>,
      %swap3A_317 = vector.shape_cast %swap3A_316 : vector<1x1x16xf32> to vector<16xf32>
      %swap3A_318 = vector.shape_cast %select_n3A_308 : vector<16xf32> to vector<1x1x16xf32>
      tpu.vector_store %arg5[%swap3A_313, %swap3A_314, %swap3A_315], %swap3A_318 {strides = array<i32>} : memref<2x5x4096xf32, #tpu.memory_space<vmem>>, vector<1x1x16xf32>,
      %eq3A_319 = arith.constant 2 : i32
      %eq3A_320 = vector.broadcast %eq3A_319 : i32 to vector<16xi32>
      %eq3A_321 = arith.cmpi eq, %get3A_287, %eq3A_320 : vector<16xi32>
      %jit3A_322 = arith.constant 1.000000e+00 : f32
      %jit3A_323 = arith.constant 0.000000e+00 : f32
      %broadcast_in_dim3A_324 = vector.broadcast %jit3A_322 : f32 to vector<16xf32>
      %broadcast_in_dim3A_325 = vector.broadcast %jit3A_323 : f32 to vector<16xf32>
      %select_n3A_326 = arith.select %eq3A_321, %broadcast_in_dim3A_324, %broadcast_in_dim3A_325 : vector<16xi1>, vector<16xf32>
      %mul3A_327 = arith.constant 16 : i32
      %mul3A_328 = arith.muli %scan3A_281, %mul3A_327 : i32
      %swap3A_329 = arith.constant 0 : i32
      %swap3A_330 = arith.constant 2 : i32
      %swap3A_331 = arith.index_cast %swap3A_329 : i32 to index
      %swap3A_332 = arith.index_cast %swap3A_330 : i32 to index
      %swap3A_333 = arith.index_cast %mul3A_328 : i32 to index
      %swap3A_334 = tpu.vector_load %arg5[%swap3A_331, %swap3A_332, %swap3A_333] {strides = array<i32>} : memref<2x5x4096xf32, #tpu.memory_space<vmem>>, vector<1x1x16xf32>,
      %swap3A_335 = vector.shape_cast %swap3A_334 : vector<1x1x16xf32> to vector<16xf32>
      %swap3A_336 = vector.shape_cast %select_n3A_326 : vector<16xf32> to vector<1x1x16xf32>
      tpu.vector_store %arg5[%swap3A_331, %swap3A_332, %swap3A_333], %swap3A_336 {strides = array<i32>} : memref<2x5x4096xf32, #tpu.memory_space<vmem>>, vector<1x1x16xf32>,
      %eq3A_337 = arith.constant 3 : i32
      %eq3A_338 = vector.broadcast %eq3A_337 : i32 to vector<16xi32>
      %eq3A_339 = arith.cmpi eq, %get3A_287, %eq3A_338 : vector<16xi32>
      %jit3A_340 = arith.constant 1.000000e+00 : f32
      %jit3A_341 = arith.constant 0.000000e+00 : f32
      %broadcast_in_dim3A_342 = vector.broadcast %jit3A_340 : f32 to vector<16xf32>
      %broadcast_in_dim3A_343 = vector.broadcast %jit3A_341 : f32 to vector<16xf32>
      %select_n3A_344 = arith.select %eq3A_339, %broadcast_in_dim3A_342, %broadcast_in_dim3A_343 : vector<16xi1>, vector<16xf32>
      %mul3A_345 = arith.constant 16 : i32
      %mul3A_346 = arith.muli %scan3A_281, %mul3A_345 : i32
      %swap3A_347 = arith.constant 0 : i32
      %swap3A_348 = arith.constant 3 : i32
      %swap3A_349 = arith.index_cast %swap3A_347 : i32 to index
      %swap3A_350 = arith.index_cast %swap3A_348 : i32 to index
      %swap3A_351 = arith.index_cast %mul3A_346 : i32 to index
      %swap3A_352 = tpu.vector_load %arg5[%swap3A_349, %swap3A_350, %swap3A_351] {strides = array<i32>} : memref<2x5x4096xf32, #tpu.memory_space<vmem>>, vector<1x1x16xf32>,
      %swap3A_353 = vector.shape_cast %swap3A_352 : vector<1x1x16xf32> to vector<16xf32>
      %swap3A_354 = vector.shape_cast %select_n3A_344 : vector<16xf32> to vector<1x1x16xf32>
      tpu.vector_store %arg5[%swap3A_349, %swap3A_350, %swap3A_351], %swap3A_354 {strides = array<i32>} : memref<2x5x4096xf32, #tpu.memory_space<vmem>>, vector<1x1x16xf32>,
      %eq3A_355 = arith.constant 4 : i32
      %eq3A_356 = vector.broadcast %eq3A_355 : i32 to vector<16xi32>
      %eq3A_357 = arith.cmpi eq, %get3A_287, %eq3A_356 : vector<16xi32>
      %jit3A_358 = arith.constant 1.000000e+00 : f32
      %jit3A_359 = arith.constant 0.000000e+00 : f32
      %broadcast_in_dim3A_360 = vector.broadcast %jit3A_358 : f32 to vector<16xf32>
      %broadcast_in_dim3A_361 = vector.broadcast %jit3A_359 : f32 to vector<16xf32>
      %select_n3A_362 = arith.select %eq3A_357, %broadcast_in_dim3A_360, %broadcast_in_dim3A_361 : vector<16xi1>, vector<16xf32>
      %mul3A_363 = arith.constant 16 : i32
      %mul3A_364 = arith.muli %scan3A_281, %mul3A_363 : i32
      %swap3A_365 = arith.constant 0 : i32
      %swap3A_366 = arith.constant 4 : i32
      %swap3A_367 = arith.index_cast %swap3A_365 : i32 to index
      %swap3A_368 = arith.index_cast %swap3A_366 : i32 to index
      %swap3A_369 = arith.index_cast %mul3A_364 : i32 to index
      %swap3A_370 = tpu.vector_load %arg5[%swap3A_367, %swap3A_368, %swap3A_369] {strides = array<i32>} : memref<2x5x4096xf32, #tpu.memory_space<vmem>>, vector<1x1x16xf32>,
      %swap3A_371 = vector.shape_cast %swap3A_370 : vector<1x1x16xf32> to vector<16xf32>
      %swap3A_372 = vector.shape_cast %select_n3A_362 : vector<16xf32> to vector<1x1x16xf32>
      tpu.vector_store %arg5[%swap3A_367, %swap3A_368, %swap3A_369], %swap3A_372 {strides = array<i32>} : memref<2x5x4096xf32, #tpu.memory_space<vmem>>, vector<1x1x16xf32>,
      %scan3A_373 = arith.constant 1 : i32
      %scan3A_374 = arith.addi %scan3A_281, %scan3A_373 : i32
      %mul3A_375 = arith.constant 16 : i32
      %mul3A_376 = arith.muli %scan3A_374, %mul3A_375 : i32
      %add3A_377 = arith.constant 0 : i32
      %add3A_378 = arith.addi %add3A_377, %mul3A_376 : i32
      %get3A_379 = arith.index_cast %add3A_378 : i32 to index
      %get3A_380 = tpu.vector_load %arg4[%get3A_379] {strides = array<i32>} : memref<32768xi32, #tpu.memory_space<vmem>>, vector<16xi32>,
      %get3A_381 = vector.shape_cast %get3A_380 : vector<16xi32> to vector<16xi32>
      %eq3A_382 = arith.constant 0 : i32
      %eq3A_383 = vector.broadcast %eq3A_382 : i32 to vector<16xi32>
      %eq3A_384 = arith.cmpi eq, %get3A_381, %eq3A_383 : vector<16xi32>
      %jit3A_385 = arith.constant 1.000000e+00 : f32
      %jit3A_386 = arith.constant 0.000000e+00 : f32
      %broadcast_in_dim3A_387 = vector.broadcast %jit3A_385 : f32 to vector<16xf32>
      %broadcast_in_dim3A_388 = vector.broadcast %jit3A_386 : f32 to vector<16xf32>
      %select_n3A_389 = arith.select %eq3A_384, %broadcast_in_dim3A_387, %broadcast_in_dim3A_388 : vector<16xi1>, vector<16xf32>
      %mul3A_390 = arith.constant 16 : i32
      %mul3A_391 = arith.muli %scan3A_374, %mul3A_390 : i32
      %swap3A_392 = arith.constant 0 : i32
      %swap3A_393 = arith.constant 0 : i32
      %swap3A_394 = arith.index_cast %swap3A_392 : i32 to index
      %swap3A_395 = arith.index_cast %swap3A_393 : i32 to index
      %swap3A_396 = arith.index_cast %mul3A_391 : i32 to index
      %swap3A_397 = tpu.vector_load %arg5[%swap3A_394, %swap3A_395, %swap3A_396] {strides = array<i32>} : memref<2x5x4096xf32, #tpu.memory_space<vmem>>, vector<1x1x16xf32>,
      %swap3A_398 = vector.shape_cast %swap3A_397 : vector<1x1x16xf32> to vector<16xf32>
      %swap3A_399 = vector.shape_cast %select_n3A_389 : vector<16xf32> to vector<1x1x16xf32>
      tpu.vector_store %arg5[%swap3A_394, %swap3A_395, %swap3A_396], %swap3A_399 {strides = array<i32>} : memref<2x5x4096xf32, #tpu.memory_space<vmem>>, vector<1x1x16xf32>,
      %eq3A_400 = arith.constant 1 : i32
      %eq3A_401 = vector.broadcast %eq3A_400 : i32 to vector<16xi32>
      %eq3A_402 = arith.cmpi eq, %get3A_381, %eq3A_401 : vector<16xi32>
      %jit3A_403 = arith.constant 1.000000e+00 : f32
      %jit3A_404 = arith.constant 0.000000e+00 : f32
      %broadcast_in_dim3A_405 = vector.broadcast %jit3A_403 : f32 to vector<16xf32>
      %broadcast_in_dim3A_406 = vector.broadcast %jit3A_404 : f32 to vector<16xf32>
      %select_n3A_407 = arith.select %eq3A_402, %broadcast_in_dim3A_405, %broadcast_in_dim3A_406 : vector<16xi1>, vector<16xf32>
      %mul3A_408 = arith.constant 16 : i32
      %mul3A_409 = arith.muli %scan3A_374, %mul3A_408 : i32
      %swap3A_410 = arith.constant 0 : i32
      %swap3A_411 = arith.constant 1 : i32
      %swap3A_412 = arith.index_cast %swap3A_410 : i32 to index
      %swap3A_413 = arith.index_cast %swap3A_411 : i32 to index
      %swap3A_414 = arith.index_cast %mul3A_409 : i32 to index
      %swap3A_415 = tpu.vector_load %arg5[%swap3A_412, %swap3A_413, %swap3A_414] {strides = array<i32>} : memref<2x5x4096xf32, #tpu.memory_space<vmem>>, vector<1x1x16xf32>,
      %swap3A_416 = vector.shape_cast %swap3A_415 : vector<1x1x16xf32> to vector<16xf32>
      %swap3A_417 = vector.shape_cast %select_n3A_407 : vector<16xf32> to vector<1x1x16xf32>
      tpu.vector_store %arg5[%swap3A_412, %swap3A_413, %swap3A_414], %swap3A_417 {strides = array<i32>} : memref<2x5x4096xf32, #tpu.memory_space<vmem>>, vector<1x1x16xf32>,
      %eq3A_418 = arith.constant 2 : i32
      %eq3A_419 = vector.broadcast %eq3A_418 : i32 to vector<16xi32>
      %eq3A_420 = arith.cmpi eq, %get3A_381, %eq3A_419 : vector<16xi32>
      %jit3A_421 = arith.constant 1.000000e+00 : f32
      %jit3A_422 = arith.constant 0.000000e+00 : f32
      %broadcast_in_dim3A_423 = vector.broadcast %jit3A_421 : f32 to vector<16xf32>
      %broadcast_in_dim3A_424 = vector.broadcast %jit3A_422 : f32 to vector<16xf32>
      %select_n3A_425 = arith.select %eq3A_420, %broadcast_in_dim3A_423, %broadcast_in_dim3A_424 : vector<16xi1>, vector<16xf32>
      %mul3A_426 = arith.constant 16 : i32
      %mul3A_427 = arith.muli %scan3A_374, %mul3A_426 : i32
      %swap3A_428 = arith.constant 0 : i32
      %swap3A_429 = arith.constant 2 : i32
      %swap3A_430 = arith.index_cast %swap3A_428 : i32 to index
      %swap3A_431 = arith.index_cast %swap3A_429 : i32 to index
      %swap3A_432 = arith.index_cast %mul3A_427 : i32 to index
      %swap3A_433 = tpu.vector_load %arg5[%swap3A_430, %swap3A_431, %swap3A_432] {strides = array<i32>} : memref<2x5x4096xf32, #tpu.memory_space<vmem>>, vector<1x1x16xf32>,
      %swap3A_434 = vector.shape_cast %swap3A_433 : vector<1x1x16xf32> to vector<16xf32>
      %swap3A_435 = vector.shape_cast %select_n3A_425 : vector<16xf32> to vector<1x1x16xf32>
      tpu.vector_store %arg5[%swap3A_430, %swap3A_431, %swap3A_432], %swap3A_435 {strides = array<i32>} : memref<2x5x4096xf32, #tpu.memory_space<vmem>>, vector<1x1x16xf32>,
      %eq3A_436 = arith.constant 3 : i32
      %eq3A_437 = vector.broadcast %eq3A_436 : i32 to vector<16xi32>
      %eq3A_438 = arith.cmpi eq, %get3A_381, %eq3A_437 : vector<16xi32>
      %jit3A_439 = arith.constant 1.000000e+00 : f32
      %jit3A_440 = arith.constant 0.000000e+00 : f32
      %broadcast_in_dim3A_441 = vector.broadcast %jit3A_439 : f32 to vector<16xf32>
      %broadcast_in_dim3A_442 = vector.broadcast %jit3A_440 : f32 to vector<16xf32>
      %select_n3A_443 = arith.select %eq3A_438, %broadcast_in_dim3A_441, %broadcast_in_dim3A_442 : vector<16xi1>, vector<16xf32>
      %mul3A_444 = arith.constant 16 : i32
      %mul3A_445 = arith.muli %scan3A_374, %mul3A_444 : i32
      %swap3A_446 = arith.constant 0 : i32
      %swap3A_447 = arith.constant 3 : i32
      %swap3A_448 = arith.index_cast %swap3A_446 : i32 to index
      %swap3A_449 = arith.index_cast %swap3A_447 : i32 to index
      %swap3A_450 = arith.index_cast %mul3A_445 : i32 to index
      %swap3A_451 = tpu.vector_load %arg5[%swap3A_448, %swap3A_449, %swap3A_450] {strides = array<i32>} : memref<2x5x4096xf32, #tpu.memory_space<vmem>>, vector<1x1x16xf32>,
      %swap3A_452 = vector.shape_cast %swap3A_451 : vector<1x1x16xf32> to vector<16xf32>
      %swap3A_453 = vector.shape_cast %select_n3A_443 : vector<16xf32> to vector<1x1x16xf32>
      tpu.vector_store %arg5[%swap3A_448, %swap3A_449, %swap3A_450], %swap3A_453 {strides = array<i32>} : memref<2x5x4096xf32, #tpu.memory_space<vmem>>, vector<1x1x16xf32>,
      %eq3A_454 = arith.constant 4 : i32
      %eq3A_455 = vector.broadcast %eq3A_454 : i32 to vector<16xi32>
      %eq3A_456 = arith.cmpi eq, %get3A_381, %eq3A_455 : vector<16xi32>
      %jit3A_457 = arith.constant 1.000000e+00 : f32
      %jit3A_458 = arith.constant 0.000000e+00 : f32
      %broadcast_in_dim3A_459 = vector.broadcast %jit3A_457 : f32 to vector<16xf32>
      %broadcast_in_dim3A_460 = vector.broadcast %jit3A_458 : f32 to vector<16xf32>
      %select_n3A_461 = arith.select %eq3A_456, %broadcast_in_dim3A_459, %broadcast_in_dim3A_460 : vector<16xi1>, vector<16xf32>
      %mul3A_462 = arith.constant 16 : i32
      %mul3A_463 = arith.muli %scan3A_374, %mul3A_462 : i32
      %swap3A_464 = arith.constant 0 : i32
      %swap3A_465 = arith.constant 4 : i32
      %swap3A_466 = arith.index_cast %swap3A_464 : i32 to index
      %swap3A_467 = arith.index_cast %swap3A_465 : i32 to index
      %swap3A_468 = arith.index_cast %mul3A_463 : i32 to index
      %swap3A_469 = tpu.vector_load %arg5[%swap3A_466, %swap3A_467, %swap3A_468] {strides = array<i32>} : memref<2x5x4096xf32, #tpu.memory_space<vmem>>, vector<1x1x16xf32>,
      %swap3A_470 = vector.shape_cast %swap3A_469 : vector<1x1x16xf32> to vector<16xf32>
      %swap3A_471 = vector.shape_cast %select_n3A_461 : vector<16xf32> to vector<1x1x16xf32>
      tpu.vector_store %arg5[%swap3A_466, %swap3A_467, %swap3A_468], %swap3A_471 {strides = array<i32>} : memref<2x5x4096xf32, #tpu.memory_space<vmem>>, vector<1x1x16xf32>,
      %scan3A_472 = arith.constant 2 : i32
      %scan3A_473 = arith.addi %scan3A_281, %scan3A_472 : i32
      %mul3A_474 = arith.constant 16 : i32
      %mul3A_475 = arith.muli %scan3A_473, %mul3A_474 : i32
      %add3A_476 = arith.constant 0 : i32
      %add3A_477 = arith.addi %add3A_476, %mul3A_475 : i32
      %get3A_478 = arith.index_cast %add3A_477 : i32 to index
      %get3A_479 = tpu.vector_load %arg4[%get3A_478] {strides = array<i32>} : memref<32768xi32, #tpu.memory_space<vmem>>, vector<16xi32>,
      %get3A_480 = vector.shape_cast %get3A_479 : vector<16xi32> to vector<16xi32>
      %eq3A_481 = arith.constant 0 : i32
      %eq3A_482 = vector.broadcast %eq3A_481 : i32 to vector<16xi32>
      %eq3A_483 = arith.cmpi eq, %get3A_480, %eq3A_482 : vector<16xi32>
      %jit3A_484 = arith.constant 1.000000e+00 : f32
      %jit3A_485 = arith.constant 0.000000e+00 : f32
      %broadcast_in_dim3A_486 = vector.broadcast %jit3A_484 : f32 to vector<16xf32>
      %broadcast_in_dim3A_487 = vector.broadcast %jit3A_485 : f32 to vector<16xf32>
      %select_n3A_488 = arith.select %eq3A_483, %broadcast_in_dim3A_486, %broadcast_in_dim3A_487 : vector<16xi1>, vector<16xf32>
      %mul3A_489 = arith.constant 16 : i32
      %mul3A_490 = arith.muli %scan3A_473, %mul3A_489 : i32
      %swap3A_491 = arith.constant 0 : i32
      %swap3A_492 = arith.constant 0 : i32
      %swap3A_493 = arith.index_cast %swap3A_491 : i32 to index
      %swap3A_494 = arith.index_cast %swap3A_492 : i32 to index
      %swap3A_495 = arith.index_cast %mul3A_490 : i32 to index
      %swap3A_496 = tpu.vector_load %arg5[%swap3A_493, %swap3A_494, %swap3A_495] {strides = array<i32>} : memref<2x5x4096xf32, #tpu.memory_space<vmem>>, vector<1x1x16xf32>,
      %swap3A_497 = vector.shape_cast %swap3A_496 : vector<1x1x16xf32> to vector<16xf32>
      %swap3A_498 = vector.shape_cast %select_n3A_488 : vector<16xf32> to vector<1x1x16xf32>
      tpu.vector_store %arg5[%swap3A_493, %swap3A_494, %swap3A_495], %swap3A_498 {strides = array<i32>} : memref<2x5x4096xf32, #tpu.memory_space<vmem>>, vector<1x1x16xf32>,
      %eq3A_499 = arith.constant 1 : i32
      %eq3A_500 = vector.broadcast %eq3A_499 : i32 to vector<16xi32>
      %eq3A_501 = arith.cmpi eq, %get3A_480, %eq3A_500 : vector<16xi32>
      %jit3A_502 = arith.constant 1.000000e+00 : f32
      %jit3A_503 = arith.constant 0.000000e+00 : f32
      %broadcast_in_dim3A_504 = vector.broadcast %jit3A_502 : f32 to vector<16xf32>
      %broadcast_in_dim3A_505 = vector.broadcast %jit3A_503 : f32 to vector<16xf32>
      %select_n3A_506 = arith.select %eq3A_501, %broadcast_in_dim3A_504, %broadcast_in_dim3A_505 : vector<16xi1>, vector<16xf32>
      %mul3A_507 = arith.constant 16 : i32
      %mul3A_508 = arith.muli %scan3A_473, %mul3A_507 : i32
      %swap3A_509 = arith.constant 0 : i32
      %swap3A_510 = arith.constant 1 : i32
      %swap3A_511 = arith.index_cast %swap3A_509 : i32 to index
      %swap3A_512 = arith.index_cast %swap3A_510 : i32 to index
      %swap3A_513 = arith.index_cast %mul3A_508 : i32 to index
      %swap3A_514 = tpu.vector_load %arg5[%swap3A_511, %swap3A_512, %swap3A_513] {strides = array<i32>} : memref<2x5x4096xf32, #tpu.memory_space<vmem>>, vector<1x1x16xf32>,
      %swap3A_515 = vector.shape_cast %swap3A_514 : vector<1x1x16xf32> to vector<16xf32>
      %swap3A_516 = vector.shape_cast %select_n3A_506 : vector<16xf32> to vector<1x1x16xf32>
      tpu.vector_store %arg5[%swap3A_511, %swap3A_512, %swap3A_513], %swap3A_516 {strides = array<i32>} : memref<2x5x4096xf32, #tpu.memory_space<vmem>>, vector<1x1x16xf32>,
      %eq3A_517 = arith.constant 2 : i32
      %eq3A_518 = vector.broadcast %eq3A_517 : i32 to vector<16xi32>
      %eq3A_519 = arith.cmpi eq, %get3A_480, %eq3A_518 : vector<16xi32>
      %jit3A_520 = arith.constant 1.000000e+00 : f32
      %jit3A_521 = arith.constant 0.000000e+00 : f32
      %broadcast_in_dim3A_522 = vector.broadcast %jit3A_520 : f32 to vector<16xf32>
      %broadcast_in_dim3A_523 = vector.broadcast %jit3A_521 : f32 to vector<16xf32>
      %select_n3A_524 = arith.select %eq3A_519, %broadcast_in_dim3A_522, %broadcast_in_dim3A_523 : vector<16xi1>, vector<16xf32>
      %mul3A_525 = arith.constant 16 : i32
      %mul3A_526 = arith.muli %scan3A_473, %mul3A_525 : i32
      %swap3A_527 = arith.constant 0 : i32
      %swap3A_528 = arith.constant 2 : i32
      %swap3A_529 = arith.index_cast %swap3A_527 : i32 to index
      %swap3A_530 = arith.index_cast %swap3A_528 : i32 to index
      %swap3A_531 = arith.index_cast %mul3A_526 : i32 to index
      %swap3A_532 = tpu.vector_load %arg5[%swap3A_529, %swap3A_530, %swap3A_531] {strides = array<i32>} : memref<2x5x4096xf32, #tpu.memory_space<vmem>>, vector<1x1x16xf32>,
      %swap3A_533 = vector.shape_cast %swap3A_532 : vector<1x1x16xf32> to vector<16xf32>
      %swap3A_534 = vector.shape_cast %select_n3A_524 : vector<16xf32> to vector<1x1x16xf32>
      tpu.vector_store %arg5[%swap3A_529, %swap3A_530, %swap3A_531], %swap3A_534 {strides = array<i32>} : memref<2x5x4096xf32, #tpu.memory_space<vmem>>, vector<1x1x16xf32>,
      %eq3A_535 = arith.constant 3 : i32
      %eq3A_536 = vector.broadcast %eq3A_535 : i32 to vector<16xi32>
      %eq3A_537 = arith.cmpi eq, %get3A_480, %eq3A_536 : vector<16xi32>
      %jit3A_538 = arith.constant 1.000000e+00 : f32
      %jit3A_539 = arith.constant 0.000000e+00 : f32
      %broadcast_in_dim3A_540 = vector.broadcast %jit3A_538 : f32 to vector<16xf32>
      %broadcast_in_dim3A_541 = vector.broadcast %jit3A_539 : f32 to vector<16xf32>
      %select_n3A_542 = arith.select %eq3A_537, %broadcast_in_dim3A_540, %broadcast_in_dim3A_541 : vector<16xi1>, vector<16xf32>
      %mul3A_543 = arith.constant 16 : i32
      %mul3A_544 = arith.muli %scan3A_473, %mul3A_543 : i32
      %swap3A_545 = arith.constant 0 : i32
      %swap3A_546 = arith.constant 3 : i32
      %swap3A_547 = arith.index_cast %swap3A_545 : i32 to index
      %swap3A_548 = arith.index_cast %swap3A_546 : i32 to index
      %swap3A_549 = arith.index_cast %mul3A_544 : i32 to index
      %swap3A_550 = tpu.vector_load %arg5[%swap3A_547, %swap3A_548, %swap3A_549] {strides = array<i32>} : memref<2x5x4096xf32, #tpu.memory_space<vmem>>, vector<1x1x16xf32>,
      %swap3A_551 = vector.shape_cast %swap3A_550 : vector<1x1x16xf32> to vector<16xf32>
      %swap3A_552 = vector.shape_cast %select_n3A_542 : vector<16xf32> to vector<1x1x16xf32>
      tpu.vector_store %arg5[%swap3A_547, %swap3A_548, %swap3A_549], %swap3A_552 {strides = array<i32>} : memref<2x5x4096xf32, #tpu.memory_space<vmem>>, vector<1x1x16xf32>,
      %eq3A_553 = arith.constant 4 : i32
      %eq3A_554 = vector.broadcast %eq3A_553 : i32 to vector<16xi32>
      %eq3A_555 = arith.cmpi eq, %get3A_480, %eq3A_554 : vector<16xi32>
      %jit3A_556 = arith.constant 1.000000e+00 : f32
      %jit3A_557 = arith.constant 0.000000e+00 : f32
      %broadcast_in_dim3A_558 = vector.broadcast %jit3A_556 : f32 to vector<16xf32>
      %broadcast_in_dim3A_559 = vector.broadcast %jit3A_557 : f32 to vector<16xf32>
      %select_n3A_560 = arith.select %eq3A_555, %broadcast_in_dim3A_558, %broadcast_in_dim3A_559 : vector<16xi1>, vector<16xf32>
      %mul3A_561 = arith.constant 16 : i32
      %mul3A_562 = arith.muli %scan3A_473, %mul3A_561 : i32
      %swap3A_563 = arith.constant 0 : i32
      %swap3A_564 = arith.constant 4 : i32
      %swap3A_565 = arith.index_cast %swap3A_563 : i32 to index
      %swap3A_566 = arith.index_cast %swap3A_564 : i32 to index
      %swap3A_567 = arith.index_cast %mul3A_562 : i32 to index
      %swap3A_568 = tpu.vector_load %arg5[%swap3A_565, %swap3A_566, %swap3A_567] {strides = array<i32>} : memref<2x5x4096xf32, #tpu.memory_space<vmem>>, vector<1x1x16xf32>,
      %swap3A_569 = vector.shape_cast %swap3A_568 : vector<1x1x16xf32> to vector<16xf32>
      %swap3A_570 = vector.shape_cast %select_n3A_560 : vector<16xf32> to vector<1x1x16xf32>
      tpu.vector_store %arg5[%swap3A_565, %swap3A_566, %swap3A_567], %swap3A_570 {strides = array<i32>} : memref<2x5x4096xf32, #tpu.memory_space<vmem>>, vector<1x1x16xf32>,
      %scan3A_571 = arith.constant 3 : i32
      %scan3A_572 = arith.addi %scan3A_281, %scan3A_571 : i32
      %mul3A_573 = arith.constant 16 : i32
      %mul3A_574 = arith.muli %scan3A_572, %mul3A_573 : i32
      %add3A_575 = arith.constant 0 : i32
      %add3A_576 = arith.addi %add3A_575, %mul3A_574 : i32
      %get3A_577 = arith.index_cast %add3A_576 : i32 to index
      %get3A_578 = tpu.vector_load %arg4[%get3A_577] {strides = array<i32>} : memref<32768xi32, #tpu.memory_space<vmem>>, vector<16xi32>,
      %get3A_579 = vector.shape_cast %get3A_578 : vector<16xi32> to vector<16xi32>
      %eq3A_580 = arith.constant 0 : i32
      %eq3A_581 = vector.broadcast %eq3A_580 : i32 to vector<16xi32>
      %eq3A_582 = arith.cmpi eq, %get3A_579, %eq3A_581 : vector<16xi32>
      %jit3A_583 = arith.constant 1.000000e+00 : f32
      %jit3A_584 = arith.constant 0.000000e+00 : f32
      %broadcast_in_dim3A_585 = vector.broadcast %jit3A_583 : f32 to vector<16xf32>
      %broadcast_in_dim3A_586 = vector.broadcast %jit3A_584 : f32 to vector<16xf32>
      %select_n3A_587 = arith.select %eq3A_582, %broadcast_in_dim3A_585, %broadcast_in_dim3A_586 : vector<16xi1>, vector<16xf32>
      %mul3A_588 = arith.constant 16 : i32
      %mul3A_589 = arith.muli %scan3A_572, %mul3A_588 : i32
      %swap3A_590 = arith.constant 0 : i32
      %swap3A_591 = arith.constant 0 : i32
      %swap3A_592 = arith.index_cast %swap3A_590 : i32 to index
      %swap3A_593 = arith.index_cast %swap3A_591 : i32 to index
      %swap3A_594 = arith.index_cast %mul3A_589 : i32 to index
      %swap3A_595 = tpu.vector_load %arg5[%swap3A_592, %swap3A_593, %swap3A_594] {strides = array<i32>} : memref<2x5x4096xf32, #tpu.memory_space<vmem>>, vector<1x1x16xf32>,
      %swap3A_596 = vector.shape_cast %swap3A_595 : vector<1x1x16xf32> to vector<16xf32>
      %swap3A_597 = vector.shape_cast %select_n3A_587 : vector<16xf32> to vector<1x1x16xf32>
      tpu.vector_store %arg5[%swap3A_592, %swap3A_593, %swap3A_594], %swap3A_597 {strides = array<i32>} : memref<2x5x4096xf32, #tpu.memory_space<vmem>>, vector<1x1x16xf32>,
      %eq3A_598 = arith.constant 1 : i32
      %eq3A_599 = vector.broadcast %eq3A_598 : i32 to vector<16xi32>
      %eq3A_600 = arith.cmpi eq, %get3A_579, %eq3A_599 : vector<16xi32>
      %jit3A_601 = arith.constant 1.000000e+00 : f32
      %jit3A_602 = arith.constant 0.000000e+00 : f32
      %broadcast_in_dim3A_603 = vector.broadcast %jit3A_601 : f32 to vector<16xf32>
      %broadcast_in_dim3A_604 = vector.broadcast %jit3A_602 : f32 to vector<16xf32>
      %select_n3A_605 = arith.select %eq3A_600, %broadcast_in_dim3A_603, %broadcast_in_dim3A_604 : vector<16xi1>, vector<16xf32>
      %mul3A_606 = arith.constant 16 : i32
      %mul3A_607 = arith.muli %scan3A_572, %mul3A_606 : i32
      %swap3A_608 = arith.constant 0 : i32
      %swap3A_609 = arith.constant 1 : i32
      %swap3A_610 = arith.index_cast %swap3A_608 : i32 to index
      %swap3A_611 = arith.index_cast %swap3A_609 : i32 to index
      %swap3A_612 = arith.index_cast %mul3A_607 : i32 to index
      %swap3A_613 = tpu.vector_load %arg5[%swap3A_610, %swap3A_611, %swap3A_612] {strides = array<i32>} : memref<2x5x4096xf32, #tpu.memory_space<vmem>>, vector<1x1x16xf32>,
      %swap3A_614 = vector.shape_cast %swap3A_613 : vector<1x1x16xf32> to vector<16xf32>
      %swap3A_615 = vector.shape_cast %select_n3A_605 : vector<16xf32> to vector<1x1x16xf32>
      tpu.vector_store %arg5[%swap3A_610, %swap3A_611, %swap3A_612], %swap3A_615 {strides = array<i32>} : memref<2x5x4096xf32, #tpu.memory_space<vmem>>, vector<1x1x16xf32>,
      %eq3A_616 = arith.constant 2 : i32
      %eq3A_617 = vector.broadcast %eq3A_616 : i32 to vector<16xi32>
      %eq3A_618 = arith.cmpi eq, %get3A_579, %eq3A_617 : vector<16xi32>
      %jit3A_619 = arith.constant 1.000000e+00 : f32
      %jit3A_620 = arith.constant 0.000000e+00 : f32
      %broadcast_in_dim3A_621 = vector.broadcast %jit3A_619 : f32 to vector<16xf32>
      %broadcast_in_dim3A_622 = vector.broadcast %jit3A_620 : f32 to vector<16xf32>
      %select_n3A_623 = arith.select %eq3A_618, %broadcast_in_dim3A_621, %broadcast_in_dim3A_622 : vector<16xi1>, vector<16xf32>
      %mul3A_624 = arith.constant 16 : i32
      %mul3A_625 = arith.muli %scan3A_572, %mul3A_624 : i32
      %swap3A_626 = arith.constant 0 : i32
      %swap3A_627 = arith.constant 2 : i32
      %swap3A_628 = arith.index_cast %swap3A_626 : i32 to index
      %swap3A_629 = arith.index_cast %swap3A_627 : i32 to index
      %swap3A_630 = arith.index_cast %mul3A_625 : i32 to index
      %swap3A_631 = tpu.vector_load %arg5[%swap3A_628, %swap3A_629, %swap3A_630] {strides = array<i32>} : memref<2x5x4096xf32, #tpu.memory_space<vmem>>, vector<1x1x16xf32>,
      %swap3A_632 = vector.shape_cast %swap3A_631 : vector<1x1x16xf32> to vector<16xf32>
      %swap3A_633 = vector.shape_cast %select_n3A_623 : vector<16xf32> to vector<1x1x16xf32>
      tpu.vector_store %arg5[%swap3A_628, %swap3A_629, %swap3A_630], %swap3A_633 {strides = array<i32>} : memref<2x5x4096xf32, #tpu.memory_space<vmem>>, vector<1x1x16xf32>,
      %eq3A_634 = arith.constant 3 : i32
      %eq3A_635 = vector.broadcast %eq3A_634 : i32 to vector<16xi32>
      %eq3A_636 = arith.cmpi eq, %get3A_579, %eq3A_635 : vector<16xi32>
      %jit3A_637 = arith.constant 1.000000e+00 : f32
      %jit3A_638 = arith.constant 0.000000e+00 : f32
      %broadcast_in_dim3A_639 = vector.broadcast %jit3A_637 : f32 to vector<16xf32>
      %broadcast_in_dim3A_640 = vector.broadcast %jit3A_638 : f32 to vector<16xf32>
      %select_n3A_641 = arith.select %eq3A_636, %broadcast_in_dim3A_639, %broadcast_in_dim3A_640 : vector<16xi1>, vector<16xf32>
      %mul3A_642 = arith.constant 16 : i32
      %mul3A_643 = arith.muli %scan3A_572, %mul3A_642 : i32
      %swap3A_644 = arith.constant 0 : i32
      %swap3A_645 = arith.constant 3 : i32
      %swap3A_646 = arith.index_cast %swap3A_644 : i32 to index
      %swap3A_647 = arith.index_cast %swap3A_645 : i32 to index
      %swap3A_648 = arith.index_cast %mul3A_643 : i32 to index
      %swap3A_649 = tpu.vector_load %arg5[%swap3A_646, %swap3A_647, %swap3A_648] {strides = array<i32>} : memref<2x5x4096xf32, #tpu.memory_space<vmem>>, vector<1x1x16xf32>,
      %swap3A_650 = vector.shape_cast %swap3A_649 : vector<1x1x16xf32> to vector<16xf32>
      %swap3A_651 = vector.shape_cast %select_n3A_641 : vector<16xf32> to vector<1x1x16xf32>
      tpu.vector_store %arg5[%swap3A_646, %swap3A_647, %swap3A_648], %swap3A_651 {strides = array<i32>} : memref<2x5x4096xf32, #tpu.memory_space<vmem>>, vector<1x1x16xf32>,
      %eq3A_652 = arith.constant 4 : i32
      %eq3A_653 = vector.broadcast %eq3A_652 : i32 to vector<16xi32>
      %eq3A_654 = arith.cmpi eq, %get3A_579, %eq3A_653 : vector<16xi32>
      %jit3A_655 = arith.constant 1.000000e+00 : f32
      %jit3A_656 = arith.constant 0.000000e+00 : f32
      %broadcast_in_dim3A_657 = vector.broadcast %jit3A_655 : f32 to vector<16xf32>
      %broadcast_in_dim3A_658 = vector.broadcast %jit3A_656 : f32 to vector<16xf32>
      %select_n3A_659 = arith.select %eq3A_654, %broadcast_in_dim3A_657, %broadcast_in_dim3A_658 : vector<16xi1>, vector<16xf32>
      %mul3A_660 = arith.constant 16 : i32
      %mul3A_661 = arith.muli %scan3A_572, %mul3A_660 : i32
      %swap3A_662 = arith.constant 0 : i32
      %swap3A_663 = arith.constant 4 : i32
      %swap3A_664 = arith.index_cast %swap3A_662 : i32 to index
      %swap3A_665 = arith.index_cast %swap3A_663 : i32 to index
      %swap3A_666 = arith.index_cast %mul3A_661 : i32 to index
      %swap3A_667 = tpu.vector_load %arg5[%swap3A_664, %swap3A_665, %swap3A_666] {strides = array<i32>} : memref<2x5x4096xf32, #tpu.memory_space<vmem>>, vector<1x1x16xf32>,
      %swap3A_668 = vector.shape_cast %swap3A_667 : vector<1x1x16xf32> to vector<16xf32>
      %swap3A_669 = vector.shape_cast %select_n3A_659 : vector<16xf32> to vector<1x1x16xf32>
      tpu.vector_store %arg5[%swap3A_664, %swap3A_665, %swap3A_666], %swap3A_669 {strides = array<i32>} : memref<2x5x4096xf32, #tpu.memory_space<vmem>>, vector<1x1x16xf32>,
    }
    %scan3A_8 = arith.constant 256 : i32
    %add3A_9 = arith.constant 0 : i32
    %add3A_10 = arith.addi %multiple_of3A, %add3A_9 : i32
    %multiple_of3A_11 = tpu.assume_multiple %add3A_10, 128 : i32
    %dma_start3A = arith.constant 0 : i32
    %dma_start3A_12 = arith.constant 0 : i32
    %dma_start3A_13 = arith.constant 0 : i32
    %dma_start3A_14 = tpu.memref_slice %arg5[%dma_start3A, %dma_start3A_12, %dma_start3A_13] : memref<2x5x4096xf32, #tpu.memory_space<vmem>> -> memref<1x5x4096xf32, #tpu.memory_space<vmem>>
    %dma_start3A_15 = tpu.memref_squeeze %dma_start3A_14 : memref<1x5x4096xf32, #tpu.memory_space<vmem>> -> memref<5x4096xf32, #tpu.memory_space<vmem>>
    %dma_start3A_16 = arith.constant 0 : i32
    %dma_start3A_17 = tpu.memref_slice %arg3[%dma_start3A_16, %multiple_of3A_11] : memref<5x1000000xf32, #tpu.memory_space<hbm>> -> memref<5x4096xf32, #tpu.memory_space<hbm>>
    %dma_start3A_18 = arith.constant 0 : i32
    %dma_start3A_19 = tpu.memref_slice %arg3[%dma_start3A_18, %multiple_of3A_11] : memref<5x1000000xf32, #tpu.memory_space<hbm>> -> memref<5x4096xf32, #tpu.memory_space<hbm>>
    %dma_start3A_20 = arith.constant 0 : i32
    %dma_start3A_21 = arith.constant 0 : i32
    %dma_start3A_22 = tpu.memref_slice %arg5[%dma_start3A, %dma_start3A_20, %dma_start3A_21] : memref<2x5x4096xf32, #tpu.memory_space<vmem>> -> memref<1x5x4096xf32, #tpu.memory_space<vmem>>
    %dma_start3A_23 = tpu.memref_squeeze %dma_start3A_22 : memref<1x5x4096xf32, #tpu.memory_space<vmem>> -> memref<5x4096xf32, #tpu.memory_space<vmem>>
    tpu.enqueue_dma source(%dma_start3A_23 : memref<5x4096xf32, #tpu.memory_space<vmem>>) target(%dma_start3A_19 : memref<5x4096xf32, #tpu.memory_space<hbm>>) target_semaphore(%arg6 : memref<!tpu.dma_semaphore, #tpu.memory_space<semaphore_mem>>)
    %scan3A_24 = arith.constant 0 : i32
    %scan3A_25 = arith.constant 0 : i32
    %scan3A_26 = arith.constant 256 : i32
    %scan3A_27 = arith.addi %scan3A_25, %scan3A_26 : i32
    %scan3A_28 = arith.constant 4 : i32
    scf.for %scan3A_281 = %scan3A_25 to %scan3A_27 step %scan3A_28  : i32 {
      %mul3A_282 = arith.constant 16 : i32
      %mul3A_283 = arith.muli %scan3A_281, %mul3A_282 : i32
      %add3A_284 = arith.constant 4096 : i32
      %add3A_285 = arith.addi %add3A_284, %mul3A_283 : i32
      %get3A = arith.index_cast %add3A_285 : i32 to index
      %get3A_286 = tpu.vector_load %arg4[%get3A] {strides = array<i32>} : memref<32768xi32, #tpu.memory_space<vmem>>, vector<16xi32>,
      %get3A_287 = vector.shape_cast %get3A_286 : vector<16xi32> to vector<16xi32>
      %eq3A = arith.constant 0 : i32
      %eq3A_288 = vector.broadcast %eq3A : i32 to vector<16xi32>
      %eq3A_289 = arith.cmpi eq, %get3A_287, %eq3A_288 : vector<16xi32>
      %jit3A = arith.constant 1.000000e+00 : f32
      %jit3A_290 = arith.constant 0.000000e+00 : f32
      %broadcast_in_dim3A = vector.broadcast %jit3A : f32 to vector<16xf32>
      %broadcast_in_dim3A_291 = vector.broadcast %jit3A_290 : f32 to vector<16xf32>
      %select_n3A = arith.select %eq3A_289, %broadcast_in_dim3A, %broadcast_in_dim3A_291 : vector<16xi1>, vector<16xf32>
      %mul3A_292 = arith.constant 16 : i32
      %mul3A_293 = arith.muli %scan3A_281, %mul3A_292 : i32
      %swap3A = arith.constant 1 : i32
      %swap3A_294 = arith.constant 0 : i32
      %swap3A_295 = arith.index_cast %swap3A : i32 to index
      %swap3A_296 = arith.index_cast %swap3A_294 : i32 to index
      %swap3A_297 = arith.index_cast %mul3A_293 : i32 to index
      %swap3A_298 = tpu.vector_load %arg5[%swap3A_295, %swap3A_296, %swap3A_297] {strides = array<i32>} : memref<2x5x4096xf32, #tpu.memory_space<vmem>>, vector<1x1x16xf32>,
      %swap3A_299 = vector.shape_cast %swap3A_298 : vector<1x1x16xf32> to vector<16xf32>
      %swap3A_300 = vector.shape_cast %select_n3A : vector<16xf32> to vector<1x1x16xf32>
      tpu.vector_store %arg5[%swap3A_295, %swap3A_296, %swap3A_297], %swap3A_300 {strides = array<i32>} : memref<2x5x4096xf32, #tpu.memory_space<vmem>>, vector<1x1x16xf32>,
      %eq3A_301 = arith.constant 1 : i32
      %eq3A_302 = vector.broadcast %eq3A_301 : i32 to vector<16xi32>
      %eq3A_303 = arith.cmpi eq, %get3A_287, %eq3A_302 : vector<16xi32>
      %jit3A_304 = arith.constant 1.000000e+00 : f32
      %jit3A_305 = arith.constant 0.000000e+00 : f32
      %broadcast_in_dim3A_306 = vector.broadcast %jit3A_304 : f32 to vector<16xf32>
      %broadcast_in_dim3A_307 = vector.broadcast %jit3A_305 : f32 to vector<16xf32>
      %select_n3A_308 = arith.select %eq3A_303, %broadcast_in_dim3A_306, %broadcast_in_dim3A_307 : vector<16xi1>, vector<16xf32>
      %mul3A_309 = arith.constant 16 : i32
      %mul3A_310 = arith.muli %scan3A_281, %mul3A_309 : i32
      %swap3A_311 = arith.constant 1 : i32
      %swap3A_312 = arith.constant 1 : i32
      %swap3A_313 = arith.index_cast %swap3A_311 : i32 to index
      %swap3A_314 = arith.index_cast %swap3A_312 : i32 to index
      %swap3A_315 = arith.index_cast %mul3A_310 : i32 to index
      %swap3A_316 = tpu.vector_load %arg5[%swap3A_313, %swap3A_314, %swap3A_315] {strides = array<i32>} : memref<2x5x4096xf32, #tpu.memory_space<vmem>>, vector<1x1x16xf32>,
      %swap3A_317 = vector.shape_cast %swap3A_316 : vector<1x1x16xf32> to vector<16xf32>
      %swap3A_318 = vector.shape_cast %select_n3A_308 : vector<16xf32> to vector<1x1x16xf32>
      tpu.vector_store %arg5[%swap3A_313, %swap3A_314, %swap3A_315], %swap3A_318 {strides = array<i32>} : memref<2x5x4096xf32, #tpu.memory_space<vmem>>, vector<1x1x16xf32>,
      %eq3A_319 = arith.constant 2 : i32
      %eq3A_320 = vector.broadcast %eq3A_319 : i32 to vector<16xi32>
      %eq3A_321 = arith.cmpi eq, %get3A_287, %eq3A_320 : vector<16xi32>
      %jit3A_322 = arith.constant 1.000000e+00 : f32
      %jit3A_323 = arith.constant 0.000000e+00 : f32
      %broadcast_in_dim3A_324 = vector.broadcast %jit3A_322 : f32 to vector<16xf32>
      %broadcast_in_dim3A_325 = vector.broadcast %jit3A_323 : f32 to vector<16xf32>
      %select_n3A_326 = arith.select %eq3A_321, %broadcast_in_dim3A_324, %broadcast_in_dim3A_325 : vector<16xi1>, vector<16xf32>
      %mul3A_327 = arith.constant 16 : i32
      %mul3A_328 = arith.muli %scan3A_281, %mul3A_327 : i32
      %swap3A_329 = arith.constant 1 : i32
      %swap3A_330 = arith.constant 2 : i32
      %swap3A_331 = arith.index_cast %swap3A_329 : i32 to index
      %swap3A_332 = arith.index_cast %swap3A_330 : i32 to index
      %swap3A_333 = arith.index_cast %mul3A_328 : i32 to index
      %swap3A_334 = tpu.vector_load %arg5[%swap3A_331, %swap3A_332, %swap3A_333] {strides = array<i32>} : memref<2x5x4096xf32, #tpu.memory_space<vmem>>, vector<1x1x16xf32>,
      %swap3A_335 = vector.shape_cast %swap3A_334 : vector<1x1x16xf32> to vector<16xf32>
      %swap3A_336 = vector.shape_cast %select_n3A_326 : vector<16xf32> to vector<1x1x16xf32>
      tpu.vector_store %arg5[%swap3A_331, %swap3A_332, %swap3A_333], %swap3A_336 {strides = array<i32>} : memref<2x5x4096xf32, #tpu.memory_space<vmem>>, vector<1x1x16xf32>,
      %eq3A_337 = arith.constant 3 : i32
      %eq3A_338 = vector.broadcast %eq3A_337 : i32 to vector<16xi32>
      %eq3A_339 = arith.cmpi eq, %get3A_287, %eq3A_338 : vector<16xi32>
      %jit3A_340 = arith.constant 1.000000e+00 : f32
      %jit3A_341 = arith.constant 0.000000e+00 : f32
      %broadcast_in_dim3A_342 = vector.broadcast %jit3A_340 : f32 to vector<16xf32>
      %broadcast_in_dim3A_343 = vector.broadcast %jit3A_341 : f32 to vector<16xf32>
      %select_n3A_344 = arith.select %eq3A_339, %broadcast_in_dim3A_342, %broadcast_in_dim3A_343 : vector<16xi1>, vector<16xf32>
      %mul3A_345 = arith.constant 16 : i32
      %mul3A_346 = arith.muli %scan3A_281, %mul3A_345 : i32
      %swap3A_347 = arith.constant 1 : i32
      %swap3A_348 = arith.constant 3 : i32
      %swap3A_349 = arith.index_cast %swap3A_347 : i32 to index
      %swap3A_350 = arith.index_cast %swap3A_348 : i32 to index
      %swap3A_351 = arith.index_cast %mul3A_346 : i32 to index
      %swap3A_352 = tpu.vector_load %arg5[%swap3A_349, %swap3A_350, %swap3A_351] {strides = array<i32>} : memref<2x5x4096xf32, #tpu.memory_space<vmem>>, vector<1x1x16xf32>,
      %swap3A_353 = vector.shape_cast %swap3A_352 : vector<1x1x16xf32> to vector<16xf32>
      %swap3A_354 = vector.shape_cast %select_n3A_344 : vector<16xf32> to vector<1x1x16xf32>
      tpu.vector_store %arg5[%swap3A_349, %swap3A_350, %swap3A_351], %swap3A_354 {strides = array<i32>} : memref<2x5x4096xf32, #tpu.memory_space<vmem>>, vector<1x1x16xf32>,
      %eq3A_355 = arith.constant 4 : i32
      %eq3A_356 = vector.broadcast %eq3A_355 : i32 to vector<16xi32>
      %eq3A_357 = arith.cmpi eq, %get3A_287, %eq3A_356 : vector<16xi32>
      %jit3A_358 = arith.constant 1.000000e+00 : f32
      %jit3A_359 = arith.constant 0.000000e+00 : f32
      %broadcast_in_dim3A_360 = vector.broadcast %jit3A_358 : f32 to vector<16xf32>
      %broadcast_in_dim3A_361 = vector.broadcast %jit3A_359 : f32 to vector<16xf32>
      %select_n3A_362 = arith.select %eq3A_357, %broadcast_in_dim3A_360, %broadcast_in_dim3A_361 : vector<16xi1>, vector<16xf32>
      %mul3A_363 = arith.constant 16 : i32
      %mul3A_364 = arith.muli %scan3A_281, %mul3A_363 : i32
      %swap3A_365 = arith.constant 1 : i32
      %swap3A_366 = arith.constant 4 : i32
      %swap3A_367 = arith.index_cast %swap3A_365 : i32 to index
      %swap3A_368 = arith.index_cast %swap3A_366 : i32 to index
      %swap3A_369 = arith.index_cast %mul3A_364 : i32 to index
      %swap3A_370 = tpu.vector_load %arg5[%swap3A_367, %swap3A_368, %swap3A_369] {strides = array<i32>} : memref<2x5x4096xf32, #tpu.memory_space<vmem>>, vector<1x1x16xf32>,
      %swap3A_371 = vector.shape_cast %swap3A_370 : vector<1x1x16xf32> to vector<16xf32>
      %swap3A_372 = vector.shape_cast %select_n3A_362 : vector<16xf32> to vector<1x1x16xf32>
      tpu.vector_store %arg5[%swap3A_367, %swap3A_368, %swap3A_369], %swap3A_372 {strides = array<i32>} : memref<2x5x4096xf32, #tpu.memory_space<vmem>>, vector<1x1x16xf32>,
      %scan3A_373 = arith.constant 1 : i32
      %scan3A_374 = arith.addi %scan3A_281, %scan3A_373 : i32
      %mul3A_375 = arith.constant 16 : i32
      %mul3A_376 = arith.muli %scan3A_374, %mul3A_375 : i32
      %add3A_377 = arith.constant 4096 : i32
      %add3A_378 = arith.addi %add3A_377, %mul3A_376 : i32
      %get3A_379 = arith.index_cast %add3A_378 : i32 to index
      %get3A_380 = tpu.vector_load %arg4[%get3A_379] {strides = array<i32>} : memref<32768xi32, #tpu.memory_space<vmem>>, vector<16xi32>,
      %get3A_381 = vector.shape_cast %get3A_380 : vector<16xi32> to vector<16xi32>
      %eq3A_382 = arith.constant 0 : i32
      %eq3A_383 = vector.broadcast %eq3A_382 : i32 to vector<16xi32>
      %eq3A_384 = arith.cmpi eq, %get3A_381, %eq3A_383 : vector<16xi32>
      %jit3A_385 = arith.constant 1.000000e+00 : f32
      %jit3A_386 = arith.constant 0.000000e+00 : f32
      %broadcast_in_dim3A_387 = vector.broadcast %jit3A_385 : f32 to vector<16xf32>
      %broadcast_in_dim3A_388 = vector.broadcast %jit3A_386 : f32 to vector<16xf32>
      %select_n3A_389 = arith.select %eq3A_384, %broadcast_in_dim3A_387, %broadcast_in_dim3A_388 : vector<16xi1>, vector<16xf32>
      %mul3A_390 = arith.constant 16 : i32
      %mul3A_391 = arith.muli %scan3A_374, %mul3A_390 : i32
      %swap3A_392 = arith.constant 1 : i32
      %swap3A_393 = arith.constant 0 : i32
      %swap3A_394 = arith.index_cast %swap3A_392 : i32 to index
      %swap3A_395 = arith.index_cast %swap3A_393 : i32 to index
      %swap3A_396 = arith.index_cast %mul3A_391 : i32 to index
      %swap3A_397 = tpu.vector_load %arg5[%swap3A_394, %swap3A_395, %swap3A_396] {strides = array<i32>} : memref<2x5x4096xf32, #tpu.memory_space<vmem>>, vector<1x1x16xf32>,
      %swap3A_398 = vector.shape_cast %swap3A_397 : vector<1x1x16xf32> to vector<16xf32>
      %swap3A_399 = vector.shape_cast %select_n3A_389 : vector<16xf32> to vector<1x1x16xf32>
      tpu.vector_store %arg5[%swap3A_394, %swap3A_395, %swap3A_396], %swap3A_399 {strides = array<i32>} : memref<2x5x4096xf32, #tpu.memory_space<vmem>>, vector<1x1x16xf32>,
      %eq3A_400 = arith.constant 1 : i32
      %eq3A_401 = vector.broadcast %eq3A_400 : i32 to vector<16xi32>
      %eq3A_402 = arith.cmpi eq, %get3A_381, %eq3A_401 : vector<16xi32>
      %jit3A_403 = arith.constant 1.000000e+00 : f32
      %jit3A_404 = arith.constant 0.000000e+00 : f32
      %broadcast_in_dim3A_405 = vector.broadcast %jit3A_403 : f32 to vector<16xf32>
      %broadcast_in_dim3A_406 = vector.broadcast %jit3A_404 : f32 to vector<16xf32>
      %select_n3A_407 = arith.select %eq3A_402, %broadcast_in_dim3A_405, %broadcast_in_dim3A_406 : vector<16xi1>, vector<16xf32>
      %mul3A_408 = arith.constant 16 : i32
      %mul3A_409 = arith.muli %scan3A_374, %mul3A_408 : i32
      %swap3A_410 = arith.constant 1 : i32
      %swap3A_411 = arith.constant 1 : i32
      %swap3A_412 = arith.index_cast %swap3A_410 : i32 to index
      %swap3A_413 = arith.index_cast %swap3A_411 : i32 to index
      %swap3A_414 = arith.index_cast %mul3A_409 : i32 to index
      %swap3A_415 = tpu.vector_load %arg5[%swap3A_412, %swap3A_413, %swap3A_414] {strides = array<i32>} : memref<2x5x4096xf32, #tpu.memory_space<vmem>>, vector<1x1x16xf32>,
      %swap3A_416 = vector.shape_cast %swap3A_415 : vector<1x1x16xf32> to vector<16xf32>
      %swap3A_417 = vector.shape_cast %select_n3A_407 : vector<16xf32> to vector<1x1x16xf32>
      tpu.vector_store %arg5[%swap3A_412, %swap3A_413, %swap3A_414], %swap3A_417 {strides = array<i32>} : memref<2x5x4096xf32, #tpu.memory_space<vmem>>, vector<1x1x16xf32>,
      %eq3A_418 = arith.constant 2 : i32
      %eq3A_419 = vector.broadcast %eq3A_418 : i32 to vector<16xi32>
      %eq3A_420 = arith.cmpi eq, %get3A_381, %eq3A_419 : vector<16xi32>
      %jit3A_421 = arith.constant 1.000000e+00 : f32
      %jit3A_422 = arith.constant 0.000000e+00 : f32
      %broadcast_in_dim3A_423 = vector.broadcast %jit3A_421 : f32 to vector<16xf32>
      %broadcast_in_dim3A_424 = vector.broadcast %jit3A_422 : f32 to vector<16xf32>
      %select_n3A_425 = arith.select %eq3A_420, %broadcast_in_dim3A_423, %broadcast_in_dim3A_424 : vector<16xi1>, vector<16xf32>
      %mul3A_426 = arith.constant 16 : i32
      %mul3A_427 = arith.muli %scan3A_374, %mul3A_426 : i32
      %swap3A_428 = arith.constant 1 : i32
      %swap3A_429 = arith.constant 2 : i32
      %swap3A_430 = arith.index_cast %swap3A_428 : i32 to index
      %swap3A_431 = arith.index_cast %swap3A_429 : i32 to index
      %swap3A_432 = arith.index_cast %mul3A_427 : i32 to index
      %swap3A_433 = tpu.vector_load %arg5[%swap3A_430, %swap3A_431, %swap3A_432] {strides = array<i32>} : memref<2x5x4096xf32, #tpu.memory_space<vmem>>, vector<1x1x16xf32>,
      %swap3A_434 = vector.shape_cast %swap3A_433 : vector<1x1x16xf32> to vector<16xf32>
      %swap3A_435 = vector.shape_cast %select_n3A_425 : vector<16xf32> to vector<1x1x16xf32>
      tpu.vector_store %arg5[%swap3A_430, %swap3A_431, %swap3A_432], %swap3A_435 {strides = array<i32>} : memref<2x5x4096xf32, #tpu.memory_space<vmem>>, vector<1x1x16xf32>,
      %eq3A_436 = arith.constant 3 : i32
      %eq3A_437 = vector.broadcast %eq3A_436 : i32 to vector<16xi32>
      %eq3A_438 = arith.cmpi eq, %get3A_381, %eq3A_437 : vector<16xi32>
      %jit3A_439 = arith.constant 1.000000e+00 : f32
      %jit3A_440 = arith.constant 0.000000e+00 : f32
      %broadcast_in_dim3A_441 = vector.broadcast %jit3A_439 : f32 to vector<16xf32>
      %broadcast_in_dim3A_442 = vector.broadcast %jit3A_440 : f32 to vector<16xf32>
      %select_n3A_443 = arith.select %eq3A_438, %broadcast_in_dim3A_441, %broadcast_in_dim3A_442 : vector<16xi1>, vector<16xf32>
      %mul3A_444 = arith.constant 16 : i32
      %mul3A_445 = arith.muli %scan3A_374, %mul3A_444 : i32
      %swap3A_446 = arith.constant 1 : i32
      %swap3A_447 = arith.constant 3 : i32
      %swap3A_448 = arith.index_cast %swap3A_446 : i32 to index
      %swap3A_449 = arith.index_cast %swap3A_447 : i32 to index
      %swap3A_450 = arith.index_cast %mul3A_445 : i32 to index
      %swap3A_451 = tpu.vector_load %arg5[%swap3A_448, %swap3A_449, %swap3A_450] {strides = array<i32>} : memref<2x5x4096xf32, #tpu.memory_space<vmem>>, vector<1x1x16xf32>,
      %swap3A_452 = vector.shape_cast %swap3A_451 : vector<1x1x16xf32> to vector<16xf32>
      %swap3A_453 = vector.shape_cast %select_n3A_443 : vector<16xf32> to vector<1x1x16xf32>
      tpu.vector_store %arg5[%swap3A_448, %swap3A_449, %swap3A_450], %swap3A_453 {strides = array<i32>} : memref<2x5x4096xf32, #tpu.memory_space<vmem>>, vector<1x1x16xf32>,
      %eq3A_454 = arith.constant 4 : i32
      %eq3A_455 = vector.broadcast %eq3A_454 : i32 to vector<16xi32>
      %eq3A_456 = arith.cmpi eq, %get3A_381, %eq3A_455 : vector<16xi32>
      %jit3A_457 = arith.constant 1.000000e+00 : f32
      %jit3A_458 = arith.constant 0.000000e+00 : f32
      %broadcast_in_dim3A_459 = vector.broadcast %jit3A_457 : f32 to vector<16xf32>
      %broadcast_in_dim3A_460 = vector.broadcast %jit3A_458 : f32 to vector<16xf32>
      %select_n3A_461 = arith.select %eq3A_456, %broadcast_in_dim3A_459, %broadcast_in_dim3A_460 : vector<16xi1>, vector<16xf32>
      %mul3A_462 = arith.constant 16 : i32
      %mul3A_463 = arith.muli %scan3A_374, %mul3A_462 : i32
      %swap3A_464 = arith.constant 1 : i32
      %swap3A_465 = arith.constant 4 : i32
      %swap3A_466 = arith.index_cast %swap3A_464 : i32 to index
      %swap3A_467 = arith.index_cast %swap3A_465 : i32 to index
      %swap3A_468 = arith.index_cast %mul3A_463 : i32 to index
      %swap3A_469 = tpu.vector_load %arg5[%swap3A_466, %swap3A_467, %swap3A_468] {strides = array<i32>} : memref<2x5x4096xf32, #tpu.memory_space<vmem>>, vector<1x1x16xf32>,
      %swap3A_470 = vector.shape_cast %swap3A_469 : vector<1x1x16xf32> to vector<16xf32>
      %swap3A_471 = vector.shape_cast %select_n3A_461 : vector<16xf32> to vector<1x1x16xf32>
      tpu.vector_store %arg5[%swap3A_466, %swap3A_467, %swap3A_468], %swap3A_471 {strides = array<i32>} : memref<2x5x4096xf32, #tpu.memory_space<vmem>>, vector<1x1x16xf32>,
      %scan3A_472 = arith.constant 2 : i32
      %scan3A_473 = arith.addi %scan3A_281, %scan3A_472 : i32
      %mul3A_474 = arith.constant 16 : i32
      %mul3A_475 = arith.muli %scan3A_473, %mul3A_474 : i32
      %add3A_476 = arith.constant 4096 : i32
      %add3A_477 = arith.addi %add3A_476, %mul3A_475 : i32
      %get3A_478 = arith.index_cast %add3A_477 : i32 to index
      %get3A_479 = tpu.vector_load %arg4[%get3A_478] {strides = array<i32>} : memref<32768xi32, #tpu.memory_space<vmem>>, vector<16xi32>,
      %get3A_480 = vector.shape_cast %get3A_479 : vector<16xi32> to vector<16xi32>
      %eq3A_481 = arith.constant 0 : i32
      %eq3A_482 = vector.broadcast %eq3A_481 : i32 to vector<16xi32>
      %eq3A_483 = arith.cmpi eq, %get3A_480, %eq3A_482 : vector<16xi32>
      %jit3A_484 = arith.constant 1.000000e+00 : f32
      %jit3A_485 = arith.constant 0.000000e+00 : f32
      %broadcast_in_dim3A_486 = vector.broadcast %jit3A_484 : f32 to vector<16xf32>
      %broadcast_in_dim3A_487 = vector.broadcast %jit3A_485 : f32 to vector<16xf32>
      %select_n3A_488 = arith.select %eq3A_483, %broadcast_in_dim3A_486, %broadcast_in_dim3A_487 : vector<16xi1>, vector<16xf32>
      %mul3A_489 = arith.constant 16 : i32
      %mul3A_490 = arith.muli %scan3A_473, %mul3A_489 : i32
      %swap3A_491 = arith.constant 1 : i32
      %swap3A_492 = arith.constant 0 : i32
      %swap3A_493 = arith.index_cast %swap3A_491 : i32 to index
      %swap3A_494 = arith.index_cast %swap3A_492 : i32 to index
      %swap3A_495 = arith.index_cast %mul3A_490 : i32 to index
      %swap3A_496 = tpu.vector_load %arg5[%swap3A_493, %swap3A_494, %swap3A_495] {strides = array<i32>} : memref<2x5x4096xf32, #tpu.memory_space<vmem>>, vector<1x1x16xf32>,
      %swap3A_497 = vector.shape_cast %swap3A_496 : vector<1x1x16xf32> to vector<16xf32>
      %swap3A_498 = vector.shape_cast %select_n3A_488 : vector<16xf32> to vector<1x1x16xf32>
      tpu.vector_store %arg5[%swap3A_493, %swap3A_494, %swap3A_495], %swap3A_498 {strides = array<i32>} : memref<2x5x4096xf32, #tpu.memory_space<vmem>>, vector<1x1x16xf32>,
      %eq3A_499 = arith.constant 1 : i32
      %eq3A_500 = vector.broadcast %eq3A_499 : i32 to vector<16xi32>
      %eq3A_501 = arith.cmpi eq, %get3A_480, %eq3A_500 : vector<16xi32>
      %jit3A_502 = arith.constant 1.000000e+00 : f32
      %jit3A_503 = arith.constant 0.000000e+00 : f32
      %broadcast_in_dim3A_504 = vector.broadcast %jit3A_502 : f32 to vector<16xf32>
      %broadcast_in_dim3A_505 = vector.broadcast %jit3A_503 : f32 to vector<16xf32>
      %select_n3A_506 = arith.select %eq3A_501, %broadcast_in_dim3A_504, %broadcast_in_dim3A_505 : vector<16xi1>, vector<16xf32>
      %mul3A_507 = arith.constant 16 : i32
      %mul3A_508 = arith.muli %scan3A_473, %mul3A_507 : i32
      %swap3A_509 = arith.constant 1 : i32
      %swap3A_510 = arith.constant 1 : i32
      %swap3A_511 = arith.index_cast %swap3A_509 : i32 to index
      %swap3A_512 = arith.index_cast %swap3A_510 : i32 to index
      %swap3A_513 = arith.index_cast %mul3A_508 : i32 to index
      %swap3A_514 = tpu.vector_load %arg5[%swap3A_511, %swap3A_512, %swap3A_513] {strides = array<i32>} : memref<2x5x4096xf32, #tpu.memory_space<vmem>>, vector<1x1x16xf32>,
      %swap3A_515 = vector.shape_cast %swap3A_514 : vector<1x1x16xf32> to vector<16xf32>
      %swap3A_516 = vector.shape_cast %select_n3A_506 : vector<16xf32> to vector<1x1x16xf32>
      tpu.vector_store %arg5[%swap3A_511, %swap3A_512, %swap3A_513], %swap3A_516 {strides = array<i32>} : memref<2x5x4096xf32, #tpu.memory_space<vmem>>, vector<1x1x16xf32>,
      %eq3A_517 = arith.constant 2 : i32
      %eq3A_518 = vector.broadcast %eq3A_517 : i32 to vector<16xi32>
      %eq3A_519 = arith.cmpi eq, %get3A_480, %eq3A_518 : vector<16xi32>
      %jit3A_520 = arith.constant 1.000000e+00 : f32
      %jit3A_521 = arith.constant 0.000000e+00 : f32
      %broadcast_in_dim3A_522 = vector.broadcast %jit3A_520 : f32 to vector<16xf32>
      %broadcast_in_dim3A_523 = vector.broadcast %jit3A_521 : f32 to vector<16xf32>
      %select_n3A_524 = arith.select %eq3A_519, %broadcast_in_dim3A_522, %broadcast_in_dim3A_523 : vector<16xi1>, vector<16xf32>
      %mul3A_525 = arith.constant 16 : i32
      %mul3A_526 = arith.muli %scan3A_473, %mul3A_525 : i32
      %swap3A_527 = arith.constant 1 : i32
      %swap3A_528 = arith.constant 2 : i32
      %swap3A_529 = arith.index_cast %swap3A_527 : i32 to index
      %swap3A_530 = arith.index_cast %swap3A_528 : i32 to index
      %swap3A_531 = arith.index_cast %mul3A_526 : i32 to index
      %swap3A_532 = tpu.vector_load %arg5[%swap3A_529, %swap3A_530, %swap3A_531] {strides = array<i32>} : memref<2x5x4096xf32, #tpu.memory_space<vmem>>, vector<1x1x16xf32>,
      %swap3A_533 = vector.shape_cast %swap3A_532 : vector<1x1x16xf32> to vector<16xf32>
      %swap3A_534 = vector.shape_cast %select_n3A_524 : vector<16xf32> to vector<1x1x16xf32>
      tpu.vector_store %arg5[%swap3A_529, %swap3A_530, %swap3A_531], %swap3A_534 {strides = array<i32>} : memref<2x5x4096xf32, #tpu.memory_space<vmem>>, vector<1x1x16xf32>,
      %eq3A_535 = arith.constant 3 : i32
      %eq3A_536 = vector.broadcast %eq3A_535 : i32 to vector<16xi32>
      %eq3A_537 = arith.cmpi eq, %get3A_480, %eq3A_536 : vector<16xi32>
      %jit3A_538 = arith.constant 1.000000e+00 : f32
      %jit3A_539 = arith.constant 0.000000e+00 : f32
      %broadcast_in_dim3A_540 = vector.broadcast %jit3A_538 : f32 to vector<16xf32>
      %broadcast_in_dim3A_541 = vector.broadcast %jit3A_539 : f32 to vector<16xf32>
      %select_n3A_542 = arith.select %eq3A_537, %broadcast_in_dim3A_540, %broadcast_in_dim3A_541 : vector<16xi1>, vector<16xf32>
      %mul3A_543 = arith.constant 16 : i32
      %mul3A_544 = arith.muli %scan3A_473, %mul3A_543 : i32
      %swap3A_545 = arith.constant 1 : i32
      %swap3A_546 = arith.constant 3 : i32
      %swap3A_547 = arith.index_cast %swap3A_545 : i32 to index
      %swap3A_548 = arith.index_cast %swap3A_546 : i32 to index
      %swap3A_549 = arith.index_cast %mul3A_544 : i32 to index
      %swap3A_550 = tpu.vector_load %arg5[%swap3A_547, %swap3A_548, %swap3A_549] {strides = array<i32>} : memref<2x5x4096xf32, #tpu.memory_space<vmem>>, vector<1x1x16xf32>,
      %swap3A_551 = vector.shape_cast %swap3A_550 : vector<1x1x16xf32> to vector<16xf32>
      %swap3A_552 = vector.shape_cast %select_n3A_542 : vector<16xf32> to vector<1x1x16xf32>
      tpu.vector_store %arg5[%swap3A_547, %swap3A_548, %swap3A_549], %swap3A_552 {strides = array<i32>} : memref<2x5x4096xf32, #tpu.memory_space<vmem>>, vector<1x1x16xf32>,
      %eq3A_553 = arith.constant 4 : i32
      %eq3A_554 = vector.broadcast %eq3A_553 : i32 to vector<16xi32>
      %eq3A_555 = arith.cmpi eq, %get3A_480, %eq3A_554 : vector<16xi32>
      %jit3A_556 = arith.constant 1.000000e+00 : f32
      %jit3A_557 = arith.constant 0.000000e+00 : f32
      %broadcast_in_dim3A_558 = vector.broadcast %jit3A_556 : f32 to vector<16xf32>
      %broadcast_in_dim3A_559 = vector.broadcast %jit3A_557 : f32 to vector<16xf32>
      %select_n3A_560 = arith.select %eq3A_555, %broadcast_in_dim3A_558, %broadcast_in_dim3A_559 : vector<16xi1>, vector<16xf32>
      %mul3A_561 = arith.constant 16 : i32
      %mul3A_562 = arith.muli %scan3A_473, %mul3A_561 : i32
      %swap3A_563 = arith.constant 1 : i32
      %swap3A_564 = arith.constant 4 : i32
      %swap3A_565 = arith.index_cast %swap3A_563 : i32 to index
      %swap3A_566 = arith.index_cast %swap3A_564 : i32 to index
      %swap3A_567 = arith.index_cast %mul3A_562 : i32 to index
      %swap3A_568 = tpu.vector_load %arg5[%swap3A_565, %swap3A_566, %swap3A_567] {strides = array<i32>} : memref<2x5x4096xf32, #tpu.memory_space<vmem>>, vector<1x1x16xf32>,
      %swap3A_569 = vector.shape_cast %swap3A_568 : vector<1x1x16xf32> to vector<16xf32>
      %swap3A_570 = vector.shape_cast %select_n3A_560 : vector<16xf32> to vector<1x1x16xf32>
      tpu.vector_store %arg5[%swap3A_565, %swap3A_566, %swap3A_567], %swap3A_570 {strides = array<i32>} : memref<2x5x4096xf32, #tpu.memory_space<vmem>>, vector<1x1x16xf32>,
      %scan3A_571 = arith.constant 3 : i32
      %scan3A_572 = arith.addi %scan3A_281, %scan3A_571 : i32
      %mul3A_573 = arith.constant 16 : i32
      %mul3A_574 = arith.muli %scan3A_572, %mul3A_573 : i32
      %add3A_575 = arith.constant 4096 : i32
      %add3A_576 = arith.addi %add3A_575, %mul3A_574 : i32
      %get3A_577 = arith.index_cast %add3A_576 : i32 to index
      %get3A_578 = tpu.vector_load %arg4[%get3A_577] {strides = array<i32>} : memref<32768xi32, #tpu.memory_space<vmem>>, vector<16xi32>,
      %get3A_579 = vector.shape_cast %get3A_578 : vector<16xi32> to vector<16xi32>
      %eq3A_580 = arith.constant 0 : i32
      %eq3A_581 = vector.broadcast %eq3A_580 : i32 to vector<16xi32>
      %eq3A_582 = arith.cmpi eq, %get3A_579, %eq3A_581 : vector<16xi32>
      %jit3A_583 = arith.constant 1.000000e+00 : f32
      %jit3A_584 = arith.constant 0.000000e+00 : f32
      %broadcast_in_dim3A_585 = vector.broadcast %jit3A_583 : f32 to vector<16xf32>
      %broadcast_in_dim3A_586 = vector.broadcast %jit3A_584 : f32 to vector<16xf32>
      %select_n3A_587 = arith.select %eq3A_582, %broadcast_in_dim3A_585, %broadcast_in_dim3A_586 : vector<16xi1>, vector<16xf32>
      %mul3A_588 = arith.constant 16 : i32
      %mul3A_589 = arith.muli %scan3A_572, %mul3A_588 : i32
      %swap3A_590 = arith.constant 1 : i32
      %swap3A_591 = arith.constant 0 : i32
      %swap3A_592 = arith.index_cast %swap3A_590 : i32 to index
      %swap3A_593 = arith.index_cast %swap3A_591 : i32 to index
      %swap3A_594 = arith.index_cast %mul3A_589 : i32 to index
      %swap3A_595 = tpu.vector_load %arg5[%swap3A_592, %swap3A_593, %swap3A_594] {strides = array<i32>} : memref<2x5x4096xf32, #tpu.memory_space<vmem>>, vector<1x1x16xf32>,
      %swap3A_596 = vector.shape_cast %swap3A_595 : vector<1x1x16xf32> to vector<16xf32>
      %swap3A_597 = vector.shape_cast %select_n3A_587 : vector<16xf32> to vector<1x1x16xf32>
      tpu.vector_store %arg5[%swap3A_592, %swap3A_593, %swap3A_594], %swap3A_597 {strides = array<i32>} : memref<2x5x4096xf32, #tpu.memory_space<vmem>>, vector<1x1x16xf32>,
      %eq3A_598 = arith.constant 1 : i32
      %eq3A_599 = vector.broadcast %eq3A_598 : i32 to vector<16xi32>
      %eq3A_600 = arith.cmpi eq, %get3A_579, %eq3A_599 : vector<16xi32>
      %jit3A_601 = arith.constant 1.000000e+00 : f32
      %jit3A_602 = arith.constant 0.000000e+00 : f32
      %broadcast_in_dim3A_603 = vector.broadcast %jit3A_601 : f32 to vector<16xf32>
      %broadcast_in_dim3A_604 = vector.broadcast %jit3A_602 : f32 to vector<16xf32>
      %select_n3A_605 = arith.select %eq3A_600, %broadcast_in_dim3A_603, %broadcast_in_dim3A_604 : vector<16xi1>, vector<16xf32>
      %mul3A_606 = arith.constant 16 : i32
      %mul3A_607 = arith.muli %scan3A_572, %mul3A_606 : i32
      %swap3A_608 = arith.constant 1 : i32
      %swap3A_609 = arith.constant 1 : i32
      %swap3A_610 = arith.index_cast %swap3A_608 : i32 to index
      %swap3A_611 = arith.index_cast %swap3A_609 : i32 to index
      %swap3A_612 = arith.index_cast %mul3A_607 : i32 to index
      %swap3A_613 = tpu.vector_load %arg5[%swap3A_610, %swap3A_611, %swap3A_612] {strides = array<i32>} : memref<2x5x4096xf32, #tpu.memory_space<vmem>>, vector<1x1x16xf32>,
      %swap3A_614 = vector.shape_cast %swap3A_613 : vector<1x1x16xf32> to vector<16xf32>
      %swap3A_615 = vector.shape_cast %select_n3A_605 : vector<16xf32> to vector<1x1x16xf32>
      tpu.vector_store %arg5[%swap3A_610, %swap3A_611, %swap3A_612], %swap3A_615 {strides = array<i32>} : memref<2x5x4096xf32, #tpu.memory_space<vmem>>, vector<1x1x16xf32>,
      %eq3A_616 = arith.constant 2 : i32
      %eq3A_617 = vector.broadcast %eq3A_616 : i32 to vector<16xi32>
      %eq3A_618 = arith.cmpi eq, %get3A_579, %eq3A_617 : vector<16xi32>
      %jit3A_619 = arith.constant 1.000000e+00 : f32
      %jit3A_620 = arith.constant 0.000000e+00 : f32
      %broadcast_in_dim3A_621 = vector.broadcast %jit3A_619 : f32 to vector<16xf32>
      %broadcast_in_dim3A_622 = vector.broadcast %jit3A_620 : f32 to vector<16xf32>
      %select_n3A_623 = arith.select %eq3A_618, %broadcast_in_dim3A_621, %broadcast_in_dim3A_622 : vector<16xi1>, vector<16xf32>
      %mul3A_624 = arith.constant 16 : i32
      %mul3A_625 = arith.muli %scan3A_572, %mul3A_624 : i32
      %swap3A_626 = arith.constant 1 : i32
      %swap3A_627 = arith.constant 2 : i32
      %swap3A_628 = arith.index_cast %swap3A_626 : i32 to index
      %swap3A_629 = arith.index_cast %swap3A_627 : i32 to index
      %swap3A_630 = arith.index_cast %mul3A_625 : i32 to index
      %swap3A_631 = tpu.vector_load %arg5[%swap3A_628, %swap3A_629, %swap3A_630] {strides = array<i32>} : memref<2x5x4096xf32, #tpu.memory_space<vmem>>, vector<1x1x16xf32>,
      %swap3A_632 = vector.shape_cast %swap3A_631 : vector<1x1x16xf32> to vector<16xf32>
      %swap3A_633 = vector.shape_cast %select_n3A_623 : vector<16xf32> to vector<1x1x16xf32>
      tpu.vector_store %arg5[%swap3A_628, %swap3A_629, %swap3A_630], %swap3A_633 {strides = array<i32>} : memref<2x5x4096xf32, #tpu.memory_space<vmem>>, vector<1x1x16xf32>,
      %eq3A_634 = arith.constant 3 : i32
      %eq3A_635 = vector.broadcast %eq3A_634 : i32 to vector<16xi32>
      %eq3A_636 = arith.cmpi eq, %get3A_579, %eq3A_635 : vector<16xi32>
      %jit3A_637 = arith.constant 1.000000e+00 : f32
      %jit3A_638 = arith.constant 0.000000e+00 : f32
      %broadcast_in_dim3A_639 = vector.broadcast %jit3A_637 : f32 to vector<16xf32>
      %broadcast_in_dim3A_640 = vector.broadcast %jit3A_638 : f32 to vector<16xf32>
      %select_n3A_641 = arith.select %eq3A_636, %broadcast_in_dim3A_639, %broadcast_in_dim3A_640 : vector<16xi1>, vector<16xf32>
      %mul3A_642 = arith.constant 16 : i32
      %mul3A_643 = arith.muli %scan3A_572, %mul3A_642 : i32
      %swap3A_644 = arith.constant 1 : i32
      %swap3A_645 = arith.constant 3 : i32
      %swap3A_646 = arith.index_cast %swap3A_644 : i32 to index
      %swap3A_647 = arith.index_cast %swap3A_645 : i32 to index
      %swap3A_648 = arith.index_cast %mul3A_643 : i32 to index
      %swap3A_649 = tpu.vector_load %arg5[%swap3A_646, %swap3A_647, %swap3A_648] {strides = array<i32>} : memref<2x5x4096xf32, #tpu.memory_space<vmem>>, vector<1x1x16xf32>,
      %swap3A_650 = vector.shape_cast %swap3A_649 : vector<1x1x16xf32> to vector<16xf32>
      %swap3A_651 = vector.shape_cast %select_n3A_641 : vector<16xf32> to vector<1x1x16xf32>
      tpu.vector_store %arg5[%swap3A_646, %swap3A_647, %swap3A_648], %swap3A_651 {strides = array<i32>} : memref<2x5x4096xf32, #tpu.memory_space<vmem>>, vector<1x1x16xf32>,
      %eq3A_652 = arith.constant 4 : i32
      %eq3A_653 = vector.broadcast %eq3A_652 : i32 to vector<16xi32>
      %eq3A_654 = arith.cmpi eq, %get3A_579, %eq3A_653 : vector<16xi32>
      %jit3A_655 = arith.constant 1.000000e+00 : f32
      %jit3A_656 = arith.constant 0.000000e+00 : f32
      %broadcast_in_dim3A_657 = vector.broadcast %jit3A_655 : f32 to vector<16xf32>
      %broadcast_in_dim3A_658 = vector.broadcast %jit3A_656 : f32 to vector<16xf32>
      %select_n3A_659 = arith.select %eq3A_654, %broadcast_in_dim3A_657, %broadcast_in_dim3A_658 : vector<16xi1>, vector<16xf32>
      %mul3A_660 = arith.constant 16 : i32
      %mul3A_661 = arith.muli %scan3A_572, %mul3A_660 : i32
      %swap3A_662 = arith.constant 1 : i32
      %swap3A_663 = arith.constant 4 : i32
      %swap3A_664 = arith.index_cast %swap3A_662 : i32 to index
      %swap3A_665 = arith.index_cast %swap3A_663 : i32 to index
      %swap3A_666 = arith.index_cast %mul3A_661 : i32 to index
      %swap3A_667 = tpu.vector_load %arg5[%swap3A_664, %swap3A_665, %swap3A_666] {strides = array<i32>} : memref<2x5x4096xf32, #tpu.memory_space<vmem>>, vector<1x1x16xf32>,
      %swap3A_668 = vector.shape_cast %swap3A_667 : vector<1x1x16xf32> to vector<16xf32>
      %swap3A_669 = vector.shape_cast %select_n3A_659 : vector<16xf32> to vector<1x1x16xf32>
      tpu.vector_store %arg5[%swap3A_664, %swap3A_665, %swap3A_666], %swap3A_669 {strides = array<i32>} : memref<2x5x4096xf32, #tpu.memory_space<vmem>>, vector<1x1x16xf32>,
    }
    %scan3A_29 = arith.constant 256 : i32
    %add3A_30 = arith.constant 4096 : i32
    %add3A_31 = arith.addi %multiple_of3A, %add3A_30 : i32
    %multiple_of3A_32 = tpu.assume_multiple %add3A_31, 128 : i32
    %dma_start3A_33 = arith.constant 1 : i32
    %dma_start3A_34 = arith.constant 0 : i32
    %dma_start3A_35 = arith.constant 0 : i32
    %dma_start3A_36 = tpu.memref_slice %arg5[%dma_start3A_33, %dma_start3A_34, %dma_start3A_35] : memref<2x5x4096xf32, #tpu.memory_space<vmem>> -> memref<1x5x4096xf32, #tpu.memory_space<vmem>>
    %dma_start3A_37 = tpu.memref_squeeze %dma_start3A_36 : memref<1x5x4096xf32, #tpu.memory_space<vmem>> -> memref<5x4096xf32, #tpu.memory_space<vmem>>
    %dma_start3A_38 = arith.constant 0 : i32
    %dma_start3A_39 = tpu.memref_slice %arg3[%dma_start3A_38, %multiple_of3A_32] : memref<5x1000000xf32, #tpu.memory_space<hbm>> -> memref<5x4096xf32, #tpu.memory_space<hbm>>
    %dma_start3A_40 = arith.constant 0 : i32
    %dma_start3A_41 = tpu.memref_slice %arg3[%dma_start3A_40, %multiple_of3A_32] : memref<5x1000000xf32, #tpu.memory_space<hbm>> -> memref<5x4096xf32, #tpu.memory_space<hbm>>
    %dma_start3A_42 = arith.constant 0 : i32
    %dma_start3A_43 = arith.constant 0 : i32
    %dma_start3A_44 = tpu.memref_slice %arg5[%dma_start3A_33, %dma_start3A_42, %dma_start3A_43] : memref<2x5x4096xf32, #tpu.memory_space<vmem>> -> memref<1x5x4096xf32, #tpu.memory_space<vmem>>
    %dma_start3A_45 = tpu.memref_squeeze %dma_start3A_44 : memref<1x5x4096xf32, #tpu.memory_space<vmem>> -> memref<5x4096xf32, #tpu.memory_space<vmem>>
    tpu.enqueue_dma source(%dma_start3A_45 : memref<5x4096xf32, #tpu.memory_space<vmem>>) target(%dma_start3A_41 : memref<5x4096xf32, #tpu.memory_space<hbm>>) target_semaphore(%arg7 : memref<!tpu.dma_semaphore, #tpu.memory_space<semaphore_mem>>)
    %dma_wait3A = arith.constant 0 : i32
    %dma_wait3A_46 = arith.constant 0 : i32
    %dma_wait3A_47 = arith.constant 0 : i32
    %dma_wait3A_48 = tpu.memref_slice %arg5[%dma_wait3A, %dma_wait3A_46, %dma_wait3A_47] : memref<2x5x4096xf32, #tpu.memory_space<vmem>> -> memref<1x5x4096xf32, #tpu.memory_space<vmem>>
    %dma_wait3A_49 = tpu.memref_squeeze %dma_wait3A_48 : memref<1x5x4096xf32, #tpu.memory_space<vmem>> -> memref<5x4096xf32, #tpu.memory_space<vmem>>
    %dma_wait3A_50 = arith.constant 0 : i32
    %dma_wait3A_51 = tpu.memref_slice %arg3[%dma_wait3A_50, %multiple_of3A_11] : memref<5x1000000xf32, #tpu.memory_space<hbm>> -> memref<5x4096xf32, #tpu.memory_space<hbm>>
    %dma_wait3A_52 = arith.constant 0 : i32
    %dma_wait3A_53 = tpu.memref_slice %arg3[%dma_wait3A_52, %multiple_of3A_11] : memref<5x1000000xf32, #tpu.memory_space<hbm>> -> memref<5x4096xf32, #tpu.memory_space<hbm>>
    %dma_wait3A_54 = arith.constant 0 : i32
    %dma_wait3A_55 = arith.constant 0 : i32
    %dma_wait3A_56 = tpu.memref_slice %arg5[%dma_wait3A, %dma_wait3A_54, %dma_wait3A_55] : memref<2x5x4096xf32, #tpu.memory_space<vmem>> -> memref<1x5x4096xf32, #tpu.memory_space<vmem>>
    %dma_wait3A_57 = tpu.memref_squeeze %dma_wait3A_56 : memref<1x5x4096xf32, #tpu.memory_space<vmem>> -> memref<5x4096xf32, #tpu.memory_space<vmem>>
    tpu.wait_dma2 semaphore(%arg6 : memref<!tpu.dma_semaphore, #tpu.memory_space<semaphore_mem>>) src(%dma_wait3A_57 : memref<5x4096xf32, #tpu.memory_space<vmem>>) dst(%dma_wait3A_53 : memref<5x4096xf32, #tpu.memory_space<hbm>>)
    %scan3A_58 = arith.constant 0 : i32
    %scan3A_59 = arith.constant 0 : i32
    %scan3A_60 = arith.constant 256 : i32
    %scan3A_61 = arith.addi %scan3A_59, %scan3A_60 : i32
    %scan3A_62 = arith.constant 4 : i32
    scf.for %scan3A_281 = %scan3A_59 to %scan3A_61 step %scan3A_62  : i32 {
      %mul3A_282 = arith.constant 16 : i32
      %mul3A_283 = arith.muli %scan3A_281, %mul3A_282 : i32
      %add3A_284 = arith.constant 8192 : i32
      %add3A_285 = arith.addi %add3A_284, %mul3A_283 : i32
      %get3A = arith.index_cast %add3A_285 : i32 to index
      %get3A_286 = tpu.vector_load %arg4[%get3A] {strides = array<i32>} : memref<32768xi32, #tpu.memory_space<vmem>>, vector<16xi32>,
      %get3A_287 = vector.shape_cast %get3A_286 : vector<16xi32> to vector<16xi32>
      %eq3A = arith.constant 0 : i32
      %eq3A_288 = vector.broadcast %eq3A : i32 to vector<16xi32>
      %eq3A_289 = arith.cmpi eq, %get3A_287, %eq3A_288 : vector<16xi32>
      %jit3A = arith.constant 1.000000e+00 : f32
      %jit3A_290 = arith.constant 0.000000e+00 : f32
      %broadcast_in_dim3A = vector.broadcast %jit3A : f32 to vector<16xf32>
      %broadcast_in_dim3A_291 = vector.broadcast %jit3A_290 : f32 to vector<16xf32>
      %select_n3A = arith.select %eq3A_289, %broadcast_in_dim3A, %broadcast_in_dim3A_291 : vector<16xi1>, vector<16xf32>
      %mul3A_292 = arith.constant 16 : i32
      %mul3A_293 = arith.muli %scan3A_281, %mul3A_292 : i32
      %swap3A = arith.constant 0 : i32
      %swap3A_294 = arith.constant 0 : i32
      %swap3A_295 = arith.index_cast %swap3A : i32 to index
      %swap3A_296 = arith.index_cast %swap3A_294 : i32 to index
      %swap3A_297 = arith.index_cast %mul3A_293 : i32 to index
      %swap3A_298 = tpu.vector_load %arg5[%swap3A_295, %swap3A_296, %swap3A_297] {strides = array<i32>} : memref<2x5x4096xf32, #tpu.memory_space<vmem>>, vector<1x1x16xf32>,
      %swap3A_299 = vector.shape_cast %swap3A_298 : vector<1x1x16xf32> to vector<16xf32>
      %swap3A_300 = vector.shape_cast %select_n3A : vector<16xf32> to vector<1x1x16xf32>
      tpu.vector_store %arg5[%swap3A_295, %swap3A_296, %swap3A_297], %swap3A_300 {strides = array<i32>} : memref<2x5x4096xf32, #tpu.memory_space<vmem>>, vector<1x1x16xf32>,
      %eq3A_301 = arith.constant 1 : i32
      %eq3A_302 = vector.broadcast %eq3A_301 : i32 to vector<16xi32>
      %eq3A_303 = arith.cmpi eq, %get3A_287, %eq3A_302 : vector<16xi32>
      %jit3A_304 = arith.constant 1.000000e+00 : f32
      %jit3A_305 = arith.constant 0.000000e+00 : f32
      %broadcast_in_dim3A_306 = vector.broadcast %jit3A_304 : f32 to vector<16xf32>
      %broadcast_in_dim3A_307 = vector.broadcast %jit3A_305 : f32 to vector<16xf32>
      %select_n3A_308 = arith.select %eq3A_303, %broadcast_in_dim3A_306, %broadcast_in_dim3A_307 : vector<16xi1>, vector<16xf32>
      %mul3A_309 = arith.constant 16 : i32
      %mul3A_310 = arith.muli %scan3A_281, %mul3A_309 : i32
      %swap3A_311 = arith.constant 0 : i32
      %swap3A_312 = arith.constant 1 : i32
      %swap3A_313 = arith.index_cast %swap3A_311 : i32 to index
      %swap3A_314 = arith.index_cast %swap3A_312 : i32 to index
      %swap3A_315 = arith.index_cast %mul3A_310 : i32 to index
      %swap3A_316 = tpu.vector_load %arg5[%swap3A_313, %swap3A_314, %swap3A_315] {strides = array<i32>} : memref<2x5x4096xf32, #tpu.memory_space<vmem>>, vector<1x1x16xf32>,
      %swap3A_317 = vector.shape_cast %swap3A_316 : vector<1x1x16xf32> to vector<16xf32>
      %swap3A_318 = vector.shape_cast %select_n3A_308 : vector<16xf32> to vector<1x1x16xf32>
      tpu.vector_store %arg5[%swap3A_313, %swap3A_314, %swap3A_315], %swap3A_318 {strides = array<i32>} : memref<2x5x4096xf32, #tpu.memory_space<vmem>>, vector<1x1x16xf32>,
      %eq3A_319 = arith.constant 2 : i32
      %eq3A_320 = vector.broadcast %eq3A_319 : i32 to vector<16xi32>
      %eq3A_321 = arith.cmpi eq, %get3A_287, %eq3A_320 : vector<16xi32>
      %jit3A_322 = arith.constant 1.000000e+00 : f32
      %jit3A_323 = arith.constant 0.000000e+00 : f32
      %broadcast_in_dim3A_324 = vector.broadcast %jit3A_322 : f32 to vector<16xf32>
      %broadcast_in_dim3A_325 = vector.broadcast %jit3A_323 : f32 to vector<16xf32>
      %select_n3A_326 = arith.select %eq3A_321, %broadcast_in_dim3A_324, %broadcast_in_dim3A_325 : vector<16xi1>, vector<16xf32>
      %mul3A_327 = arith.constant 16 : i32
      %mul3A_328 = arith.muli %scan3A_281, %mul3A_327 : i32
      %swap3A_329 = arith.constant 0 : i32
      %swap3A_330 = arith.constant 2 : i32
      %swap3A_331 = arith.index_cast %swap3A_329 : i32 to index
      %swap3A_332 = arith.index_cast %swap3A_330 : i32 to index
      %swap3A_333 = arith.index_cast %mul3A_328 : i32 to index
      %swap3A_334 = tpu.vector_load %arg5[%swap3A_331, %swap3A_332, %swap3A_333] {strides = array<i32>} : memref<2x5x4096xf32, #tpu.memory_space<vmem>>, vector<1x1x16xf32>,
      %swap3A_335 = vector.shape_cast %swap3A_334 : vector<1x1x16xf32> to vector<16xf32>
      %swap3A_336 = vector.shape_cast %select_n3A_326 : vector<16xf32> to vector<1x1x16xf32>
      tpu.vector_store %arg5[%swap3A_331, %swap3A_332, %swap3A_333], %swap3A_336 {strides = array<i32>} : memref<2x5x4096xf32, #tpu.memory_space<vmem>>, vector<1x1x16xf32>,
      %eq3A_337 = arith.constant 3 : i32
      %eq3A_338 = vector.broadcast %eq3A_337 : i32 to vector<16xi32>
      %eq3A_339 = arith.cmpi eq, %get3A_287, %eq3A_338 : vector<16xi32>
      %jit3A_340 = arith.constant 1.000000e+00 : f32
      %jit3A_341 = arith.constant 0.000000e+00 : f32
      %broadcast_in_dim3A_342 = vector.broadcast %jit3A_340 : f32 to vector<16xf32>
      %broadcast_in_dim3A_343 = vector.broadcast %jit3A_341 : f32 to vector<16xf32>
      %select_n3A_344 = arith.select %eq3A_339, %broadcast_in_dim3A_342, %broadcast_in_dim3A_343 : vector<16xi1>, vector<16xf32>
      %mul3A_345 = arith.constant 16 : i32
      %mul3A_346 = arith.muli %scan3A_281, %mul3A_345 : i32
      %swap3A_347 = arith.constant 0 : i32
      %swap3A_348 = arith.constant 3 : i32
      %swap3A_349 = arith.index_cast %swap3A_347 : i32 to index
      %swap3A_350 = arith.index_cast %swap3A_348 : i32 to index
      %swap3A_351 = arith.index_cast %mul3A_346 : i32 to index
      %swap3A_352 = tpu.vector_load %arg5[%swap3A_349, %swap3A_350, %swap3A_351] {strides = array<i32>} : memref<2x5x4096xf32, #tpu.memory_space<vmem>>, vector<1x1x16xf32>,
      %swap3A_353 = vector.shape_cast %swap3A_352 : vector<1x1x16xf32> to vector<16xf32>
      %swap3A_354 = vector.shape_cast %select_n3A_344 : vector<16xf32> to vector<1x1x16xf32>
      tpu.vector_store %arg5[%swap3A_349, %swap3A_350, %swap3A_351], %swap3A_354 {strides = array<i32>} : memref<2x5x4096xf32, #tpu.memory_space<vmem>>, vector<1x1x16xf32>,
      %eq3A_355 = arith.constant 4 : i32
      %eq3A_356 = vector.broadcast %eq3A_355 : i32 to vector<16xi32>
      %eq3A_357 = arith.cmpi eq, %get3A_287, %eq3A_356 : vector<16xi32>
      %jit3A_358 = arith.constant 1.000000e+00 : f32
      %jit3A_359 = arith.constant 0.000000e+00 : f32
      %broadcast_in_dim3A_360 = vector.broadcast %jit3A_358 : f32 to vector<16xf32>
      %broadcast_in_dim3A_361 = vector.broadcast %jit3A_359 : f32 to vector<16xf32>
      %select_n3A_362 = arith.select %eq3A_357, %broadcast_in_dim3A_360, %broadcast_in_dim3A_361 : vector<16xi1>, vector<16xf32>
      %mul3A_363 = arith.constant 16 : i32
      %mul3A_364 = arith.muli %scan3A_281, %mul3A_363 : i32
      %swap3A_365 = arith.constant 0 : i32
      %swap3A_366 = arith.constant 4 : i32
      %swap3A_367 = arith.index_cast %swap3A_365 : i32 to index
      %swap3A_368 = arith.index_cast %swap3A_366 : i32 to index
      %swap3A_369 = arith.index_cast %mul3A_364 : i32 to index
      %swap3A_370 = tpu.vector_load %arg5[%swap3A_367, %swap3A_368, %swap3A_369] {strides = array<i32>} : memref<2x5x4096xf32, #tpu.memory_space<vmem>>, vector<1x1x16xf32>,
      %swap3A_371 = vector.shape_cast %swap3A_370 : vector<1x1x16xf32> to vector<16xf32>
      %swap3A_372 = vector.shape_cast %select_n3A_362 : vector<16xf32> to vector<1x1x16xf32>
      tpu.vector_store %arg5[%swap3A_367, %swap3A_368, %swap3A_369], %swap3A_372 {strides = array<i32>} : memref<2x5x4096xf32, #tpu.memory_space<vmem>>, vector<1x1x16xf32>,
      %scan3A_373 = arith.constant 1 : i32
      %scan3A_374 = arith.addi %scan3A_281, %scan3A_373 : i32
      %mul3A_375 = arith.constant 16 : i32
      %mul3A_376 = arith.muli %scan3A_374, %mul3A_375 : i32
      %add3A_377 = arith.constant 8192 : i32
      %add3A_378 = arith.addi %add3A_377, %mul3A_376 : i32
      %get3A_379 = arith.index_cast %add3A_378 : i32 to index
      %get3A_380 = tpu.vector_load %arg4[%get3A_379] {strides = array<i32>} : memref<32768xi32, #tpu.memory_space<vmem>>, vector<16xi32>,
      %get3A_381 = vector.shape_cast %get3A_380 : vector<16xi32> to vector<16xi32>
      %eq3A_382 = arith.constant 0 : i32
      %eq3A_383 = vector.broadcast %eq3A_382 : i32 to vector<16xi32>
      %eq3A_384 = arith.cmpi eq, %get3A_381, %eq3A_383 : vector<16xi32>
      %jit3A_385 = arith.constant 1.000000e+00 : f32
      %jit3A_386 = arith.constant 0.000000e+00 : f32
      %broadcast_in_dim3A_387 = vector.broadcast %jit3A_385 : f32 to vector<16xf32>
      %broadcast_in_dim3A_388 = vector.broadcast %jit3A_386 : f32 to vector<16xf32>
      %select_n3A_389 = arith.select %eq3A_384, %broadcast_in_dim3A_387, %broadcast_in_dim3A_388 : vector<16xi1>, vector<16xf32>
      %mul3A_390 = arith.constant 16 : i32
      %mul3A_391 = arith.muli %scan3A_374, %mul3A_390 : i32
      %swap3A_392 = arith.constant 0 : i32
      %swap3A_393 = arith.constant 0 : i32
      %swap3A_394 = arith.index_cast %swap3A_392 : i32 to index
      %swap3A_395 = arith.index_cast %swap3A_393 : i32 to index
      %swap3A_396 = arith.index_cast %mul3A_391 : i32 to index
      %swap3A_397 = tpu.vector_load %arg5[%swap3A_394, %swap3A_395, %swap3A_396] {strides = array<i32>} : memref<2x5x4096xf32, #tpu.memory_space<vmem>>, vector<1x1x16xf32>,
      %swap3A_398 = vector.shape_cast %swap3A_397 : vector<1x1x16xf32> to vector<16xf32>
      %swap3A_399 = vector.shape_cast %select_n3A_389 : vector<16xf32> to vector<1x1x16xf32>
      tpu.vector_store %arg5[%swap3A_394, %swap3A_395, %swap3A_396], %swap3A_399 {strides = array<i32>} : memref<2x5x4096xf32, #tpu.memory_space<vmem>>, vector<1x1x16xf32>,
      %eq3A_400 = arith.constant 1 : i32
      %eq3A_401 = vector.broadcast %eq3A_400 : i32 to vector<16xi32>
      %eq3A_402 = arith.cmpi eq, %get3A_381, %eq3A_401 : vector<16xi32>
      %jit3A_403 = arith.constant 1.000000e+00 : f32
      %jit3A_404 = arith.constant 0.000000e+00 : f32
      %broadcast_in_dim3A_405 = vector.broadcast %jit3A_403 : f32 to vector<16xf32>
      %broadcast_in_dim3A_406 = vector.broadcast %jit3A_404 : f32 to vector<16xf32>
      %select_n3A_407 = arith.select %eq3A_402, %broadcast_in_dim3A_405, %broadcast_in_dim3A_406 : vector<16xi1>, vector<16xf32>
      %mul3A_408 = arith.constant 16 : i32
      %mul3A_409 = arith.muli %scan3A_374, %mul3A_408 : i32
      %swap3A_410 = arith.constant 0 : i32
      %swap3A_411 = arith.constant 1 : i32
      %swap3A_412 = arith.index_cast %swap3A_410 : i32 to index
      %swap3A_413 = arith.index_cast %swap3A_411 : i32 to index
      %swap3A_414 = arith.index_cast %mul3A_409 : i32 to index
      %swap3A_415 = tpu.vector_load %arg5[%swap3A_412, %swap3A_413, %swap3A_414] {strides = array<i32>} : memref<2x5x4096xf32, #tpu.memory_space<vmem>>, vector<1x1x16xf32>,
      %swap3A_416 = vector.shape_cast %swap3A_415 : vector<1x1x16xf32> to vector<16xf32>
      %swap3A_417 = vector.shape_cast %select_n3A_407 : vector<16xf32> to vector<1x1x16xf32>
      tpu.vector_store %arg5[%swap3A_412, %swap3A_413, %swap3A_414], %swap3A_417 {strides = array<i32>} : memref<2x5x4096xf32, #tpu.memory_space<vmem>>, vector<1x1x16xf32>,
      %eq3A_418 = arith.constant 2 : i32
      %eq3A_419 = vector.broadcast %eq3A_418 : i32 to vector<16xi32>
      %eq3A_420 = arith.cmpi eq, %get3A_381, %eq3A_419 : vector<16xi32>
      %jit3A_421 = arith.constant 1.000000e+00 : f32
      %jit3A_422 = arith.constant 0.000000e+00 : f32
      %broadcast_in_dim3A_423 = vector.broadcast %jit3A_421 : f32 to vector<16xf32>
      %broadcast_in_dim3A_424 = vector.broadcast %jit3A_422 : f32 to vector<16xf32>
      %select_n3A_425 = arith.select %eq3A_420, %broadcast_in_dim3A_423, %broadcast_in_dim3A_424 : vector<16xi1>, vector<16xf32>
      %mul3A_426 = arith.constant 16 : i32
      %mul3A_427 = arith.muli %scan3A_374, %mul3A_426 : i32
      %swap3A_428 = arith.constant 0 : i32
      %swap3A_429 = arith.constant 2 : i32
      %swap3A_430 = arith.index_cast %swap3A_428 : i32 to index
      %swap3A_431 = arith.index_cast %swap3A_429 : i32 to index
      %swap3A_432 = arith.index_cast %mul3A_427 : i32 to index
      %swap3A_433 = tpu.vector_load %arg5[%swap3A_430, %swap3A_431, %swap3A_432] {strides = array<i32>} : memref<2x5x4096xf32, #tpu.memory_space<vmem>>, vector<1x1x16xf32>,
      %swap3A_434 = vector.shape_cast %swap3A_433 : vector<1x1x16xf32> to vector<16xf32>
      %swap3A_435 = vector.shape_cast %select_n3A_425 : vector<16xf32> to vector<1x1x16xf32>
      tpu.vector_store %arg5[%swap3A_430, %swap3A_431, %swap3A_432], %swap3A_435 {strides = array<i32>} : memref<2x5x4096xf32, #tpu.memory_space<vmem>>, vector<1x1x16xf32>,
      %eq3A_436 = arith.constant 3 : i32
      %eq3A_437 = vector.broadcast %eq3A_436 : i32 to vector<16xi32>
      %eq3A_438 = arith.cmpi eq, %get3A_381, %eq3A_437 : vector<16xi32>
      %jit3A_439 = arith.constant 1.000000e+00 : f32
      %jit3A_440 = arith.constant 0.000000e+00 : f32
      %broadcast_in_dim3A_441 = vector.broadcast %jit3A_439 : f32 to vector<16xf32>
      %broadcast_in_dim3A_442 = vector.broadcast %jit3A_440 : f32 to vector<16xf32>
      %select_n3A_443 = arith.select %eq3A_438, %broadcast_in_dim3A_441, %broadcast_in_dim3A_442 : vector<16xi1>, vector<16xf32>
      %mul3A_444 = arith.constant 16 : i32
      %mul3A_445 = arith.muli %scan3A_374, %mul3A_444 : i32
      %swap3A_446 = arith.constant 0 : i32
      %swap3A_447 = arith.constant 3 : i32
      %swap3A_448 = arith.index_cast %swap3A_446 : i32 to index
      %swap3A_449 = arith.index_cast %swap3A_447 : i32 to index
      %swap3A_450 = arith.index_cast %mul3A_445 : i32 to index
      %swap3A_451 = tpu.vector_load %arg5[%swap3A_448, %swap3A_449, %swap3A_450] {strides = array<i32>} : memref<2x5x4096xf32, #tpu.memory_space<vmem>>, vector<1x1x16xf32>,
      %swap3A_452 = vector.shape_cast %swap3A_451 : vector<1x1x16xf32> to vector<16xf32>
      %swap3A_453 = vector.shape_cast %select_n3A_443 : vector<16xf32> to vector<1x1x16xf32>
      tpu.vector_store %arg5[%swap3A_448, %swap3A_449, %swap3A_450], %swap3A_453 {strides = array<i32>} : memref<2x5x4096xf32, #tpu.memory_space<vmem>>, vector<1x1x16xf32>,
      %eq3A_454 = arith.constant 4 : i32
      %eq3A_455 = vector.broadcast %eq3A_454 : i32 to vector<16xi32>
      %eq3A_456 = arith.cmpi eq, %get3A_381, %eq3A_455 : vector<16xi32>
      %jit3A_457 = arith.constant 1.000000e+00 : f32
      %jit3A_458 = arith.constant 0.000000e+00 : f32
      %broadcast_in_dim3A_459 = vector.broadcast %jit3A_457 : f32 to vector<16xf32>
      %broadcast_in_dim3A_460 = vector.broadcast %jit3A_458 : f32 to vector<16xf32>
      %select_n3A_461 = arith.select %eq3A_456, %broadcast_in_dim3A_459, %broadcast_in_dim3A_460 : vector<16xi1>, vector<16xf32>
      %mul3A_462 = arith.constant 16 : i32
      %mul3A_463 = arith.muli %scan3A_374, %mul3A_462 : i32
      %swap3A_464 = arith.constant 0 : i32
      %swap3A_465 = arith.constant 4 : i32
      %swap3A_466 = arith.index_cast %swap3A_464 : i32 to index
      %swap3A_467 = arith.index_cast %swap3A_465 : i32 to index
      %swap3A_468 = arith.index_cast %mul3A_463 : i32 to index
      %swap3A_469 = tpu.vector_load %arg5[%swap3A_466, %swap3A_467, %swap3A_468] {strides = array<i32>} : memref<2x5x4096xf32, #tpu.memory_space<vmem>>, vector<1x1x16xf32>,
      %swap3A_470 = vector.shape_cast %swap3A_469 : vector<1x1x16xf32> to vector<16xf32>
      %swap3A_471 = vector.shape_cast %select_n3A_461 : vector<16xf32> to vector<1x1x16xf32>
      tpu.vector_store %arg5[%swap3A_466, %swap3A_467, %swap3A_468], %swap3A_471 {strides = array<i32>} : memref<2x5x4096xf32, #tpu.memory_space<vmem>>, vector<1x1x16xf32>,
      %scan3A_472 = arith.constant 2 : i32
      %scan3A_473 = arith.addi %scan3A_281, %scan3A_472 : i32
      %mul3A_474 = arith.constant 16 : i32
      %mul3A_475 = arith.muli %scan3A_473, %mul3A_474 : i32
      %add3A_476 = arith.constant 8192 : i32
      %add3A_477 = arith.addi %add3A_476, %mul3A_475 : i32
      %get3A_478 = arith.index_cast %add3A_477 : i32 to index
      %get3A_479 = tpu.vector_load %arg4[%get3A_478] {strides = array<i32>} : memref<32768xi32, #tpu.memory_space<vmem>>, vector<16xi32>,
      %get3A_480 = vector.shape_cast %get3A_479 : vector<16xi32> to vector<16xi32>
      %eq3A_481 = arith.constant 0 : i32
      %eq3A_482 = vector.broadcast %eq3A_481 : i32 to vector<16xi32>
      %eq3A_483 = arith.cmpi eq, %get3A_480, %eq3A_482 : vector<16xi32>
      %jit3A_484 = arith.constant 1.000000e+00 : f32
      %jit3A_485 = arith.constant 0.000000e+00 : f32
      %broadcast_in_dim3A_486 = vector.broadcast %jit3A_484 : f32 to vector<16xf32>
      %broadcast_in_dim3A_487 = vector.broadcast %jit3A_485 : f32 to vector<16xf32>
      %select_n3A_488 = arith.select %eq3A_483, %broadcast_in_dim3A_486, %broadcast_in_dim3A_487 : vector<16xi1>, vector<16xf32>
      %mul3A_489 = arith.constant 16 : i32
      %mul3A_490 = arith.muli %scan3A_473, %mul3A_489 : i32
      %swap3A_491 = arith.constant 0 : i32
      %swap3A_492 = arith.constant 0 : i32
      %swap3A_493 = arith.index_cast %swap3A_491 : i32 to index
      %swap3A_494 = arith.index_cast %swap3A_492 : i32 to index
      %swap3A_495 = arith.index_cast %mul3A_490 : i32 to index
      %swap3A_496 = tpu.vector_load %arg5[%swap3A_493, %swap3A_494, %swap3A_495] {strides = array<i32>} : memref<2x5x4096xf32, #tpu.memory_space<vmem>>, vector<1x1x16xf32>,
      %swap3A_497 = vector.shape_cast %swap3A_496 : vector<1x1x16xf32> to vector<16xf32>
      %swap3A_498 = vector.shape_cast %select_n3A_488 : vector<16xf32> to vector<1x1x16xf32>
      tpu.vector_store %arg5[%swap3A_493, %swap3A_494, %swap3A_495], %swap3A_498 {strides = array<i32>} : memref<2x5x4096xf32, #tpu.memory_space<vmem>>, vector<1x1x16xf32>,
      %eq3A_499 = arith.constant 1 : i32
      %eq3A_500 = vector.broadcast %eq3A_499 : i32 to vector<16xi32>
      %eq3A_501 = arith.cmpi eq, %get3A_480, %eq3A_500 : vector<16xi32>
      %jit3A_502 = arith.constant 1.000000e+00 : f32
      %jit3A_503 = arith.constant 0.000000e+00 : f32
      %broadcast_in_dim3A_504 = vector.broadcast %jit3A_502 : f32 to vector<16xf32>
      %broadcast_in_dim3A_505 = vector.broadcast %jit3A_503 : f32 to vector<16xf32>
      %select_n3A_506 = arith.select %eq3A_501, %broadcast_in_dim3A_504, %broadcast_in_dim3A_505 : vector<16xi1>, vector<16xf32>
      %mul3A_507 = arith.constant 16 : i32
      %mul3A_508 = arith.muli %scan3A_473, %mul3A_507 : i32
      %swap3A_509 = arith.constant 0 : i32
      %swap3A_510 = arith.constant 1 : i32
      %swap3A_511 = arith.index_cast %swap3A_509 : i32 to index
      %swap3A_512 = arith.index_cast %swap3A_510 : i32 to index
      %swap3A_513 = arith.index_cast %mul3A_508 : i32 to index
      %swap3A_514 = tpu.vector_load %arg5[%swap3A_511, %swap3A_512, %swap3A_513] {strides = array<i32>} : memref<2x5x4096xf32, #tpu.memory_space<vmem>>, vector<1x1x16xf32>,
      %swap3A_515 = vector.shape_cast %swap3A_514 : vector<1x1x16xf32> to vector<16xf32>
      %swap3A_516 = vector.shape_cast %select_n3A_506 : vector<16xf32> to vector<1x1x16xf32>
      tpu.vector_store %arg5[%swap3A_511, %swap3A_512, %swap3A_513], %swap3A_516 {strides = array<i32>} : memref<2x5x4096xf32, #tpu.memory_space<vmem>>, vector<1x1x16xf32>,
      %eq3A_517 = arith.constant 2 : i32
      %eq3A_518 = vector.broadcast %eq3A_517 : i32 to vector<16xi32>
      %eq3A_519 = arith.cmpi eq, %get3A_480, %eq3A_518 : vector<16xi32>
      %jit3A_520 = arith.constant 1.000000e+00 : f32
      %jit3A_521 = arith.constant 0.000000e+00 : f32
      %broadcast_in_dim3A_522 = vector.broadcast %jit3A_520 : f32 to vector<16xf32>
      %broadcast_in_dim3A_523 = vector.broadcast %jit3A_521 : f32 to vector<16xf32>
      %select_n3A_524 = arith.select %eq3A_519, %broadcast_in_dim3A_522, %broadcast_in_dim3A_523 : vector<16xi1>, vector<16xf32>
      %mul3A_525 = arith.constant 16 : i32
      %mul3A_526 = arith.muli %scan3A_473, %mul3A_525 : i32
      %swap3A_527 = arith.constant 0 : i32
      %swap3A_528 = arith.constant 2 : i32
      %swap3A_529 = arith.index_cast %swap3A_527 : i32 to index
      %swap3A_530 = arith.index_cast %swap3A_528 : i32 to index
      %swap3A_531 = arith.index_cast %mul3A_526 : i32 to index
      %swap3A_532 = tpu.vector_load %arg5[%swap3A_529, %swap3A_530, %swap3A_531] {strides = array<i32>} : memref<2x5x4096xf32, #tpu.memory_space<vmem>>, vector<1x1x16xf32>,
      %swap3A_533 = vector.shape_cast %swap3A_532 : vector<1x1x16xf32> to vector<16xf32>
      %swap3A_534 = vector.shape_cast %select_n3A_524 : vector<16xf32> to vector<1x1x16xf32>
      tpu.vector_store %arg5[%swap3A_529, %swap3A_530, %swap3A_531], %swap3A_534 {strides = array<i32>} : memref<2x5x4096xf32, #tpu.memory_space<vmem>>, vector<1x1x16xf32>,
      %eq3A_535 = arith.constant 3 : i32
      %eq3A_536 = vector.broadcast %eq3A_535 : i32 to vector<16xi32>
      %eq3A_537 = arith.cmpi eq, %get3A_480, %eq3A_536 : vector<16xi32>
      %jit3A_538 = arith.constant 1.000000e+00 : f32
      %jit3A_539 = arith.constant 0.000000e+00 : f32
      %broadcast_in_dim3A_540 = vector.broadcast %jit3A_538 : f32 to vector<16xf32>
      %broadcast_in_dim3A_541 = vector.broadcast %jit3A_539 : f32 to vector<16xf32>
      %select_n3A_542 = arith.select %eq3A_537, %broadcast_in_dim3A_540, %broadcast_in_dim3A_541 : vector<16xi1>, vector<16xf32>
      %mul3A_543 = arith.constant 16 : i32
      %mul3A_544 = arith.muli %scan3A_473, %mul3A_543 : i32
      %swap3A_545 = arith.constant 0 : i32
      %swap3A_546 = arith.constant 3 : i32
      %swap3A_547 = arith.index_cast %swap3A_545 : i32 to index
      %swap3A_548 = arith.index_cast %swap3A_546 : i32 to index
      %swap3A_549 = arith.index_cast %mul3A_544 : i32 to index
      %swap3A_550 = tpu.vector_load %arg5[%swap3A_547, %swap3A_548, %swap3A_549] {strides = array<i32>} : memref<2x5x4096xf32, #tpu.memory_space<vmem>>, vector<1x1x16xf32>,
      %swap3A_551 = vector.shape_cast %swap3A_550 : vector<1x1x16xf32> to vector<16xf32>
      %swap3A_552 = vector.shape_cast %select_n3A_542 : vector<16xf32> to vector<1x1x16xf32>
      tpu.vector_store %arg5[%swap3A_547, %swap3A_548, %swap3A_549], %swap3A_552 {strides = array<i32>} : memref<2x5x4096xf32, #tpu.memory_space<vmem>>, vector<1x1x16xf32>,
      %eq3A_553 = arith.constant 4 : i32
      %eq3A_554 = vector.broadcast %eq3A_553 : i32 to vector<16xi32>
      %eq3A_555 = arith.cmpi eq, %get3A_480, %eq3A_554 : vector<16xi32>
      %jit3A_556 = arith.constant 1.000000e+00 : f32
      %jit3A_557 = arith.constant 0.000000e+00 : f32
      %broadcast_in_dim3A_558 = vector.broadcast %jit3A_556 : f32 to vector<16xf32>
      %broadcast_in_dim3A_559 = vector.broadcast %jit3A_557 : f32 to vector<16xf32>
      %select_n3A_560 = arith.select %eq3A_555, %broadcast_in_dim3A_558, %broadcast_in_dim3A_559 : vector<16xi1>, vector<16xf32>
      %mul3A_561 = arith.constant 16 : i32
      %mul3A_562 = arith.muli %scan3A_473, %mul3A_561 : i32
      %swap3A_563 = arith.constant 0 : i32
      %swap3A_564 = arith.constant 4 : i32
      %swap3A_565 = arith.index_cast %swap3A_563 : i32 to index
      %swap3A_566 = arith.index_cast %swap3A_564 : i32 to index
      %swap3A_567 = arith.index_cast %mul3A_562 : i32 to index
      %swap3A_568 = tpu.vector_load %arg5[%swap3A_565, %swap3A_566, %swap3A_567] {strides = array<i32>} : memref<2x5x4096xf32, #tpu.memory_space<vmem>>, vector<1x1x16xf32>,
      %swap3A_569 = vector.shape_cast %swap3A_568 : vector<1x1x16xf32> to vector<16xf32>
      %swap3A_570 = vector.shape_cast %select_n3A_560 : vector<16xf32> to vector<1x1x16xf32>
      tpu.vector_store %arg5[%swap3A_565, %swap3A_566, %swap3A_567], %swap3A_570 {strides = array<i32>} : memref<2x5x4096xf32, #tpu.memory_space<vmem>>, vector<1x1x16xf32>,
      %scan3A_571 = arith.constant 3 : i32
      %scan3A_572 = arith.addi %scan3A_281, %scan3A_571 : i32
      %mul3A_573 = arith.constant 16 : i32
      %mul3A_574 = arith.muli %scan3A_572, %mul3A_573 : i32
      %add3A_575 = arith.constant 8192 : i32
      %add3A_576 = arith.addi %add3A_575, %mul3A_574 : i32
      %get3A_577 = arith.index_cast %add3A_576 : i32 to index
      %get3A_578 = tpu.vector_load %arg4[%get3A_577] {strides = array<i32>} : memref<32768xi32, #tpu.memory_space<vmem>>, vector<16xi32>,
      %get3A_579 = vector.shape_cast %get3A_578 : vector<16xi32> to vector<16xi32>
      %eq3A_580 = arith.constant 0 : i32
      %eq3A_581 = vector.broadcast %eq3A_580 : i32 to vector<16xi32>
      %eq3A_582 = arith.cmpi eq, %get3A_579, %eq3A_581 : vector<16xi32>
      %jit3A_583 = arith.constant 1.000000e+00 : f32
      %jit3A_584 = arith.constant 0.000000e+00 : f32
      %broadcast_in_dim3A_585 = vector.broadcast %jit3A_583 : f32 to vector<16xf32>
      %broadcast_in_dim3A_586 = vector.broadcast %jit3A_584 : f32 to vector<16xf32>
      %select_n3A_587 = arith.select %eq3A_582, %broadcast_in_dim3A_585, %broadcast_in_dim3A_586 : vector<16xi1>, vector<16xf32>
      %mul3A_588 = arith.constant 16 : i32
      %mul3A_589 = arith.muli %scan3A_572, %mul3A_588 : i32
      %swap3A_590 = arith.constant 0 : i32
      %swap3A_591 = arith.constant 0 : i32
      %swap3A_592 = arith.index_cast %swap3A_590 : i32 to index
      %swap3A_593 = arith.index_cast %swap3A_591 : i32 to index
      %swap3A_594 = arith.index_cast %mul3A_589 : i32 to index
      %swap3A_595 = tpu.vector_load %arg5[%swap3A_592, %swap3A_593, %swap3A_594] {strides = array<i32>} : memref<2x5x4096xf32, #tpu.memory_space<vmem>>, vector<1x1x16xf32>,
      %swap3A_596 = vector.shape_cast %swap3A_595 : vector<1x1x16xf32> to vector<16xf32>
      %swap3A_597 = vector.shape_cast %select_n3A_587 : vector<16xf32> to vector<1x1x16xf32>
      tpu.vector_store %arg5[%swap3A_592, %swap3A_593, %swap3A_594], %swap3A_597 {strides = array<i32>} : memref<2x5x4096xf32, #tpu.memory_space<vmem>>, vector<1x1x16xf32>,
      %eq3A_598 = arith.constant 1 : i32
      %eq3A_599 = vector.broadcast %eq3A_598 : i32 to vector<16xi32>
      %eq3A_600 = arith.cmpi eq, %get3A_579, %eq3A_599 : vector<16xi32>
      %jit3A_601 = arith.constant 1.000000e+00 : f32
      %jit3A_602 = arith.constant 0.000000e+00 : f32
      %broadcast_in_dim3A_603 = vector.broadcast %jit3A_601 : f32 to vector<16xf32>
      %broadcast_in_dim3A_604 = vector.broadcast %jit3A_602 : f32 to vector<16xf32>
      %select_n3A_605 = arith.select %eq3A_600, %broadcast_in_dim3A_603, %broadcast_in_dim3A_604 : vector<16xi1>, vector<16xf32>
      %mul3A_606 = arith.constant 16 : i32
      %mul3A_607 = arith.muli %scan3A_572, %mul3A_606 : i32
      %swap3A_608 = arith.constant 0 : i32
      %swap3A_609 = arith.constant 1 : i32
      %swap3A_610 = arith.index_cast %swap3A_608 : i32 to index
      %swap3A_611 = arith.index_cast %swap3A_609 : i32 to index
      %swap3A_612 = arith.index_cast %mul3A_607 : i32 to index
      %swap3A_613 = tpu.vector_load %arg5[%swap3A_610, %swap3A_611, %swap3A_612] {strides = array<i32>} : memref<2x5x4096xf32, #tpu.memory_space<vmem>>, vector<1x1x16xf32>,
      %swap3A_614 = vector.shape_cast %swap3A_613 : vector<1x1x16xf32> to vector<16xf32>
      %swap3A_615 = vector.shape_cast %select_n3A_605 : vector<16xf32> to vector<1x1x16xf32>
      tpu.vector_store %arg5[%swap3A_610, %swap3A_611, %swap3A_612], %swap3A_615 {strides = array<i32>} : memref<2x5x4096xf32, #tpu.memory_space<vmem>>, vector<1x1x16xf32>,
      %eq3A_616 = arith.constant 2 : i32
      %eq3A_617 = vector.broadcast %eq3A_616 : i32 to vector<16xi32>
      %eq3A_618 = arith.cmpi eq, %get3A_579, %eq3A_617 : vector<16xi32>
      %jit3A_619 = arith.constant 1.000000e+00 : f32
      %jit3A_620 = arith.constant 0.000000e+00 : f32
      %broadcast_in_dim3A_621 = vector.broadcast %jit3A_619 : f32 to vector<16xf32>
      %broadcast_in_dim3A_622 = vector.broadcast %jit3A_620 : f32 to vector<16xf32>
      %select_n3A_623 = arith.select %eq3A_618, %broadcast_in_dim3A_621, %broadcast_in_dim3A_622 : vector<16xi1>, vector<16xf32>
      %mul3A_624 = arith.constant 16 : i32
      %mul3A_625 = arith.muli %scan3A_572, %mul3A_624 : i32
      %swap3A_626 = arith.constant 0 : i32
      %swap3A_627 = arith.constant 2 : i32
      %swap3A_628 = arith.index_cast %swap3A_626 : i32 to index
      %swap3A_629 = arith.index_cast %swap3A_627 : i32 to index
      %swap3A_630 = arith.index_cast %mul3A_625 : i32 to index
      %swap3A_631 = tpu.vector_load %arg5[%swap3A_628, %swap3A_629, %swap3A_630] {strides = array<i32>} : memref<2x5x4096xf32, #tpu.memory_space<vmem>>, vector<1x1x16xf32>,
      %swap3A_632 = vector.shape_cast %swap3A_631 : vector<1x1x16xf32> to vector<16xf32>
      %swap3A_633 = vector.shape_cast %select_n3A_623 : vector<16xf32> to vector<1x1x16xf32>
      tpu.vector_store %arg5[%swap3A_628, %swap3A_629, %swap3A_630], %swap3A_633 {strides = array<i32>} : memref<2x5x4096xf32, #tpu.memory_space<vmem>>, vector<1x1x16xf32>,
      %eq3A_634 = arith.constant 3 : i32
      %eq3A_635 = vector.broadcast %eq3A_634 : i32 to vector<16xi32>
      %eq3A_636 = arith.cmpi eq, %get3A_579, %eq3A_635 : vector<16xi32>
      %jit3A_637 = arith.constant 1.000000e+00 : f32
      %jit3A_638 = arith.constant 0.000000e+00 : f32
      %broadcast_in_dim3A_639 = vector.broadcast %jit3A_637 : f32 to vector<16xf32>
      %broadcast_in_dim3A_640 = vector.broadcast %jit3A_638 : f32 to vector<16xf32>
      %select_n3A_641 = arith.select %eq3A_636, %broadcast_in_dim3A_639, %broadcast_in_dim3A_640 : vector<16xi1>, vector<16xf32>
      %mul3A_642 = arith.constant 16 : i32
      %mul3A_643 = arith.muli %scan3A_572, %mul3A_642 : i32
      %swap3A_644 = arith.constant 0 : i32
      %swap3A_645 = arith.constant 3 : i32
      %swap3A_646 = arith.index_cast %swap3A_644 : i32 to index
      %swap3A_647 = arith.index_cast %swap3A_645 : i32 to index
      %swap3A_648 = arith.index_cast %mul3A_643 : i32 to index
      %swap3A_649 = tpu.vector_load %arg5[%swap3A_646, %swap3A_647, %swap3A_648] {strides = array<i32>} : memref<2x5x4096xf32, #tpu.memory_space<vmem>>, vector<1x1x16xf32>,
      %swap3A_650 = vector.shape_cast %swap3A_649 : vector<1x1x16xf32> to vector<16xf32>
      %swap3A_651 = vector.shape_cast %select_n3A_641 : vector<16xf32> to vector<1x1x16xf32>
      tpu.vector_store %arg5[%swap3A_646, %swap3A_647, %swap3A_648], %swap3A_651 {strides = array<i32>} : memref<2x5x4096xf32, #tpu.memory_space<vmem>>, vector<1x1x16xf32>,
      %eq3A_652 = arith.constant 4 : i32
      %eq3A_653 = vector.broadcast %eq3A_652 : i32 to vector<16xi32>
      %eq3A_654 = arith.cmpi eq, %get3A_579, %eq3A_653 : vector<16xi32>
      %jit3A_655 = arith.constant 1.000000e+00 : f32
      %jit3A_656 = arith.constant 0.000000e+00 : f32
      %broadcast_in_dim3A_657 = vector.broadcast %jit3A_655 : f32 to vector<16xf32>
      %broadcast_in_dim3A_658 = vector.broadcast %jit3A_656 : f32 to vector<16xf32>
      %select_n3A_659 = arith.select %eq3A_654, %broadcast_in_dim3A_657, %broadcast_in_dim3A_658 : vector<16xi1>, vector<16xf32>
      %mul3A_660 = arith.constant 16 : i32
      %mul3A_661 = arith.muli %scan3A_572, %mul3A_660 : i32
      %swap3A_662 = arith.constant 0 : i32
      %swap3A_663 = arith.constant 4 : i32
      %swap3A_664 = arith.index_cast %swap3A_662 : i32 to index
      %swap3A_665 = arith.index_cast %swap3A_663 : i32 to index
      %swap3A_666 = arith.index_cast %mul3A_661 : i32 to index
      %swap3A_667 = tpu.vector_load %arg5[%swap3A_664, %swap3A_665, %swap3A_666] {strides = array<i32>} : memref<2x5x4096xf32, #tpu.memory_space<vmem>>, vector<1x1x16xf32>,
      %swap3A_668 = vector.shape_cast %swap3A_667 : vector<1x1x16xf32> to vector<16xf32>
      %swap3A_669 = vector.shape_cast %select_n3A_659 : vector<16xf32> to vector<1x1x16xf32>
      tpu.vector_store %arg5[%swap3A_664, %swap3A_665, %swap3A_666], %swap3A_669 {strides = array<i32>} : memref<2x5x4096xf32, #tpu.memory_space<vmem>>, vector<1x1x16xf32>,
    }
    %scan3A_63 = arith.constant 256 : i32
    %add3A_64 = arith.constant 8192 : i32
    %add3A_65 = arith.addi %multiple_of3A, %add3A_64 : i32
    %multiple_of3A_66 = tpu.assume_multiple %add3A_65, 128 : i32
    %dma_start3A_67 = arith.constant 0 : i32
    %dma_start3A_68 = arith.constant 0 : i32
    %dma_start3A_69 = arith.constant 0 : i32
    %dma_start3A_70 = tpu.memref_slice %arg5[%dma_start3A_67, %dma_start3A_68, %dma_start3A_69] : memref<2x5x4096xf32, #tpu.memory_space<vmem>> -> memref<1x5x4096xf32, #tpu.memory_space<vmem>>
    %dma_start3A_71 = tpu.memref_squeeze %dma_start3A_70 : memref<1x5x4096xf32, #tpu.memory_space<vmem>> -> memref<5x4096xf32, #tpu.memory_space<vmem>>
    %dma_start3A_72 = arith.constant 0 : i32
    %dma_start3A_73 = tpu.memref_slice %arg3[%dma_start3A_72, %multiple_of3A_66] : memref<5x1000000xf32, #tpu.memory_space<hbm>> -> memref<5x4096xf32, #tpu.memory_space<hbm>>
    %dma_start3A_74 = arith.constant 0 : i32
    %dma_start3A_75 = tpu.memref_slice %arg3[%dma_start3A_74, %multiple_of3A_66] : memref<5x1000000xf32, #tpu.memory_space<hbm>> -> memref<5x4096xf32, #tpu.memory_space<hbm>>
    %dma_start3A_76 = arith.constant 0 : i32
    %dma_start3A_77 = arith.constant 0 : i32
    %dma_start3A_78 = tpu.memref_slice %arg5[%dma_start3A_67, %dma_start3A_76, %dma_start3A_77] : memref<2x5x4096xf32, #tpu.memory_space<vmem>> -> memref<1x5x4096xf32, #tpu.memory_space<vmem>>
    %dma_start3A_79 = tpu.memref_squeeze %dma_start3A_78 : memref<1x5x4096xf32, #tpu.memory_space<vmem>> -> memref<5x4096xf32, #tpu.memory_space<vmem>>
    tpu.enqueue_dma source(%dma_start3A_79 : memref<5x4096xf32, #tpu.memory_space<vmem>>) target(%dma_start3A_75 : memref<5x4096xf32, #tpu.memory_space<hbm>>) target_semaphore(%arg6 : memref<!tpu.dma_semaphore, #tpu.memory_space<semaphore_mem>>)
    %dma_wait3A_80 = arith.constant 1 : i32
    %dma_wait3A_81 = arith.constant 0 : i32
    %dma_wait3A_82 = arith.constant 0 : i32
    %dma_wait3A_83 = tpu.memref_slice %arg5[%dma_wait3A_80, %dma_wait3A_81, %dma_wait3A_82] : memref<2x5x4096xf32, #tpu.memory_space<vmem>> -> memref<1x5x4096xf32, #tpu.memory_space<vmem>>
    %dma_wait3A_84 = tpu.memref_squeeze %dma_wait3A_83 : memref<1x5x4096xf32, #tpu.memory_space<vmem>> -> memref<5x4096xf32, #tpu.memory_space<vmem>>
    %dma_wait3A_85 = arith.constant 0 : i32
    %dma_wait3A_86 = tpu.memref_slice %arg3[%dma_wait3A_85, %multiple_of3A_32] : memref<5x1000000xf32, #tpu.memory_space<hbm>> -> memref<5x4096xf32, #tpu.memory_space<hbm>>
    %dma_wait3A_87 = arith.constant 0 : i32
    %dma_wait3A_88 = tpu.memref_slice %arg3[%dma_wait3A_87, %multiple_of3A_32] : memref<5x1000000xf32, #tpu.memory_space<hbm>> -> memref<5x4096xf32, #tpu.memory_space<hbm>>
    %dma_wait3A_89 = arith.constant 0 : i32
    %dma_wait3A_90 = arith.constant 0 : i32
    %dma_wait3A_91 = tpu.memref_slice %arg5[%dma_wait3A_80, %dma_wait3A_89, %dma_wait3A_90] : memref<2x5x4096xf32, #tpu.memory_space<vmem>> -> memref<1x5x4096xf32, #tpu.memory_space<vmem>>
    %dma_wait3A_92 = tpu.memref_squeeze %dma_wait3A_91 : memref<1x5x4096xf32, #tpu.memory_space<vmem>> -> memref<5x4096xf32, #tpu.memory_space<vmem>>
    tpu.wait_dma2 semaphore(%arg7 : memref<!tpu.dma_semaphore, #tpu.memory_space<semaphore_mem>>) src(%dma_wait3A_92 : memref<5x4096xf32, #tpu.memory_space<vmem>>) dst(%dma_wait3A_88 : memref<5x4096xf32, #tpu.memory_space<hbm>>)
    %scan3A_93 = arith.constant 0 : i32
    %scan3A_94 = arith.constant 0 : i32
    %scan3A_95 = arith.constant 256 : i32
    %scan3A_96 = arith.addi %scan3A_94, %scan3A_95 : i32
    %scan3A_97 = arith.constant 4 : i32
    scf.for %scan3A_281 = %scan3A_94 to %scan3A_96 step %scan3A_97  : i32 {
      %mul3A_282 = arith.constant 16 : i32
      %mul3A_283 = arith.muli %scan3A_281, %mul3A_282 : i32
      %add3A_284 = arith.constant 12288 : i32
      %add3A_285 = arith.addi %add3A_284, %mul3A_283 : i32
      %get3A = arith.index_cast %add3A_285 : i32 to index
      %get3A_286 = tpu.vector_load %arg4[%get3A] {strides = array<i32>} : memref<32768xi32, #tpu.memory_space<vmem>>, vector<16xi32>,
      %get3A_287 = vector.shape_cast %get3A_286 : vector<16xi32> to vector<16xi32>
      %eq3A = arith.constant 0 : i32
      %eq3A_288 = vector.broadcast %eq3A : i32 to vector<16xi32>
      %eq3A_289 = arith.cmpi eq, %get3A_287, %eq3A_288 : vector<16xi32>
      %jit3A = arith.constant 1.000000e+00 : f32
      %jit3A_290 = arith.constant 0.000000e+00 : f32
      %broadcast_in_dim3A = vector.broadcast %jit3A : f32 to vector<16xf32>
      %broadcast_in_dim3A_291 = vector.broadcast %jit3A_290 : f32 to vector<16xf32>
      %select_n3A = arith.select %eq3A_289, %broadcast_in_dim3A, %broadcast_in_dim3A_291 : vector<16xi1>, vector<16xf32>
      %mul3A_292 = arith.constant 16 : i32
      %mul3A_293 = arith.muli %scan3A_281, %mul3A_292 : i32
      %swap3A = arith.constant 1 : i32
      %swap3A_294 = arith.constant 0 : i32
      %swap3A_295 = arith.index_cast %swap3A : i32 to index
      %swap3A_296 = arith.index_cast %swap3A_294 : i32 to index
      %swap3A_297 = arith.index_cast %mul3A_293 : i32 to index
      %swap3A_298 = tpu.vector_load %arg5[%swap3A_295, %swap3A_296, %swap3A_297] {strides = array<i32>} : memref<2x5x4096xf32, #tpu.memory_space<vmem>>, vector<1x1x16xf32>,
      %swap3A_299 = vector.shape_cast %swap3A_298 : vector<1x1x16xf32> to vector<16xf32>
      %swap3A_300 = vector.shape_cast %select_n3A : vector<16xf32> to vector<1x1x16xf32>
      tpu.vector_store %arg5[%swap3A_295, %swap3A_296, %swap3A_297], %swap3A_300 {strides = array<i32>} : memref<2x5x4096xf32, #tpu.memory_space<vmem>>, vector<1x1x16xf32>,
      %eq3A_301 = arith.constant 1 : i32
      %eq3A_302 = vector.broadcast %eq3A_301 : i32 to vector<16xi32>
      %eq3A_303 = arith.cmpi eq, %get3A_287, %eq3A_302 : vector<16xi32>
      %jit3A_304 = arith.constant 1.000000e+00 : f32
      %jit3A_305 = arith.constant 0.000000e+00 : f32
      %broadcast_in_dim3A_306 = vector.broadcast %jit3A_304 : f32 to vector<16xf32>
      %broadcast_in_dim3A_307 = vector.broadcast %jit3A_305 : f32 to vector<16xf32>
      %select_n3A_308 = arith.select %eq3A_303, %broadcast_in_dim3A_306, %broadcast_in_dim3A_307 : vector<16xi1>, vector<16xf32>
      %mul3A_309 = arith.constant 16 : i32
      %mul3A_310 = arith.muli %scan3A_281, %mul3A_309 : i32
      %swap3A_311 = arith.constant 1 : i32
      %swap3A_312 = arith.constant 1 : i32
      %swap3A_313 = arith.index_cast %swap3A_311 : i32 to index
      %swap3A_314 = arith.index_cast %swap3A_312 : i32 to index
      %swap3A_315 = arith.index_cast %mul3A_310 : i32 to index
      %swap3A_316 = tpu.vector_load %arg5[%swap3A_313, %swap3A_314, %swap3A_315] {strides = array<i32>} : memref<2x5x4096xf32, #tpu.memory_space<vmem>>, vector<1x1x16xf32>,
      %swap3A_317 = vector.shape_cast %swap3A_316 : vector<1x1x16xf32> to vector<16xf32>
      %swap3A_318 = vector.shape_cast %select_n3A_308 : vector<16xf32> to vector<1x1x16xf32>
      tpu.vector_store %arg5[%swap3A_313, %swap3A_314, %swap3A_315], %swap3A_318 {strides = array<i32>} : memref<2x5x4096xf32, #tpu.memory_space<vmem>>, vector<1x1x16xf32>,
      %eq3A_319 = arith.constant 2 : i32
      %eq3A_320 = vector.broadcast %eq3A_319 : i32 to vector<16xi32>
      %eq3A_321 = arith.cmpi eq, %get3A_287, %eq3A_320 : vector<16xi32>
      %jit3A_322 = arith.constant 1.000000e+00 : f32
      %jit3A_323 = arith.constant 0.000000e+00 : f32
      %broadcast_in_dim3A_324 = vector.broadcast %jit3A_322 : f32 to vector<16xf32>
      %broadcast_in_dim3A_325 = vector.broadcast %jit3A_323 : f32 to vector<16xf32>
      %select_n3A_326 = arith.select %eq3A_321, %broadcast_in_dim3A_324, %broadcast_in_dim3A_325 : vector<16xi1>, vector<16xf32>
      %mul3A_327 = arith.constant 16 : i32
      %mul3A_328 = arith.muli %scan3A_281, %mul3A_327 : i32
      %swap3A_329 = arith.constant 1 : i32
      %swap3A_330 = arith.constant 2 : i32
      %swap3A_331 = arith.index_cast %swap3A_329 : i32 to index
      %swap3A_332 = arith.index_cast %swap3A_330 : i32 to index
      %swap3A_333 = arith.index_cast %mul3A_328 : i32 to index
      %swap3A_334 = tpu.vector_load %arg5[%swap3A_331, %swap3A_332, %swap3A_333] {strides = array<i32>} : memref<2x5x4096xf32, #tpu.memory_space<vmem>>, vector<1x1x16xf32>,
      %swap3A_335 = vector.shape_cast %swap3A_334 : vector<1x1x16xf32> to vector<16xf32>
      %swap3A_336 = vector.shape_cast %select_n3A_326 : vector<16xf32> to vector<1x1x16xf32>
      tpu.vector_store %arg5[%swap3A_331, %swap3A_332, %swap3A_333], %swap3A_336 {strides = array<i32>} : memref<2x5x4096xf32, #tpu.memory_space<vmem>>, vector<1x1x16xf32>,
      %eq3A_337 = arith.constant 3 : i32
      %eq3A_338 = vector.broadcast %eq3A_337 : i32 to vector<16xi32>
      %eq3A_339 = arith.cmpi eq, %get3A_287, %eq3A_338 : vector<16xi32>
      %jit3A_340 = arith.constant 1.000000e+00 : f32
      %jit3A_341 = arith.constant 0.000000e+00 : f32
      %broadcast_in_dim3A_342 = vector.broadcast %jit3A_340 : f32 to vector<16xf32>
      %broadcast_in_dim3A_343 = vector.broadcast %jit3A_341 : f32 to vector<16xf32>
      %select_n3A_344 = arith.select %eq3A_339, %broadcast_in_dim3A_342, %broadcast_in_dim3A_343 : vector<16xi1>, vector<16xf32>
      %mul3A_345 = arith.constant 16 : i32
      %mul3A_346 = arith.muli %scan3A_281, %mul3A_345 : i32
      %swap3A_347 = arith.constant 1 : i32
      %swap3A_348 = arith.constant 3 : i32
      %swap3A_349 = arith.index_cast %swap3A_347 : i32 to index
      %swap3A_350 = arith.index_cast %swap3A_348 : i32 to index
      %swap3A_351 = arith.index_cast %mul3A_346 : i32 to index
      %swap3A_352 = tpu.vector_load %arg5[%swap3A_349, %swap3A_350, %swap3A_351] {strides = array<i32>} : memref<2x5x4096xf32, #tpu.memory_space<vmem>>, vector<1x1x16xf32>,
      %swap3A_353 = vector.shape_cast %swap3A_352 : vector<1x1x16xf32> to vector<16xf32>
      %swap3A_354 = vector.shape_cast %select_n3A_344 : vector<16xf32> to vector<1x1x16xf32>
      tpu.vector_store %arg5[%swap3A_349, %swap3A_350, %swap3A_351], %swap3A_354 {strides = array<i32>} : memref<2x5x4096xf32, #tpu.memory_space<vmem>>, vector<1x1x16xf32>,
      %eq3A_355 = arith.constant 4 : i32
      %eq3A_356 = vector.broadcast %eq3A_355 : i32 to vector<16xi32>
      %eq3A_357 = arith.cmpi eq, %get3A_287, %eq3A_356 : vector<16xi32>
      %jit3A_358 = arith.constant 1.000000e+00 : f32
      %jit3A_359 = arith.constant 0.000000e+00 : f32
      %broadcast_in_dim3A_360 = vector.broadcast %jit3A_358 : f32 to vector<16xf32>
      %broadcast_in_dim3A_361 = vector.broadcast %jit3A_359 : f32 to vector<16xf32>
      %select_n3A_362 = arith.select %eq3A_357, %broadcast_in_dim3A_360, %broadcast_in_dim3A_361 : vector<16xi1>, vector<16xf32>
      %mul3A_363 = arith.constant 16 : i32
      %mul3A_364 = arith.muli %scan3A_281, %mul3A_363 : i32
      %swap3A_365 = arith.constant 1 : i32
      %swap3A_366 = arith.constant 4 : i32
      %swap3A_367 = arith.index_cast %swap3A_365 : i32 to index
      %swap3A_368 = arith.index_cast %swap3A_366 : i32 to index
      %swap3A_369 = arith.index_cast %mul3A_364 : i32 to index
      %swap3A_370 = tpu.vector_load %arg5[%swap3A_367, %swap3A_368, %swap3A_369] {strides = array<i32>} : memref<2x5x4096xf32, #tpu.memory_space<vmem>>, vector<1x1x16xf32>,
      %swap3A_371 = vector.shape_cast %swap3A_370 : vector<1x1x16xf32> to vector<16xf32>
      %swap3A_372 = vector.shape_cast %select_n3A_362 : vector<16xf32> to vector<1x1x16xf32>
      tpu.vector_store %arg5[%swap3A_367, %swap3A_368, %swap3A_369], %swap3A_372 {strides = array<i32>} : memref<2x5x4096xf32, #tpu.memory_space<vmem>>, vector<1x1x16xf32>,
      %scan3A_373 = arith.constant 1 : i32
      %scan3A_374 = arith.addi %scan3A_281, %scan3A_373 : i32
      %mul3A_375 = arith.constant 16 : i32
      %mul3A_376 = arith.muli %scan3A_374, %mul3A_375 : i32
      %add3A_377 = arith.constant 12288 : i32
      %add3A_378 = arith.addi %add3A_377, %mul3A_376 : i32
      %get3A_379 = arith.index_cast %add3A_378 : i32 to index
      %get3A_380 = tpu.vector_load %arg4[%get3A_379] {strides = array<i32>} : memref<32768xi32, #tpu.memory_space<vmem>>, vector<16xi32>,
      %get3A_381 = vector.shape_cast %get3A_380 : vector<16xi32> to vector<16xi32>
      %eq3A_382 = arith.constant 0 : i32
      %eq3A_383 = vector.broadcast %eq3A_382 : i32 to vector<16xi32>
      %eq3A_384 = arith.cmpi eq, %get3A_381, %eq3A_383 : vector<16xi32>
      %jit3A_385 = arith.constant 1.000000e+00 : f32
      %jit3A_386 = arith.constant 0.000000e+00 : f32
      %broadcast_in_dim3A_387 = vector.broadcast %jit3A_385 : f32 to vector<16xf32>
      %broadcast_in_dim3A_388 = vector.broadcast %jit3A_386 : f32 to vector<16xf32>
      %select_n3A_389 = arith.select %eq3A_384, %broadcast_in_dim3A_387, %broadcast_in_dim3A_388 : vector<16xi1>, vector<16xf32>
      %mul3A_390 = arith.constant 16 : i32
      %mul3A_391 = arith.muli %scan3A_374, %mul3A_390 : i32
      %swap3A_392 = arith.constant 1 : i32
      %swap3A_393 = arith.constant 0 : i32
      %swap3A_394 = arith.index_cast %swap3A_392 : i32 to index
      %swap3A_395 = arith.index_cast %swap3A_393 : i32 to index
      %swap3A_396 = arith.index_cast %mul3A_391 : i32 to index
      %swap3A_397 = tpu.vector_load %arg5[%swap3A_394, %swap3A_395, %swap3A_396] {strides = array<i32>} : memref<2x5x4096xf32, #tpu.memory_space<vmem>>, vector<1x1x16xf32>,
      %swap3A_398 = vector.shape_cast %swap3A_397 : vector<1x1x16xf32> to vector<16xf32>
      %swap3A_399 = vector.shape_cast %select_n3A_389 : vector<16xf32> to vector<1x1x16xf32>
      tpu.vector_store %arg5[%swap3A_394, %swap3A_395, %swap3A_396], %swap3A_399 {strides = array<i32>} : memref<2x5x4096xf32, #tpu.memory_space<vmem>>, vector<1x1x16xf32>,
      %eq3A_400 = arith.constant 1 : i32
      %eq3A_401 = vector.broadcast %eq3A_400 : i32 to vector<16xi32>
      %eq3A_402 = arith.cmpi eq, %get3A_381, %eq3A_401 : vector<16xi32>
      %jit3A_403 = arith.constant 1.000000e+00 : f32
      %jit3A_404 = arith.constant 0.000000e+00 : f32
      %broadcast_in_dim3A_405 = vector.broadcast %jit3A_403 : f32 to vector<16xf32>
      %broadcast_in_dim3A_406 = vector.broadcast %jit3A_404 : f32 to vector<16xf32>
      %select_n3A_407 = arith.select %eq3A_402, %broadcast_in_dim3A_405, %broadcast_in_dim3A_406 : vector<16xi1>, vector<16xf32>
      %mul3A_408 = arith.constant 16 : i32
      %mul3A_409 = arith.muli %scan3A_374, %mul3A_408 : i32
      %swap3A_410 = arith.constant 1 : i32
      %swap3A_411 = arith.constant 1 : i32
      %swap3A_412 = arith.index_cast %swap3A_410 : i32 to index
      %swap3A_413 = arith.index_cast %swap3A_411 : i32 to index
      %swap3A_414 = arith.index_cast %mul3A_409 : i32 to index
      %swap3A_415 = tpu.vector_load %arg5[%swap3A_412, %swap3A_413, %swap3A_414] {strides = array<i32>} : memref<2x5x4096xf32, #tpu.memory_space<vmem>>, vector<1x1x16xf32>,
      %swap3A_416 = vector.shape_cast %swap3A_415 : vector<1x1x16xf32> to vector<16xf32>
      %swap3A_417 = vector.shape_cast %select_n3A_407 : vector<16xf32> to vector<1x1x16xf32>
      tpu.vector_store %arg5[%swap3A_412, %swap3A_413, %swap3A_414], %swap3A_417 {strides = array<i32>} : memref<2x5x4096xf32, #tpu.memory_space<vmem>>, vector<1x1x16xf32>,
      %eq3A_418 = arith.constant 2 : i32
      %eq3A_419 = vector.broadcast %eq3A_418 : i32 to vector<16xi32>
      %eq3A_420 = arith.cmpi eq, %get3A_381, %eq3A_419 : vector<16xi32>
      %jit3A_421 = arith.constant 1.000000e+00 : f32
      %jit3A_422 = arith.constant 0.000000e+00 : f32
      %broadcast_in_dim3A_423 = vector.broadcast %jit3A_421 : f32 to vector<16xf32>
      %broadcast_in_dim3A_424 = vector.broadcast %jit3A_422 : f32 to vector<16xf32>
      %select_n3A_425 = arith.select %eq3A_420, %broadcast_in_dim3A_423, %broadcast_in_dim3A_424 : vector<16xi1>, vector<16xf32>
      %mul3A_426 = arith.constant 16 : i32
      %mul3A_427 = arith.muli %scan3A_374, %mul3A_426 : i32
      %swap3A_428 = arith.constant 1 : i32
      %swap3A_429 = arith.constant 2 : i32
      %swap3A_430 = arith.index_cast %swap3A_428 : i32 to index
      %swap3A_431 = arith.index_cast %swap3A_429 : i32 to index
      %swap3A_432 = arith.index_cast %mul3A_427 : i32 to index
      %swap3A_433 = tpu.vector_load %arg5[%swap3A_430, %swap3A_431, %swap3A_432] {strides = array<i32>} : memref<2x5x4096xf32, #tpu.memory_space<vmem>>, vector<1x1x16xf32>,
      %swap3A_434 = vector.shape_cast %swap3A_433 : vector<1x1x16xf32> to vector<16xf32>
      %swap3A_435 = vector.shape_cast %select_n3A_425 : vector<16xf32> to vector<1x1x16xf32>
      tpu.vector_store %arg5[%swap3A_430, %swap3A_431, %swap3A_432], %swap3A_435 {strides = array<i32>} : memref<2x5x4096xf32, #tpu.memory_space<vmem>>, vector<1x1x16xf32>,
      %eq3A_436 = arith.constant 3 : i32
      %eq3A_437 = vector.broadcast %eq3A_436 : i32 to vector<16xi32>
      %eq3A_438 = arith.cmpi eq, %get3A_381, %eq3A_437 : vector<16xi32>
      %jit3A_439 = arith.constant 1.000000e+00 : f32
      %jit3A_440 = arith.constant 0.000000e+00 : f32
      %broadcast_in_dim3A_441 = vector.broadcast %jit3A_439 : f32 to vector<16xf32>
      %broadcast_in_dim3A_442 = vector.broadcast %jit3A_440 : f32 to vector<16xf32>
      %select_n3A_443 = arith.select %eq3A_438, %broadcast_in_dim3A_441, %broadcast_in_dim3A_442 : vector<16xi1>, vector<16xf32>
      %mul3A_444 = arith.constant 16 : i32
      %mul3A_445 = arith.muli %scan3A_374, %mul3A_444 : i32
      %swap3A_446 = arith.constant 1 : i32
      %swap3A_447 = arith.constant 3 : i32
      %swap3A_448 = arith.index_cast %swap3A_446 : i32 to index
      %swap3A_449 = arith.index_cast %swap3A_447 : i32 to index
      %swap3A_450 = arith.index_cast %mul3A_445 : i32 to index
      %swap3A_451 = tpu.vector_load %arg5[%swap3A_448, %swap3A_449, %swap3A_450] {strides = array<i32>} : memref<2x5x4096xf32, #tpu.memory_space<vmem>>, vector<1x1x16xf32>,
      %swap3A_452 = vector.shape_cast %swap3A_451 : vector<1x1x16xf32> to vector<16xf32>
      %swap3A_453 = vector.shape_cast %select_n3A_443 : vector<16xf32> to vector<1x1x16xf32>
      tpu.vector_store %arg5[%swap3A_448, %swap3A_449, %swap3A_450], %swap3A_453 {strides = array<i32>} : memref<2x5x4096xf32, #tpu.memory_space<vmem>>, vector<1x1x16xf32>,
      %eq3A_454 = arith.constant 4 : i32
      %eq3A_455 = vector.broadcast %eq3A_454 : i32 to vector<16xi32>
      %eq3A_456 = arith.cmpi eq, %get3A_381, %eq3A_455 : vector<16xi32>
      %jit3A_457 = arith.constant 1.000000e+00 : f32
      %jit3A_458 = arith.constant 0.000000e+00 : f32
      %broadcast_in_dim3A_459 = vector.broadcast %jit3A_457 : f32 to vector<16xf32>
      %broadcast_in_dim3A_460 = vector.broadcast %jit3A_458 : f32 to vector<16xf32>
      %select_n3A_461 = arith.select %eq3A_456, %broadcast_in_dim3A_459, %broadcast_in_dim3A_460 : vector<16xi1>, vector<16xf32>
      %mul3A_462 = arith.constant 16 : i32
      %mul3A_463 = arith.muli %scan3A_374, %mul3A_462 : i32
      %swap3A_464 = arith.constant 1 : i32
      %swap3A_465 = arith.constant 4 : i32
      %swap3A_466 = arith.index_cast %swap3A_464 : i32 to index
      %swap3A_467 = arith.index_cast %swap3A_465 : i32 to index
      %swap3A_468 = arith.index_cast %mul3A_463 : i32 to index
      %swap3A_469 = tpu.vector_load %arg5[%swap3A_466, %swap3A_467, %swap3A_468] {strides = array<i32>} : memref<2x5x4096xf32, #tpu.memory_space<vmem>>, vector<1x1x16xf32>,
      %swap3A_470 = vector.shape_cast %swap3A_469 : vector<1x1x16xf32> to vector<16xf32>
      %swap3A_471 = vector.shape_cast %select_n3A_461 : vector<16xf32> to vector<1x1x16xf32>
      tpu.vector_store %arg5[%swap3A_466, %swap3A_467, %swap3A_468], %swap3A_471 {strides = array<i32>} : memref<2x5x4096xf32, #tpu.memory_space<vmem>>, vector<1x1x16xf32>,
      %scan3A_472 = arith.constant 2 : i32
      %scan3A_473 = arith.addi %scan3A_281, %scan3A_472 : i32
      %mul3A_474 = arith.constant 16 : i32
      %mul3A_475 = arith.muli %scan3A_473, %mul3A_474 : i32
      %add3A_476 = arith.constant 12288 : i32
      %add3A_477 = arith.addi %add3A_476, %mul3A_475 : i32
      %get3A_478 = arith.index_cast %add3A_477 : i32 to index
      %get3A_479 = tpu.vector_load %arg4[%get3A_478] {strides = array<i32>} : memref<32768xi32, #tpu.memory_space<vmem>>, vector<16xi32>,
      %get3A_480 = vector.shape_cast %get3A_479 : vector<16xi32> to vector<16xi32>
      %eq3A_481 = arith.constant 0 : i32
      %eq3A_482 = vector.broadcast %eq3A_481 : i32 to vector<16xi32>
      %eq3A_483 = arith.cmpi eq, %get3A_480, %eq3A_482 : vector<16xi32>
      %jit3A_484 = arith.constant 1.000000e+00 : f32
      %jit3A_485 = arith.constant 0.000000e+00 : f32
      %broadcast_in_dim3A_486 = vector.broadcast %jit3A_484 : f32 to vector<16xf32>
      %broadcast_in_dim3A_487 = vector.broadcast %jit3A_485 : f32 to vector<16xf32>
      %select_n3A_488 = arith.select %eq3A_483, %broadcast_in_dim3A_486, %broadcast_in_dim3A_487 : vector<16xi1>, vector<16xf32>
      %mul3A_489 = arith.constant 16 : i32
      %mul3A_490 = arith.muli %scan3A_473, %mul3A_489 : i32
      %swap3A_491 = arith.constant 1 : i32
      %swap3A_492 = arith.constant 0 : i32
      %swap3A_493 = arith.index_cast %swap3A_491 : i32 to index
      %swap3A_494 = arith.index_cast %swap3A_492 : i32 to index
      %swap3A_495 = arith.index_cast %mul3A_490 : i32 to index
      %swap3A_496 = tpu.vector_load %arg5[%swap3A_493, %swap3A_494, %swap3A_495] {strides = array<i32>} : memref<2x5x4096xf32, #tpu.memory_space<vmem>>, vector<1x1x16xf32>,
      %swap3A_497 = vector.shape_cast %swap3A_496 : vector<1x1x16xf32> to vector<16xf32>
      %swap3A_498 = vector.shape_cast %select_n3A_488 : vector<16xf32> to vector<1x1x16xf32>
      tpu.vector_store %arg5[%swap3A_493, %swap3A_494, %swap3A_495], %swap3A_498 {strides = array<i32>} : memref<2x5x4096xf32, #tpu.memory_space<vmem>>, vector<1x1x16xf32>,
      %eq3A_499 = arith.constant 1 : i32
      %eq3A_500 = vector.broadcast %eq3A_499 : i32 to vector<16xi32>
      %eq3A_501 = arith.cmpi eq, %get3A_480, %eq3A_500 : vector<16xi32>
      %jit3A_502 = arith.constant 1.000000e+00 : f32
      %jit3A_503 = arith.constant 0.000000e+00 : f32
      %broadcast_in_dim3A_504 = vector.broadcast %jit3A_502 : f32 to vector<16xf32>
      %broadcast_in_dim3A_505 = vector.broadcast %jit3A_503 : f32 to vector<16xf32>
      %select_n3A_506 = arith.select %eq3A_501, %broadcast_in_dim3A_504, %broadcast_in_dim3A_505 : vector<16xi1>, vector<16xf32>
      %mul3A_507 = arith.constant 16 : i32
      %mul3A_508 = arith.muli %scan3A_473, %mul3A_507 : i32
      %swap3A_509 = arith.constant 1 : i32
      %swap3A_510 = arith.constant 1 : i32
      %swap3A_511 = arith.index_cast %swap3A_509 : i32 to index
      %swap3A_512 = arith.index_cast %swap3A_510 : i32 to index
      %swap3A_513 = arith.index_cast %mul3A_508 : i32 to index
      %swap3A_514 = tpu.vector_load %arg5[%swap3A_511, %swap3A_512, %swap3A_513] {strides = array<i32>} : memref<2x5x4096xf32, #tpu.memory_space<vmem>>, vector<1x1x16xf32>,
      %swap3A_515 = vector.shape_cast %swap3A_514 : vector<1x1x16xf32> to vector<16xf32>
      %swap3A_516 = vector.shape_cast %select_n3A_506 : vector<16xf32> to vector<1x1x16xf32>
      tpu.vector_store %arg5[%swap3A_511, %swap3A_512, %swap3A_513], %swap3A_516 {strides = array<i32>} : memref<2x5x4096xf32, #tpu.memory_space<vmem>>, vector<1x1x16xf32>,
      %eq3A_517 = arith.constant 2 : i32
      %eq3A_518 = vector.broadcast %eq3A_517 : i32 to vector<16xi32>
      %eq3A_519 = arith.cmpi eq, %get3A_480, %eq3A_518 : vector<16xi32>
      %jit3A_520 = arith.constant 1.000000e+00 : f32
      %jit3A_521 = arith.constant 0.000000e+00 : f32
      %broadcast_in_dim3A_522 = vector.broadcast %jit3A_520 : f32 to vector<16xf32>
      %broadcast_in_dim3A_523 = vector.broadcast %jit3A_521 : f32 to vector<16xf32>
      %select_n3A_524 = arith.select %eq3A_519, %broadcast_in_dim3A_522, %broadcast_in_dim3A_523 : vector<16xi1>, vector<16xf32>
      %mul3A_525 = arith.constant 16 : i32
      %mul3A_526 = arith.muli %scan3A_473, %mul3A_525 : i32
      %swap3A_527 = arith.constant 1 : i32
      %swap3A_528 = arith.constant 2 : i32
      %swap3A_529 = arith.index_cast %swap3A_527 : i32 to index
      %swap3A_530 = arith.index_cast %swap3A_528 : i32 to index
      %swap3A_531 = arith.index_cast %mul3A_526 : i32 to index
      %swap3A_532 = tpu.vector_load %arg5[%swap3A_529, %swap3A_530, %swap3A_531] {strides = array<i32>} : memref<2x5x4096xf32, #tpu.memory_space<vmem>>, vector<1x1x16xf32>,
      %swap3A_533 = vector.shape_cast %swap3A_532 : vector<1x1x16xf32> to vector<16xf32>
      %swap3A_534 = vector.shape_cast %select_n3A_524 : vector<16xf32> to vector<1x1x16xf32>
      tpu.vector_store %arg5[%swap3A_529, %swap3A_530, %swap3A_531], %swap3A_534 {strides = array<i32>} : memref<2x5x4096xf32, #tpu.memory_space<vmem>>, vector<1x1x16xf32>,
      %eq3A_535 = arith.constant 3 : i32
      %eq3A_536 = vector.broadcast %eq3A_535 : i32 to vector<16xi32>
      %eq3A_537 = arith.cmpi eq, %get3A_480, %eq3A_536 : vector<16xi32>
      %jit3A_538 = arith.constant 1.000000e+00 : f32
      %jit3A_539 = arith.constant 0.000000e+00 : f32
      %broadcast_in_dim3A_540 = vector.broadcast %jit3A_538 : f32 to vector<16xf32>
      %broadcast_in_dim3A_541 = vector.broadcast %jit3A_539 : f32 to vector<16xf32>
      %select_n3A_542 = arith.select %eq3A_537, %broadcast_in_dim3A_540, %broadcast_in_dim3A_541 : vector<16xi1>, vector<16xf32>
      %mul3A_543 = arith.constant 16 : i32
      %mul3A_544 = arith.muli %scan3A_473, %mul3A_543 : i32
      %swap3A_545 = arith.constant 1 : i32
      %swap3A_546 = arith.constant 3 : i32
      %swap3A_547 = arith.index_cast %swap3A_545 : i32 to index
      %swap3A_548 = arith.index_cast %swap3A_546 : i32 to index
      %swap3A_549 = arith.index_cast %mul3A_544 : i32 to index
      %swap3A_550 = tpu.vector_load %arg5[%swap3A_547, %swap3A_548, %swap3A_549] {strides = array<i32>} : memref<2x5x4096xf32, #tpu.memory_space<vmem>>, vector<1x1x16xf32>,
      %swap3A_551 = vector.shape_cast %swap3A_550 : vector<1x1x16xf32> to vector<16xf32>
      %swap3A_552 = vector.shape_cast %select_n3A_542 : vector<16xf32> to vector<1x1x16xf32>
      tpu.vector_store %arg5[%swap3A_547, %swap3A_548, %swap3A_549], %swap3A_552 {strides = array<i32>} : memref<2x5x4096xf32, #tpu.memory_space<vmem>>, vector<1x1x16xf32>,
      %eq3A_553 = arith.constant 4 : i32
      %eq3A_554 = vector.broadcast %eq3A_553 : i32 to vector<16xi32>
      %eq3A_555 = arith.cmpi eq, %get3A_480, %eq3A_554 : vector<16xi32>
      %jit3A_556 = arith.constant 1.000000e+00 : f32
      %jit3A_557 = arith.constant 0.000000e+00 : f32
      %broadcast_in_dim3A_558 = vector.broadcast %jit3A_556 : f32 to vector<16xf32>
      %broadcast_in_dim3A_559 = vector.broadcast %jit3A_557 : f32 to vector<16xf32>
      %select_n3A_560 = arith.select %eq3A_555, %broadcast_in_dim3A_558, %broadcast_in_dim3A_559 : vector<16xi1>, vector<16xf32>
      %mul3A_561 = arith.constant 16 : i32
      %mul3A_562 = arith.muli %scan3A_473, %mul3A_561 : i32
      %swap3A_563 = arith.constant 1 : i32
      %swap3A_564 = arith.constant 4 : i32
      %swap3A_565 = arith.index_cast %swap3A_563 : i32 to index
      %swap3A_566 = arith.index_cast %swap3A_564 : i32 to index
      %swap3A_567 = arith.index_cast %mul3A_562 : i32 to index
      %swap3A_568 = tpu.vector_load %arg5[%swap3A_565, %swap3A_566, %swap3A_567] {strides = array<i32>} : memref<2x5x4096xf32, #tpu.memory_space<vmem>>, vector<1x1x16xf32>,
      %swap3A_569 = vector.shape_cast %swap3A_568 : vector<1x1x16xf32> to vector<16xf32>
      %swap3A_570 = vector.shape_cast %select_n3A_560 : vector<16xf32> to vector<1x1x16xf32>
      tpu.vector_store %arg5[%swap3A_565, %swap3A_566, %swap3A_567], %swap3A_570 {strides = array<i32>} : memref<2x5x4096xf32, #tpu.memory_space<vmem>>, vector<1x1x16xf32>,
      %scan3A_571 = arith.constant 3 : i32
      %scan3A_572 = arith.addi %scan3A_281, %scan3A_571 : i32
      %mul3A_573 = arith.constant 16 : i32
      %mul3A_574 = arith.muli %scan3A_572, %mul3A_573 : i32
      %add3A_575 = arith.constant 12288 : i32
      %add3A_576 = arith.addi %add3A_575, %mul3A_574 : i32
      %get3A_577 = arith.index_cast %add3A_576 : i32 to index
      %get3A_578 = tpu.vector_load %arg4[%get3A_577] {strides = array<i32>} : memref<32768xi32, #tpu.memory_space<vmem>>, vector<16xi32>,
      %get3A_579 = vector.shape_cast %get3A_578 : vector<16xi32> to vector<16xi32>
      %eq3A_580 = arith.constant 0 : i32
      %eq3A_581 = vector.broadcast %eq3A_580 : i32 to vector<16xi32>
      %eq3A_582 = arith.cmpi eq, %get3A_579, %eq3A_581 : vector<16xi32>
      %jit3A_583 = arith.constant 1.000000e+00 : f32
      %jit3A_584 = arith.constant 0.000000e+00 : f32
      %broadcast_in_dim3A_585 = vector.broadcast %jit3A_583 : f32 to vector<16xf32>
      %broadcast_in_dim3A_586 = vector.broadcast %jit3A_584 : f32 to vector<16xf32>
      %select_n3A_587 = arith.select %eq3A_582, %broadcast_in_dim3A_585, %broadcast_in_dim3A_586 : vector<16xi1>, vector<16xf32>
      %mul3A_588 = arith.constant 16 : i32
      %mul3A_589 = arith.muli %scan3A_572, %mul3A_588 : i32
      %swap3A_590 = arith.constant 1 : i32
      %swap3A_591 = arith.constant 0 : i32
      %swap3A_592 = arith.index_cast %swap3A_590 : i32 to index
      %swap3A_593 = arith.index_cast %swap3A_591 : i32 to index
      %swap3A_594 = arith.index_cast %mul3A_589 : i32 to index
      %swap3A_595 = tpu.vector_load %arg5[%swap3A_592, %swap3A_593, %swap3A_594] {strides = array<i32>} : memref<2x5x4096xf32, #tpu.memory_space<vmem>>, vector<1x1x16xf32>,
      %swap3A_596 = vector.shape_cast %swap3A_595 : vector<1x1x16xf32> to vector<16xf32>
      %swap3A_597 = vector.shape_cast %select_n3A_587 : vector<16xf32> to vector<1x1x16xf32>
      tpu.vector_store %arg5[%swap3A_592, %swap3A_593, %swap3A_594], %swap3A_597 {strides = array<i32>} : memref<2x5x4096xf32, #tpu.memory_space<vmem>>, vector<1x1x16xf32>,
      %eq3A_598 = arith.constant 1 : i32
      %eq3A_599 = vector.broadcast %eq3A_598 : i32 to vector<16xi32>
      %eq3A_600 = arith.cmpi eq, %get3A_579, %eq3A_599 : vector<16xi32>
      %jit3A_601 = arith.constant 1.000000e+00 : f32
      %jit3A_602 = arith.constant 0.000000e+00 : f32
      %broadcast_in_dim3A_603 = vector.broadcast %jit3A_601 : f32 to vector<16xf32>
      %broadcast_in_dim3A_604 = vector.broadcast %jit3A_602 : f32 to vector<16xf32>
      %select_n3A_605 = arith.select %eq3A_600, %broadcast_in_dim3A_603, %broadcast_in_dim3A_604 : vector<16xi1>, vector<16xf32>
      %mul3A_606 = arith.constant 16 : i32
      %mul3A_607 = arith.muli %scan3A_572, %mul3A_606 : i32
      %swap3A_608 = arith.constant 1 : i32
      %swap3A_609 = arith.constant 1 : i32
      %swap3A_610 = arith.index_cast %swap3A_608 : i32 to index
      %swap3A_611 = arith.index_cast %swap3A_609 : i32 to index
      %swap3A_612 = arith.index_cast %mul3A_607 : i32 to index
      %swap3A_613 = tpu.vector_load %arg5[%swap3A_610, %swap3A_611, %swap3A_612] {strides = array<i32>} : memref<2x5x4096xf32, #tpu.memory_space<vmem>>, vector<1x1x16xf32>,
      %swap3A_614 = vector.shape_cast %swap3A_613 : vector<1x1x16xf32> to vector<16xf32>
      %swap3A_615 = vector.shape_cast %select_n3A_605 : vector<16xf32> to vector<1x1x16xf32>
      tpu.vector_store %arg5[%swap3A_610, %swap3A_611, %swap3A_612], %swap3A_615 {strides = array<i32>} : memref<2x5x4096xf32, #tpu.memory_space<vmem>>, vector<1x1x16xf32>,
      %eq3A_616 = arith.constant 2 : i32
      %eq3A_617 = vector.broadcast %eq3A_616 : i32 to vector<16xi32>
      %eq3A_618 = arith.cmpi eq, %get3A_579, %eq3A_617 : vector<16xi32>
      %jit3A_619 = arith.constant 1.000000e+00 : f32
      %jit3A_620 = arith.constant 0.000000e+00 : f32
      %broadcast_in_dim3A_621 = vector.broadcast %jit3A_619 : f32 to vector<16xf32>
      %broadcast_in_dim3A_622 = vector.broadcast %jit3A_620 : f32 to vector<16xf32>
      %select_n3A_623 = arith.select %eq3A_618, %broadcast_in_dim3A_621, %broadcast_in_dim3A_622 : vector<16xi1>, vector<16xf32>
      %mul3A_624 = arith.constant 16 : i32
      %mul3A_625 = arith.muli %scan3A_572, %mul3A_624 : i32
      %swap3A_626 = arith.constant 1 : i32
      %swap3A_627 = arith.constant 2 : i32
      %swap3A_628 = arith.index_cast %swap3A_626 : i32 to index
      %swap3A_629 = arith.index_cast %swap3A_627 : i32 to index
      %swap3A_630 = arith.index_cast %mul3A_625 : i32 to index
      %swap3A_631 = tpu.vector_load %arg5[%swap3A_628, %swap3A_629, %swap3A_630] {strides = array<i32>} : memref<2x5x4096xf32, #tpu.memory_space<vmem>>, vector<1x1x16xf32>,
      %swap3A_632 = vector.shape_cast %swap3A_631 : vector<1x1x16xf32> to vector<16xf32>
      %swap3A_633 = vector.shape_cast %select_n3A_623 : vector<16xf32> to vector<1x1x16xf32>
      tpu.vector_store %arg5[%swap3A_628, %swap3A_629, %swap3A_630], %swap3A_633 {strides = array<i32>} : memref<2x5x4096xf32, #tpu.memory_space<vmem>>, vector<1x1x16xf32>,
      %eq3A_634 = arith.constant 3 : i32
      %eq3A_635 = vector.broadcast %eq3A_634 : i32 to vector<16xi32>
      %eq3A_636 = arith.cmpi eq, %get3A_579, %eq3A_635 : vector<16xi32>
      %jit3A_637 = arith.constant 1.000000e+00 : f32
      %jit3A_638 = arith.constant 0.000000e+00 : f32
      %broadcast_in_dim3A_639 = vector.broadcast %jit3A_637 : f32 to vector<16xf32>
      %broadcast_in_dim3A_640 = vector.broadcast %jit3A_638 : f32 to vector<16xf32>
      %select_n3A_641 = arith.select %eq3A_636, %broadcast_in_dim3A_639, %broadcast_in_dim3A_640 : vector<16xi1>, vector<16xf32>
      %mul3A_642 = arith.constant 16 : i32
      %mul3A_643 = arith.muli %scan3A_572, %mul3A_642 : i32
      %swap3A_644 = arith.constant 1 : i32
      %swap3A_645 = arith.constant 3 : i32
      %swap3A_646 = arith.index_cast %swap3A_644 : i32 to index
      %swap3A_647 = arith.index_cast %swap3A_645 : i32 to index
      %swap3A_648 = arith.index_cast %mul3A_643 : i32 to index
      %swap3A_649 = tpu.vector_load %arg5[%swap3A_646, %swap3A_647, %swap3A_648] {strides = array<i32>} : memref<2x5x4096xf32, #tpu.memory_space<vmem>>, vector<1x1x16xf32>,
      %swap3A_650 = vector.shape_cast %swap3A_649 : vector<1x1x16xf32> to vector<16xf32>
      %swap3A_651 = vector.shape_cast %select_n3A_641 : vector<16xf32> to vector<1x1x16xf32>
      tpu.vector_store %arg5[%swap3A_646, %swap3A_647, %swap3A_648], %swap3A_651 {strides = array<i32>} : memref<2x5x4096xf32, #tpu.memory_space<vmem>>, vector<1x1x16xf32>,
      %eq3A_652 = arith.constant 4 : i32
      %eq3A_653 = vector.broadcast %eq3A_652 : i32 to vector<16xi32>
      %eq3A_654 = arith.cmpi eq, %get3A_579, %eq3A_653 : vector<16xi32>
      %jit3A_655 = arith.constant 1.000000e+00 : f32
      %jit3A_656 = arith.constant 0.000000e+00 : f32
      %broadcast_in_dim3A_657 = vector.broadcast %jit3A_655 : f32 to vector<16xf32>
      %broadcast_in_dim3A_658 = vector.broadcast %jit3A_656 : f32 to vector<16xf32>
      %select_n3A_659 = arith.select %eq3A_654, %broadcast_in_dim3A_657, %broadcast_in_dim3A_658 : vector<16xi1>, vector<16xf32>
      %mul3A_660 = arith.constant 16 : i32
      %mul3A_661 = arith.muli %scan3A_572, %mul3A_660 : i32
      %swap3A_662 = arith.constant 1 : i32
      %swap3A_663 = arith.constant 4 : i32
      %swap3A_664 = arith.index_cast %swap3A_662 : i32 to index
      %swap3A_665 = arith.index_cast %swap3A_663 : i32 to index
      %swap3A_666 = arith.index_cast %mul3A_661 : i32 to index
      %swap3A_667 = tpu.vector_load %arg5[%swap3A_664, %swap3A_665, %swap3A_666] {strides = array<i32>} : memref<2x5x4096xf32, #tpu.memory_space<vmem>>, vector<1x1x16xf32>,
      %swap3A_668 = vector.shape_cast %swap3A_667 : vector<1x1x16xf32> to vector<16xf32>
      %swap3A_669 = vector.shape_cast %select_n3A_659 : vector<16xf32> to vector<1x1x16xf32>
      tpu.vector_store %arg5[%swap3A_664, %swap3A_665, %swap3A_666], %swap3A_669 {strides = array<i32>} : memref<2x5x4096xf32, #tpu.memory_space<vmem>>, vector<1x1x16xf32>,
    }
    %scan3A_98 = arith.constant 256 : i32
    %add3A_99 = arith.constant 12288 : i32
    %add3A_100 = arith.addi %multiple_of3A, %add3A_99 : i32
    %multiple_of3A_101 = tpu.assume_multiple %add3A_100, 128 : i32
    %dma_start3A_102 = arith.constant 1 : i32
    %dma_start3A_103 = arith.constant 0 : i32
    %dma_start3A_104 = arith.constant 0 : i32
    %dma_start3A_105 = tpu.memref_slice %arg5[%dma_start3A_102, %dma_start3A_103, %dma_start3A_104] : memref<2x5x4096xf32, #tpu.memory_space<vmem>> -> memref<1x5x4096xf32, #tpu.memory_space<vmem>>
    %dma_start3A_106 = tpu.memref_squeeze %dma_start3A_105 : memref<1x5x4096xf32, #tpu.memory_space<vmem>> -> memref<5x4096xf32, #tpu.memory_space<vmem>>
    %dma_start3A_107 = arith.constant 0 : i32
    %dma_start3A_108 = tpu.memref_slice %arg3[%dma_start3A_107, %multiple_of3A_101] : memref<5x1000000xf32, #tpu.memory_space<hbm>> -> memref<5x4096xf32, #tpu.memory_space<hbm>>
    %dma_start3A_109 = arith.constant 0 : i32
    %dma_start3A_110 = tpu.memref_slice %arg3[%dma_start3A_109, %multiple_of3A_101] : memref<5x1000000xf32, #tpu.memory_space<hbm>> -> memref<5x4096xf32, #tpu.memory_space<hbm>>
    %dma_start3A_111 = arith.constant 0 : i32
    %dma_start3A_112 = arith.constant 0 : i32
    %dma_start3A_113 = tpu.memref_slice %arg5[%dma_start3A_102, %dma_start3A_111, %dma_start3A_112] : memref<2x5x4096xf32, #tpu.memory_space<vmem>> -> memref<1x5x4096xf32, #tpu.memory_space<vmem>>
    %dma_start3A_114 = tpu.memref_squeeze %dma_start3A_113 : memref<1x5x4096xf32, #tpu.memory_space<vmem>> -> memref<5x4096xf32, #tpu.memory_space<vmem>>
    tpu.enqueue_dma source(%dma_start3A_114 : memref<5x4096xf32, #tpu.memory_space<vmem>>) target(%dma_start3A_110 : memref<5x4096xf32, #tpu.memory_space<hbm>>) target_semaphore(%arg7 : memref<!tpu.dma_semaphore, #tpu.memory_space<semaphore_mem>>)
    %dma_wait3A_115 = arith.constant 0 : i32
    %dma_wait3A_116 = arith.constant 0 : i32
    %dma_wait3A_117 = arith.constant 0 : i32
    %dma_wait3A_118 = tpu.memref_slice %arg5[%dma_wait3A_115, %dma_wait3A_116, %dma_wait3A_117] : memref<2x5x4096xf32, #tpu.memory_space<vmem>> -> memref<1x5x4096xf32, #tpu.memory_space<vmem>>
    %dma_wait3A_119 = tpu.memref_squeeze %dma_wait3A_118 : memref<1x5x4096xf32, #tpu.memory_space<vmem>> -> memref<5x4096xf32, #tpu.memory_space<vmem>>
    %dma_wait3A_120 = arith.constant 0 : i32
    %dma_wait3A_121 = tpu.memref_slice %arg3[%dma_wait3A_120, %multiple_of3A_66] : memref<5x1000000xf32, #tpu.memory_space<hbm>> -> memref<5x4096xf32, #tpu.memory_space<hbm>>
    %dma_wait3A_122 = arith.constant 0 : i32
    %dma_wait3A_123 = tpu.memref_slice %arg3[%dma_wait3A_122, %multiple_of3A_66] : memref<5x1000000xf32, #tpu.memory_space<hbm>> -> memref<5x4096xf32, #tpu.memory_space<hbm>>
    %dma_wait3A_124 = arith.constant 0 : i32
    %dma_wait3A_125 = arith.constant 0 : i32
    %dma_wait3A_126 = tpu.memref_slice %arg5[%dma_wait3A_115, %dma_wait3A_124, %dma_wait3A_125] : memref<2x5x4096xf32, #tpu.memory_space<vmem>> -> memref<1x5x4096xf32, #tpu.memory_space<vmem>>
    %dma_wait3A_127 = tpu.memref_squeeze %dma_wait3A_126 : memref<1x5x4096xf32, #tpu.memory_space<vmem>> -> memref<5x4096xf32, #tpu.memory_space<vmem>>
    tpu.wait_dma2 semaphore(%arg6 : memref<!tpu.dma_semaphore, #tpu.memory_space<semaphore_mem>>) src(%dma_wait3A_127 : memref<5x4096xf32, #tpu.memory_space<vmem>>) dst(%dma_wait3A_123 : memref<5x4096xf32, #tpu.memory_space<hbm>>)
    %scan3A_128 = arith.constant 0 : i32
    %scan3A_129 = arith.constant 0 : i32
    %scan3A_130 = arith.constant 256 : i32
    %scan3A_131 = arith.addi %scan3A_129, %scan3A_130 : i32
    %scan3A_132 = arith.constant 4 : i32
    scf.for %scan3A_281 = %scan3A_129 to %scan3A_131 step %scan3A_132  : i32 {
      %mul3A_282 = arith.constant 16 : i32
      %mul3A_283 = arith.muli %scan3A_281, %mul3A_282 : i32
      %add3A_284 = arith.constant 16384 : i32
      %add3A_285 = arith.addi %add3A_284, %mul3A_283 : i32
      %get3A = arith.index_cast %add3A_285 : i32 to index
      %get3A_286 = tpu.vector_load %arg4[%get3A] {strides = array<i32>} : memref<32768xi32, #tpu.memory_space<vmem>>, vector<16xi32>,
      %get3A_287 = vector.shape_cast %get3A_286 : vector<16xi32> to vector<16xi32>
      %eq3A = arith.constant 0 : i32
      %eq3A_288 = vector.broadcast %eq3A : i32 to vector<16xi32>
      %eq3A_289 = arith.cmpi eq, %get3A_287, %eq3A_288 : vector<16xi32>
      %jit3A = arith.constant 1.000000e+00 : f32
      %jit3A_290 = arith.constant 0.000000e+00 : f32
      %broadcast_in_dim3A = vector.broadcast %jit3A : f32 to vector<16xf32>
      %broadcast_in_dim3A_291 = vector.broadcast %jit3A_290 : f32 to vector<16xf32>
      %select_n3A = arith.select %eq3A_289, %broadcast_in_dim3A, %broadcast_in_dim3A_291 : vector<16xi1>, vector<16xf32>
      %mul3A_292 = arith.constant 16 : i32
      %mul3A_293 = arith.muli %scan3A_281, %mul3A_292 : i32
      %swap3A = arith.constant 0 : i32
      %swap3A_294 = arith.constant 0 : i32
      %swap3A_295 = arith.index_cast %swap3A : i32 to index
      %swap3A_296 = arith.index_cast %swap3A_294 : i32 to index
      %swap3A_297 = arith.index_cast %mul3A_293 : i32 to index
      %swap3A_298 = tpu.vector_load %arg5[%swap3A_295, %swap3A_296, %swap3A_297] {strides = array<i32>} : memref<2x5x4096xf32, #tpu.memory_space<vmem>>, vector<1x1x16xf32>,
      %swap3A_299 = vector.shape_cast %swap3A_298 : vector<1x1x16xf32> to vector<16xf32>
      %swap3A_300 = vector.shape_cast %select_n3A : vector<16xf32> to vector<1x1x16xf32>
      tpu.vector_store %arg5[%swap3A_295, %swap3A_296, %swap3A_297], %swap3A_300 {strides = array<i32>} : memref<2x5x4096xf32, #tpu.memory_space<vmem>>, vector<1x1x16xf32>,
      %eq3A_301 = arith.constant 1 : i32
      %eq3A_302 = vector.broadcast %eq3A_301 : i32 to vector<16xi32>
      %eq3A_303 = arith.cmpi eq, %get3A_287, %eq3A_302 : vector<16xi32>
      %jit3A_304 = arith.constant 1.000000e+00 : f32
      %jit3A_305 = arith.constant 0.000000e+00 : f32
      %broadcast_in_dim3A_306 = vector.broadcast %jit3A_304 : f32 to vector<16xf32>
      %broadcast_in_dim3A_307 = vector.broadcast %jit3A_305 : f32 to vector<16xf32>
      %select_n3A_308 = arith.select %eq3A_303, %broadcast_in_dim3A_306, %broadcast_in_dim3A_307 : vector<16xi1>, vector<16xf32>
      %mul3A_309 = arith.constant 16 : i32
      %mul3A_310 = arith.muli %scan3A_281, %mul3A_309 : i32
      %swap3A_311 = arith.constant 0 : i32
      %swap3A_312 = arith.constant 1 : i32
      %swap3A_313 = arith.index_cast %swap3A_311 : i32 to index
      %swap3A_314 = arith.index_cast %swap3A_312 : i32 to index
      %swap3A_315 = arith.index_cast %mul3A_310 : i32 to index
      %swap3A_316 = tpu.vector_load %arg5[%swap3A_313, %swap3A_314, %swap3A_315] {strides = array<i32>} : memref<2x5x4096xf32, #tpu.memory_space<vmem>>, vector<1x1x16xf32>,
      %swap3A_317 = vector.shape_cast %swap3A_316 : vector<1x1x16xf32> to vector<16xf32>
      %swap3A_318 = vector.shape_cast %select_n3A_308 : vector<16xf32> to vector<1x1x16xf32>
      tpu.vector_store %arg5[%swap3A_313, %swap3A_314, %swap3A_315], %swap3A_318 {strides = array<i32>} : memref<2x5x4096xf32, #tpu.memory_space<vmem>>, vector<1x1x16xf32>,
      %eq3A_319 = arith.constant 2 : i32
      %eq3A_320 = vector.broadcast %eq3A_319 : i32 to vector<16xi32>
      %eq3A_321 = arith.cmpi eq, %get3A_287, %eq3A_320 : vector<16xi32>
      %jit3A_322 = arith.constant 1.000000e+00 : f32
      %jit3A_323 = arith.constant 0.000000e+00 : f32
      %broadcast_in_dim3A_324 = vector.broadcast %jit3A_322 : f32 to vector<16xf32>
      %broadcast_in_dim3A_325 = vector.broadcast %jit3A_323 : f32 to vector<16xf32>
      %select_n3A_326 = arith.select %eq3A_321, %broadcast_in_dim3A_324, %broadcast_in_dim3A_325 : vector<16xi1>, vector<16xf32>
      %mul3A_327 = arith.constant 16 : i32
      %mul3A_328 = arith.muli %scan3A_281, %mul3A_327 : i32
      %swap3A_329 = arith.constant 0 : i32
      %swap3A_330 = arith.constant 2 : i32
      %swap3A_331 = arith.index_cast %swap3A_329 : i32 to index
      %swap3A_332 = arith.index_cast %swap3A_330 : i32 to index
      %swap3A_333 = arith.index_cast %mul3A_328 : i32 to index
      %swap3A_334 = tpu.vector_load %arg5[%swap3A_331, %swap3A_332, %swap3A_333] {strides = array<i32>} : memref<2x5x4096xf32, #tpu.memory_space<vmem>>, vector<1x1x16xf32>,
      %swap3A_335 = vector.shape_cast %swap3A_334 : vector<1x1x16xf32> to vector<16xf32>
      %swap3A_336 = vector.shape_cast %select_n3A_326 : vector<16xf32> to vector<1x1x16xf32>
      tpu.vector_store %arg5[%swap3A_331, %swap3A_332, %swap3A_333], %swap3A_336 {strides = array<i32>} : memref<2x5x4096xf32, #tpu.memory_space<vmem>>, vector<1x1x16xf32>,
      %eq3A_337 = arith.constant 3 : i32
      %eq3A_338 = vector.broadcast %eq3A_337 : i32 to vector<16xi32>
      %eq3A_339 = arith.cmpi eq, %get3A_287, %eq3A_338 : vector<16xi32>
      %jit3A_340 = arith.constant 1.000000e+00 : f32
      %jit3A_341 = arith.constant 0.000000e+00 : f32
      %broadcast_in_dim3A_342 = vector.broadcast %jit3A_340 : f32 to vector<16xf32>
      %broadcast_in_dim3A_343 = vector.broadcast %jit3A_341 : f32 to vector<16xf32>
      %select_n3A_344 = arith.select %eq3A_339, %broadcast_in_dim3A_342, %broadcast_in_dim3A_343 : vector<16xi1>, vector<16xf32>
      %mul3A_345 = arith.constant 16 : i32
      %mul3A_346 = arith.muli %scan3A_281, %mul3A_345 : i32
      %swap3A_347 = arith.constant 0 : i32
      %swap3A_348 = arith.constant 3 : i32
      %swap3A_349 = arith.index_cast %swap3A_347 : i32 to index
      %swap3A_350 = arith.index_cast %swap3A_348 : i32 to index
      %swap3A_351 = arith.index_cast %mul3A_346 : i32 to index
      %swap3A_352 = tpu.vector_load %arg5[%swap3A_349, %swap3A_350, %swap3A_351] {strides = array<i32>} : memref<2x5x4096xf32, #tpu.memory_space<vmem>>, vector<1x1x16xf32>,
      %swap3A_353 = vector.shape_cast %swap3A_352 : vector<1x1x16xf32> to vector<16xf32>
      %swap3A_354 = vector.shape_cast %select_n3A_344 : vector<16xf32> to vector<1x1x16xf32>
      tpu.vector_store %arg5[%swap3A_349, %swap3A_350, %swap3A_351], %swap3A_354 {strides = array<i32>} : memref<2x5x4096xf32, #tpu.memory_space<vmem>>, vector<1x1x16xf32>,
      %eq3A_355 = arith.constant 4 : i32
      %eq3A_356 = vector.broadcast %eq3A_355 : i32 to vector<16xi32>
      %eq3A_357 = arith.cmpi eq, %get3A_287, %eq3A_356 : vector<16xi32>
      %jit3A_358 = arith.constant 1.000000e+00 : f32
      %jit3A_359 = arith.constant 0.000000e+00 : f32
      %broadcast_in_dim3A_360 = vector.broadcast %jit3A_358 : f32 to vector<16xf32>
      %broadcast_in_dim3A_361 = vector.broadcast %jit3A_359 : f32 to vector<16xf32>
      %select_n3A_362 = arith.select %eq3A_357, %broadcast_in_dim3A_360, %broadcast_in_dim3A_361 : vector<16xi1>, vector<16xf32>
      %mul3A_363 = arith.constant 16 : i32
      %mul3A_364 = arith.muli %scan3A_281, %mul3A_363 : i32
      %swap3A_365 = arith.constant 0 : i32
      %swap3A_366 = arith.constant 4 : i32
      %swap3A_367 = arith.index_cast %swap3A_365 : i32 to index
      %swap3A_368 = arith.index_cast %swap3A_366 : i32 to index
      %swap3A_369 = arith.index_cast %mul3A_364 : i32 to index
      %swap3A_370 = tpu.vector_load %arg5[%swap3A_367, %swap3A_368, %swap3A_369] {strides = array<i32>} : memref<2x5x4096xf32, #tpu.memory_space<vmem>>, vector<1x1x16xf32>,
      %swap3A_371 = vector.shape_cast %swap3A_370 : vector<1x1x16xf32> to vector<16xf32>
      %swap3A_372 = vector.shape_cast %select_n3A_362 : vector<16xf32> to vector<1x1x16xf32>
      tpu.vector_store %arg5[%swap3A_367, %swap3A_368, %swap3A_369], %swap3A_372 {strides = array<i32>} : memref<2x5x4096xf32, #tpu.memory_space<vmem>>, vector<1x1x16xf32>,
      %scan3A_373 = arith.constant 1 : i32
      %scan3A_374 = arith.addi %scan3A_281, %scan3A_373 : i32
      %mul3A_375 = arith.constant 16 : i32
      %mul3A_376 = arith.muli %scan3A_374, %mul3A_375 : i32
      %add3A_377 = arith.constant 16384 : i32
      %add3A_378 = arith.addi %add3A_377, %mul3A_376 : i32
      %get3A_379 = arith.index_cast %add3A_378 : i32 to index
      %get3A_380 = tpu.vector_load %arg4[%get3A_379] {strides = array<i32>} : memref<32768xi32, #tpu.memory_space<vmem>>, vector<16xi32>,
      %get3A_381 = vector.shape_cast %get3A_380 : vector<16xi32> to vector<16xi32>
      %eq3A_382 = arith.constant 0 : i32
      %eq3A_383 = vector.broadcast %eq3A_382 : i32 to vector<16xi32>
      %eq3A_384 = arith.cmpi eq, %get3A_381, %eq3A_383 : vector<16xi32>
      %jit3A_385 = arith.constant 1.000000e+00 : f32
      %jit3A_386 = arith.constant 0.000000e+00 : f32
      %broadcast_in_dim3A_387 = vector.broadcast %jit3A_385 : f32 to vector<16xf32>
      %broadcast_in_dim3A_388 = vector.broadcast %jit3A_386 : f32 to vector<16xf32>
      %select_n3A_389 = arith.select %eq3A_384, %broadcast_in_dim3A_387, %broadcast_in_dim3A_388 : vector<16xi1>, vector<16xf32>
      %mul3A_390 = arith.constant 16 : i32
      %mul3A_391 = arith.muli %scan3A_374, %mul3A_390 : i32
      %swap3A_392 = arith.constant 0 : i32
      %swap3A_393 = arith.constant 0 : i32
      %swap3A_394 = arith.index_cast %swap3A_392 : i32 to index
      %swap3A_395 = arith.index_cast %swap3A_393 : i32 to index
      %swap3A_396 = arith.index_cast %mul3A_391 : i32 to index
      %swap3A_397 = tpu.vector_load %arg5[%swap3A_394, %swap3A_395, %swap3A_396] {strides = array<i32>} : memref<2x5x4096xf32, #tpu.memory_space<vmem>>, vector<1x1x16xf32>,
      %swap3A_398 = vector.shape_cast %swap3A_397 : vector<1x1x16xf32> to vector<16xf32>
      %swap3A_399 = vector.shape_cast %select_n3A_389 : vector<16xf32> to vector<1x1x16xf32>
      tpu.vector_store %arg5[%swap3A_394, %swap3A_395, %swap3A_396], %swap3A_399 {strides = array<i32>} : memref<2x5x4096xf32, #tpu.memory_space<vmem>>, vector<1x1x16xf32>,
      %eq3A_400 = arith.constant 1 : i32
      %eq3A_401 = vector.broadcast %eq3A_400 : i32 to vector<16xi32>
      %eq3A_402 = arith.cmpi eq, %get3A_381, %eq3A_401 : vector<16xi32>
      %jit3A_403 = arith.constant 1.000000e+00 : f32
      %jit3A_404 = arith.constant 0.000000e+00 : f32
      %broadcast_in_dim3A_405 = vector.broadcast %jit3A_403 : f32 to vector<16xf32>
      %broadcast_in_dim3A_406 = vector.broadcast %jit3A_404 : f32 to vector<16xf32>
      %select_n3A_407 = arith.select %eq3A_402, %broadcast_in_dim3A_405, %broadcast_in_dim3A_406 : vector<16xi1>, vector<16xf32>
      %mul3A_408 = arith.constant 16 : i32
      %mul3A_409 = arith.muli %scan3A_374, %mul3A_408 : i32
      %swap3A_410 = arith.constant 0 : i32
      %swap3A_411 = arith.constant 1 : i32
      %swap3A_412 = arith.index_cast %swap3A_410 : i32 to index
      %swap3A_413 = arith.index_cast %swap3A_411 : i32 to index
      %swap3A_414 = arith.index_cast %mul3A_409 : i32 to index
      %swap3A_415 = tpu.vector_load %arg5[%swap3A_412, %swap3A_413, %swap3A_414] {strides = array<i32>} : memref<2x5x4096xf32, #tpu.memory_space<vmem>>, vector<1x1x16xf32>,
      %swap3A_416 = vector.shape_cast %swap3A_415 : vector<1x1x16xf32> to vector<16xf32>
      %swap3A_417 = vector.shape_cast %select_n3A_407 : vector<16xf32> to vector<1x1x16xf32>
      tpu.vector_store %arg5[%swap3A_412, %swap3A_413, %swap3A_414], %swap3A_417 {strides = array<i32>} : memref<2x5x4096xf32, #tpu.memory_space<vmem>>, vector<1x1x16xf32>,
      %eq3A_418 = arith.constant 2 : i32
      %eq3A_419 = vector.broadcast %eq3A_418 : i32 to vector<16xi32>
      %eq3A_420 = arith.cmpi eq, %get3A_381, %eq3A_419 : vector<16xi32>
      %jit3A_421 = arith.constant 1.000000e+00 : f32
      %jit3A_422 = arith.constant 0.000000e+00 : f32
      %broadcast_in_dim3A_423 = vector.broadcast %jit3A_421 : f32 to vector<16xf32>
      %broadcast_in_dim3A_424 = vector.broadcast %jit3A_422 : f32 to vector<16xf32>
      %select_n3A_425 = arith.select %eq3A_420, %broadcast_in_dim3A_423, %broadcast_in_dim3A_424 : vector<16xi1>, vector<16xf32>
      %mul3A_426 = arith.constant 16 : i32
      %mul3A_427 = arith.muli %scan3A_374, %mul3A_426 : i32
      %swap3A_428 = arith.constant 0 : i32
      %swap3A_429 = arith.constant 2 : i32
      %swap3A_430 = arith.index_cast %swap3A_428 : i32 to index
      %swap3A_431 = arith.index_cast %swap3A_429 : i32 to index
      %swap3A_432 = arith.index_cast %mul3A_427 : i32 to index
      %swap3A_433 = tpu.vector_load %arg5[%swap3A_430, %swap3A_431, %swap3A_432] {strides = array<i32>} : memref<2x5x4096xf32, #tpu.memory_space<vmem>>, vector<1x1x16xf32>,
      %swap3A_434 = vector.shape_cast %swap3A_433 : vector<1x1x16xf32> to vector<16xf32>
      %swap3A_435 = vector.shape_cast %select_n3A_425 : vector<16xf32> to vector<1x1x16xf32>
      tpu.vector_store %arg5[%swap3A_430, %swap3A_431, %swap3A_432], %swap3A_435 {strides = array<i32>} : memref<2x5x4096xf32, #tpu.memory_space<vmem>>, vector<1x1x16xf32>,
      %eq3A_436 = arith.constant 3 : i32
      %eq3A_437 = vector.broadcast %eq3A_436 : i32 to vector<16xi32>
      %eq3A_438 = arith.cmpi eq, %get3A_381, %eq3A_437 : vector<16xi32>
      %jit3A_439 = arith.constant 1.000000e+00 : f32
      %jit3A_440 = arith.constant 0.000000e+00 : f32
      %broadcast_in_dim3A_441 = vector.broadcast %jit3A_439 : f32 to vector<16xf32>
      %broadcast_in_dim3A_442 = vector.broadcast %jit3A_440 : f32 to vector<16xf32>
      %select_n3A_443 = arith.select %eq3A_438, %broadcast_in_dim3A_441, %broadcast_in_dim3A_442 : vector<16xi1>, vector<16xf32>
      %mul3A_444 = arith.constant 16 : i32
      %mul3A_445 = arith.muli %scan3A_374, %mul3A_444 : i32
      %swap3A_446 = arith.constant 0 : i32
      %swap3A_447 = arith.constant 3 : i32
      %swap3A_448 = arith.index_cast %swap3A_446 : i32 to index
      %swap3A_449 = arith.index_cast %swap3A_447 : i32 to index
      %swap3A_450 = arith.index_cast %mul3A_445 : i32 to index
      %swap3A_451 = tpu.vector_load %arg5[%swap3A_448, %swap3A_449, %swap3A_450] {strides = array<i32>} : memref<2x5x4096xf32, #tpu.memory_space<vmem>>, vector<1x1x16xf32>,
      %swap3A_452 = vector.shape_cast %swap3A_451 : vector<1x1x16xf32> to vector<16xf32>
      %swap3A_453 = vector.shape_cast %select_n3A_443 : vector<16xf32> to vector<1x1x16xf32>
      tpu.vector_store %arg5[%swap3A_448, %swap3A_449, %swap3A_450], %swap3A_453 {strides = array<i32>} : memref<2x5x4096xf32, #tpu.memory_space<vmem>>, vector<1x1x16xf32>,
      %eq3A_454 = arith.constant 4 : i32
      %eq3A_455 = vector.broadcast %eq3A_454 : i32 to vector<16xi32>
      %eq3A_456 = arith.cmpi eq, %get3A_381, %eq3A_455 : vector<16xi32>
      %jit3A_457 = arith.constant 1.000000e+00 : f32
      %jit3A_458 = arith.constant 0.000000e+00 : f32
      %broadcast_in_dim3A_459 = vector.broadcast %jit3A_457 : f32 to vector<16xf32>
      %broadcast_in_dim3A_460 = vector.broadcast %jit3A_458 : f32 to vector<16xf32>
      %select_n3A_461 = arith.select %eq3A_456, %broadcast_in_dim3A_459, %broadcast_in_dim3A_460 : vector<16xi1>, vector<16xf32>
      %mul3A_462 = arith.constant 16 : i32
      %mul3A_463 = arith.muli %scan3A_374, %mul3A_462 : i32
      %swap3A_464 = arith.constant 0 : i32
      %swap3A_465 = arith.constant 4 : i32
      %swap3A_466 = arith.index_cast %swap3A_464 : i32 to index
      %swap3A_467 = arith.index_cast %swap3A_465 : i32 to index
      %swap3A_468 = arith.index_cast %mul3A_463 : i32 to index
      %swap3A_469 = tpu.vector_load %arg5[%swap3A_466, %swap3A_467, %swap3A_468] {strides = array<i32>} : memref<2x5x4096xf32, #tpu.memory_space<vmem>>, vector<1x1x16xf32>,
      %swap3A_470 = vector.shape_cast %swap3A_469 : vector<1x1x16xf32> to vector<16xf32>
      %swap3A_471 = vector.shape_cast %select_n3A_461 : vector<16xf32> to vector<1x1x16xf32>
      tpu.vector_store %arg5[%swap3A_466, %swap3A_467, %swap3A_468], %swap3A_471 {strides = array<i32>} : memref<2x5x4096xf32, #tpu.memory_space<vmem>>, vector<1x1x16xf32>,
      %scan3A_472 = arith.constant 2 : i32
      %scan3A_473 = arith.addi %scan3A_281, %scan3A_472 : i32
      %mul3A_474 = arith.constant 16 : i32
      %mul3A_475 = arith.muli %scan3A_473, %mul3A_474 : i32
      %add3A_476 = arith.constant 16384 : i32
      %add3A_477 = arith.addi %add3A_476, %mul3A_475 : i32
      %get3A_478 = arith.index_cast %add3A_477 : i32 to index
      %get3A_479 = tpu.vector_load %arg4[%get3A_478] {strides = array<i32>} : memref<32768xi32, #tpu.memory_space<vmem>>, vector<16xi32>,
      %get3A_480 = vector.shape_cast %get3A_479 : vector<16xi32> to vector<16xi32>
      %eq3A_481 = arith.constant 0 : i32
      %eq3A_482 = vector.broadcast %eq3A_481 : i32 to vector<16xi32>
      %eq3A_483 = arith.cmpi eq, %get3A_480, %eq3A_482 : vector<16xi32>
      %jit3A_484 = arith.constant 1.000000e+00 : f32
      %jit3A_485 = arith.constant 0.000000e+00 : f32
      %broadcast_in_dim3A_486 = vector.broadcast %jit3A_484 : f32 to vector<16xf32>
      %broadcast_in_dim3A_487 = vector.broadcast %jit3A_485 : f32 to vector<16xf32>
      %select_n3A_488 = arith.select %eq3A_483, %broadcast_in_dim3A_486, %broadcast_in_dim3A_487 : vector<16xi1>, vector<16xf32>
      %mul3A_489 = arith.constant 16 : i32
      %mul3A_490 = arith.muli %scan3A_473, %mul3A_489 : i32
      %swap3A_491 = arith.constant 0 : i32
      %swap3A_492 = arith.constant 0 : i32
      %swap3A_493 = arith.index_cast %swap3A_491 : i32 to index
      %swap3A_494 = arith.index_cast %swap3A_492 : i32 to index
      %swap3A_495 = arith.index_cast %mul3A_490 : i32 to index
      %swap3A_496 = tpu.vector_load %arg5[%swap3A_493, %swap3A_494, %swap3A_495] {strides = array<i32>} : memref<2x5x4096xf32, #tpu.memory_space<vmem>>, vector<1x1x16xf32>,
      %swap3A_497 = vector.shape_cast %swap3A_496 : vector<1x1x16xf32> to vector<16xf32>
      %swap3A_498 = vector.shape_cast %select_n3A_488 : vector<16xf32> to vector<1x1x16xf32>
      tpu.vector_store %arg5[%swap3A_493, %swap3A_494, %swap3A_495], %swap3A_498 {strides = array<i32>} : memref<2x5x4096xf32, #tpu.memory_space<vmem>>, vector<1x1x16xf32>,
      %eq3A_499 = arith.constant 1 : i32
      %eq3A_500 = vector.broadcast %eq3A_499 : i32 to vector<16xi32>
      %eq3A_501 = arith.cmpi eq, %get3A_480, %eq3A_500 : vector<16xi32>
      %jit3A_502 = arith.constant 1.000000e+00 : f32
      %jit3A_503 = arith.constant 0.000000e+00 : f32
      %broadcast_in_dim3A_504 = vector.broadcast %jit3A_502 : f32 to vector<16xf32>
      %broadcast_in_dim3A_505 = vector.broadcast %jit3A_503 : f32 to vector<16xf32>
      %select_n3A_506 = arith.select %eq3A_501, %broadcast_in_dim3A_504, %broadcast_in_dim3A_505 : vector<16xi1>, vector<16xf32>
      %mul3A_507 = arith.constant 16 : i32
      %mul3A_508 = arith.muli %scan3A_473, %mul3A_507 : i32
      %swap3A_509 = arith.constant 0 : i32
      %swap3A_510 = arith.constant 1 : i32
      %swap3A_511 = arith.index_cast %swap3A_509 : i32 to index
      %swap3A_512 = arith.index_cast %swap3A_510 : i32 to index
      %swap3A_513 = arith.index_cast %mul3A_508 : i32 to index
      %swap3A_514 = tpu.vector_load %arg5[%swap3A_511, %swap3A_512, %swap3A_513] {strides = array<i32>} : memref<2x5x4096xf32, #tpu.memory_space<vmem>>, vector<1x1x16xf32>,
      %swap3A_515 = vector.shape_cast %swap3A_514 : vector<1x1x16xf32> to vector<16xf32>
      %swap3A_516 = vector.shape_cast %select_n3A_506 : vector<16xf32> to vector<1x1x16xf32>
      tpu.vector_store %arg5[%swap3A_511, %swap3A_512, %swap3A_513], %swap3A_516 {strides = array<i32>} : memref<2x5x4096xf32, #tpu.memory_space<vmem>>, vector<1x1x16xf32>,
      %eq3A_517 = arith.constant 2 : i32
      %eq3A_518 = vector.broadcast %eq3A_517 : i32 to vector<16xi32>
      %eq3A_519 = arith.cmpi eq, %get3A_480, %eq3A_518 : vector<16xi32>
      %jit3A_520 = arith.constant 1.000000e+00 : f32
      %jit3A_521 = arith.constant 0.000000e+00 : f32
      %broadcast_in_dim3A_522 = vector.broadcast %jit3A_520 : f32 to vector<16xf32>
      %broadcast_in_dim3A_523 = vector.broadcast %jit3A_521 : f32 to vector<16xf32>
      %select_n3A_524 = arith.select %eq3A_519, %broadcast_in_dim3A_522, %broadcast_in_dim3A_523 : vector<16xi1>, vector<16xf32>
      %mul3A_525 = arith.constant 16 : i32
      %mul3A_526 = arith.muli %scan3A_473, %mul3A_525 : i32
      %swap3A_527 = arith.constant 0 : i32
      %swap3A_528 = arith.constant 2 : i32
      %swap3A_529 = arith.index_cast %swap3A_527 : i32 to index
      %swap3A_530 = arith.index_cast %swap3A_528 : i32 to index
      %swap3A_531 = arith.index_cast %mul3A_526 : i32 to index
      %swap3A_532 = tpu.vector_load %arg5[%swap3A_529, %swap3A_530, %swap3A_531] {strides = array<i32>} : memref<2x5x4096xf32, #tpu.memory_space<vmem>>, vector<1x1x16xf32>,
      %swap3A_533 = vector.shape_cast %swap3A_532 : vector<1x1x16xf32> to vector<16xf32>
      %swap3A_534 = vector.shape_cast %select_n3A_524 : vector<16xf32> to vector<1x1x16xf32>
      tpu.vector_store %arg5[%swap3A_529, %swap3A_530, %swap3A_531], %swap3A_534 {strides = array<i32>} : memref<2x5x4096xf32, #tpu.memory_space<vmem>>, vector<1x1x16xf32>,
      %eq3A_535 = arith.constant 3 : i32
      %eq3A_536 = vector.broadcast %eq3A_535 : i32 to vector<16xi32>
      %eq3A_537 = arith.cmpi eq, %get3A_480, %eq3A_536 : vector<16xi32>
      %jit3A_538 = arith.constant 1.000000e+00 : f32
      %jit3A_539 = arith.constant 0.000000e+00 : f32
      %broadcast_in_dim3A_540 = vector.broadcast %jit3A_538 : f32 to vector<16xf32>
      %broadcast_in_dim3A_541 = vector.broadcast %jit3A_539 : f32 to vector<16xf32>
      %select_n3A_542 = arith.select %eq3A_537, %broadcast_in_dim3A_540, %broadcast_in_dim3A_541 : vector<16xi1>, vector<16xf32>
      %mul3A_543 = arith.constant 16 : i32
      %mul3A_544 = arith.muli %scan3A_473, %mul3A_543 : i32
      %swap3A_545 = arith.constant 0 : i32
      %swap3A_546 = arith.constant 3 : i32
      %swap3A_547 = arith.index_cast %swap3A_545 : i32 to index
      %swap3A_548 = arith.index_cast %swap3A_546 : i32 to index
      %swap3A_549 = arith.index_cast %mul3A_544 : i32 to index
      %swap3A_550 = tpu.vector_load %arg5[%swap3A_547, %swap3A_548, %swap3A_549] {strides = array<i32>} : memref<2x5x4096xf32, #tpu.memory_space<vmem>>, vector<1x1x16xf32>,
      %swap3A_551 = vector.shape_cast %swap3A_550 : vector<1x1x16xf32> to vector<16xf32>
      %swap3A_552 = vector.shape_cast %select_n3A_542 : vector<16xf32> to vector<1x1x16xf32>
      tpu.vector_store %arg5[%swap3A_547, %swap3A_548, %swap3A_549], %swap3A_552 {strides = array<i32>} : memref<2x5x4096xf32, #tpu.memory_space<vmem>>, vector<1x1x16xf32>,
      %eq3A_553 = arith.constant 4 : i32
      %eq3A_554 = vector.broadcast %eq3A_553 : i32 to vector<16xi32>
      %eq3A_555 = arith.cmpi eq, %get3A_480, %eq3A_554 : vector<16xi32>
      %jit3A_556 = arith.constant 1.000000e+00 : f32
      %jit3A_557 = arith.constant 0.000000e+00 : f32
      %broadcast_in_dim3A_558 = vector.broadcast %jit3A_556 : f32 to vector<16xf32>
      %broadcast_in_dim3A_559 = vector.broadcast %jit3A_557 : f32 to vector<16xf32>
      %select_n3A_560 = arith.select %eq3A_555, %broadcast_in_dim3A_558, %broadcast_in_dim3A_559 : vector<16xi1>, vector<16xf32>
      %mul3A_561 = arith.constant 16 : i32
      %mul3A_562 = arith.muli %scan3A_473, %mul3A_561 : i32
      %swap3A_563 = arith.constant 0 : i32
      %swap3A_564 = arith.constant 4 : i32
      %swap3A_565 = arith.index_cast %swap3A_563 : i32 to index
      %swap3A_566 = arith.index_cast %swap3A_564 : i32 to index
      %swap3A_567 = arith.index_cast %mul3A_562 : i32 to index
      %swap3A_568 = tpu.vector_load %arg5[%swap3A_565, %swap3A_566, %swap3A_567] {strides = array<i32>} : memref<2x5x4096xf32, #tpu.memory_space<vmem>>, vector<1x1x16xf32>,
      %swap3A_569 = vector.shape_cast %swap3A_568 : vector<1x1x16xf32> to vector<16xf32>
      %swap3A_570 = vector.shape_cast %select_n3A_560 : vector<16xf32> to vector<1x1x16xf32>
      tpu.vector_store %arg5[%swap3A_565, %swap3A_566, %swap3A_567], %swap3A_570 {strides = array<i32>} : memref<2x5x4096xf32, #tpu.memory_space<vmem>>, vector<1x1x16xf32>,
      %scan3A_571 = arith.constant 3 : i32
      %scan3A_572 = arith.addi %scan3A_281, %scan3A_571 : i32
      %mul3A_573 = arith.constant 16 : i32
      %mul3A_574 = arith.muli %scan3A_572, %mul3A_573 : i32
      %add3A_575 = arith.constant 16384 : i32
      %add3A_576 = arith.addi %add3A_575, %mul3A_574 : i32
      %get3A_577 = arith.index_cast %add3A_576 : i32 to index
      %get3A_578 = tpu.vector_load %arg4[%get3A_577] {strides = array<i32>} : memref<32768xi32, #tpu.memory_space<vmem>>, vector<16xi32>,
      %get3A_579 = vector.shape_cast %get3A_578 : vector<16xi32> to vector<16xi32>
      %eq3A_580 = arith.constant 0 : i32
      %eq3A_581 = vector.broadcast %eq3A_580 : i32 to vector<16xi32>
      %eq3A_582 = arith.cmpi eq, %get3A_579, %eq3A_581 : vector<16xi32>
      %jit3A_583 = arith.constant 1.000000e+00 : f32
      %jit3A_584 = arith.constant 0.000000e+00 : f32
      %broadcast_in_dim3A_585 = vector.broadcast %jit3A_583 : f32 to vector<16xf32>
      %broadcast_in_dim3A_586 = vector.broadcast %jit3A_584 : f32 to vector<16xf32>
      %select_n3A_587 = arith.select %eq3A_582, %broadcast_in_dim3A_585, %broadcast_in_dim3A_586 : vector<16xi1>, vector<16xf32>
      %mul3A_588 = arith.constant 16 : i32
      %mul3A_589 = arith.muli %scan3A_572, %mul3A_588 : i32
      %swap3A_590 = arith.constant 0 : i32
      %swap3A_591 = arith.constant 0 : i32
      %swap3A_592 = arith.index_cast %swap3A_590 : i32 to index
      %swap3A_593 = arith.index_cast %swap3A_591 : i32 to index
      %swap3A_594 = arith.index_cast %mul3A_589 : i32 to index
      %swap3A_595 = tpu.vector_load %arg5[%swap3A_592, %swap3A_593, %swap3A_594] {strides = array<i32>} : memref<2x5x4096xf32, #tpu.memory_space<vmem>>, vector<1x1x16xf32>,
      %swap3A_596 = vector.shape_cast %swap3A_595 : vector<1x1x16xf32> to vector<16xf32>
      %swap3A_597 = vector.shape_cast %select_n3A_587 : vector<16xf32> to vector<1x1x16xf32>
      tpu.vector_store %arg5[%swap3A_592, %swap3A_593, %swap3A_594], %swap3A_597 {strides = array<i32>} : memref<2x5x4096xf32, #tpu.memory_space<vmem>>, vector<1x1x16xf32>,
      %eq3A_598 = arith.constant 1 : i32
      %eq3A_599 = vector.broadcast %eq3A_598 : i32 to vector<16xi32>
      %eq3A_600 = arith.cmpi eq, %get3A_579, %eq3A_599 : vector<16xi32>
      %jit3A_601 = arith.constant 1.000000e+00 : f32
      %jit3A_602 = arith.constant 0.000000e+00 : f32
      %broadcast_in_dim3A_603 = vector.broadcast %jit3A_601 : f32 to vector<16xf32>
      %broadcast_in_dim3A_604 = vector.broadcast %jit3A_602 : f32 to vector<16xf32>
      %select_n3A_605 = arith.select %eq3A_600, %broadcast_in_dim3A_603, %broadcast_in_dim3A_604 : vector<16xi1>, vector<16xf32>
      %mul3A_606 = arith.constant 16 : i32
      %mul3A_607 = arith.muli %scan3A_572, %mul3A_606 : i32
      %swap3A_608 = arith.constant 0 : i32
      %swap3A_609 = arith.constant 1 : i32
      %swap3A_610 = arith.index_cast %swap3A_608 : i32 to index
      %swap3A_611 = arith.index_cast %swap3A_609 : i32 to index
      %swap3A_612 = arith.index_cast %mul3A_607 : i32 to index
      %swap3A_613 = tpu.vector_load %arg5[%swap3A_610, %swap3A_611, %swap3A_612] {strides = array<i32>} : memref<2x5x4096xf32, #tpu.memory_space<vmem>>, vector<1x1x16xf32>,
      %swap3A_614 = vector.shape_cast %swap3A_613 : vector<1x1x16xf32> to vector<16xf32>
      %swap3A_615 = vector.shape_cast %select_n3A_605 : vector<16xf32> to vector<1x1x16xf32>
      tpu.vector_store %arg5[%swap3A_610, %swap3A_611, %swap3A_612], %swap3A_615 {strides = array<i32>} : memref<2x5x4096xf32, #tpu.memory_space<vmem>>, vector<1x1x16xf32>,
      %eq3A_616 = arith.constant 2 : i32
      %eq3A_617 = vector.broadcast %eq3A_616 : i32 to vector<16xi32>
      %eq3A_618 = arith.cmpi eq, %get3A_579, %eq3A_617 : vector<16xi32>
      %jit3A_619 = arith.constant 1.000000e+00 : f32
      %jit3A_620 = arith.constant 0.000000e+00 : f32
      %broadcast_in_dim3A_621 = vector.broadcast %jit3A_619 : f32 to vector<16xf32>
      %broadcast_in_dim3A_622 = vector.broadcast %jit3A_620 : f32 to vector<16xf32>
      %select_n3A_623 = arith.select %eq3A_618, %broadcast_in_dim3A_621, %broadcast_in_dim3A_622 : vector<16xi1>, vector<16xf32>
      %mul3A_624 = arith.constant 16 : i32
      %mul3A_625 = arith.muli %scan3A_572, %mul3A_624 : i32
      %swap3A_626 = arith.constant 0 : i32
      %swap3A_627 = arith.constant 2 : i32
      %swap3A_628 = arith.index_cast %swap3A_626 : i32 to index
      %swap3A_629 = arith.index_cast %swap3A_627 : i32 to index
      %swap3A_630 = arith.index_cast %mul3A_625 : i32 to index
      %swap3A_631 = tpu.vector_load %arg5[%swap3A_628, %swap3A_629, %swap3A_630] {strides = array<i32>} : memref<2x5x4096xf32, #tpu.memory_space<vmem>>, vector<1x1x16xf32>,
      %swap3A_632 = vector.shape_cast %swap3A_631 : vector<1x1x16xf32> to vector<16xf32>
      %swap3A_633 = vector.shape_cast %select_n3A_623 : vector<16xf32> to vector<1x1x16xf32>
      tpu.vector_store %arg5[%swap3A_628, %swap3A_629, %swap3A_630], %swap3A_633 {strides = array<i32>} : memref<2x5x4096xf32, #tpu.memory_space<vmem>>, vector<1x1x16xf32>,
      %eq3A_634 = arith.constant 3 : i32
      %eq3A_635 = vector.broadcast %eq3A_634 : i32 to vector<16xi32>
      %eq3A_636 = arith.cmpi eq, %get3A_579, %eq3A_635 : vector<16xi32>
      %jit3A_637 = arith.constant 1.000000e+00 : f32
      %jit3A_638 = arith.constant 0.000000e+00 : f32
      %broadcast_in_dim3A_639 = vector.broadcast %jit3A_637 : f32 to vector<16xf32>
      %broadcast_in_dim3A_640 = vector.broadcast %jit3A_638 : f32 to vector<16xf32>
      %select_n3A_641 = arith.select %eq3A_636, %broadcast_in_dim3A_639, %broadcast_in_dim3A_640 : vector<16xi1>, vector<16xf32>
      %mul3A_642 = arith.constant 16 : i32
      %mul3A_643 = arith.muli %scan3A_572, %mul3A_642 : i32
      %swap3A_644 = arith.constant 0 : i32
      %swap3A_645 = arith.constant 3 : i32
      %swap3A_646 = arith.index_cast %swap3A_644 : i32 to index
      %swap3A_647 = arith.index_cast %swap3A_645 : i32 to index
      %swap3A_648 = arith.index_cast %mul3A_643 : i32 to index
      %swap3A_649 = tpu.vector_load %arg5[%swap3A_646, %swap3A_647, %swap3A_648] {strides = array<i32>} : memref<2x5x4096xf32, #tpu.memory_space<vmem>>, vector<1x1x16xf32>,
      %swap3A_650 = vector.shape_cast %swap3A_649 : vector<1x1x16xf32> to vector<16xf32>
      %swap3A_651 = vector.shape_cast %select_n3A_641 : vector<16xf32> to vector<1x1x16xf32>
      tpu.vector_store %arg5[%swap3A_646, %swap3A_647, %swap3A_648], %swap3A_651 {strides = array<i32>} : memref<2x5x4096xf32, #tpu.memory_space<vmem>>, vector<1x1x16xf32>,
      %eq3A_652 = arith.constant 4 : i32
      %eq3A_653 = vector.broadcast %eq3A_652 : i32 to vector<16xi32>
      %eq3A_654 = arith.cmpi eq, %get3A_579, %eq3A_653 : vector<16xi32>
      %jit3A_655 = arith.constant 1.000000e+00 : f32
      %jit3A_656 = arith.constant 0.000000e+00 : f32
      %broadcast_in_dim3A_657 = vector.broadcast %jit3A_655 : f32 to vector<16xf32>
      %broadcast_in_dim3A_658 = vector.broadcast %jit3A_656 : f32 to vector<16xf32>
      %select_n3A_659 = arith.select %eq3A_654, %broadcast_in_dim3A_657, %broadcast_in_dim3A_658 : vector<16xi1>, vector<16xf32>
      %mul3A_660 = arith.constant 16 : i32
      %mul3A_661 = arith.muli %scan3A_572, %mul3A_660 : i32
      %swap3A_662 = arith.constant 0 : i32
      %swap3A_663 = arith.constant 4 : i32
      %swap3A_664 = arith.index_cast %swap3A_662 : i32 to index
      %swap3A_665 = arith.index_cast %swap3A_663 : i32 to index
      %swap3A_666 = arith.index_cast %mul3A_661 : i32 to index
      %swap3A_667 = tpu.vector_load %arg5[%swap3A_664, %swap3A_665, %swap3A_666] {strides = array<i32>} : memref<2x5x4096xf32, #tpu.memory_space<vmem>>, vector<1x1x16xf32>,
      %swap3A_668 = vector.shape_cast %swap3A_667 : vector<1x1x16xf32> to vector<16xf32>
      %swap3A_669 = vector.shape_cast %select_n3A_659 : vector<16xf32> to vector<1x1x16xf32>
      tpu.vector_store %arg5[%swap3A_664, %swap3A_665, %swap3A_666], %swap3A_669 {strides = array<i32>} : memref<2x5x4096xf32, #tpu.memory_space<vmem>>, vector<1x1x16xf32>,
    }
    %scan3A_133 = arith.constant 256 : i32
    %add3A_134 = arith.constant 16384 : i32
    %add3A_135 = arith.addi %multiple_of3A, %add3A_134 : i32
    %multiple_of3A_136 = tpu.assume_multiple %add3A_135, 128 : i32
    %dma_start3A_137 = arith.constant 0 : i32
    %dma_start3A_138 = arith.constant 0 : i32
    %dma_start3A_139 = arith.constant 0 : i32
    %dma_start3A_140 = tpu.memref_slice %arg5[%dma_start3A_137, %dma_start3A_138, %dma_start3A_139] : memref<2x5x4096xf32, #tpu.memory_space<vmem>> -> memref<1x5x4096xf32, #tpu.memory_space<vmem>>
    %dma_start3A_141 = tpu.memref_squeeze %dma_start3A_140 : memref<1x5x4096xf32, #tpu.memory_space<vmem>> -> memref<5x4096xf32, #tpu.memory_space<vmem>>
    %dma_start3A_142 = arith.constant 0 : i32
    %dma_start3A_143 = tpu.memref_slice %arg3[%dma_start3A_142, %multiple_of3A_136] : memref<5x1000000xf32, #tpu.memory_space<hbm>> -> memref<5x4096xf32, #tpu.memory_space<hbm>>
    %dma_start3A_144 = arith.constant 0 : i32
    %dma_start3A_145 = tpu.memref_slice %arg3[%dma_start3A_144, %multiple_of3A_136] : memref<5x1000000xf32, #tpu.memory_space<hbm>> -> memref<5x4096xf32, #tpu.memory_space<hbm>>
    %dma_start3A_146 = arith.constant 0 : i32
    %dma_start3A_147 = arith.constant 0 : i32
    %dma_start3A_148 = tpu.memref_slice %arg5[%dma_start3A_137, %dma_start3A_146, %dma_start3A_147] : memref<2x5x4096xf32, #tpu.memory_space<vmem>> -> memref<1x5x4096xf32, #tpu.memory_space<vmem>>
    %dma_start3A_149 = tpu.memref_squeeze %dma_start3A_148 : memref<1x5x4096xf32, #tpu.memory_space<vmem>> -> memref<5x4096xf32, #tpu.memory_space<vmem>>
    tpu.enqueue_dma source(%dma_start3A_149 : memref<5x4096xf32, #tpu.memory_space<vmem>>) target(%dma_start3A_145 : memref<5x4096xf32, #tpu.memory_space<hbm>>) target_semaphore(%arg6 : memref<!tpu.dma_semaphore, #tpu.memory_space<semaphore_mem>>)
    %dma_wait3A_150 = arith.constant 1 : i32
    %dma_wait3A_151 = arith.constant 0 : i32
    %dma_wait3A_152 = arith.constant 0 : i32
    %dma_wait3A_153 = tpu.memref_slice %arg5[%dma_wait3A_150, %dma_wait3A_151, %dma_wait3A_152] : memref<2x5x4096xf32, #tpu.memory_space<vmem>> -> memref<1x5x4096xf32, #tpu.memory_space<vmem>>
    %dma_wait3A_154 = tpu.memref_squeeze %dma_wait3A_153 : memref<1x5x4096xf32, #tpu.memory_space<vmem>> -> memref<5x4096xf32, #tpu.memory_space<vmem>>
    %dma_wait3A_155 = arith.constant 0 : i32
    %dma_wait3A_156 = tpu.memref_slice %arg3[%dma_wait3A_155, %multiple_of3A_101] : memref<5x1000000xf32, #tpu.memory_space<hbm>> -> memref<5x4096xf32, #tpu.memory_space<hbm>>
    %dma_wait3A_157 = arith.constant 0 : i32
    %dma_wait3A_158 = tpu.memref_slice %arg3[%dma_wait3A_157, %multiple_of3A_101] : memref<5x1000000xf32, #tpu.memory_space<hbm>> -> memref<5x4096xf32, #tpu.memory_space<hbm>>
    %dma_wait3A_159 = arith.constant 0 : i32
    %dma_wait3A_160 = arith.constant 0 : i32
    %dma_wait3A_161 = tpu.memref_slice %arg5[%dma_wait3A_150, %dma_wait3A_159, %dma_wait3A_160] : memref<2x5x4096xf32, #tpu.memory_space<vmem>> -> memref<1x5x4096xf32, #tpu.memory_space<vmem>>
    %dma_wait3A_162 = tpu.memref_squeeze %dma_wait3A_161 : memref<1x5x4096xf32, #tpu.memory_space<vmem>> -> memref<5x4096xf32, #tpu.memory_space<vmem>>
    tpu.wait_dma2 semaphore(%arg7 : memref<!tpu.dma_semaphore, #tpu.memory_space<semaphore_mem>>) src(%dma_wait3A_162 : memref<5x4096xf32, #tpu.memory_space<vmem>>) dst(%dma_wait3A_158 : memref<5x4096xf32, #tpu.memory_space<hbm>>)
    %scan3A_163 = arith.constant 0 : i32
    %scan3A_164 = arith.constant 0 : i32
    %scan3A_165 = arith.constant 256 : i32
    %scan3A_166 = arith.addi %scan3A_164, %scan3A_165 : i32
    %scan3A_167 = arith.constant 4 : i32
    scf.for %scan3A_281 = %scan3A_164 to %scan3A_166 step %scan3A_167  : i32 {
      %mul3A_282 = arith.constant 16 : i32
      %mul3A_283 = arith.muli %scan3A_281, %mul3A_282 : i32
      %add3A_284 = arith.constant 20480 : i32
      %add3A_285 = arith.addi %add3A_284, %mul3A_283 : i32
      %get3A = arith.index_cast %add3A_285 : i32 to index
      %get3A_286 = tpu.vector_load %arg4[%get3A] {strides = array<i32>} : memref<32768xi32, #tpu.memory_space<vmem>>, vector<16xi32>,
      %get3A_287 = vector.shape_cast %get3A_286 : vector<16xi32> to vector<16xi32>
      %eq3A = arith.constant 0 : i32
      %eq3A_288 = vector.broadcast %eq3A : i32 to vector<16xi32>
      %eq3A_289 = arith.cmpi eq, %get3A_287, %eq3A_288 : vector<16xi32>
      %jit3A = arith.constant 1.000000e+00 : f32
      %jit3A_290 = arith.constant 0.000000e+00 : f32
      %broadcast_in_dim3A = vector.broadcast %jit3A : f32 to vector<16xf32>
      %broadcast_in_dim3A_291 = vector.broadcast %jit3A_290 : f32 to vector<16xf32>
      %select_n3A = arith.select %eq3A_289, %broadcast_in_dim3A, %broadcast_in_dim3A_291 : vector<16xi1>, vector<16xf32>
      %mul3A_292 = arith.constant 16 : i32
      %mul3A_293 = arith.muli %scan3A_281, %mul3A_292 : i32
      %swap3A = arith.constant 1 : i32
      %swap3A_294 = arith.constant 0 : i32
      %swap3A_295 = arith.index_cast %swap3A : i32 to index
      %swap3A_296 = arith.index_cast %swap3A_294 : i32 to index
      %swap3A_297 = arith.index_cast %mul3A_293 : i32 to index
      %swap3A_298 = tpu.vector_load %arg5[%swap3A_295, %swap3A_296, %swap3A_297] {strides = array<i32>} : memref<2x5x4096xf32, #tpu.memory_space<vmem>>, vector<1x1x16xf32>,
      %swap3A_299 = vector.shape_cast %swap3A_298 : vector<1x1x16xf32> to vector<16xf32>
      %swap3A_300 = vector.shape_cast %select_n3A : vector<16xf32> to vector<1x1x16xf32>
      tpu.vector_store %arg5[%swap3A_295, %swap3A_296, %swap3A_297], %swap3A_300 {strides = array<i32>} : memref<2x5x4096xf32, #tpu.memory_space<vmem>>, vector<1x1x16xf32>,
      %eq3A_301 = arith.constant 1 : i32
      %eq3A_302 = vector.broadcast %eq3A_301 : i32 to vector<16xi32>
      %eq3A_303 = arith.cmpi eq, %get3A_287, %eq3A_302 : vector<16xi32>
      %jit3A_304 = arith.constant 1.000000e+00 : f32
      %jit3A_305 = arith.constant 0.000000e+00 : f32
      %broadcast_in_dim3A_306 = vector.broadcast %jit3A_304 : f32 to vector<16xf32>
      %broadcast_in_dim3A_307 = vector.broadcast %jit3A_305 : f32 to vector<16xf32>
      %select_n3A_308 = arith.select %eq3A_303, %broadcast_in_dim3A_306, %broadcast_in_dim3A_307 : vector<16xi1>, vector<16xf32>
      %mul3A_309 = arith.constant 16 : i32
      %mul3A_310 = arith.muli %scan3A_281, %mul3A_309 : i32
      %swap3A_311 = arith.constant 1 : i32
      %swap3A_312 = arith.constant 1 : i32
      %swap3A_313 = arith.index_cast %swap3A_311 : i32 to index
      %swap3A_314 = arith.index_cast %swap3A_312 : i32 to index
      %swap3A_315 = arith.index_cast %mul3A_310 : i32 to index
      %swap3A_316 = tpu.vector_load %arg5[%swap3A_313, %swap3A_314, %swap3A_315] {strides = array<i32>} : memref<2x5x4096xf32, #tpu.memory_space<vmem>>, vector<1x1x16xf32>,
      %swap3A_317 = vector.shape_cast %swap3A_316 : vector<1x1x16xf32> to vector<16xf32>
      %swap3A_318 = vector.shape_cast %select_n3A_308 : vector<16xf32> to vector<1x1x16xf32>
      tpu.vector_store %arg5[%swap3A_313, %swap3A_314, %swap3A_315], %swap3A_318 {strides = array<i32>} : memref<2x5x4096xf32, #tpu.memory_space<vmem>>, vector<1x1x16xf32>,
      %eq3A_319 = arith.constant 2 : i32
      %eq3A_320 = vector.broadcast %eq3A_319 : i32 to vector<16xi32>
      %eq3A_321 = arith.cmpi eq, %get3A_287, %eq3A_320 : vector<16xi32>
      %jit3A_322 = arith.constant 1.000000e+00 : f32
      %jit3A_323 = arith.constant 0.000000e+00 : f32
      %broadcast_in_dim3A_324 = vector.broadcast %jit3A_322 : f32 to vector<16xf32>
      %broadcast_in_dim3A_325 = vector.broadcast %jit3A_323 : f32 to vector<16xf32>
      %select_n3A_326 = arith.select %eq3A_321, %broadcast_in_dim3A_324, %broadcast_in_dim3A_325 : vector<16xi1>, vector<16xf32>
      %mul3A_327 = arith.constant 16 : i32
      %mul3A_328 = arith.muli %scan3A_281, %mul3A_327 : i32
      %swap3A_329 = arith.constant 1 : i32
      %swap3A_330 = arith.constant 2 : i32
      %swap3A_331 = arith.index_cast %swap3A_329 : i32 to index
      %swap3A_332 = arith.index_cast %swap3A_330 : i32 to index
      %swap3A_333 = arith.index_cast %mul3A_328 : i32 to index
      %swap3A_334 = tpu.vector_load %arg5[%swap3A_331, %swap3A_332, %swap3A_333] {strides = array<i32>} : memref<2x5x4096xf32, #tpu.memory_space<vmem>>, vector<1x1x16xf32>,
      %swap3A_335 = vector.shape_cast %swap3A_334 : vector<1x1x16xf32> to vector<16xf32>
      %swap3A_336 = vector.shape_cast %select_n3A_326 : vector<16xf32> to vector<1x1x16xf32>
      tpu.vector_store %arg5[%swap3A_331, %swap3A_332, %swap3A_333], %swap3A_336 {strides = array<i32>} : memref<2x5x4096xf32, #tpu.memory_space<vmem>>, vector<1x1x16xf32>,
      %eq3A_337 = arith.constant 3 : i32
      %eq3A_338 = vector.broadcast %eq3A_337 : i32 to vector<16xi32>
      %eq3A_339 = arith.cmpi eq, %get3A_287, %eq3A_338 : vector<16xi32>
      %jit3A_340 = arith.constant 1.000000e+00 : f32
      %jit3A_341 = arith.constant 0.000000e+00 : f32
      %broadcast_in_dim3A_342 = vector.broadcast %jit3A_340 : f32 to vector<16xf32>
      %broadcast_in_dim3A_343 = vector.broadcast %jit3A_341 : f32 to vector<16xf32>
      %select_n3A_344 = arith.select %eq3A_339, %broadcast_in_dim3A_342, %broadcast_in_dim3A_343 : vector<16xi1>, vector<16xf32>
      %mul3A_345 = arith.constant 16 : i32
      %mul3A_346 = arith.muli %scan3A_281, %mul3A_345 : i32
      %swap3A_347 = arith.constant 1 : i32
      %swap3A_348 = arith.constant 3 : i32
      %swap3A_349 = arith.index_cast %swap3A_347 : i32 to index
      %swap3A_350 = arith.index_cast %swap3A_348 : i32 to index
      %swap3A_351 = arith.index_cast %mul3A_346 : i32 to index
      %swap3A_352 = tpu.vector_load %arg5[%swap3A_349, %swap3A_350, %swap3A_351] {strides = array<i32>} : memref<2x5x4096xf32, #tpu.memory_space<vmem>>, vector<1x1x16xf32>,
      %swap3A_353 = vector.shape_cast %swap3A_352 : vector<1x1x16xf32> to vector<16xf32>
      %swap3A_354 = vector.shape_cast %select_n3A_344 : vector<16xf32> to vector<1x1x16xf32>
      tpu.vector_store %arg5[%swap3A_349, %swap3A_350, %swap3A_351], %swap3A_354 {strides = array<i32>} : memref<2x5x4096xf32, #tpu.memory_space<vmem>>, vector<1x1x16xf32>,
      %eq3A_355 = arith.constant 4 : i32
      %eq3A_356 = vector.broadcast %eq3A_355 : i32 to vector<16xi32>
      %eq3A_357 = arith.cmpi eq, %get3A_287, %eq3A_356 : vector<16xi32>
      %jit3A_358 = arith.constant 1.000000e+00 : f32
      %jit3A_359 = arith.constant 0.000000e+00 : f32
      %broadcast_in_dim3A_360 = vector.broadcast %jit3A_358 : f32 to vector<16xf32>
      %broadcast_in_dim3A_361 = vector.broadcast %jit3A_359 : f32 to vector<16xf32>
      %select_n3A_362 = arith.select %eq3A_357, %broadcast_in_dim3A_360, %broadcast_in_dim3A_361 : vector<16xi1>, vector<16xf32>
      %mul3A_363 = arith.constant 16 : i32
      %mul3A_364 = arith.muli %scan3A_281, %mul3A_363 : i32
      %swap3A_365 = arith.constant 1 : i32
      %swap3A_366 = arith.constant 4 : i32
      %swap3A_367 = arith.index_cast %swap3A_365 : i32 to index
      %swap3A_368 = arith.index_cast %swap3A_366 : i32 to index
      %swap3A_369 = arith.index_cast %mul3A_364 : i32 to index
      %swap3A_370 = tpu.vector_load %arg5[%swap3A_367, %swap3A_368, %swap3A_369] {strides = array<i32>} : memref<2x5x4096xf32, #tpu.memory_space<vmem>>, vector<1x1x16xf32>,
      %swap3A_371 = vector.shape_cast %swap3A_370 : vector<1x1x16xf32> to vector<16xf32>
      %swap3A_372 = vector.shape_cast %select_n3A_362 : vector<16xf32> to vector<1x1x16xf32>
      tpu.vector_store %arg5[%swap3A_367, %swap3A_368, %swap3A_369], %swap3A_372 {strides = array<i32>} : memref<2x5x4096xf32, #tpu.memory_space<vmem>>, vector<1x1x16xf32>,
      %scan3A_373 = arith.constant 1 : i32
      %scan3A_374 = arith.addi %scan3A_281, %scan3A_373 : i32
      %mul3A_375 = arith.constant 16 : i32
      %mul3A_376 = arith.muli %scan3A_374, %mul3A_375 : i32
      %add3A_377 = arith.constant 20480 : i32
      %add3A_378 = arith.addi %add3A_377, %mul3A_376 : i32
      %get3A_379 = arith.index_cast %add3A_378 : i32 to index
      %get3A_380 = tpu.vector_load %arg4[%get3A_379] {strides = array<i32>} : memref<32768xi32, #tpu.memory_space<vmem>>, vector<16xi32>,
      %get3A_381 = vector.shape_cast %get3A_380 : vector<16xi32> to vector<16xi32>
      %eq3A_382 = arith.constant 0 : i32
      %eq3A_383 = vector.broadcast %eq3A_382 : i32 to vector<16xi32>
      %eq3A_384 = arith.cmpi eq, %get3A_381, %eq3A_383 : vector<16xi32>
      %jit3A_385 = arith.constant 1.000000e+00 : f32
      %jit3A_386 = arith.constant 0.000000e+00 : f32
      %broadcast_in_dim3A_387 = vector.broadcast %jit3A_385 : f32 to vector<16xf32>
      %broadcast_in_dim3A_388 = vector.broadcast %jit3A_386 : f32 to vector<16xf32>
      %select_n3A_389 = arith.select %eq3A_384, %broadcast_in_dim3A_387, %broadcast_in_dim3A_388 : vector<16xi1>, vector<16xf32>
      %mul3A_390 = arith.constant 16 : i32
      %mul3A_391 = arith.muli %scan3A_374, %mul3A_390 : i32
      %swap3A_392 = arith.constant 1 : i32
      %swap3A_393 = arith.constant 0 : i32
      %swap3A_394 = arith.index_cast %swap3A_392 : i32 to index
      %swap3A_395 = arith.index_cast %swap3A_393 : i32 to index
      %swap3A_396 = arith.index_cast %mul3A_391 : i32 to index
      %swap3A_397 = tpu.vector_load %arg5[%swap3A_394, %swap3A_395, %swap3A_396] {strides = array<i32>} : memref<2x5x4096xf32, #tpu.memory_space<vmem>>, vector<1x1x16xf32>,
      %swap3A_398 = vector.shape_cast %swap3A_397 : vector<1x1x16xf32> to vector<16xf32>
      %swap3A_399 = vector.shape_cast %select_n3A_389 : vector<16xf32> to vector<1x1x16xf32>
      tpu.vector_store %arg5[%swap3A_394, %swap3A_395, %swap3A_396], %swap3A_399 {strides = array<i32>} : memref<2x5x4096xf32, #tpu.memory_space<vmem>>, vector<1x1x16xf32>,
      %eq3A_400 = arith.constant 1 : i32
      %eq3A_401 = vector.broadcast %eq3A_400 : i32 to vector<16xi32>
      %eq3A_402 = arith.cmpi eq, %get3A_381, %eq3A_401 : vector<16xi32>
      %jit3A_403 = arith.constant 1.000000e+00 : f32
      %jit3A_404 = arith.constant 0.000000e+00 : f32
      %broadcast_in_dim3A_405 = vector.broadcast %jit3A_403 : f32 to vector<16xf32>
      %broadcast_in_dim3A_406 = vector.broadcast %jit3A_404 : f32 to vector<16xf32>
      %select_n3A_407 = arith.select %eq3A_402, %broadcast_in_dim3A_405, %broadcast_in_dim3A_406 : vector<16xi1>, vector<16xf32>
      %mul3A_408 = arith.constant 16 : i32
      %mul3A_409 = arith.muli %scan3A_374, %mul3A_408 : i32
      %swap3A_410 = arith.constant 1 : i32
      %swap3A_411 = arith.constant 1 : i32
      %swap3A_412 = arith.index_cast %swap3A_410 : i32 to index
      %swap3A_413 = arith.index_cast %swap3A_411 : i32 to index
      %swap3A_414 = arith.index_cast %mul3A_409 : i32 to index
      %swap3A_415 = tpu.vector_load %arg5[%swap3A_412, %swap3A_413, %swap3A_414] {strides = array<i32>} : memref<2x5x4096xf32, #tpu.memory_space<vmem>>, vector<1x1x16xf32>,
      %swap3A_416 = vector.shape_cast %swap3A_415 : vector<1x1x16xf32> to vector<16xf32>
      %swap3A_417 = vector.shape_cast %select_n3A_407 : vector<16xf32> to vector<1x1x16xf32>
      tpu.vector_store %arg5[%swap3A_412, %swap3A_413, %swap3A_414], %swap3A_417 {strides = array<i32>} : memref<2x5x4096xf32, #tpu.memory_space<vmem>>, vector<1x1x16xf32>,
      %eq3A_418 = arith.constant 2 : i32
      %eq3A_419 = vector.broadcast %eq3A_418 : i32 to vector<16xi32>
      %eq3A_420 = arith.cmpi eq, %get3A_381, %eq3A_419 : vector<16xi32>
      %jit3A_421 = arith.constant 1.000000e+00 : f32
      %jit3A_422 = arith.constant 0.000000e+00 : f32
      %broadcast_in_dim3A_423 = vector.broadcast %jit3A_421 : f32 to vector<16xf32>
      %broadcast_in_dim3A_424 = vector.broadcast %jit3A_422 : f32 to vector<16xf32>
      %select_n3A_425 = arith.select %eq3A_420, %broadcast_in_dim3A_423, %broadcast_in_dim3A_424 : vector<16xi1>, vector<16xf32>
      %mul3A_426 = arith.constant 16 : i32
      %mul3A_427 = arith.muli %scan3A_374, %mul3A_426 : i32
      %swap3A_428 = arith.constant 1 : i32
      %swap3A_429 = arith.constant 2 : i32
      %swap3A_430 = arith.index_cast %swap3A_428 : i32 to index
      %swap3A_431 = arith.index_cast %swap3A_429 : i32 to index
      %swap3A_432 = arith.index_cast %mul3A_427 : i32 to index
      %swap3A_433 = tpu.vector_load %arg5[%swap3A_430, %swap3A_431, %swap3A_432] {strides = array<i32>} : memref<2x5x4096xf32, #tpu.memory_space<vmem>>, vector<1x1x16xf32>,
      %swap3A_434 = vector.shape_cast %swap3A_433 : vector<1x1x16xf32> to vector<16xf32>
      %swap3A_435 = vector.shape_cast %select_n3A_425 : vector<16xf32> to vector<1x1x16xf32>
      tpu.vector_store %arg5[%swap3A_430, %swap3A_431, %swap3A_432], %swap3A_435 {strides = array<i32>} : memref<2x5x4096xf32, #tpu.memory_space<vmem>>, vector<1x1x16xf32>,
      %eq3A_436 = arith.constant 3 : i32
      %eq3A_437 = vector.broadcast %eq3A_436 : i32 to vector<16xi32>
      %eq3A_438 = arith.cmpi eq, %get3A_381, %eq3A_437 : vector<16xi32>
      %jit3A_439 = arith.constant 1.000000e+00 : f32
      %jit3A_440 = arith.constant 0.000000e+00 : f32
      %broadcast_in_dim3A_441 = vector.broadcast %jit3A_439 : f32 to vector<16xf32>
      %broadcast_in_dim3A_442 = vector.broadcast %jit3A_440 : f32 to vector<16xf32>
      %select_n3A_443 = arith.select %eq3A_438, %broadcast_in_dim3A_441, %broadcast_in_dim3A_442 : vector<16xi1>, vector<16xf32>
      %mul3A_444 = arith.constant 16 : i32
      %mul3A_445 = arith.muli %scan3A_374, %mul3A_444 : i32
      %swap3A_446 = arith.constant 1 : i32
      %swap3A_447 = arith.constant 3 : i32
      %swap3A_448 = arith.index_cast %swap3A_446 : i32 to index
      %swap3A_449 = arith.index_cast %swap3A_447 : i32 to index
      %swap3A_450 = arith.index_cast %mul3A_445 : i32 to index
      %swap3A_451 = tpu.vector_load %arg5[%swap3A_448, %swap3A_449, %swap3A_450] {strides = array<i32>} : memref<2x5x4096xf32, #tpu.memory_space<vmem>>, vector<1x1x16xf32>,
      %swap3A_452 = vector.shape_cast %swap3A_451 : vector<1x1x16xf32> to vector<16xf32>
      %swap3A_453 = vector.shape_cast %select_n3A_443 : vector<16xf32> to vector<1x1x16xf32>
      tpu.vector_store %arg5[%swap3A_448, %swap3A_449, %swap3A_450], %swap3A_453 {strides = array<i32>} : memref<2x5x4096xf32, #tpu.memory_space<vmem>>, vector<1x1x16xf32>,
      %eq3A_454 = arith.constant 4 : i32
      %eq3A_455 = vector.broadcast %eq3A_454 : i32 to vector<16xi32>
      %eq3A_456 = arith.cmpi eq, %get3A_381, %eq3A_455 : vector<16xi32>
      %jit3A_457 = arith.constant 1.000000e+00 : f32
      %jit3A_458 = arith.constant 0.000000e+00 : f32
      %broadcast_in_dim3A_459 = vector.broadcast %jit3A_457 : f32 to vector<16xf32>
      %broadcast_in_dim3A_460 = vector.broadcast %jit3A_458 : f32 to vector<16xf32>
      %select_n3A_461 = arith.select %eq3A_456, %broadcast_in_dim3A_459, %broadcast_in_dim3A_460 : vector<16xi1>, vector<16xf32>
      %mul3A_462 = arith.constant 16 : i32
      %mul3A_463 = arith.muli %scan3A_374, %mul3A_462 : i32
      %swap3A_464 = arith.constant 1 : i32
      %swap3A_465 = arith.constant 4 : i32
      %swap3A_466 = arith.index_cast %swap3A_464 : i32 to index
      %swap3A_467 = arith.index_cast %swap3A_465 : i32 to index
      %swap3A_468 = arith.index_cast %mul3A_463 : i32 to index
      %swap3A_469 = tpu.vector_load %arg5[%swap3A_466, %swap3A_467, %swap3A_468] {strides = array<i32>} : memref<2x5x4096xf32, #tpu.memory_space<vmem>>, vector<1x1x16xf32>,
      %swap3A_470 = vector.shape_cast %swap3A_469 : vector<1x1x16xf32> to vector<16xf32>
      %swap3A_471 = vector.shape_cast %select_n3A_461 : vector<16xf32> to vector<1x1x16xf32>
      tpu.vector_store %arg5[%swap3A_466, %swap3A_467, %swap3A_468], %swap3A_471 {strides = array<i32>} : memref<2x5x4096xf32, #tpu.memory_space<vmem>>, vector<1x1x16xf32>,
      %scan3A_472 = arith.constant 2 : i32
      %scan3A_473 = arith.addi %scan3A_281, %scan3A_472 : i32
      %mul3A_474 = arith.constant 16 : i32
      %mul3A_475 = arith.muli %scan3A_473, %mul3A_474 : i32
      %add3A_476 = arith.constant 20480 : i32
      %add3A_477 = arith.addi %add3A_476, %mul3A_475 : i32
      %get3A_478 = arith.index_cast %add3A_477 : i32 to index
      %get3A_479 = tpu.vector_load %arg4[%get3A_478] {strides = array<i32>} : memref<32768xi32, #tpu.memory_space<vmem>>, vector<16xi32>,
      %get3A_480 = vector.shape_cast %get3A_479 : vector<16xi32> to vector<16xi32>
      %eq3A_481 = arith.constant 0 : i32
      %eq3A_482 = vector.broadcast %eq3A_481 : i32 to vector<16xi32>
      %eq3A_483 = arith.cmpi eq, %get3A_480, %eq3A_482 : vector<16xi32>
      %jit3A_484 = arith.constant 1.000000e+00 : f32
      %jit3A_485 = arith.constant 0.000000e+00 : f32
      %broadcast_in_dim3A_486 = vector.broadcast %jit3A_484 : f32 to vector<16xf32>
      %broadcast_in_dim3A_487 = vector.broadcast %jit3A_485 : f32 to vector<16xf32>
      %select_n3A_488 = arith.select %eq3A_483, %broadcast_in_dim3A_486, %broadcast_in_dim3A_487 : vector<16xi1>, vector<16xf32>
      %mul3A_489 = arith.constant 16 : i32
      %mul3A_490 = arith.muli %scan3A_473, %mul3A_489 : i32
      %swap3A_491 = arith.constant 1 : i32
      %swap3A_492 = arith.constant 0 : i32
      %swap3A_493 = arith.index_cast %swap3A_491 : i32 to index
      %swap3A_494 = arith.index_cast %swap3A_492 : i32 to index
      %swap3A_495 = arith.index_cast %mul3A_490 : i32 to index
      %swap3A_496 = tpu.vector_load %arg5[%swap3A_493, %swap3A_494, %swap3A_495] {strides = array<i32>} : memref<2x5x4096xf32, #tpu.memory_space<vmem>>, vector<1x1x16xf32>,
      %swap3A_497 = vector.shape_cast %swap3A_496 : vector<1x1x16xf32> to vector<16xf32>
      %swap3A_498 = vector.shape_cast %select_n3A_488 : vector<16xf32> to vector<1x1x16xf32>
      tpu.vector_store %arg5[%swap3A_493, %swap3A_494, %swap3A_495], %swap3A_498 {strides = array<i32>} : memref<2x5x4096xf32, #tpu.memory_space<vmem>>, vector<1x1x16xf32>,
      %eq3A_499 = arith.constant 1 : i32
      %eq3A_500 = vector.broadcast %eq3A_499 : i32 to vector<16xi32>
      %eq3A_501 = arith.cmpi eq, %get3A_480, %eq3A_500 : vector<16xi32>
      %jit3A_502 = arith.constant 1.000000e+00 : f32
      %jit3A_503 = arith.constant 0.000000e+00 : f32
      %broadcast_in_dim3A_504 = vector.broadcast %jit3A_502 : f32 to vector<16xf32>
      %broadcast_in_dim3A_505 = vector.broadcast %jit3A_503 : f32 to vector<16xf32>
      %select_n3A_506 = arith.select %eq3A_501, %broadcast_in_dim3A_504, %broadcast_in_dim3A_505 : vector<16xi1>, vector<16xf32>
      %mul3A_507 = arith.constant 16 : i32
      %mul3A_508 = arith.muli %scan3A_473, %mul3A_507 : i32
      %swap3A_509 = arith.constant 1 : i32
      %swap3A_510 = arith.constant 1 : i32
      %swap3A_511 = arith.index_cast %swap3A_509 : i32 to index
      %swap3A_512 = arith.index_cast %swap3A_510 : i32 to index
      %swap3A_513 = arith.index_cast %mul3A_508 : i32 to index
      %swap3A_514 = tpu.vector_load %arg5[%swap3A_511, %swap3A_512, %swap3A_513] {strides = array<i32>} : memref<2x5x4096xf32, #tpu.memory_space<vmem>>, vector<1x1x16xf32>,
      %swap3A_515 = vector.shape_cast %swap3A_514 : vector<1x1x16xf32> to vector<16xf32>
      %swap3A_516 = vector.shape_cast %select_n3A_506 : vector<16xf32> to vector<1x1x16xf32>
      tpu.vector_store %arg5[%swap3A_511, %swap3A_512, %swap3A_513], %swap3A_516 {strides = array<i32>} : memref<2x5x4096xf32, #tpu.memory_space<vmem>>, vector<1x1x16xf32>,
      %eq3A_517 = arith.constant 2 : i32
      %eq3A_518 = vector.broadcast %eq3A_517 : i32 to vector<16xi32>
      %eq3A_519 = arith.cmpi eq, %get3A_480, %eq3A_518 : vector<16xi32>
      %jit3A_520 = arith.constant 1.000000e+00 : f32
      %jit3A_521 = arith.constant 0.000000e+00 : f32
      %broadcast_in_dim3A_522 = vector.broadcast %jit3A_520 : f32 to vector<16xf32>
      %broadcast_in_dim3A_523 = vector.broadcast %jit3A_521 : f32 to vector<16xf32>
      %select_n3A_524 = arith.select %eq3A_519, %broadcast_in_dim3A_522, %broadcast_in_dim3A_523 : vector<16xi1>, vector<16xf32>
      %mul3A_525 = arith.constant 16 : i32
      %mul3A_526 = arith.muli %scan3A_473, %mul3A_525 : i32
      %swap3A_527 = arith.constant 1 : i32
      %swap3A_528 = arith.constant 2 : i32
      %swap3A_529 = arith.index_cast %swap3A_527 : i32 to index
      %swap3A_530 = arith.index_cast %swap3A_528 : i32 to index
      %swap3A_531 = arith.index_cast %mul3A_526 : i32 to index
      %swap3A_532 = tpu.vector_load %arg5[%swap3A_529, %swap3A_530, %swap3A_531] {strides = array<i32>} : memref<2x5x4096xf32, #tpu.memory_space<vmem>>, vector<1x1x16xf32>,
      %swap3A_533 = vector.shape_cast %swap3A_532 : vector<1x1x16xf32> to vector<16xf32>
      %swap3A_534 = vector.shape_cast %select_n3A_524 : vector<16xf32> to vector<1x1x16xf32>
      tpu.vector_store %arg5[%swap3A_529, %swap3A_530, %swap3A_531], %swap3A_534 {strides = array<i32>} : memref<2x5x4096xf32, #tpu.memory_space<vmem>>, vector<1x1x16xf32>,
      %eq3A_535 = arith.constant 3 : i32
      %eq3A_536 = vector.broadcast %eq3A_535 : i32 to vector<16xi32>
      %eq3A_537 = arith.cmpi eq, %get3A_480, %eq3A_536 : vector<16xi32>
      %jit3A_538 = arith.constant 1.000000e+00 : f32
      %jit3A_539 = arith.constant 0.000000e+00 : f32
      %broadcast_in_dim3A_540 = vector.broadcast %jit3A_538 : f32 to vector<16xf32>
      %broadcast_in_dim3A_541 = vector.broadcast %jit3A_539 : f32 to vector<16xf32>
      %select_n3A_542 = arith.select %eq3A_537, %broadcast_in_dim3A_540, %broadcast_in_dim3A_541 : vector<16xi1>, vector<16xf32>
      %mul3A_543 = arith.constant 16 : i32
      %mul3A_544 = arith.muli %scan3A_473, %mul3A_543 : i32
      %swap3A_545 = arith.constant 1 : i32
      %swap3A_546 = arith.constant 3 : i32
      %swap3A_547 = arith.index_cast %swap3A_545 : i32 to index
      %swap3A_548 = arith.index_cast %swap3A_546 : i32 to index
      %swap3A_549 = arith.index_cast %mul3A_544 : i32 to index
      %swap3A_550 = tpu.vector_load %arg5[%swap3A_547, %swap3A_548, %swap3A_549] {strides = array<i32>} : memref<2x5x4096xf32, #tpu.memory_space<vmem>>, vector<1x1x16xf32>,
      %swap3A_551 = vector.shape_cast %swap3A_550 : vector<1x1x16xf32> to vector<16xf32>
      %swap3A_552 = vector.shape_cast %select_n3A_542 : vector<16xf32> to vector<1x1x16xf32>
      tpu.vector_store %arg5[%swap3A_547, %swap3A_548, %swap3A_549], %swap3A_552 {strides = array<i32>} : memref<2x5x4096xf32, #tpu.memory_space<vmem>>, vector<1x1x16xf32>,
      %eq3A_553 = arith.constant 4 : i32
      %eq3A_554 = vector.broadcast %eq3A_553 : i32 to vector<16xi32>
      %eq3A_555 = arith.cmpi eq, %get3A_480, %eq3A_554 : vector<16xi32>
      %jit3A_556 = arith.constant 1.000000e+00 : f32
      %jit3A_557 = arith.constant 0.000000e+00 : f32
      %broadcast_in_dim3A_558 = vector.broadcast %jit3A_556 : f32 to vector<16xf32>
      %broadcast_in_dim3A_559 = vector.broadcast %jit3A_557 : f32 to vector<16xf32>
      %select_n3A_560 = arith.select %eq3A_555, %broadcast_in_dim3A_558, %broadcast_in_dim3A_559 : vector<16xi1>, vector<16xf32>
      %mul3A_561 = arith.constant 16 : i32
      %mul3A_562 = arith.muli %scan3A_473, %mul3A_561 : i32
      %swap3A_563 = arith.constant 1 : i32
      %swap3A_564 = arith.constant 4 : i32
      %swap3A_565 = arith.index_cast %swap3A_563 : i32 to index
      %swap3A_566 = arith.index_cast %swap3A_564 : i32 to index
      %swap3A_567 = arith.index_cast %mul3A_562 : i32 to index
      %swap3A_568 = tpu.vector_load %arg5[%swap3A_565, %swap3A_566, %swap3A_567] {strides = array<i32>} : memref<2x5x4096xf32, #tpu.memory_space<vmem>>, vector<1x1x16xf32>,
      %swap3A_569 = vector.shape_cast %swap3A_568 : vector<1x1x16xf32> to vector<16xf32>
      %swap3A_570 = vector.shape_cast %select_n3A_560 : vector<16xf32> to vector<1x1x16xf32>
      tpu.vector_store %arg5[%swap3A_565, %swap3A_566, %swap3A_567], %swap3A_570 {strides = array<i32>} : memref<2x5x4096xf32, #tpu.memory_space<vmem>>, vector<1x1x16xf32>,
      %scan3A_571 = arith.constant 3 : i32
      %scan3A_572 = arith.addi %scan3A_281, %scan3A_571 : i32
      %mul3A_573 = arith.constant 16 : i32
      %mul3A_574 = arith.muli %scan3A_572, %mul3A_573 : i32
      %add3A_575 = arith.constant 20480 : i32
      %add3A_576 = arith.addi %add3A_575, %mul3A_574 : i32
      %get3A_577 = arith.index_cast %add3A_576 : i32 to index
      %get3A_578 = tpu.vector_load %arg4[%get3A_577] {strides = array<i32>} : memref<32768xi32, #tpu.memory_space<vmem>>, vector<16xi32>,
      %get3A_579 = vector.shape_cast %get3A_578 : vector<16xi32> to vector<16xi32>
      %eq3A_580 = arith.constant 0 : i32
      %eq3A_581 = vector.broadcast %eq3A_580 : i32 to vector<16xi32>
      %eq3A_582 = arith.cmpi eq, %get3A_579, %eq3A_581 : vector<16xi32>
      %jit3A_583 = arith.constant 1.000000e+00 : f32
      %jit3A_584 = arith.constant 0.000000e+00 : f32
      %broadcast_in_dim3A_585 = vector.broadcast %jit3A_583 : f32 to vector<16xf32>
      %broadcast_in_dim3A_586 = vector.broadcast %jit3A_584 : f32 to vector<16xf32>
      %select_n3A_587 = arith.select %eq3A_582, %broadcast_in_dim3A_585, %broadcast_in_dim3A_586 : vector<16xi1>, vector<16xf32>
      %mul3A_588 = arith.constant 16 : i32
      %mul3A_589 = arith.muli %scan3A_572, %mul3A_588 : i32
      %swap3A_590 = arith.constant 1 : i32
      %swap3A_591 = arith.constant 0 : i32
      %swap3A_592 = arith.index_cast %swap3A_590 : i32 to index
      %swap3A_593 = arith.index_cast %swap3A_591 : i32 to index
      %swap3A_594 = arith.index_cast %mul3A_589 : i32 to index
      %swap3A_595 = tpu.vector_load %arg5[%swap3A_592, %swap3A_593, %swap3A_594] {strides = array<i32>} : memref<2x5x4096xf32, #tpu.memory_space<vmem>>, vector<1x1x16xf32>,
      %swap3A_596 = vector.shape_cast %swap3A_595 : vector<1x1x16xf32> to vector<16xf32>
      %swap3A_597 = vector.shape_cast %select_n3A_587 : vector<16xf32> to vector<1x1x16xf32>
      tpu.vector_store %arg5[%swap3A_592, %swap3A_593, %swap3A_594], %swap3A_597 {strides = array<i32>} : memref<2x5x4096xf32, #tpu.memory_space<vmem>>, vector<1x1x16xf32>,
      %eq3A_598 = arith.constant 1 : i32
      %eq3A_599 = vector.broadcast %eq3A_598 : i32 to vector<16xi32>
      %eq3A_600 = arith.cmpi eq, %get3A_579, %eq3A_599 : vector<16xi32>
      %jit3A_601 = arith.constant 1.000000e+00 : f32
      %jit3A_602 = arith.constant 0.000000e+00 : f32
      %broadcast_in_dim3A_603 = vector.broadcast %jit3A_601 : f32 to vector<16xf32>
      %broadcast_in_dim3A_604 = vector.broadcast %jit3A_602 : f32 to vector<16xf32>
      %select_n3A_605 = arith.select %eq3A_600, %broadcast_in_dim3A_603, %broadcast_in_dim3A_604 : vector<16xi1>, vector<16xf32>
      %mul3A_606 = arith.constant 16 : i32
      %mul3A_607 = arith.muli %scan3A_572, %mul3A_606 : i32
      %swap3A_608 = arith.constant 1 : i32
      %swap3A_609 = arith.constant 1 : i32
      %swap3A_610 = arith.index_cast %swap3A_608 : i32 to index
      %swap3A_611 = arith.index_cast %swap3A_609 : i32 to index
      %swap3A_612 = arith.index_cast %mul3A_607 : i32 to index
      %swap3A_613 = tpu.vector_load %arg5[%swap3A_610, %swap3A_611, %swap3A_612] {strides = array<i32>} : memref<2x5x4096xf32, #tpu.memory_space<vmem>>, vector<1x1x16xf32>,
      %swap3A_614 = vector.shape_cast %swap3A_613 : vector<1x1x16xf32> to vector<16xf32>
      %swap3A_615 = vector.shape_cast %select_n3A_605 : vector<16xf32> to vector<1x1x16xf32>
      tpu.vector_store %arg5[%swap3A_610, %swap3A_611, %swap3A_612], %swap3A_615 {strides = array<i32>} : memref<2x5x4096xf32, #tpu.memory_space<vmem>>, vector<1x1x16xf32>,
      %eq3A_616 = arith.constant 2 : i32
      %eq3A_617 = vector.broadcast %eq3A_616 : i32 to vector<16xi32>
      %eq3A_618 = arith.cmpi eq, %get3A_579, %eq3A_617 : vector<16xi32>
      %jit3A_619 = arith.constant 1.000000e+00 : f32
      %jit3A_620 = arith.constant 0.000000e+00 : f32
      %broadcast_in_dim3A_621 = vector.broadcast %jit3A_619 : f32 to vector<16xf32>
      %broadcast_in_dim3A_622 = vector.broadcast %jit3A_620 : f32 to vector<16xf32>
      %select_n3A_623 = arith.select %eq3A_618, %broadcast_in_dim3A_621, %broadcast_in_dim3A_622 : vector<16xi1>, vector<16xf32>
      %mul3A_624 = arith.constant 16 : i32
      %mul3A_625 = arith.muli %scan3A_572, %mul3A_624 : i32
      %swap3A_626 = arith.constant 1 : i32
      %swap3A_627 = arith.constant 2 : i32
      %swap3A_628 = arith.index_cast %swap3A_626 : i32 to index
      %swap3A_629 = arith.index_cast %swap3A_627 : i32 to index
      %swap3A_630 = arith.index_cast %mul3A_625 : i32 to index
      %swap3A_631 = tpu.vector_load %arg5[%swap3A_628, %swap3A_629, %swap3A_630] {strides = array<i32>} : memref<2x5x4096xf32, #tpu.memory_space<vmem>>, vector<1x1x16xf32>,
      %swap3A_632 = vector.shape_cast %swap3A_631 : vector<1x1x16xf32> to vector<16xf32>
      %swap3A_633 = vector.shape_cast %select_n3A_623 : vector<16xf32> to vector<1x1x16xf32>
      tpu.vector_store %arg5[%swap3A_628, %swap3A_629, %swap3A_630], %swap3A_633 {strides = array<i32>} : memref<2x5x4096xf32, #tpu.memory_space<vmem>>, vector<1x1x16xf32>,
      %eq3A_634 = arith.constant 3 : i32
      %eq3A_635 = vector.broadcast %eq3A_634 : i32 to vector<16xi32>
      %eq3A_636 = arith.cmpi eq, %get3A_579, %eq3A_635 : vector<16xi32>
      %jit3A_637 = arith.constant 1.000000e+00 : f32
      %jit3A_638 = arith.constant 0.000000e+00 : f32
      %broadcast_in_dim3A_639 = vector.broadcast %jit3A_637 : f32 to vector<16xf32>
      %broadcast_in_dim3A_640 = vector.broadcast %jit3A_638 : f32 to vector<16xf32>
      %select_n3A_641 = arith.select %eq3A_636, %broadcast_in_dim3A_639, %broadcast_in_dim3A_640 : vector<16xi1>, vector<16xf32>
      %mul3A_642 = arith.constant 16 : i32
      %mul3A_643 = arith.muli %scan3A_572, %mul3A_642 : i32
      %swap3A_644 = arith.constant 1 : i32
      %swap3A_645 = arith.constant 3 : i32
      %swap3A_646 = arith.index_cast %swap3A_644 : i32 to index
      %swap3A_647 = arith.index_cast %swap3A_645 : i32 to index
      %swap3A_648 = arith.index_cast %mul3A_643 : i32 to index
      %swap3A_649 = tpu.vector_load %arg5[%swap3A_646, %swap3A_647, %swap3A_648] {strides = array<i32>} : memref<2x5x4096xf32, #tpu.memory_space<vmem>>, vector<1x1x16xf32>,
      %swap3A_650 = vector.shape_cast %swap3A_649 : vector<1x1x16xf32> to vector<16xf32>
      %swap3A_651 = vector.shape_cast %select_n3A_641 : vector<16xf32> to vector<1x1x16xf32>
      tpu.vector_store %arg5[%swap3A_646, %swap3A_647, %swap3A_648], %swap3A_651 {strides = array<i32>} : memref<2x5x4096xf32, #tpu.memory_space<vmem>>, vector<1x1x16xf32>,
      %eq3A_652 = arith.constant 4 : i32
      %eq3A_653 = vector.broadcast %eq3A_652 : i32 to vector<16xi32>
      %eq3A_654 = arith.cmpi eq, %get3A_579, %eq3A_653 : vector<16xi32>
      %jit3A_655 = arith.constant 1.000000e+00 : f32
      %jit3A_656 = arith.constant 0.000000e+00 : f32
      %broadcast_in_dim3A_657 = vector.broadcast %jit3A_655 : f32 to vector<16xf32>
      %broadcast_in_dim3A_658 = vector.broadcast %jit3A_656 : f32 to vector<16xf32>
      %select_n3A_659 = arith.select %eq3A_654, %broadcast_in_dim3A_657, %broadcast_in_dim3A_658 : vector<16xi1>, vector<16xf32>
      %mul3A_660 = arith.constant 16 : i32
      %mul3A_661 = arith.muli %scan3A_572, %mul3A_660 : i32
      %swap3A_662 = arith.constant 1 : i32
      %swap3A_663 = arith.constant 4 : i32
      %swap3A_664 = arith.index_cast %swap3A_662 : i32 to index
      %swap3A_665 = arith.index_cast %swap3A_663 : i32 to index
      %swap3A_666 = arith.index_cast %mul3A_661 : i32 to index
      %swap3A_667 = tpu.vector_load %arg5[%swap3A_664, %swap3A_665, %swap3A_666] {strides = array<i32>} : memref<2x5x4096xf32, #tpu.memory_space<vmem>>, vector<1x1x16xf32>,
      %swap3A_668 = vector.shape_cast %swap3A_667 : vector<1x1x16xf32> to vector<16xf32>
      %swap3A_669 = vector.shape_cast %select_n3A_659 : vector<16xf32> to vector<1x1x16xf32>
      tpu.vector_store %arg5[%swap3A_664, %swap3A_665, %swap3A_666], %swap3A_669 {strides = array<i32>} : memref<2x5x4096xf32, #tpu.memory_space<vmem>>, vector<1x1x16xf32>,
    }
    %scan3A_168 = arith.constant 256 : i32
    %add3A_169 = arith.constant 20480 : i32
    %add3A_170 = arith.addi %multiple_of3A, %add3A_169 : i32
    %multiple_of3A_171 = tpu.assume_multiple %add3A_170, 128 : i32
    %dma_start3A_172 = arith.constant 1 : i32
    %dma_start3A_173 = arith.constant 0 : i32
    %dma_start3A_174 = arith.constant 0 : i32
    %dma_start3A_175 = tpu.memref_slice %arg5[%dma_start3A_172, %dma_start3A_173, %dma_start3A_174] : memref<2x5x4096xf32, #tpu.memory_space<vmem>> -> memref<1x5x4096xf32, #tpu.memory_space<vmem>>
    %dma_start3A_176 = tpu.memref_squeeze %dma_start3A_175 : memref<1x5x4096xf32, #tpu.memory_space<vmem>> -> memref<5x4096xf32, #tpu.memory_space<vmem>>
    %dma_start3A_177 = arith.constant 0 : i32
    %dma_start3A_178 = tpu.memref_slice %arg3[%dma_start3A_177, %multiple_of3A_171] : memref<5x1000000xf32, #tpu.memory_space<hbm>> -> memref<5x4096xf32, #tpu.memory_space<hbm>>
    %dma_start3A_179 = arith.constant 0 : i32
    %dma_start3A_180 = tpu.memref_slice %arg3[%dma_start3A_179, %multiple_of3A_171] : memref<5x1000000xf32, #tpu.memory_space<hbm>> -> memref<5x4096xf32, #tpu.memory_space<hbm>>
    %dma_start3A_181 = arith.constant 0 : i32
    %dma_start3A_182 = arith.constant 0 : i32
    %dma_start3A_183 = tpu.memref_slice %arg5[%dma_start3A_172, %dma_start3A_181, %dma_start3A_182] : memref<2x5x4096xf32, #tpu.memory_space<vmem>> -> memref<1x5x4096xf32, #tpu.memory_space<vmem>>
    %dma_start3A_184 = tpu.memref_squeeze %dma_start3A_183 : memref<1x5x4096xf32, #tpu.memory_space<vmem>> -> memref<5x4096xf32, #tpu.memory_space<vmem>>
    tpu.enqueue_dma source(%dma_start3A_184 : memref<5x4096xf32, #tpu.memory_space<vmem>>) target(%dma_start3A_180 : memref<5x4096xf32, #tpu.memory_space<hbm>>) target_semaphore(%arg7 : memref<!tpu.dma_semaphore, #tpu.memory_space<semaphore_mem>>)
    %dma_wait3A_185 = arith.constant 0 : i32
    %dma_wait3A_186 = arith.constant 0 : i32
    %dma_wait3A_187 = arith.constant 0 : i32
    %dma_wait3A_188 = tpu.memref_slice %arg5[%dma_wait3A_185, %dma_wait3A_186, %dma_wait3A_187] : memref<2x5x4096xf32, #tpu.memory_space<vmem>> -> memref<1x5x4096xf32, #tpu.memory_space<vmem>>
    %dma_wait3A_189 = tpu.memref_squeeze %dma_wait3A_188 : memref<1x5x4096xf32, #tpu.memory_space<vmem>> -> memref<5x4096xf32, #tpu.memory_space<vmem>>
    %dma_wait3A_190 = arith.constant 0 : i32
    %dma_wait3A_191 = tpu.memref_slice %arg3[%dma_wait3A_190, %multiple_of3A_136] : memref<5x1000000xf32, #tpu.memory_space<hbm>> -> memref<5x4096xf32, #tpu.memory_space<hbm>>
    %dma_wait3A_192 = arith.constant 0 : i32
    %dma_wait3A_193 = tpu.memref_slice %arg3[%dma_wait3A_192, %multiple_of3A_136] : memref<5x1000000xf32, #tpu.memory_space<hbm>> -> memref<5x4096xf32, #tpu.memory_space<hbm>>
    %dma_wait3A_194 = arith.constant 0 : i32
    %dma_wait3A_195 = arith.constant 0 : i32
    %dma_wait3A_196 = tpu.memref_slice %arg5[%dma_wait3A_185, %dma_wait3A_194, %dma_wait3A_195] : memref<2x5x4096xf32, #tpu.memory_space<vmem>> -> memref<1x5x4096xf32, #tpu.memory_space<vmem>>
    %dma_wait3A_197 = tpu.memref_squeeze %dma_wait3A_196 : memref<1x5x4096xf32, #tpu.memory_space<vmem>> -> memref<5x4096xf32, #tpu.memory_space<vmem>>
    tpu.wait_dma2 semaphore(%arg6 : memref<!tpu.dma_semaphore, #tpu.memory_space<semaphore_mem>>) src(%dma_wait3A_197 : memref<5x4096xf32, #tpu.memory_space<vmem>>) dst(%dma_wait3A_193 : memref<5x4096xf32, #tpu.memory_space<hbm>>)
    %scan3A_198 = arith.constant 0 : i32
    %scan3A_199 = arith.constant 0 : i32
    %scan3A_200 = arith.constant 256 : i32
    %scan3A_201 = arith.addi %scan3A_199, %scan3A_200 : i32
    %scan3A_202 = arith.constant 4 : i32
    scf.for %scan3A_281 = %scan3A_199 to %scan3A_201 step %scan3A_202  : i32 {
      %mul3A_282 = arith.constant 16 : i32
      %mul3A_283 = arith.muli %scan3A_281, %mul3A_282 : i32
      %add3A_284 = arith.constant 24576 : i32
      %add3A_285 = arith.addi %add3A_284, %mul3A_283 : i32
      %get3A = arith.index_cast %add3A_285 : i32 to index
      %get3A_286 = tpu.vector_load %arg4[%get3A] {strides = array<i32>} : memref<32768xi32, #tpu.memory_space<vmem>>, vector<16xi32>,
      %get3A_287 = vector.shape_cast %get3A_286 : vector<16xi32> to vector<16xi32>
      %eq3A = arith.constant 0 : i32
      %eq3A_288 = vector.broadcast %eq3A : i32 to vector<16xi32>
      %eq3A_289 = arith.cmpi eq, %get3A_287, %eq3A_288 : vector<16xi32>
      %jit3A = arith.constant 1.000000e+00 : f32
      %jit3A_290 = arith.constant 0.000000e+00 : f32
      %broadcast_in_dim3A = vector.broadcast %jit3A : f32 to vector<16xf32>
      %broadcast_in_dim3A_291 = vector.broadcast %jit3A_290 : f32 to vector<16xf32>
      %select_n3A = arith.select %eq3A_289, %broadcast_in_dim3A, %broadcast_in_dim3A_291 : vector<16xi1>, vector<16xf32>
      %mul3A_292 = arith.constant 16 : i32
      %mul3A_293 = arith.muli %scan3A_281, %mul3A_292 : i32
      %swap3A = arith.constant 0 : i32
      %swap3A_294 = arith.constant 0 : i32
      %swap3A_295 = arith.index_cast %swap3A : i32 to index
      %swap3A_296 = arith.index_cast %swap3A_294 : i32 to index
      %swap3A_297 = arith.index_cast %mul3A_293 : i32 to index
      %swap3A_298 = tpu.vector_load %arg5[%swap3A_295, %swap3A_296, %swap3A_297] {strides = array<i32>} : memref<2x5x4096xf32, #tpu.memory_space<vmem>>, vector<1x1x16xf32>,
      %swap3A_299 = vector.shape_cast %swap3A_298 : vector<1x1x16xf32> to vector<16xf32>
      %swap3A_300 = vector.shape_cast %select_n3A : vector<16xf32> to vector<1x1x16xf32>
      tpu.vector_store %arg5[%swap3A_295, %swap3A_296, %swap3A_297], %swap3A_300 {strides = array<i32>} : memref<2x5x4096xf32, #tpu.memory_space<vmem>>, vector<1x1x16xf32>,
      %eq3A_301 = arith.constant 1 : i32
      %eq3A_302 = vector.broadcast %eq3A_301 : i32 to vector<16xi32>
      %eq3A_303 = arith.cmpi eq, %get3A_287, %eq3A_302 : vector<16xi32>
      %jit3A_304 = arith.constant 1.000000e+00 : f32
      %jit3A_305 = arith.constant 0.000000e+00 : f32
      %broadcast_in_dim3A_306 = vector.broadcast %jit3A_304 : f32 to vector<16xf32>
      %broadcast_in_dim3A_307 = vector.broadcast %jit3A_305 : f32 to vector<16xf32>
      %select_n3A_308 = arith.select %eq3A_303, %broadcast_in_dim3A_306, %broadcast_in_dim3A_307 : vector<16xi1>, vector<16xf32>
      %mul3A_309 = arith.constant 16 : i32
      %mul3A_310 = arith.muli %scan3A_281, %mul3A_309 : i32
      %swap3A_311 = arith.constant 0 : i32
      %swap3A_312 = arith.constant 1 : i32
      %swap3A_313 = arith.index_cast %swap3A_311 : i32 to index
      %swap3A_314 = arith.index_cast %swap3A_312 : i32 to index
      %swap3A_315 = arith.index_cast %mul3A_310 : i32 to index
      %swap3A_316 = tpu.vector_load %arg5[%swap3A_313, %swap3A_314, %swap3A_315] {strides = array<i32>} : memref<2x5x4096xf32, #tpu.memory_space<vmem>>, vector<1x1x16xf32>,
      %swap3A_317 = vector.shape_cast %swap3A_316 : vector<1x1x16xf32> to vector<16xf32>
      %swap3A_318 = vector.shape_cast %select_n3A_308 : vector<16xf32> to vector<1x1x16xf32>
      tpu.vector_store %arg5[%swap3A_313, %swap3A_314, %swap3A_315], %swap3A_318 {strides = array<i32>} : memref<2x5x4096xf32, #tpu.memory_space<vmem>>, vector<1x1x16xf32>,
      %eq3A_319 = arith.constant 2 : i32
      %eq3A_320 = vector.broadcast %eq3A_319 : i32 to vector<16xi32>
      %eq3A_321 = arith.cmpi eq, %get3A_287, %eq3A_320 : vector<16xi32>
      %jit3A_322 = arith.constant 1.000000e+00 : f32
      %jit3A_323 = arith.constant 0.000000e+00 : f32
      %broadcast_in_dim3A_324 = vector.broadcast %jit3A_322 : f32 to vector<16xf32>
      %broadcast_in_dim3A_325 = vector.broadcast %jit3A_323 : f32 to vector<16xf32>
      %select_n3A_326 = arith.select %eq3A_321, %broadcast_in_dim3A_324, %broadcast_in_dim3A_325 : vector<16xi1>, vector<16xf32>
      %mul3A_327 = arith.constant 16 : i32
      %mul3A_328 = arith.muli %scan3A_281, %mul3A_327 : i32
      %swap3A_329 = arith.constant 0 : i32
      %swap3A_330 = arith.constant 2 : i32
      %swap3A_331 = arith.index_cast %swap3A_329 : i32 to index
      %swap3A_332 = arith.index_cast %swap3A_330 : i32 to index
      %swap3A_333 = arith.index_cast %mul3A_328 : i32 to index
      %swap3A_334 = tpu.vector_load %arg5[%swap3A_331, %swap3A_332, %swap3A_333] {strides = array<i32>} : memref<2x5x4096xf32, #tpu.memory_space<vmem>>, vector<1x1x16xf32>,
      %swap3A_335 = vector.shape_cast %swap3A_334 : vector<1x1x16xf32> to vector<16xf32>
      %swap3A_336 = vector.shape_cast %select_n3A_326 : vector<16xf32> to vector<1x1x16xf32>
      tpu.vector_store %arg5[%swap3A_331, %swap3A_332, %swap3A_333], %swap3A_336 {strides = array<i32>} : memref<2x5x4096xf32, #tpu.memory_space<vmem>>, vector<1x1x16xf32>,
      %eq3A_337 = arith.constant 3 : i32
      %eq3A_338 = vector.broadcast %eq3A_337 : i32 to vector<16xi32>
      %eq3A_339 = arith.cmpi eq, %get3A_287, %eq3A_338 : vector<16xi32>
      %jit3A_340 = arith.constant 1.000000e+00 : f32
      %jit3A_341 = arith.constant 0.000000e+00 : f32
      %broadcast_in_dim3A_342 = vector.broadcast %jit3A_340 : f32 to vector<16xf32>
      %broadcast_in_dim3A_343 = vector.broadcast %jit3A_341 : f32 to vector<16xf32>
      %select_n3A_344 = arith.select %eq3A_339, %broadcast_in_dim3A_342, %broadcast_in_dim3A_343 : vector<16xi1>, vector<16xf32>
      %mul3A_345 = arith.constant 16 : i32
      %mul3A_346 = arith.muli %scan3A_281, %mul3A_345 : i32
      %swap3A_347 = arith.constant 0 : i32
      %swap3A_348 = arith.constant 3 : i32
      %swap3A_349 = arith.index_cast %swap3A_347 : i32 to index
      %swap3A_350 = arith.index_cast %swap3A_348 : i32 to index
      %swap3A_351 = arith.index_cast %mul3A_346 : i32 to index
      %swap3A_352 = tpu.vector_load %arg5[%swap3A_349, %swap3A_350, %swap3A_351] {strides = array<i32>} : memref<2x5x4096xf32, #tpu.memory_space<vmem>>, vector<1x1x16xf32>,
      %swap3A_353 = vector.shape_cast %swap3A_352 : vector<1x1x16xf32> to vector<16xf32>
      %swap3A_354 = vector.shape_cast %select_n3A_344 : vector<16xf32> to vector<1x1x16xf32>
      tpu.vector_store %arg5[%swap3A_349, %swap3A_350, %swap3A_351], %swap3A_354 {strides = array<i32>} : memref<2x5x4096xf32, #tpu.memory_space<vmem>>, vector<1x1x16xf32>,
      %eq3A_355 = arith.constant 4 : i32
      %eq3A_356 = vector.broadcast %eq3A_355 : i32 to vector<16xi32>
      %eq3A_357 = arith.cmpi eq, %get3A_287, %eq3A_356 : vector<16xi32>
      %jit3A_358 = arith.constant 1.000000e+00 : f32
      %jit3A_359 = arith.constant 0.000000e+00 : f32
      %broadcast_in_dim3A_360 = vector.broadcast %jit3A_358 : f32 to vector<16xf32>
      %broadcast_in_dim3A_361 = vector.broadcast %jit3A_359 : f32 to vector<16xf32>
      %select_n3A_362 = arith.select %eq3A_357, %broadcast_in_dim3A_360, %broadcast_in_dim3A_361 : vector<16xi1>, vector<16xf32>
      %mul3A_363 = arith.constant 16 : i32
      %mul3A_364 = arith.muli %scan3A_281, %mul3A_363 : i32
      %swap3A_365 = arith.constant 0 : i32
      %swap3A_366 = arith.constant 4 : i32
      %swap3A_367 = arith.index_cast %swap3A_365 : i32 to index
      %swap3A_368 = arith.index_cast %swap3A_366 : i32 to index
      %swap3A_369 = arith.index_cast %mul3A_364 : i32 to index
      %swap3A_370 = tpu.vector_load %arg5[%swap3A_367, %swap3A_368, %swap3A_369] {strides = array<i32>} : memref<2x5x4096xf32, #tpu.memory_space<vmem>>, vector<1x1x16xf32>,
      %swap3A_371 = vector.shape_cast %swap3A_370 : vector<1x1x16xf32> to vector<16xf32>
      %swap3A_372 = vector.shape_cast %select_n3A_362 : vector<16xf32> to vector<1x1x16xf32>
      tpu.vector_store %arg5[%swap3A_367, %swap3A_368, %swap3A_369], %swap3A_372 {strides = array<i32>} : memref<2x5x4096xf32, #tpu.memory_space<vmem>>, vector<1x1x16xf32>,
      %scan3A_373 = arith.constant 1 : i32
      %scan3A_374 = arith.addi %scan3A_281, %scan3A_373 : i32
      %mul3A_375 = arith.constant 16 : i32
      %mul3A_376 = arith.muli %scan3A_374, %mul3A_375 : i32
      %add3A_377 = arith.constant 24576 : i32
      %add3A_378 = arith.addi %add3A_377, %mul3A_376 : i32
      %get3A_379 = arith.index_cast %add3A_378 : i32 to index
      %get3A_380 = tpu.vector_load %arg4[%get3A_379] {strides = array<i32>} : memref<32768xi32, #tpu.memory_space<vmem>>, vector<16xi32>,
      %get3A_381 = vector.shape_cast %get3A_380 : vector<16xi32> to vector<16xi32>
      %eq3A_382 = arith.constant 0 : i32
      %eq3A_383 = vector.broadcast %eq3A_382 : i32 to vector<16xi32>
      %eq3A_384 = arith.cmpi eq, %get3A_381, %eq3A_383 : vector<16xi32>
      %jit3A_385 = arith.constant 1.000000e+00 : f32
      %jit3A_386 = arith.constant 0.000000e+00 : f32
      %broadcast_in_dim3A_387 = vector.broadcast %jit3A_385 : f32 to vector<16xf32>
      %broadcast_in_dim3A_388 = vector.broadcast %jit3A_386 : f32 to vector<16xf32>
      %select_n3A_389 = arith.select %eq3A_384, %broadcast_in_dim3A_387, %broadcast_in_dim3A_388 : vector<16xi1>, vector<16xf32>
      %mul3A_390 = arith.constant 16 : i32
      %mul3A_391 = arith.muli %scan3A_374, %mul3A_390 : i32
      %swap3A_392 = arith.constant 0 : i32
      %swap3A_393 = arith.constant 0 : i32
      %swap3A_394 = arith.index_cast %swap3A_392 : i32 to index
      %swap3A_395 = arith.index_cast %swap3A_393 : i32 to index
      %swap3A_396 = arith.index_cast %mul3A_391 : i32 to index
      %swap3A_397 = tpu.vector_load %arg5[%swap3A_394, %swap3A_395, %swap3A_396] {strides = array<i32>} : memref<2x5x4096xf32, #tpu.memory_space<vmem>>, vector<1x1x16xf32>,
      %swap3A_398 = vector.shape_cast %swap3A_397 : vector<1x1x16xf32> to vector<16xf32>
      %swap3A_399 = vector.shape_cast %select_n3A_389 : vector<16xf32> to vector<1x1x16xf32>
      tpu.vector_store %arg5[%swap3A_394, %swap3A_395, %swap3A_396], %swap3A_399 {strides = array<i32>} : memref<2x5x4096xf32, #tpu.memory_space<vmem>>, vector<1x1x16xf32>,
      %eq3A_400 = arith.constant 1 : i32
      %eq3A_401 = vector.broadcast %eq3A_400 : i32 to vector<16xi32>
      %eq3A_402 = arith.cmpi eq, %get3A_381, %eq3A_401 : vector<16xi32>
      %jit3A_403 = arith.constant 1.000000e+00 : f32
      %jit3A_404 = arith.constant 0.000000e+00 : f32
      %broadcast_in_dim3A_405 = vector.broadcast %jit3A_403 : f32 to vector<16xf32>
      %broadcast_in_dim3A_406 = vector.broadcast %jit3A_404 : f32 to vector<16xf32>
      %select_n3A_407 = arith.select %eq3A_402, %broadcast_in_dim3A_405, %broadcast_in_dim3A_406 : vector<16xi1>, vector<16xf32>
      %mul3A_408 = arith.constant 16 : i32
      %mul3A_409 = arith.muli %scan3A_374, %mul3A_408 : i32
      %swap3A_410 = arith.constant 0 : i32
      %swap3A_411 = arith.constant 1 : i32
      %swap3A_412 = arith.index_cast %swap3A_410 : i32 to index
      %swap3A_413 = arith.index_cast %swap3A_411 : i32 to index
      %swap3A_414 = arith.index_cast %mul3A_409 : i32 to index
      %swap3A_415 = tpu.vector_load %arg5[%swap3A_412, %swap3A_413, %swap3A_414] {strides = array<i32>} : memref<2x5x4096xf32, #tpu.memory_space<vmem>>, vector<1x1x16xf32>,
      %swap3A_416 = vector.shape_cast %swap3A_415 : vector<1x1x16xf32> to vector<16xf32>
      %swap3A_417 = vector.shape_cast %select_n3A_407 : vector<16xf32> to vector<1x1x16xf32>
      tpu.vector_store %arg5[%swap3A_412, %swap3A_413, %swap3A_414], %swap3A_417 {strides = array<i32>} : memref<2x5x4096xf32, #tpu.memory_space<vmem>>, vector<1x1x16xf32>,
      %eq3A_418 = arith.constant 2 : i32
      %eq3A_419 = vector.broadcast %eq3A_418 : i32 to vector<16xi32>
      %eq3A_420 = arith.cmpi eq, %get3A_381, %eq3A_419 : vector<16xi32>
      %jit3A_421 = arith.constant 1.000000e+00 : f32
      %jit3A_422 = arith.constant 0.000000e+00 : f32
      %broadcast_in_dim3A_423 = vector.broadcast %jit3A_421 : f32 to vector<16xf32>
      %broadcast_in_dim3A_424 = vector.broadcast %jit3A_422 : f32 to vector<16xf32>
      %select_n3A_425 = arith.select %eq3A_420, %broadcast_in_dim3A_423, %broadcast_in_dim3A_424 : vector<16xi1>, vector<16xf32>
      %mul3A_426 = arith.constant 16 : i32
      %mul3A_427 = arith.muli %scan3A_374, %mul3A_426 : i32
      %swap3A_428 = arith.constant 0 : i32
      %swap3A_429 = arith.constant 2 : i32
      %swap3A_430 = arith.index_cast %swap3A_428 : i32 to index
      %swap3A_431 = arith.index_cast %swap3A_429 : i32 to index
      %swap3A_432 = arith.index_cast %mul3A_427 : i32 to index
      %swap3A_433 = tpu.vector_load %arg5[%swap3A_430, %swap3A_431, %swap3A_432] {strides = array<i32>} : memref<2x5x4096xf32, #tpu.memory_space<vmem>>, vector<1x1x16xf32>,
      %swap3A_434 = vector.shape_cast %swap3A_433 : vector<1x1x16xf32> to vector<16xf32>
      %swap3A_435 = vector.shape_cast %select_n3A_425 : vector<16xf32> to vector<1x1x16xf32>
      tpu.vector_store %arg5[%swap3A_430, %swap3A_431, %swap3A_432], %swap3A_435 {strides = array<i32>} : memref<2x5x4096xf32, #tpu.memory_space<vmem>>, vector<1x1x16xf32>,
      %eq3A_436 = arith.constant 3 : i32
      %eq3A_437 = vector.broadcast %eq3A_436 : i32 to vector<16xi32>
      %eq3A_438 = arith.cmpi eq, %get3A_381, %eq3A_437 : vector<16xi32>
      %jit3A_439 = arith.constant 1.000000e+00 : f32
      %jit3A_440 = arith.constant 0.000000e+00 : f32
      %broadcast_in_dim3A_441 = vector.broadcast %jit3A_439 : f32 to vector<16xf32>
      %broadcast_in_dim3A_442 = vector.broadcast %jit3A_440 : f32 to vector<16xf32>
      %select_n3A_443 = arith.select %eq3A_438, %broadcast_in_dim3A_441, %broadcast_in_dim3A_442 : vector<16xi1>, vector<16xf32>
      %mul3A_444 = arith.constant 16 : i32
      %mul3A_445 = arith.muli %scan3A_374, %mul3A_444 : i32
      %swap3A_446 = arith.constant 0 : i32
      %swap3A_447 = arith.constant 3 : i32
      %swap3A_448 = arith.index_cast %swap3A_446 : i32 to index
      %swap3A_449 = arith.index_cast %swap3A_447 : i32 to index
      %swap3A_450 = arith.index_cast %mul3A_445 : i32 to index
      %swap3A_451 = tpu.vector_load %arg5[%swap3A_448, %swap3A_449, %swap3A_450] {strides = array<i32>} : memref<2x5x4096xf32, #tpu.memory_space<vmem>>, vector<1x1x16xf32>,
      %swap3A_452 = vector.shape_cast %swap3A_451 : vector<1x1x16xf32> to vector<16xf32>
      %swap3A_453 = vector.shape_cast %select_n3A_443 : vector<16xf32> to vector<1x1x16xf32>
      tpu.vector_store %arg5[%swap3A_448, %swap3A_449, %swap3A_450], %swap3A_453 {strides = array<i32>} : memref<2x5x4096xf32, #tpu.memory_space<vmem>>, vector<1x1x16xf32>,
      %eq3A_454 = arith.constant 4 : i32
      %eq3A_455 = vector.broadcast %eq3A_454 : i32 to vector<16xi32>
      %eq3A_456 = arith.cmpi eq, %get3A_381, %eq3A_455 : vector<16xi32>
      %jit3A_457 = arith.constant 1.000000e+00 : f32
      %jit3A_458 = arith.constant 0.000000e+00 : f32
      %broadcast_in_dim3A_459 = vector.broadcast %jit3A_457 : f32 to vector<16xf32>
      %broadcast_in_dim3A_460 = vector.broadcast %jit3A_458 : f32 to vector<16xf32>
      %select_n3A_461 = arith.select %eq3A_456, %broadcast_in_dim3A_459, %broadcast_in_dim3A_460 : vector<16xi1>, vector<16xf32>
      %mul3A_462 = arith.constant 16 : i32
      %mul3A_463 = arith.muli %scan3A_374, %mul3A_462 : i32
      %swap3A_464 = arith.constant 0 : i32
      %swap3A_465 = arith.constant 4 : i32
      %swap3A_466 = arith.index_cast %swap3A_464 : i32 to index
      %swap3A_467 = arith.index_cast %swap3A_465 : i32 to index
      %swap3A_468 = arith.index_cast %mul3A_463 : i32 to index
      %swap3A_469 = tpu.vector_load %arg5[%swap3A_466, %swap3A_467, %swap3A_468] {strides = array<i32>} : memref<2x5x4096xf32, #tpu.memory_space<vmem>>, vector<1x1x16xf32>,
      %swap3A_470 = vector.shape_cast %swap3A_469 : vector<1x1x16xf32> to vector<16xf32>
      %swap3A_471 = vector.shape_cast %select_n3A_461 : vector<16xf32> to vector<1x1x16xf32>
      tpu.vector_store %arg5[%swap3A_466, %swap3A_467, %swap3A_468], %swap3A_471 {strides = array<i32>} : memref<2x5x4096xf32, #tpu.memory_space<vmem>>, vector<1x1x16xf32>,
      %scan3A_472 = arith.constant 2 : i32
      %scan3A_473 = arith.addi %scan3A_281, %scan3A_472 : i32
      %mul3A_474 = arith.constant 16 : i32
      %mul3A_475 = arith.muli %scan3A_473, %mul3A_474 : i32
      %add3A_476 = arith.constant 24576 : i32
      %add3A_477 = arith.addi %add3A_476, %mul3A_475 : i32
      %get3A_478 = arith.index_cast %add3A_477 : i32 to index
      %get3A_479 = tpu.vector_load %arg4[%get3A_478] {strides = array<i32>} : memref<32768xi32, #tpu.memory_space<vmem>>, vector<16xi32>,
      %get3A_480 = vector.shape_cast %get3A_479 : vector<16xi32> to vector<16xi32>
      %eq3A_481 = arith.constant 0 : i32
      %eq3A_482 = vector.broadcast %eq3A_481 : i32 to vector<16xi32>
      %eq3A_483 = arith.cmpi eq, %get3A_480, %eq3A_482 : vector<16xi32>
      %jit3A_484 = arith.constant 1.000000e+00 : f32
      %jit3A_485 = arith.constant 0.000000e+00 : f32
      %broadcast_in_dim3A_486 = vector.broadcast %jit3A_484 : f32 to vector<16xf32>
      %broadcast_in_dim3A_487 = vector.broadcast %jit3A_485 : f32 to vector<16xf32>
      %select_n3A_488 = arith.select %eq3A_483, %broadcast_in_dim3A_486, %broadcast_in_dim3A_487 : vector<16xi1>, vector<16xf32>
      %mul3A_489 = arith.constant 16 : i32
      %mul3A_490 = arith.muli %scan3A_473, %mul3A_489 : i32
      %swap3A_491 = arith.constant 0 : i32
      %swap3A_492 = arith.constant 0 : i32
      %swap3A_493 = arith.index_cast %swap3A_491 : i32 to index
      %swap3A_494 = arith.index_cast %swap3A_492 : i32 to index
      %swap3A_495 = arith.index_cast %mul3A_490 : i32 to index
      %swap3A_496 = tpu.vector_load %arg5[%swap3A_493, %swap3A_494, %swap3A_495] {strides = array<i32>} : memref<2x5x4096xf32, #tpu.memory_space<vmem>>, vector<1x1x16xf32>,
      %swap3A_497 = vector.shape_cast %swap3A_496 : vector<1x1x16xf32> to vector<16xf32>
      %swap3A_498 = vector.shape_cast %select_n3A_488 : vector<16xf32> to vector<1x1x16xf32>
      tpu.vector_store %arg5[%swap3A_493, %swap3A_494, %swap3A_495], %swap3A_498 {strides = array<i32>} : memref<2x5x4096xf32, #tpu.memory_space<vmem>>, vector<1x1x16xf32>,
      %eq3A_499 = arith.constant 1 : i32
      %eq3A_500 = vector.broadcast %eq3A_499 : i32 to vector<16xi32>
      %eq3A_501 = arith.cmpi eq, %get3A_480, %eq3A_500 : vector<16xi32>
      %jit3A_502 = arith.constant 1.000000e+00 : f32
      %jit3A_503 = arith.constant 0.000000e+00 : f32
      %broadcast_in_dim3A_504 = vector.broadcast %jit3A_502 : f32 to vector<16xf32>
      %broadcast_in_dim3A_505 = vector.broadcast %jit3A_503 : f32 to vector<16xf32>
      %select_n3A_506 = arith.select %eq3A_501, %broadcast_in_dim3A_504, %broadcast_in_dim3A_505 : vector<16xi1>, vector<16xf32>
      %mul3A_507 = arith.constant 16 : i32
      %mul3A_508 = arith.muli %scan3A_473, %mul3A_507 : i32
      %swap3A_509 = arith.constant 0 : i32
      %swap3A_510 = arith.constant 1 : i32
      %swap3A_511 = arith.index_cast %swap3A_509 : i32 to index
      %swap3A_512 = arith.index_cast %swap3A_510 : i32 to index
      %swap3A_513 = arith.index_cast %mul3A_508 : i32 to index
      %swap3A_514 = tpu.vector_load %arg5[%swap3A_511, %swap3A_512, %swap3A_513] {strides = array<i32>} : memref<2x5x4096xf32, #tpu.memory_space<vmem>>, vector<1x1x16xf32>,
      %swap3A_515 = vector.shape_cast %swap3A_514 : vector<1x1x16xf32> to vector<16xf32>
      %swap3A_516 = vector.shape_cast %select_n3A_506 : vector<16xf32> to vector<1x1x16xf32>
      tpu.vector_store %arg5[%swap3A_511, %swap3A_512, %swap3A_513], %swap3A_516 {strides = array<i32>} : memref<2x5x4096xf32, #tpu.memory_space<vmem>>, vector<1x1x16xf32>,
      %eq3A_517 = arith.constant 2 : i32
      %eq3A_518 = vector.broadcast %eq3A_517 : i32 to vector<16xi32>
      %eq3A_519 = arith.cmpi eq, %get3A_480, %eq3A_518 : vector<16xi32>
      %jit3A_520 = arith.constant 1.000000e+00 : f32
      %jit3A_521 = arith.constant 0.000000e+00 : f32
      %broadcast_in_dim3A_522 = vector.broadcast %jit3A_520 : f32 to vector<16xf32>
      %broadcast_in_dim3A_523 = vector.broadcast %jit3A_521 : f32 to vector<16xf32>
      %select_n3A_524 = arith.select %eq3A_519, %broadcast_in_dim3A_522, %broadcast_in_dim3A_523 : vector<16xi1>, vector<16xf32>
      %mul3A_525 = arith.constant 16 : i32
      %mul3A_526 = arith.muli %scan3A_473, %mul3A_525 : i32
      %swap3A_527 = arith.constant 0 : i32
      %swap3A_528 = arith.constant 2 : i32
      %swap3A_529 = arith.index_cast %swap3A_527 : i32 to index
      %swap3A_530 = arith.index_cast %swap3A_528 : i32 to index
      %swap3A_531 = arith.index_cast %mul3A_526 : i32 to index
      %swap3A_532 = tpu.vector_load %arg5[%swap3A_529, %swap3A_530, %swap3A_531] {strides = array<i32>} : memref<2x5x4096xf32, #tpu.memory_space<vmem>>, vector<1x1x16xf32>,
      %swap3A_533 = vector.shape_cast %swap3A_532 : vector<1x1x16xf32> to vector<16xf32>
      %swap3A_534 = vector.shape_cast %select_n3A_524 : vector<16xf32> to vector<1x1x16xf32>
      tpu.vector_store %arg5[%swap3A_529, %swap3A_530, %swap3A_531], %swap3A_534 {strides = array<i32>} : memref<2x5x4096xf32, #tpu.memory_space<vmem>>, vector<1x1x16xf32>,
      %eq3A_535 = arith.constant 3 : i32
      %eq3A_536 = vector.broadcast %eq3A_535 : i32 to vector<16xi32>
      %eq3A_537 = arith.cmpi eq, %get3A_480, %eq3A_536 : vector<16xi32>
      %jit3A_538 = arith.constant 1.000000e+00 : f32
      %jit3A_539 = arith.constant 0.000000e+00 : f32
      %broadcast_in_dim3A_540 = vector.broadcast %jit3A_538 : f32 to vector<16xf32>
      %broadcast_in_dim3A_541 = vector.broadcast %jit3A_539 : f32 to vector<16xf32>
      %select_n3A_542 = arith.select %eq3A_537, %broadcast_in_dim3A_540, %broadcast_in_dim3A_541 : vector<16xi1>, vector<16xf32>
      %mul3A_543 = arith.constant 16 : i32
      %mul3A_544 = arith.muli %scan3A_473, %mul3A_543 : i32
      %swap3A_545 = arith.constant 0 : i32
      %swap3A_546 = arith.constant 3 : i32
      %swap3A_547 = arith.index_cast %swap3A_545 : i32 to index
      %swap3A_548 = arith.index_cast %swap3A_546 : i32 to index
      %swap3A_549 = arith.index_cast %mul3A_544 : i32 to index
      %swap3A_550 = tpu.vector_load %arg5[%swap3A_547, %swap3A_548, %swap3A_549] {strides = array<i32>} : memref<2x5x4096xf32, #tpu.memory_space<vmem>>, vector<1x1x16xf32>,
      %swap3A_551 = vector.shape_cast %swap3A_550 : vector<1x1x16xf32> to vector<16xf32>
      %swap3A_552 = vector.shape_cast %select_n3A_542 : vector<16xf32> to vector<1x1x16xf32>
      tpu.vector_store %arg5[%swap3A_547, %swap3A_548, %swap3A_549], %swap3A_552 {strides = array<i32>} : memref<2x5x4096xf32, #tpu.memory_space<vmem>>, vector<1x1x16xf32>,
      %eq3A_553 = arith.constant 4 : i32
      %eq3A_554 = vector.broadcast %eq3A_553 : i32 to vector<16xi32>
      %eq3A_555 = arith.cmpi eq, %get3A_480, %eq3A_554 : vector<16xi32>
      %jit3A_556 = arith.constant 1.000000e+00 : f32
      %jit3A_557 = arith.constant 0.000000e+00 : f32
      %broadcast_in_dim3A_558 = vector.broadcast %jit3A_556 : f32 to vector<16xf32>
      %broadcast_in_dim3A_559 = vector.broadcast %jit3A_557 : f32 to vector<16xf32>
      %select_n3A_560 = arith.select %eq3A_555, %broadcast_in_dim3A_558, %broadcast_in_dim3A_559 : vector<16xi1>, vector<16xf32>
      %mul3A_561 = arith.constant 16 : i32
      %mul3A_562 = arith.muli %scan3A_473, %mul3A_561 : i32
      %swap3A_563 = arith.constant 0 : i32
      %swap3A_564 = arith.constant 4 : i32
      %swap3A_565 = arith.index_cast %swap3A_563 : i32 to index
      %swap3A_566 = arith.index_cast %swap3A_564 : i32 to index
      %swap3A_567 = arith.index_cast %mul3A_562 : i32 to index
      %swap3A_568 = tpu.vector_load %arg5[%swap3A_565, %swap3A_566, %swap3A_567] {strides = array<i32>} : memref<2x5x4096xf32, #tpu.memory_space<vmem>>, vector<1x1x16xf32>,
      %swap3A_569 = vector.shape_cast %swap3A_568 : vector<1x1x16xf32> to vector<16xf32>
      %swap3A_570 = vector.shape_cast %select_n3A_560 : vector<16xf32> to vector<1x1x16xf32>
      tpu.vector_store %arg5[%swap3A_565, %swap3A_566, %swap3A_567], %swap3A_570 {strides = array<i32>} : memref<2x5x4096xf32, #tpu.memory_space<vmem>>, vector<1x1x16xf32>,
      %scan3A_571 = arith.constant 3 : i32
      %scan3A_572 = arith.addi %scan3A_281, %scan3A_571 : i32
      %mul3A_573 = arith.constant 16 : i32
      %mul3A_574 = arith.muli %scan3A_572, %mul3A_573 : i32
      %add3A_575 = arith.constant 24576 : i32
      %add3A_576 = arith.addi %add3A_575, %mul3A_574 : i32
      %get3A_577 = arith.index_cast %add3A_576 : i32 to index
      %get3A_578 = tpu.vector_load %arg4[%get3A_577] {strides = array<i32>} : memref<32768xi32, #tpu.memory_space<vmem>>, vector<16xi32>,
      %get3A_579 = vector.shape_cast %get3A_578 : vector<16xi32> to vector<16xi32>
      %eq3A_580 = arith.constant 0 : i32
      %eq3A_581 = vector.broadcast %eq3A_580 : i32 to vector<16xi32>
      %eq3A_582 = arith.cmpi eq, %get3A_579, %eq3A_581 : vector<16xi32>
      %jit3A_583 = arith.constant 1.000000e+00 : f32
      %jit3A_584 = arith.constant 0.000000e+00 : f32
      %broadcast_in_dim3A_585 = vector.broadcast %jit3A_583 : f32 to vector<16xf32>
      %broadcast_in_dim3A_586 = vector.broadcast %jit3A_584 : f32 to vector<16xf32>
      %select_n3A_587 = arith.select %eq3A_582, %broadcast_in_dim3A_585, %broadcast_in_dim3A_586 : vector<16xi1>, vector<16xf32>
      %mul3A_588 = arith.constant 16 : i32
      %mul3A_589 = arith.muli %scan3A_572, %mul3A_588 : i32
      %swap3A_590 = arith.constant 0 : i32
      %swap3A_591 = arith.constant 0 : i32
      %swap3A_592 = arith.index_cast %swap3A_590 : i32 to index
      %swap3A_593 = arith.index_cast %swap3A_591 : i32 to index
      %swap3A_594 = arith.index_cast %mul3A_589 : i32 to index
      %swap3A_595 = tpu.vector_load %arg5[%swap3A_592, %swap3A_593, %swap3A_594] {strides = array<i32>} : memref<2x5x4096xf32, #tpu.memory_space<vmem>>, vector<1x1x16xf32>,
      %swap3A_596 = vector.shape_cast %swap3A_595 : vector<1x1x16xf32> to vector<16xf32>
      %swap3A_597 = vector.shape_cast %select_n3A_587 : vector<16xf32> to vector<1x1x16xf32>
      tpu.vector_store %arg5[%swap3A_592, %swap3A_593, %swap3A_594], %swap3A_597 {strides = array<i32>} : memref<2x5x4096xf32, #tpu.memory_space<vmem>>, vector<1x1x16xf32>,
      %eq3A_598 = arith.constant 1 : i32
      %eq3A_599 = vector.broadcast %eq3A_598 : i32 to vector<16xi32>
      %eq3A_600 = arith.cmpi eq, %get3A_579, %eq3A_599 : vector<16xi32>
      %jit3A_601 = arith.constant 1.000000e+00 : f32
      %jit3A_602 = arith.constant 0.000000e+00 : f32
      %broadcast_in_dim3A_603 = vector.broadcast %jit3A_601 : f32 to vector<16xf32>
      %broadcast_in_dim3A_604 = vector.broadcast %jit3A_602 : f32 to vector<16xf32>
      %select_n3A_605 = arith.select %eq3A_600, %broadcast_in_dim3A_603, %broadcast_in_dim3A_604 : vector<16xi1>, vector<16xf32>
      %mul3A_606 = arith.constant 16 : i32
      %mul3A_607 = arith.muli %scan3A_572, %mul3A_606 : i32
      %swap3A_608 = arith.constant 0 : i32
      %swap3A_609 = arith.constant 1 : i32
      %swap3A_610 = arith.index_cast %swap3A_608 : i32 to index
      %swap3A_611 = arith.index_cast %swap3A_609 : i32 to index
      %swap3A_612 = arith.index_cast %mul3A_607 : i32 to index
      %swap3A_613 = tpu.vector_load %arg5[%swap3A_610, %swap3A_611, %swap3A_612] {strides = array<i32>} : memref<2x5x4096xf32, #tpu.memory_space<vmem>>, vector<1x1x16xf32>,
      %swap3A_614 = vector.shape_cast %swap3A_613 : vector<1x1x16xf32> to vector<16xf32>
      %swap3A_615 = vector.shape_cast %select_n3A_605 : vector<16xf32> to vector<1x1x16xf32>
      tpu.vector_store %arg5[%swap3A_610, %swap3A_611, %swap3A_612], %swap3A_615 {strides = array<i32>} : memref<2x5x4096xf32, #tpu.memory_space<vmem>>, vector<1x1x16xf32>,
      %eq3A_616 = arith.constant 2 : i32
      %eq3A_617 = vector.broadcast %eq3A_616 : i32 to vector<16xi32>
      %eq3A_618 = arith.cmpi eq, %get3A_579, %eq3A_617 : vector<16xi32>
      %jit3A_619 = arith.constant 1.000000e+00 : f32
      %jit3A_620 = arith.constant 0.000000e+00 : f32
      %broadcast_in_dim3A_621 = vector.broadcast %jit3A_619 : f32 to vector<16xf32>
      %broadcast_in_dim3A_622 = vector.broadcast %jit3A_620 : f32 to vector<16xf32>
      %select_n3A_623 = arith.select %eq3A_618, %broadcast_in_dim3A_621, %broadcast_in_dim3A_622 : vector<16xi1>, vector<16xf32>
      %mul3A_624 = arith.constant 16 : i32
      %mul3A_625 = arith.muli %scan3A_572, %mul3A_624 : i32
      %swap3A_626 = arith.constant 0 : i32
      %swap3A_627 = arith.constant 2 : i32
      %swap3A_628 = arith.index_cast %swap3A_626 : i32 to index
      %swap3A_629 = arith.index_cast %swap3A_627 : i32 to index
      %swap3A_630 = arith.index_cast %mul3A_625 : i32 to index
      %swap3A_631 = tpu.vector_load %arg5[%swap3A_628, %swap3A_629, %swap3A_630] {strides = array<i32>} : memref<2x5x4096xf32, #tpu.memory_space<vmem>>, vector<1x1x16xf32>,
      %swap3A_632 = vector.shape_cast %swap3A_631 : vector<1x1x16xf32> to vector<16xf32>
      %swap3A_633 = vector.shape_cast %select_n3A_623 : vector<16xf32> to vector<1x1x16xf32>
      tpu.vector_store %arg5[%swap3A_628, %swap3A_629, %swap3A_630], %swap3A_633 {strides = array<i32>} : memref<2x5x4096xf32, #tpu.memory_space<vmem>>, vector<1x1x16xf32>,
      %eq3A_634 = arith.constant 3 : i32
      %eq3A_635 = vector.broadcast %eq3A_634 : i32 to vector<16xi32>
      %eq3A_636 = arith.cmpi eq, %get3A_579, %eq3A_635 : vector<16xi32>
      %jit3A_637 = arith.constant 1.000000e+00 : f32
      %jit3A_638 = arith.constant 0.000000e+00 : f32
      %broadcast_in_dim3A_639 = vector.broadcast %jit3A_637 : f32 to vector<16xf32>
      %broadcast_in_dim3A_640 = vector.broadcast %jit3A_638 : f32 to vector<16xf32>
      %select_n3A_641 = arith.select %eq3A_636, %broadcast_in_dim3A_639, %broadcast_in_dim3A_640 : vector<16xi1>, vector<16xf32>
      %mul3A_642 = arith.constant 16 : i32
      %mul3A_643 = arith.muli %scan3A_572, %mul3A_642 : i32
      %swap3A_644 = arith.constant 0 : i32
      %swap3A_645 = arith.constant 3 : i32
      %swap3A_646 = arith.index_cast %swap3A_644 : i32 to index
      %swap3A_647 = arith.index_cast %swap3A_645 : i32 to index
      %swap3A_648 = arith.index_cast %mul3A_643 : i32 to index
      %swap3A_649 = tpu.vector_load %arg5[%swap3A_646, %swap3A_647, %swap3A_648] {strides = array<i32>} : memref<2x5x4096xf32, #tpu.memory_space<vmem>>, vector<1x1x16xf32>,
      %swap3A_650 = vector.shape_cast %swap3A_649 : vector<1x1x16xf32> to vector<16xf32>
      %swap3A_651 = vector.shape_cast %select_n3A_641 : vector<16xf32> to vector<1x1x16xf32>
      tpu.vector_store %arg5[%swap3A_646, %swap3A_647, %swap3A_648], %swap3A_651 {strides = array<i32>} : memref<2x5x4096xf32, #tpu.memory_space<vmem>>, vector<1x1x16xf32>,
      %eq3A_652 = arith.constant 4 : i32
      %eq3A_653 = vector.broadcast %eq3A_652 : i32 to vector<16xi32>
      %eq3A_654 = arith.cmpi eq, %get3A_579, %eq3A_653 : vector<16xi32>
      %jit3A_655 = arith.constant 1.000000e+00 : f32
      %jit3A_656 = arith.constant 0.000000e+00 : f32
      %broadcast_in_dim3A_657 = vector.broadcast %jit3A_655 : f32 to vector<16xf32>
      %broadcast_in_dim3A_658 = vector.broadcast %jit3A_656 : f32 to vector<16xf32>
      %select_n3A_659 = arith.select %eq3A_654, %broadcast_in_dim3A_657, %broadcast_in_dim3A_658 : vector<16xi1>, vector<16xf32>
      %mul3A_660 = arith.constant 16 : i32
      %mul3A_661 = arith.muli %scan3A_572, %mul3A_660 : i32
      %swap3A_662 = arith.constant 0 : i32
      %swap3A_663 = arith.constant 4 : i32
      %swap3A_664 = arith.index_cast %swap3A_662 : i32 to index
      %swap3A_665 = arith.index_cast %swap3A_663 : i32 to index
      %swap3A_666 = arith.index_cast %mul3A_661 : i32 to index
      %swap3A_667 = tpu.vector_load %arg5[%swap3A_664, %swap3A_665, %swap3A_666] {strides = array<i32>} : memref<2x5x4096xf32, #tpu.memory_space<vmem>>, vector<1x1x16xf32>,
      %swap3A_668 = vector.shape_cast %swap3A_667 : vector<1x1x16xf32> to vector<16xf32>
      %swap3A_669 = vector.shape_cast %select_n3A_659 : vector<16xf32> to vector<1x1x16xf32>
      tpu.vector_store %arg5[%swap3A_664, %swap3A_665, %swap3A_666], %swap3A_669 {strides = array<i32>} : memref<2x5x4096xf32, #tpu.memory_space<vmem>>, vector<1x1x16xf32>,
    }
    %scan3A_203 = arith.constant 256 : i32
    %add3A_204 = arith.constant 24576 : i32
    %add3A_205 = arith.addi %multiple_of3A, %add3A_204 : i32
    %multiple_of3A_206 = tpu.assume_multiple %add3A_205, 128 : i32
    %dma_start3A_207 = arith.constant 0 : i32
    %dma_start3A_208 = arith.constant 0 : i32
    %dma_start3A_209 = arith.constant 0 : i32
    %dma_start3A_210 = tpu.memref_slice %arg5[%dma_start3A_207, %dma_start3A_208, %dma_start3A_209] : memref<2x5x4096xf32, #tpu.memory_space<vmem>> -> memref<1x5x4096xf32, #tpu.memory_space<vmem>>
    %dma_start3A_211 = tpu.memref_squeeze %dma_start3A_210 : memref<1x5x4096xf32, #tpu.memory_space<vmem>> -> memref<5x4096xf32, #tpu.memory_space<vmem>>
    %dma_start3A_212 = arith.constant 0 : i32
    %dma_start3A_213 = tpu.memref_slice %arg3[%dma_start3A_212, %multiple_of3A_206] : memref<5x1000000xf32, #tpu.memory_space<hbm>> -> memref<5x4096xf32, #tpu.memory_space<hbm>>
    %dma_start3A_214 = arith.constant 0 : i32
    %dma_start3A_215 = tpu.memref_slice %arg3[%dma_start3A_214, %multiple_of3A_206] : memref<5x1000000xf32, #tpu.memory_space<hbm>> -> memref<5x4096xf32, #tpu.memory_space<hbm>>
    %dma_start3A_216 = arith.constant 0 : i32
    %dma_start3A_217 = arith.constant 0 : i32
    %dma_start3A_218 = tpu.memref_slice %arg5[%dma_start3A_207, %dma_start3A_216, %dma_start3A_217] : memref<2x5x4096xf32, #tpu.memory_space<vmem>> -> memref<1x5x4096xf32, #tpu.memory_space<vmem>>
    %dma_start3A_219 = tpu.memref_squeeze %dma_start3A_218 : memref<1x5x4096xf32, #tpu.memory_space<vmem>> -> memref<5x4096xf32, #tpu.memory_space<vmem>>
    tpu.enqueue_dma source(%dma_start3A_219 : memref<5x4096xf32, #tpu.memory_space<vmem>>) target(%dma_start3A_215 : memref<5x4096xf32, #tpu.memory_space<hbm>>) target_semaphore(%arg6 : memref<!tpu.dma_semaphore, #tpu.memory_space<semaphore_mem>>)
    %dma_wait3A_220 = arith.constant 1 : i32
    %dma_wait3A_221 = arith.constant 0 : i32
    %dma_wait3A_222 = arith.constant 0 : i32
    %dma_wait3A_223 = tpu.memref_slice %arg5[%dma_wait3A_220, %dma_wait3A_221, %dma_wait3A_222] : memref<2x5x4096xf32, #tpu.memory_space<vmem>> -> memref<1x5x4096xf32, #tpu.memory_space<vmem>>
    %dma_wait3A_224 = tpu.memref_squeeze %dma_wait3A_223 : memref<1x5x4096xf32, #tpu.memory_space<vmem>> -> memref<5x4096xf32, #tpu.memory_space<vmem>>
    %dma_wait3A_225 = arith.constant 0 : i32
    %dma_wait3A_226 = tpu.memref_slice %arg3[%dma_wait3A_225, %multiple_of3A_171] : memref<5x1000000xf32, #tpu.memory_space<hbm>> -> memref<5x4096xf32, #tpu.memory_space<hbm>>
    %dma_wait3A_227 = arith.constant 0 : i32
    %dma_wait3A_228 = tpu.memref_slice %arg3[%dma_wait3A_227, %multiple_of3A_171] : memref<5x1000000xf32, #tpu.memory_space<hbm>> -> memref<5x4096xf32, #tpu.memory_space<hbm>>
    %dma_wait3A_229 = arith.constant 0 : i32
    %dma_wait3A_230 = arith.constant 0 : i32
    %dma_wait3A_231 = tpu.memref_slice %arg5[%dma_wait3A_220, %dma_wait3A_229, %dma_wait3A_230] : memref<2x5x4096xf32, #tpu.memory_space<vmem>> -> memref<1x5x4096xf32, #tpu.memory_space<vmem>>
    %dma_wait3A_232 = tpu.memref_squeeze %dma_wait3A_231 : memref<1x5x4096xf32, #tpu.memory_space<vmem>> -> memref<5x4096xf32, #tpu.memory_space<vmem>>
    tpu.wait_dma2 semaphore(%arg7 : memref<!tpu.dma_semaphore, #tpu.memory_space<semaphore_mem>>) src(%dma_wait3A_232 : memref<5x4096xf32, #tpu.memory_space<vmem>>) dst(%dma_wait3A_228 : memref<5x4096xf32, #tpu.memory_space<hbm>>)
    %scan3A_233 = arith.constant 0 : i32
    %scan3A_234 = arith.constant 0 : i32
    %scan3A_235 = arith.constant 256 : i32
    %scan3A_236 = arith.addi %scan3A_234, %scan3A_235 : i32
    %scan3A_237 = arith.constant 4 : i32
    scf.for %scan3A_281 = %scan3A_234 to %scan3A_236 step %scan3A_237  : i32 {
      %mul3A_282 = arith.constant 16 : i32
      %mul3A_283 = arith.muli %scan3A_281, %mul3A_282 : i32
      %add3A_284 = arith.constant 28672 : i32
      %add3A_285 = arith.addi %add3A_284, %mul3A_283 : i32
      %get3A = arith.index_cast %add3A_285 : i32 to index
      %get3A_286 = tpu.vector_load %arg4[%get3A] {strides = array<i32>} : memref<32768xi32, #tpu.memory_space<vmem>>, vector<16xi32>,
      %get3A_287 = vector.shape_cast %get3A_286 : vector<16xi32> to vector<16xi32>
      %eq3A = arith.constant 0 : i32
      %eq3A_288 = vector.broadcast %eq3A : i32 to vector<16xi32>
      %eq3A_289 = arith.cmpi eq, %get3A_287, %eq3A_288 : vector<16xi32>
      %jit3A = arith.constant 1.000000e+00 : f32
      %jit3A_290 = arith.constant 0.000000e+00 : f32
      %broadcast_in_dim3A = vector.broadcast %jit3A : f32 to vector<16xf32>
      %broadcast_in_dim3A_291 = vector.broadcast %jit3A_290 : f32 to vector<16xf32>
      %select_n3A = arith.select %eq3A_289, %broadcast_in_dim3A, %broadcast_in_dim3A_291 : vector<16xi1>, vector<16xf32>
      %mul3A_292 = arith.constant 16 : i32
      %mul3A_293 = arith.muli %scan3A_281, %mul3A_292 : i32
      %swap3A = arith.constant 1 : i32
      %swap3A_294 = arith.constant 0 : i32
      %swap3A_295 = arith.index_cast %swap3A : i32 to index
      %swap3A_296 = arith.index_cast %swap3A_294 : i32 to index
      %swap3A_297 = arith.index_cast %mul3A_293 : i32 to index
      %swap3A_298 = tpu.vector_load %arg5[%swap3A_295, %swap3A_296, %swap3A_297] {strides = array<i32>} : memref<2x5x4096xf32, #tpu.memory_space<vmem>>, vector<1x1x16xf32>,
      %swap3A_299 = vector.shape_cast %swap3A_298 : vector<1x1x16xf32> to vector<16xf32>
      %swap3A_300 = vector.shape_cast %select_n3A : vector<16xf32> to vector<1x1x16xf32>
      tpu.vector_store %arg5[%swap3A_295, %swap3A_296, %swap3A_297], %swap3A_300 {strides = array<i32>} : memref<2x5x4096xf32, #tpu.memory_space<vmem>>, vector<1x1x16xf32>,
      %eq3A_301 = arith.constant 1 : i32
      %eq3A_302 = vector.broadcast %eq3A_301 : i32 to vector<16xi32>
      %eq3A_303 = arith.cmpi eq, %get3A_287, %eq3A_302 : vector<16xi32>
      %jit3A_304 = arith.constant 1.000000e+00 : f32
      %jit3A_305 = arith.constant 0.000000e+00 : f32
      %broadcast_in_dim3A_306 = vector.broadcast %jit3A_304 : f32 to vector<16xf32>
      %broadcast_in_dim3A_307 = vector.broadcast %jit3A_305 : f32 to vector<16xf32>
      %select_n3A_308 = arith.select %eq3A_303, %broadcast_in_dim3A_306, %broadcast_in_dim3A_307 : vector<16xi1>, vector<16xf32>
      %mul3A_309 = arith.constant 16 : i32
      %mul3A_310 = arith.muli %scan3A_281, %mul3A_309 : i32
      %swap3A_311 = arith.constant 1 : i32
      %swap3A_312 = arith.constant 1 : i32
      %swap3A_313 = arith.index_cast %swap3A_311 : i32 to index
      %swap3A_314 = arith.index_cast %swap3A_312 : i32 to index
      %swap3A_315 = arith.index_cast %mul3A_310 : i32 to index
      %swap3A_316 = tpu.vector_load %arg5[%swap3A_313, %swap3A_314, %swap3A_315] {strides = array<i32>} : memref<2x5x4096xf32, #tpu.memory_space<vmem>>, vector<1x1x16xf32>,
      %swap3A_317 = vector.shape_cast %swap3A_316 : vector<1x1x16xf32> to vector<16xf32>
      %swap3A_318 = vector.shape_cast %select_n3A_308 : vector<16xf32> to vector<1x1x16xf32>
      tpu.vector_store %arg5[%swap3A_313, %swap3A_314, %swap3A_315], %swap3A_318 {strides = array<i32>} : memref<2x5x4096xf32, #tpu.memory_space<vmem>>, vector<1x1x16xf32>,
      %eq3A_319 = arith.constant 2 : i32
      %eq3A_320 = vector.broadcast %eq3A_319 : i32 to vector<16xi32>
      %eq3A_321 = arith.cmpi eq, %get3A_287, %eq3A_320 : vector<16xi32>
      %jit3A_322 = arith.constant 1.000000e+00 : f32
      %jit3A_323 = arith.constant 0.000000e+00 : f32
      %broadcast_in_dim3A_324 = vector.broadcast %jit3A_322 : f32 to vector<16xf32>
      %broadcast_in_dim3A_325 = vector.broadcast %jit3A_323 : f32 to vector<16xf32>
      %select_n3A_326 = arith.select %eq3A_321, %broadcast_in_dim3A_324, %broadcast_in_dim3A_325 : vector<16xi1>, vector<16xf32>
      %mul3A_327 = arith.constant 16 : i32
      %mul3A_328 = arith.muli %scan3A_281, %mul3A_327 : i32
      %swap3A_329 = arith.constant 1 : i32
      %swap3A_330 = arith.constant 2 : i32
      %swap3A_331 = arith.index_cast %swap3A_329 : i32 to index
      %swap3A_332 = arith.index_cast %swap3A_330 : i32 to index
      %swap3A_333 = arith.index_cast %mul3A_328 : i32 to index
      %swap3A_334 = tpu.vector_load %arg5[%swap3A_331, %swap3A_332, %swap3A_333] {strides = array<i32>} : memref<2x5x4096xf32, #tpu.memory_space<vmem>>, vector<1x1x16xf32>,
      %swap3A_335 = vector.shape_cast %swap3A_334 : vector<1x1x16xf32> to vector<16xf32>
      %swap3A_336 = vector.shape_cast %select_n3A_326 : vector<16xf32> to vector<1x1x16xf32>
      tpu.vector_store %arg5[%swap3A_331, %swap3A_332, %swap3A_333], %swap3A_336 {strides = array<i32>} : memref<2x5x4096xf32, #tpu.memory_space<vmem>>, vector<1x1x16xf32>,
      %eq3A_337 = arith.constant 3 : i32
      %eq3A_338 = vector.broadcast %eq3A_337 : i32 to vector<16xi32>
      %eq3A_339 = arith.cmpi eq, %get3A_287, %eq3A_338 : vector<16xi32>
      %jit3A_340 = arith.constant 1.000000e+00 : f32
      %jit3A_341 = arith.constant 0.000000e+00 : f32
      %broadcast_in_dim3A_342 = vector.broadcast %jit3A_340 : f32 to vector<16xf32>
      %broadcast_in_dim3A_343 = vector.broadcast %jit3A_341 : f32 to vector<16xf32>
      %select_n3A_344 = arith.select %eq3A_339, %broadcast_in_dim3A_342, %broadcast_in_dim3A_343 : vector<16xi1>, vector<16xf32>
      %mul3A_345 = arith.constant 16 : i32
      %mul3A_346 = arith.muli %scan3A_281, %mul3A_345 : i32
      %swap3A_347 = arith.constant 1 : i32
      %swap3A_348 = arith.constant 3 : i32
      %swap3A_349 = arith.index_cast %swap3A_347 : i32 to index
      %swap3A_350 = arith.index_cast %swap3A_348 : i32 to index
      %swap3A_351 = arith.index_cast %mul3A_346 : i32 to index
      %swap3A_352 = tpu.vector_load %arg5[%swap3A_349, %swap3A_350, %swap3A_351] {strides = array<i32>} : memref<2x5x4096xf32, #tpu.memory_space<vmem>>, vector<1x1x16xf32>,
      %swap3A_353 = vector.shape_cast %swap3A_352 : vector<1x1x16xf32> to vector<16xf32>
      %swap3A_354 = vector.shape_cast %select_n3A_344 : vector<16xf32> to vector<1x1x16xf32>
      tpu.vector_store %arg5[%swap3A_349, %swap3A_350, %swap3A_351], %swap3A_354 {strides = array<i32>} : memref<2x5x4096xf32, #tpu.memory_space<vmem>>, vector<1x1x16xf32>,
      %eq3A_355 = arith.constant 4 : i32
      %eq3A_356 = vector.broadcast %eq3A_355 : i32 to vector<16xi32>
      %eq3A_357 = arith.cmpi eq, %get3A_287, %eq3A_356 : vector<16xi32>
      %jit3A_358 = arith.constant 1.000000e+00 : f32
      %jit3A_359 = arith.constant 0.000000e+00 : f32
      %broadcast_in_dim3A_360 = vector.broadcast %jit3A_358 : f32 to vector<16xf32>
      %broadcast_in_dim3A_361 = vector.broadcast %jit3A_359 : f32 to vector<16xf32>
      %select_n3A_362 = arith.select %eq3A_357, %broadcast_in_dim3A_360, %broadcast_in_dim3A_361 : vector<16xi1>, vector<16xf32>
      %mul3A_363 = arith.constant 16 : i32
      %mul3A_364 = arith.muli %scan3A_281, %mul3A_363 : i32
      %swap3A_365 = arith.constant 1 : i32
      %swap3A_366 = arith.constant 4 : i32
      %swap3A_367 = arith.index_cast %swap3A_365 : i32 to index
      %swap3A_368 = arith.index_cast %swap3A_366 : i32 to index
      %swap3A_369 = arith.index_cast %mul3A_364 : i32 to index
      %swap3A_370 = tpu.vector_load %arg5[%swap3A_367, %swap3A_368, %swap3A_369] {strides = array<i32>} : memref<2x5x4096xf32, #tpu.memory_space<vmem>>, vector<1x1x16xf32>,
      %swap3A_371 = vector.shape_cast %swap3A_370 : vector<1x1x16xf32> to vector<16xf32>
      %swap3A_372 = vector.shape_cast %select_n3A_362 : vector<16xf32> to vector<1x1x16xf32>
      tpu.vector_store %arg5[%swap3A_367, %swap3A_368, %swap3A_369], %swap3A_372 {strides = array<i32>} : memref<2x5x4096xf32, #tpu.memory_space<vmem>>, vector<1x1x16xf32>,
      %scan3A_373 = arith.constant 1 : i32
      %scan3A_374 = arith.addi %scan3A_281, %scan3A_373 : i32
      %mul3A_375 = arith.constant 16 : i32
      %mul3A_376 = arith.muli %scan3A_374, %mul3A_375 : i32
      %add3A_377 = arith.constant 28672 : i32
      %add3A_378 = arith.addi %add3A_377, %mul3A_376 : i32
      %get3A_379 = arith.index_cast %add3A_378 : i32 to index
      %get3A_380 = tpu.vector_load %arg4[%get3A_379] {strides = array<i32>} : memref<32768xi32, #tpu.memory_space<vmem>>, vector<16xi32>,
      %get3A_381 = vector.shape_cast %get3A_380 : vector<16xi32> to vector<16xi32>
      %eq3A_382 = arith.constant 0 : i32
      %eq3A_383 = vector.broadcast %eq3A_382 : i32 to vector<16xi32>
      %eq3A_384 = arith.cmpi eq, %get3A_381, %eq3A_383 : vector<16xi32>
      %jit3A_385 = arith.constant 1.000000e+00 : f32
      %jit3A_386 = arith.constant 0.000000e+00 : f32
      %broadcast_in_dim3A_387 = vector.broadcast %jit3A_385 : f32 to vector<16xf32>
      %broadcast_in_dim3A_388 = vector.broadcast %jit3A_386 : f32 to vector<16xf32>
      %select_n3A_389 = arith.select %eq3A_384, %broadcast_in_dim3A_387, %broadcast_in_dim3A_388 : vector<16xi1>, vector<16xf32>
      %mul3A_390 = arith.constant 16 : i32
      %mul3A_391 = arith.muli %scan3A_374, %mul3A_390 : i32
      %swap3A_392 = arith.constant 1 : i32
      %swap3A_393 = arith.constant 0 : i32
      %swap3A_394 = arith.index_cast %swap3A_392 : i32 to index
      %swap3A_395 = arith.index_cast %swap3A_393 : i32 to index
      %swap3A_396 = arith.index_cast %mul3A_391 : i32 to index
      %swap3A_397 = tpu.vector_load %arg5[%swap3A_394, %swap3A_395, %swap3A_396] {strides = array<i32>} : memref<2x5x4096xf32, #tpu.memory_space<vmem>>, vector<1x1x16xf32>,
      %swap3A_398 = vector.shape_cast %swap3A_397 : vector<1x1x16xf32> to vector<16xf32>
      %swap3A_399 = vector.shape_cast %select_n3A_389 : vector<16xf32> to vector<1x1x16xf32>
      tpu.vector_store %arg5[%swap3A_394, %swap3A_395, %swap3A_396], %swap3A_399 {strides = array<i32>} : memref<2x5x4096xf32, #tpu.memory_space<vmem>>, vector<1x1x16xf32>,
      %eq3A_400 = arith.constant 1 : i32
      %eq3A_401 = vector.broadcast %eq3A_400 : i32 to vector<16xi32>
      %eq3A_402 = arith.cmpi eq, %get3A_381, %eq3A_401 : vector<16xi32>
      %jit3A_403 = arith.constant 1.000000e+00 : f32
      %jit3A_404 = arith.constant 0.000000e+00 : f32
      %broadcast_in_dim3A_405 = vector.broadcast %jit3A_403 : f32 to vector<16xf32>
      %broadcast_in_dim3A_406 = vector.broadcast %jit3A_404 : f32 to vector<16xf32>
      %select_n3A_407 = arith.select %eq3A_402, %broadcast_in_dim3A_405, %broadcast_in_dim3A_406 : vector<16xi1>, vector<16xf32>
      %mul3A_408 = arith.constant 16 : i32
      %mul3A_409 = arith.muli %scan3A_374, %mul3A_408 : i32
      %swap3A_410 = arith.constant 1 : i32
      %swap3A_411 = arith.constant 1 : i32
      %swap3A_412 = arith.index_cast %swap3A_410 : i32 to index
      %swap3A_413 = arith.index_cast %swap3A_411 : i32 to index
      %swap3A_414 = arith.index_cast %mul3A_409 : i32 to index
      %swap3A_415 = tpu.vector_load %arg5[%swap3A_412, %swap3A_413, %swap3A_414] {strides = array<i32>} : memref<2x5x4096xf32, #tpu.memory_space<vmem>>, vector<1x1x16xf32>,
      %swap3A_416 = vector.shape_cast %swap3A_415 : vector<1x1x16xf32> to vector<16xf32>
      %swap3A_417 = vector.shape_cast %select_n3A_407 : vector<16xf32> to vector<1x1x16xf32>
      tpu.vector_store %arg5[%swap3A_412, %swap3A_413, %swap3A_414], %swap3A_417 {strides = array<i32>} : memref<2x5x4096xf32, #tpu.memory_space<vmem>>, vector<1x1x16xf32>,
      %eq3A_418 = arith.constant 2 : i32
      %eq3A_419 = vector.broadcast %eq3A_418 : i32 to vector<16xi32>
      %eq3A_420 = arith.cmpi eq, %get3A_381, %eq3A_419 : vector<16xi32>
      %jit3A_421 = arith.constant 1.000000e+00 : f32
      %jit3A_422 = arith.constant 0.000000e+00 : f32
      %broadcast_in_dim3A_423 = vector.broadcast %jit3A_421 : f32 to vector<16xf32>
      %broadcast_in_dim3A_424 = vector.broadcast %jit3A_422 : f32 to vector<16xf32>
      %select_n3A_425 = arith.select %eq3A_420, %broadcast_in_dim3A_423, %broadcast_in_dim3A_424 : vector<16xi1>, vector<16xf32>
      %mul3A_426 = arith.constant 16 : i32
      %mul3A_427 = arith.muli %scan3A_374, %mul3A_426 : i32
      %swap3A_428 = arith.constant 1 : i32
      %swap3A_429 = arith.constant 2 : i32
      %swap3A_430 = arith.index_cast %swap3A_428 : i32 to index
      %swap3A_431 = arith.index_cast %swap3A_429 : i32 to index
      %swap3A_432 = arith.index_cast %mul3A_427 : i32 to index
      %swap3A_433 = tpu.vector_load %arg5[%swap3A_430, %swap3A_431, %swap3A_432] {strides = array<i32>} : memref<2x5x4096xf32, #tpu.memory_space<vmem>>, vector<1x1x16xf32>,
      %swap3A_434 = vector.shape_cast %swap3A_433 : vector<1x1x16xf32> to vector<16xf32>
      %swap3A_435 = vector.shape_cast %select_n3A_425 : vector<16xf32> to vector<1x1x16xf32>
      tpu.vector_store %arg5[%swap3A_430, %swap3A_431, %swap3A_432], %swap3A_435 {strides = array<i32>} : memref<2x5x4096xf32, #tpu.memory_space<vmem>>, vector<1x1x16xf32>,
      %eq3A_436 = arith.constant 3 : i32
      %eq3A_437 = vector.broadcast %eq3A_436 : i32 to vector<16xi32>
      %eq3A_438 = arith.cmpi eq, %get3A_381, %eq3A_437 : vector<16xi32>
      %jit3A_439 = arith.constant 1.000000e+00 : f32
      %jit3A_440 = arith.constant 0.000000e+00 : f32
      %broadcast_in_dim3A_441 = vector.broadcast %jit3A_439 : f32 to vector<16xf32>
      %broadcast_in_dim3A_442 = vector.broadcast %jit3A_440 : f32 to vector<16xf32>
      %select_n3A_443 = arith.select %eq3A_438, %broadcast_in_dim3A_441, %broadcast_in_dim3A_442 : vector<16xi1>, vector<16xf32>
      %mul3A_444 = arith.constant 16 : i32
      %mul3A_445 = arith.muli %scan3A_374, %mul3A_444 : i32
      %swap3A_446 = arith.constant 1 : i32
      %swap3A_447 = arith.constant 3 : i32
      %swap3A_448 = arith.index_cast %swap3A_446 : i32 to index
      %swap3A_449 = arith.index_cast %swap3A_447 : i32 to index
      %swap3A_450 = arith.index_cast %mul3A_445 : i32 to index
      %swap3A_451 = tpu.vector_load %arg5[%swap3A_448, %swap3A_449, %swap3A_450] {strides = array<i32>} : memref<2x5x4096xf32, #tpu.memory_space<vmem>>, vector<1x1x16xf32>,
      %swap3A_452 = vector.shape_cast %swap3A_451 : vector<1x1x16xf32> to vector<16xf32>
      %swap3A_453 = vector.shape_cast %select_n3A_443 : vector<16xf32> to vector<1x1x16xf32>
      tpu.vector_store %arg5[%swap3A_448, %swap3A_449, %swap3A_450], %swap3A_453 {strides = array<i32>} : memref<2x5x4096xf32, #tpu.memory_space<vmem>>, vector<1x1x16xf32>,
      %eq3A_454 = arith.constant 4 : i32
      %eq3A_455 = vector.broadcast %eq3A_454 : i32 to vector<16xi32>
      %eq3A_456 = arith.cmpi eq, %get3A_381, %eq3A_455 : vector<16xi32>
      %jit3A_457 = arith.constant 1.000000e+00 : f32
      %jit3A_458 = arith.constant 0.000000e+00 : f32
      %broadcast_in_dim3A_459 = vector.broadcast %jit3A_457 : f32 to vector<16xf32>
      %broadcast_in_dim3A_460 = vector.broadcast %jit3A_458 : f32 to vector<16xf32>
      %select_n3A_461 = arith.select %eq3A_456, %broadcast_in_dim3A_459, %broadcast_in_dim3A_460 : vector<16xi1>, vector<16xf32>
      %mul3A_462 = arith.constant 16 : i32
      %mul3A_463 = arith.muli %scan3A_374, %mul3A_462 : i32
      %swap3A_464 = arith.constant 1 : i32
      %swap3A_465 = arith.constant 4 : i32
      %swap3A_466 = arith.index_cast %swap3A_464 : i32 to index
      %swap3A_467 = arith.index_cast %swap3A_465 : i32 to index
      %swap3A_468 = arith.index_cast %mul3A_463 : i32 to index
      %swap3A_469 = tpu.vector_load %arg5[%swap3A_466, %swap3A_467, %swap3A_468] {strides = array<i32>} : memref<2x5x4096xf32, #tpu.memory_space<vmem>>, vector<1x1x16xf32>,
      %swap3A_470 = vector.shape_cast %swap3A_469 : vector<1x1x16xf32> to vector<16xf32>
      %swap3A_471 = vector.shape_cast %select_n3A_461 : vector<16xf32> to vector<1x1x16xf32>
      tpu.vector_store %arg5[%swap3A_466, %swap3A_467, %swap3A_468], %swap3A_471 {strides = array<i32>} : memref<2x5x4096xf32, #tpu.memory_space<vmem>>, vector<1x1x16xf32>,
      %scan3A_472 = arith.constant 2 : i32
      %scan3A_473 = arith.addi %scan3A_281, %scan3A_472 : i32
      %mul3A_474 = arith.constant 16 : i32
      %mul3A_475 = arith.muli %scan3A_473, %mul3A_474 : i32
      %add3A_476 = arith.constant 28672 : i32
      %add3A_477 = arith.addi %add3A_476, %mul3A_475 : i32
      %get3A_478 = arith.index_cast %add3A_477 : i32 to index
      %get3A_479 = tpu.vector_load %arg4[%get3A_478] {strides = array<i32>} : memref<32768xi32, #tpu.memory_space<vmem>>, vector<16xi32>,
      %get3A_480 = vector.shape_cast %get3A_479 : vector<16xi32> to vector<16xi32>
      %eq3A_481 = arith.constant 0 : i32
      %eq3A_482 = vector.broadcast %eq3A_481 : i32 to vector<16xi32>
      %eq3A_483 = arith.cmpi eq, %get3A_480, %eq3A_482 : vector<16xi32>
      %jit3A_484 = arith.constant 1.000000e+00 : f32
      %jit3A_485 = arith.constant 0.000000e+00 : f32
      %broadcast_in_dim3A_486 = vector.broadcast %jit3A_484 : f32 to vector<16xf32>
      %broadcast_in_dim3A_487 = vector.broadcast %jit3A_485 : f32 to vector<16xf32>
      %select_n3A_488 = arith.select %eq3A_483, %broadcast_in_dim3A_486, %broadcast_in_dim3A_487 : vector<16xi1>, vector<16xf32>
      %mul3A_489 = arith.constant 16 : i32
      %mul3A_490 = arith.muli %scan3A_473, %mul3A_489 : i32
      %swap3A_491 = arith.constant 1 : i32
      %swap3A_492 = arith.constant 0 : i32
      %swap3A_493 = arith.index_cast %swap3A_491 : i32 to index
      %swap3A_494 = arith.index_cast %swap3A_492 : i32 to index
      %swap3A_495 = arith.index_cast %mul3A_490 : i32 to index
      %swap3A_496 = tpu.vector_load %arg5[%swap3A_493, %swap3A_494, %swap3A_495] {strides = array<i32>} : memref<2x5x4096xf32, #tpu.memory_space<vmem>>, vector<1x1x16xf32>,
      %swap3A_497 = vector.shape_cast %swap3A_496 : vector<1x1x16xf32> to vector<16xf32>
      %swap3A_498 = vector.shape_cast %select_n3A_488 : vector<16xf32> to vector<1x1x16xf32>
      tpu.vector_store %arg5[%swap3A_493, %swap3A_494, %swap3A_495], %swap3A_498 {strides = array<i32>} : memref<2x5x4096xf32, #tpu.memory_space<vmem>>, vector<1x1x16xf32>,
      %eq3A_499 = arith.constant 1 : i32
      %eq3A_500 = vector.broadcast %eq3A_499 : i32 to vector<16xi32>
      %eq3A_501 = arith.cmpi eq, %get3A_480, %eq3A_500 : vector<16xi32>
      %jit3A_502 = arith.constant 1.000000e+00 : f32
      %jit3A_503 = arith.constant 0.000000e+00 : f32
      %broadcast_in_dim3A_504 = vector.broadcast %jit3A_502 : f32 to vector<16xf32>
      %broadcast_in_dim3A_505 = vector.broadcast %jit3A_503 : f32 to vector<16xf32>
      %select_n3A_506 = arith.select %eq3A_501, %broadcast_in_dim3A_504, %broadcast_in_dim3A_505 : vector<16xi1>, vector<16xf32>
      %mul3A_507 = arith.constant 16 : i32
      %mul3A_508 = arith.muli %scan3A_473, %mul3A_507 : i32
      %swap3A_509 = arith.constant 1 : i32
      %swap3A_510 = arith.constant 1 : i32
      %swap3A_511 = arith.index_cast %swap3A_509 : i32 to index
      %swap3A_512 = arith.index_cast %swap3A_510 : i32 to index
      %swap3A_513 = arith.index_cast %mul3A_508 : i32 to index
      %swap3A_514 = tpu.vector_load %arg5[%swap3A_511, %swap3A_512, %swap3A_513] {strides = array<i32>} : memref<2x5x4096xf32, #tpu.memory_space<vmem>>, vector<1x1x16xf32>,
      %swap3A_515 = vector.shape_cast %swap3A_514 : vector<1x1x16xf32> to vector<16xf32>
      %swap3A_516 = vector.shape_cast %select_n3A_506 : vector<16xf32> to vector<1x1x16xf32>
      tpu.vector_store %arg5[%swap3A_511, %swap3A_512, %swap3A_513], %swap3A_516 {strides = array<i32>} : memref<2x5x4096xf32, #tpu.memory_space<vmem>>, vector<1x1x16xf32>,
      %eq3A_517 = arith.constant 2 : i32
      %eq3A_518 = vector.broadcast %eq3A_517 : i32 to vector<16xi32>
      %eq3A_519 = arith.cmpi eq, %get3A_480, %eq3A_518 : vector<16xi32>
      %jit3A_520 = arith.constant 1.000000e+00 : f32
      %jit3A_521 = arith.constant 0.000000e+00 : f32
      %broadcast_in_dim3A_522 = vector.broadcast %jit3A_520 : f32 to vector<16xf32>
      %broadcast_in_dim3A_523 = vector.broadcast %jit3A_521 : f32 to vector<16xf32>
      %select_n3A_524 = arith.select %eq3A_519, %broadcast_in_dim3A_522, %broadcast_in_dim3A_523 : vector<16xi1>, vector<16xf32>
      %mul3A_525 = arith.constant 16 : i32
      %mul3A_526 = arith.muli %scan3A_473, %mul3A_525 : i32
      %swap3A_527 = arith.constant 1 : i32
      %swap3A_528 = arith.constant 2 : i32
      %swap3A_529 = arith.index_cast %swap3A_527 : i32 to index
      %swap3A_530 = arith.index_cast %swap3A_528 : i32 to index
      %swap3A_531 = arith.index_cast %mul3A_526 : i32 to index
      %swap3A_532 = tpu.vector_load %arg5[%swap3A_529, %swap3A_530, %swap3A_531] {strides = array<i32>} : memref<2x5x4096xf32, #tpu.memory_space<vmem>>, vector<1x1x16xf32>,
      %swap3A_533 = vector.shape_cast %swap3A_532 : vector<1x1x16xf32> to vector<16xf32>
      %swap3A_534 = vector.shape_cast %select_n3A_524 : vector<16xf32> to vector<1x1x16xf32>
      tpu.vector_store %arg5[%swap3A_529, %swap3A_530, %swap3A_531], %swap3A_534 {strides = array<i32>} : memref<2x5x4096xf32, #tpu.memory_space<vmem>>, vector<1x1x16xf32>,
      %eq3A_535 = arith.constant 3 : i32
      %eq3A_536 = vector.broadcast %eq3A_535 : i32 to vector<16xi32>
      %eq3A_537 = arith.cmpi eq, %get3A_480, %eq3A_536 : vector<16xi32>
      %jit3A_538 = arith.constant 1.000000e+00 : f32
      %jit3A_539 = arith.constant 0.000000e+00 : f32
      %broadcast_in_dim3A_540 = vector.broadcast %jit3A_538 : f32 to vector<16xf32>
      %broadcast_in_dim3A_541 = vector.broadcast %jit3A_539 : f32 to vector<16xf32>
      %select_n3A_542 = arith.select %eq3A_537, %broadcast_in_dim3A_540, %broadcast_in_dim3A_541 : vector<16xi1>, vector<16xf32>
      %mul3A_543 = arith.constant 16 : i32
      %mul3A_544 = arith.muli %scan3A_473, %mul3A_543 : i32
      %swap3A_545 = arith.constant 1 : i32
      %swap3A_546 = arith.constant 3 : i32
      %swap3A_547 = arith.index_cast %swap3A_545 : i32 to index
      %swap3A_548 = arith.index_cast %swap3A_546 : i32 to index
      %swap3A_549 = arith.index_cast %mul3A_544 : i32 to index
      %swap3A_550 = tpu.vector_load %arg5[%swap3A_547, %swap3A_548, %swap3A_549] {strides = array<i32>} : memref<2x5x4096xf32, #tpu.memory_space<vmem>>, vector<1x1x16xf32>,
      %swap3A_551 = vector.shape_cast %swap3A_550 : vector<1x1x16xf32> to vector<16xf32>
      %swap3A_552 = vector.shape_cast %select_n3A_542 : vector<16xf32> to vector<1x1x16xf32>
      tpu.vector_store %arg5[%swap3A_547, %swap3A_548, %swap3A_549], %swap3A_552 {strides = array<i32>} : memref<2x5x4096xf32, #tpu.memory_space<vmem>>, vector<1x1x16xf32>,
      %eq3A_553 = arith.constant 4 : i32
      %eq3A_554 = vector.broadcast %eq3A_553 : i32 to vector<16xi32>
      %eq3A_555 = arith.cmpi eq, %get3A_480, %eq3A_554 : vector<16xi32>
      %jit3A_556 = arith.constant 1.000000e+00 : f32
      %jit3A_557 = arith.constant 0.000000e+00 : f32
      %broadcast_in_dim3A_558 = vector.broadcast %jit3A_556 : f32 to vector<16xf32>
      %broadcast_in_dim3A_559 = vector.broadcast %jit3A_557 : f32 to vector<16xf32>
      %select_n3A_560 = arith.select %eq3A_555, %broadcast_in_dim3A_558, %broadcast_in_dim3A_559 : vector<16xi1>, vector<16xf32>
      %mul3A_561 = arith.constant 16 : i32
      %mul3A_562 = arith.muli %scan3A_473, %mul3A_561 : i32
      %swap3A_563 = arith.constant 1 : i32
      %swap3A_564 = arith.constant 4 : i32
      %swap3A_565 = arith.index_cast %swap3A_563 : i32 to index
      %swap3A_566 = arith.index_cast %swap3A_564 : i32 to index
      %swap3A_567 = arith.index_cast %mul3A_562 : i32 to index
      %swap3A_568 = tpu.vector_load %arg5[%swap3A_565, %swap3A_566, %swap3A_567] {strides = array<i32>} : memref<2x5x4096xf32, #tpu.memory_space<vmem>>, vector<1x1x16xf32>,
      %swap3A_569 = vector.shape_cast %swap3A_568 : vector<1x1x16xf32> to vector<16xf32>
      %swap3A_570 = vector.shape_cast %select_n3A_560 : vector<16xf32> to vector<1x1x16xf32>
      tpu.vector_store %arg5[%swap3A_565, %swap3A_566, %swap3A_567], %swap3A_570 {strides = array<i32>} : memref<2x5x4096xf32, #tpu.memory_space<vmem>>, vector<1x1x16xf32>,
      %scan3A_571 = arith.constant 3 : i32
      %scan3A_572 = arith.addi %scan3A_281, %scan3A_571 : i32
      %mul3A_573 = arith.constant 16 : i32
      %mul3A_574 = arith.muli %scan3A_572, %mul3A_573 : i32
      %add3A_575 = arith.constant 28672 : i32
      %add3A_576 = arith.addi %add3A_575, %mul3A_574 : i32
      %get3A_577 = arith.index_cast %add3A_576 : i32 to index
      %get3A_578 = tpu.vector_load %arg4[%get3A_577] {strides = array<i32>} : memref<32768xi32, #tpu.memory_space<vmem>>, vector<16xi32>,
      %get3A_579 = vector.shape_cast %get3A_578 : vector<16xi32> to vector<16xi32>
      %eq3A_580 = arith.constant 0 : i32
      %eq3A_581 = vector.broadcast %eq3A_580 : i32 to vector<16xi32>
      %eq3A_582 = arith.cmpi eq, %get3A_579, %eq3A_581 : vector<16xi32>
      %jit3A_583 = arith.constant 1.000000e+00 : f32
      %jit3A_584 = arith.constant 0.000000e+00 : f32
      %broadcast_in_dim3A_585 = vector.broadcast %jit3A_583 : f32 to vector<16xf32>
      %broadcast_in_dim3A_586 = vector.broadcast %jit3A_584 : f32 to vector<16xf32>
      %select_n3A_587 = arith.select %eq3A_582, %broadcast_in_dim3A_585, %broadcast_in_dim3A_586 : vector<16xi1>, vector<16xf32>
      %mul3A_588 = arith.constant 16 : i32
      %mul3A_589 = arith.muli %scan3A_572, %mul3A_588 : i32
      %swap3A_590 = arith.constant 1 : i32
      %swap3A_591 = arith.constant 0 : i32
      %swap3A_592 = arith.index_cast %swap3A_590 : i32 to index
      %swap3A_593 = arith.index_cast %swap3A_591 : i32 to index
      %swap3A_594 = arith.index_cast %mul3A_589 : i32 to index
      %swap3A_595 = tpu.vector_load %arg5[%swap3A_592, %swap3A_593, %swap3A_594] {strides = array<i32>} : memref<2x5x4096xf32, #tpu.memory_space<vmem>>, vector<1x1x16xf32>,
      %swap3A_596 = vector.shape_cast %swap3A_595 : vector<1x1x16xf32> to vector<16xf32>
      %swap3A_597 = vector.shape_cast %select_n3A_587 : vector<16xf32> to vector<1x1x16xf32>
      tpu.vector_store %arg5[%swap3A_592, %swap3A_593, %swap3A_594], %swap3A_597 {strides = array<i32>} : memref<2x5x4096xf32, #tpu.memory_space<vmem>>, vector<1x1x16xf32>,
      %eq3A_598 = arith.constant 1 : i32
      %eq3A_599 = vector.broadcast %eq3A_598 : i32 to vector<16xi32>
      %eq3A_600 = arith.cmpi eq, %get3A_579, %eq3A_599 : vector<16xi32>
      %jit3A_601 = arith.constant 1.000000e+00 : f32
      %jit3A_602 = arith.constant 0.000000e+00 : f32
      %broadcast_in_dim3A_603 = vector.broadcast %jit3A_601 : f32 to vector<16xf32>
      %broadcast_in_dim3A_604 = vector.broadcast %jit3A_602 : f32 to vector<16xf32>
      %select_n3A_605 = arith.select %eq3A_600, %broadcast_in_dim3A_603, %broadcast_in_dim3A_604 : vector<16xi1>, vector<16xf32>
      %mul3A_606 = arith.constant 16 : i32
      %mul3A_607 = arith.muli %scan3A_572, %mul3A_606 : i32
      %swap3A_608 = arith.constant 1 : i32
      %swap3A_609 = arith.constant 1 : i32
      %swap3A_610 = arith.index_cast %swap3A_608 : i32 to index
      %swap3A_611 = arith.index_cast %swap3A_609 : i32 to index
      %swap3A_612 = arith.index_cast %mul3A_607 : i32 to index
      %swap3A_613 = tpu.vector_load %arg5[%swap3A_610, %swap3A_611, %swap3A_612] {strides = array<i32>} : memref<2x5x4096xf32, #tpu.memory_space<vmem>>, vector<1x1x16xf32>,
      %swap3A_614 = vector.shape_cast %swap3A_613 : vector<1x1x16xf32> to vector<16xf32>
      %swap3A_615 = vector.shape_cast %select_n3A_605 : vector<16xf32> to vector<1x1x16xf32>
      tpu.vector_store %arg5[%swap3A_610, %swap3A_611, %swap3A_612], %swap3A_615 {strides = array<i32>} : memref<2x5x4096xf32, #tpu.memory_space<vmem>>, vector<1x1x16xf32>,
      %eq3A_616 = arith.constant 2 : i32
      %eq3A_617 = vector.broadcast %eq3A_616 : i32 to vector<16xi32>
      %eq3A_618 = arith.cmpi eq, %get3A_579, %eq3A_617 : vector<16xi32>
      %jit3A_619 = arith.constant 1.000000e+00 : f32
      %jit3A_620 = arith.constant 0.000000e+00 : f32
      %broadcast_in_dim3A_621 = vector.broadcast %jit3A_619 : f32 to vector<16xf32>
      %broadcast_in_dim3A_622 = vector.broadcast %jit3A_620 : f32 to vector<16xf32>
      %select_n3A_623 = arith.select %eq3A_618, %broadcast_in_dim3A_621, %broadcast_in_dim3A_622 : vector<16xi1>, vector<16xf32>
      %mul3A_624 = arith.constant 16 : i32
      %mul3A_625 = arith.muli %scan3A_572, %mul3A_624 : i32
      %swap3A_626 = arith.constant 1 : i32
      %swap3A_627 = arith.constant 2 : i32
      %swap3A_628 = arith.index_cast %swap3A_626 : i32 to index
      %swap3A_629 = arith.index_cast %swap3A_627 : i32 to index
      %swap3A_630 = arith.index_cast %mul3A_625 : i32 to index
      %swap3A_631 = tpu.vector_load %arg5[%swap3A_628, %swap3A_629, %swap3A_630] {strides = array<i32>} : memref<2x5x4096xf32, #tpu.memory_space<vmem>>, vector<1x1x16xf32>,
      %swap3A_632 = vector.shape_cast %swap3A_631 : vector<1x1x16xf32> to vector<16xf32>
      %swap3A_633 = vector.shape_cast %select_n3A_623 : vector<16xf32> to vector<1x1x16xf32>
      tpu.vector_store %arg5[%swap3A_628, %swap3A_629, %swap3A_630], %swap3A_633 {strides = array<i32>} : memref<2x5x4096xf32, #tpu.memory_space<vmem>>, vector<1x1x16xf32>,
      %eq3A_634 = arith.constant 3 : i32
      %eq3A_635 = vector.broadcast %eq3A_634 : i32 to vector<16xi32>
      %eq3A_636 = arith.cmpi eq, %get3A_579, %eq3A_635 : vector<16xi32>
      %jit3A_637 = arith.constant 1.000000e+00 : f32
      %jit3A_638 = arith.constant 0.000000e+00 : f32
      %broadcast_in_dim3A_639 = vector.broadcast %jit3A_637 : f32 to vector<16xf32>
      %broadcast_in_dim3A_640 = vector.broadcast %jit3A_638 : f32 to vector<16xf32>
      %select_n3A_641 = arith.select %eq3A_636, %broadcast_in_dim3A_639, %broadcast_in_dim3A_640 : vector<16xi1>, vector<16xf32>
      %mul3A_642 = arith.constant 16 : i32
      %mul3A_643 = arith.muli %scan3A_572, %mul3A_642 : i32
      %swap3A_644 = arith.constant 1 : i32
      %swap3A_645 = arith.constant 3 : i32
      %swap3A_646 = arith.index_cast %swap3A_644 : i32 to index
      %swap3A_647 = arith.index_cast %swap3A_645 : i32 to index
      %swap3A_648 = arith.index_cast %mul3A_643 : i32 to index
      %swap3A_649 = tpu.vector_load %arg5[%swap3A_646, %swap3A_647, %swap3A_648] {strides = array<i32>} : memref<2x5x4096xf32, #tpu.memory_space<vmem>>, vector<1x1x16xf32>,
      %swap3A_650 = vector.shape_cast %swap3A_649 : vector<1x1x16xf32> to vector<16xf32>
      %swap3A_651 = vector.shape_cast %select_n3A_641 : vector<16xf32> to vector<1x1x16xf32>
      tpu.vector_store %arg5[%swap3A_646, %swap3A_647, %swap3A_648], %swap3A_651 {strides = array<i32>} : memref<2x5x4096xf32, #tpu.memory_space<vmem>>, vector<1x1x16xf32>,
      %eq3A_652 = arith.constant 4 : i32
      %eq3A_653 = vector.broadcast %eq3A_652 : i32 to vector<16xi32>
      %eq3A_654 = arith.cmpi eq, %get3A_579, %eq3A_653 : vector<16xi32>
      %jit3A_655 = arith.constant 1.000000e+00 : f32
      %jit3A_656 = arith.constant 0.000000e+00 : f32
      %broadcast_in_dim3A_657 = vector.broadcast %jit3A_655 : f32 to vector<16xf32>
      %broadcast_in_dim3A_658 = vector.broadcast %jit3A_656 : f32 to vector<16xf32>
      %select_n3A_659 = arith.select %eq3A_654, %broadcast_in_dim3A_657, %broadcast_in_dim3A_658 : vector<16xi1>, vector<16xf32>
      %mul3A_660 = arith.constant 16 : i32
      %mul3A_661 = arith.muli %scan3A_572, %mul3A_660 : i32
      %swap3A_662 = arith.constant 1 : i32
      %swap3A_663 = arith.constant 4 : i32
      %swap3A_664 = arith.index_cast %swap3A_662 : i32 to index
      %swap3A_665 = arith.index_cast %swap3A_663 : i32 to index
      %swap3A_666 = arith.index_cast %mul3A_661 : i32 to index
      %swap3A_667 = tpu.vector_load %arg5[%swap3A_664, %swap3A_665, %swap3A_666] {strides = array<i32>} : memref<2x5x4096xf32, #tpu.memory_space<vmem>>, vector<1x1x16xf32>,
      %swap3A_668 = vector.shape_cast %swap3A_667 : vector<1x1x16xf32> to vector<16xf32>
      %swap3A_669 = vector.shape_cast %select_n3A_659 : vector<16xf32> to vector<1x1x16xf32>
      tpu.vector_store %arg5[%swap3A_664, %swap3A_665, %swap3A_666], %swap3A_669 {strides = array<i32>} : memref<2x5x4096xf32, #tpu.memory_space<vmem>>, vector<1x1x16xf32>,
    }
    %scan3A_238 = arith.constant 256 : i32
    %add3A_239 = arith.constant 28672 : i32
    %add3A_240 = arith.addi %multiple_of3A, %add3A_239 : i32
    %multiple_of3A_241 = tpu.assume_multiple %add3A_240, 128 : i32
    %dma_start3A_242 = arith.constant 1 : i32
    %dma_start3A_243 = arith.constant 0 : i32
    %dma_start3A_244 = arith.constant 0 : i32
    %dma_start3A_245 = tpu.memref_slice %arg5[%dma_start3A_242, %dma_start3A_243, %dma_start3A_244] : memref<2x5x4096xf32, #tpu.memory_space<vmem>> -> memref<1x5x4096xf32, #tpu.memory_space<vmem>>
    %dma_start3A_246 = tpu.memref_squeeze %dma_start3A_245 : memref<1x5x4096xf32, #tpu.memory_space<vmem>> -> memref<5x4096xf32, #tpu.memory_space<vmem>>
    %dma_start3A_247 = arith.constant 0 : i32
    %dma_start3A_248 = tpu.memref_slice %arg3[%dma_start3A_247, %multiple_of3A_241] : memref<5x1000000xf32, #tpu.memory_space<hbm>> -> memref<5x4096xf32, #tpu.memory_space<hbm>>
    %dma_start3A_249 = arith.constant 0 : i32
    %dma_start3A_250 = tpu.memref_slice %arg3[%dma_start3A_249, %multiple_of3A_241] : memref<5x1000000xf32, #tpu.memory_space<hbm>> -> memref<5x4096xf32, #tpu.memory_space<hbm>>
    %dma_start3A_251 = arith.constant 0 : i32
    %dma_start3A_252 = arith.constant 0 : i32
    %dma_start3A_253 = tpu.memref_slice %arg5[%dma_start3A_242, %dma_start3A_251, %dma_start3A_252] : memref<2x5x4096xf32, #tpu.memory_space<vmem>> -> memref<1x5x4096xf32, #tpu.memory_space<vmem>>
    %dma_start3A_254 = tpu.memref_squeeze %dma_start3A_253 : memref<1x5x4096xf32, #tpu.memory_space<vmem>> -> memref<5x4096xf32, #tpu.memory_space<vmem>>
    tpu.enqueue_dma source(%dma_start3A_254 : memref<5x4096xf32, #tpu.memory_space<vmem>>) target(%dma_start3A_250 : memref<5x4096xf32, #tpu.memory_space<hbm>>) target_semaphore(%arg7 : memref<!tpu.dma_semaphore, #tpu.memory_space<semaphore_mem>>)
    %dma_wait3A_255 = arith.constant 0 : i32
    %dma_wait3A_256 = arith.constant 0 : i32
    %dma_wait3A_257 = arith.constant 0 : i32
    %dma_wait3A_258 = tpu.memref_slice %arg5[%dma_wait3A_255, %dma_wait3A_256, %dma_wait3A_257] : memref<2x5x4096xf32, #tpu.memory_space<vmem>> -> memref<1x5x4096xf32, #tpu.memory_space<vmem>>
    %dma_wait3A_259 = tpu.memref_squeeze %dma_wait3A_258 : memref<1x5x4096xf32, #tpu.memory_space<vmem>> -> memref<5x4096xf32, #tpu.memory_space<vmem>>
    %dma_wait3A_260 = arith.constant 0 : i32
    %dma_wait3A_261 = tpu.memref_slice %arg3[%dma_wait3A_260, %multiple_of3A_206] : memref<5x1000000xf32, #tpu.memory_space<hbm>> -> memref<5x4096xf32, #tpu.memory_space<hbm>>
    %dma_wait3A_262 = arith.constant 0 : i32
    %dma_wait3A_263 = tpu.memref_slice %arg3[%dma_wait3A_262, %multiple_of3A_206] : memref<5x1000000xf32, #tpu.memory_space<hbm>> -> memref<5x4096xf32, #tpu.memory_space<hbm>>
    %dma_wait3A_264 = arith.constant 0 : i32
    %dma_wait3A_265 = arith.constant 0 : i32
    %dma_wait3A_266 = tpu.memref_slice %arg5[%dma_wait3A_255, %dma_wait3A_264, %dma_wait3A_265] : memref<2x5x4096xf32, #tpu.memory_space<vmem>> -> memref<1x5x4096xf32, #tpu.memory_space<vmem>>
    %dma_wait3A_267 = tpu.memref_squeeze %dma_wait3A_266 : memref<1x5x4096xf32, #tpu.memory_space<vmem>> -> memref<5x4096xf32, #tpu.memory_space<vmem>>
    tpu.wait_dma2 semaphore(%arg6 : memref<!tpu.dma_semaphore, #tpu.memory_space<semaphore_mem>>) src(%dma_wait3A_267 : memref<5x4096xf32, #tpu.memory_space<vmem>>) dst(%dma_wait3A_263 : memref<5x4096xf32, #tpu.memory_space<hbm>>)
    %dma_wait3A_268 = arith.constant 1 : i32
    %dma_wait3A_269 = arith.constant 0 : i32
    %dma_wait3A_270 = arith.constant 0 : i32
    %dma_wait3A_271 = tpu.memref_slice %arg5[%dma_wait3A_268, %dma_wait3A_269, %dma_wait3A_270] : memref<2x5x4096xf32, #tpu.memory_space<vmem>> -> memref<1x5x4096xf32, #tpu.memory_space<vmem>>
    %dma_wait3A_272 = tpu.memref_squeeze %dma_wait3A_271 : memref<1x5x4096xf32, #tpu.memory_space<vmem>> -> memref<5x4096xf32, #tpu.memory_space<vmem>>
    %dma_wait3A_273 = arith.constant 0 : i32
    %dma_wait3A_274 = tpu.memref_slice %arg3[%dma_wait3A_273, %multiple_of3A_241] : memref<5x1000000xf32, #tpu.memory_space<hbm>> -> memref<5x4096xf32, #tpu.memory_space<hbm>>
    %dma_wait3A_275 = arith.constant 0 : i32
    %dma_wait3A_276 = tpu.memref_slice %arg3[%dma_wait3A_275, %multiple_of3A_241] : memref<5x1000000xf32, #tpu.memory_space<hbm>> -> memref<5x4096xf32, #tpu.memory_space<hbm>>
    %dma_wait3A_277 = arith.constant 0 : i32
    %dma_wait3A_278 = arith.constant 0 : i32
    %dma_wait3A_279 = tpu.memref_slice %arg5[%dma_wait3A_268, %dma_wait3A_277, %dma_wait3A_278] : memref<2x5x4096xf32, #tpu.memory_space<vmem>> -> memref<1x5x4096xf32, #tpu.memory_space<vmem>>
    %dma_wait3A_280 = tpu.memref_squeeze %dma_wait3A_279 : memref<1x5x4096xf32, #tpu.memory_space<vmem>> -> memref<5x4096xf32, #tpu.memory_space<vmem>>
    tpu.wait_dma2 semaphore(%arg7 : memref<!tpu.dma_semaphore, #tpu.memory_space<semaphore_mem>>) src(%dma_wait3A_280 : memref<5x4096xf32, #tpu.memory_space<vmem>>) dst(%dma_wait3A_276 : memref<5x4096xf32, #tpu.memory_space<hbm>>)
    return
  }
}

module attributes {stable_mosaic.version = 14 : i64} {
  func.func @_tail_body(%arg0: i32, %arg1: memref<128xi32, #tpu.memory_space<vmem>>, %arg2: memref<5x1000000xf32, #tpu.memory_space<any>>, %arg3: memref<5x128xf32, #tpu.memory_space<vmem>>) attributes {dimension_semantics = [#tpu.dimension_semantics<arbitrary>], iteration_bounds = array<i64: 1>, scalar_prefetch = 0 : i64, scratch_operands = 0 : i64, tpu.core_type = #tpu.core_type<tc>, window_params = [{transform_indices = @transform_0, window_bounds = array<i64: 128>}, {}, {transform_indices = @transform_2, window_bounds = array<i64: 5, 128>}]} {
    %get3A = arith.constant 0 : index
    %get3A_0 = vector.load %arg1[%get3A] : memref<128xi32, #tpu.memory_space<vmem>>, vector<128xi32>
    %iota3A = tpu.iota {dimensions = array<i32: 0>} : vector<5x128xi32>
    %broadcast_in_dim3A = vector.shape_cast %get3A_0 : vector<128xi32> to vector<1x128xi32>
    %eq3A = vector.broadcast %broadcast_in_dim3A : vector<1x128xi32> to vector<5x128xi32>
    %eq3A_1 = arith.cmpi eq, %eq3A, %iota3A : vector<5x128xi32>
    %convert_element_type3A = arith.extui %eq3A_1 : vector<5x128xi1> to vector<5x128xi32>
    %convert_element_type3A_2 = arith.sitofp %convert_element_type3A : vector<5x128xi32> to vector<5x128xf32>
    %swap3A = arith.constant 0 : index
    %swap3A_3 = arith.constant 0 : index
    %swap3A_4 = vector.load %arg3[%swap3A, %swap3A_3] : memref<5x128xf32, #tpu.memory_space<vmem>>, vector<5x128xf32>
    tpu.vector_store %arg3[%swap3A, %swap3A_3], %convert_element_type3A_2 {strides = array<i32>} : memref<5x128xf32, #tpu.memory_space<vmem>>, vector<5x128xf32>,
    return
  }
  func.func @transform_0(%arg0: i32) -> i32 {
    %c7812_i32 = arith.constant 7812 : i32
    %c0_i32 = arith.constant 0 : i32
    return %c7812_i32 : i32
  }
  func.func @transform_2(%arg0: i32) -> (i32, i32) {
    %c0_i32 = arith.constant 0 : i32
    %c7812_i32 = arith.constant 7812 : i32
    %c0_i32_0 = arith.constant 0 : i32
    return %c0_i32, %c7812_i32 : i32, i32
  }
}

</mosaic_0001>

<sc_bundles>
// kernel: kernel.4.cloned.1.call-start
scs
__scs_entry_jumppad:
0x0: {  	(pc) =	sbr.rel $0x88, $3  }
0x1: {  	(tag) =	ssettag $0x0;
	lr =	simm.s32 $0x1  }
0x2: {  	[smem:$0x3FA0] =	sst lr;
	_ =	strace $0xD0000000  }
0x3: {  	_ = 	snop  }
0x4: {  	_ = 	snop  }
0x5: {  	_ = 	snop  }
0x6: {  	_ = 	snop  }
0x7: {  	_ = 	snop  }
__scs_overlays_trampoline_lowered:
0x8: {  	[smem:$0x3FAF] =	sst s0  }
0x9: {  	[smem:$0x3FB0] =	sst s1  }
0xa: {  	[smem:$0x3FB1] =	sst s2  }
0xb: {  	[smem:$0x3FB2] =	sst s3  }
0xc: {  	[smem:$0x3FB3] =	sst s4  }
0xd: {  	[smem:$0x3FB4] =	sst s5  }
0xe: {  	[smem:$0x3FB5] =	sst s6  }
0xf: {  	[smem:$0x3FB6] =	sst s7  }
0x10: {  	[smem:$0x3FB7] =	sst s8  }
0x11: {  	[smem:$0x3FB8] =	sst s9;
	s0 =	simm.s32 @!p0 $0x0  }
0x12: {  	s1 =	sld [smem:$0x3F9E];
	s0 =	simm.s32 @p0 $0x1  }
0x13: {  	[smem:$0x3FB9] =	sst s0;
	s0 =	simm.s32 @!p1 $0x0  }
0x14: {  	s2 =	sld [smem:$0x3F9D];
	s0 =	simm.s32 @p1 $0x1  }
0x15: {  	[smem:$0x3FBA] =	sst s0;
	s0 =	simm.s32 @!p2 $0x0  }
0x16: {  	s3 =	sld [smem:$0x3FDB];
	s0 =	simm.s32 @p2 $0x1  }
0x17: {  	s4 =	simm.s32 $0x1BF5;
	[smem:$0x3FBC] =	sst s0  }
0x18: {  	s0 =	sld [smem:$0x3F9F];
	_ =	swait.ge [sflag:s4], $0x0  }
0x19: {  	s7 =	sld [smem:$0x3FA0]  }
0x1a: {  	s8 =	sadd.s32 $0xFFFFE003, lr  }
0x1b: {  	s9 =	sadd.s32 $0xFFFFFEF7, lr;
	s5 =	simm.s32 $0xFFFFFFFF;
	p2 =	slt.u32 s8, $0xFFFFF086  }
0x1c: {  	p1 =	slt.u32 s9, $0xF7A;
	s5 =	simm.s32 @!p2 $0x0  }
0x1d: {  	s5 =	simm.s32 @p1 $0x1;
	p0 =	seq.s32 s7, s2  }
0x1e: {  	s7 =	smul.u32 @!p0 $0xF7A, s2;
	p2 =	seq.s32 @!p0 s5, $0x0  }
0x1f: {  	s9 =	smul.u32 $0xF7A, s1;
	s8 =	simm.s32 @!p0 $0x1BF5;
	p2 =	por !p2, p0  }
0x20: {  	[sflag:s8] =	ssyncset.s32 @!p0 $0xFFFFF086;
	s6 =	sadd.s32 @!p0 s3, s7;
	s7 =	simm.s32 @!p0 $0x108  }
0x21: {  	s3 =	sadd.s32 s3, s9;
	s6 =	sadd.s32 @!p0 $0x88, s6;
	s7 =	simm.s32 @p2 $0x1082  }
0x22: {  	[simem:s7], [sflag:s8] =	dma.local @!p0 [hbm:s6], $0xF7A  }
0x23: {  	s9 =	sor.u32 $0xD0000000, s2;
	s6 =	simm.s32 $0x108;
	_ =	swait.ge @!p0 [sflag:s8], $0x0  }
0x24: {  	s3 =	sadd.s32 $0x88, s3;
	s6 =	simm.s32 @!p1 $0x1082;
	[sflag:s4] =	ssyncset.s32 $0xFFFFF086  }
0x25: {  	[simem:s6], [sflag:s4] =	dma.local [hbm:s3], $0xF7A  }
0x26: {  	[smem:$0x3FA0] =	sst s1;
	(tag) =	ssettag s2;
	_ =	strace s9  }
0x27: {  	s1 =	sld [smem:$0x3FB0]  }
0x28: {  	s2 =	sld [smem:$0x3FB1]  }
0x29: {  	s4 =	sld [smem:$0x3FB3]  }
0x2a: {  	p0 =	seq.s32 s5, $0x0;
	s5 =	sld [smem:$0x3FB4]  }
0x2b: {  	s6 =	sld [smem:$0x3FB5]  }
0x2c: {  	s7 =	sld [smem:$0x3FB6]  }
0x2d: {  	s3 =	simm.s32 $0x108;
	s8 =	sld [smem:$0x3FB7]  }
0x2e: {  	s3 =	simm.s32 @!p0 $0x1082;
	s9 =	sld [smem:$0x3FB8]  }
0x2f: {  	lr =	sadd.s32 s0, s3;
	s0 =	sld [smem:$0x3FAF]  }
0x30: {  	s3 =	sld [smem:$0x3FB2]  }
0x31: {  	[smem:$0x3FBB] =	sst s10  }
0x32: {  	s10 =	sld [smem:$0x3FB9];
	_ =	sdelay $0x3  }
0x33: {  	p0 =	seq.s32 s10, $0x1;
	s10 =	sld [smem:$0x3FBB];
	_ =	sdelay $0x3  }
0x34: {  	[smem:$0x3FBB] =	sst s10  }
0x35: {  	s10 =	sld [smem:$0x3FBA];
	_ =	sdelay $0x3  }
0x36: {  	p1 =	seq.s32 s10, $0x1;
	s10 =	sld [smem:$0x3FBB];
	_ =	sdelay $0x3  }
0x37: {  	[smem:$0x3FBB] =	sst s10  }
0x38: {  	s10 =	sld [smem:$0x3FBC]  }
0x39: {  	_ = 	snop;
	(pc) =	sbr.ind lr, $3  }
0x3a: {  	_ = 	snop  }
0x3b: {  	_ = 	snop  }
0x3c: {  	p2 =	seq.s32 s10, $0x1;
	s10 =	sld [smem:$0x3FBB]  }
0x3d: {  	_ =	shalt  }
0x3e: {  	_ =	shalt  }
0x3f: {  	_ =	shalt  }
0x40: {  	_ =	shalt  }
0x41: {  	_ =	shalt  }
0x42: {  	_ =	shalt  }
0x43: {  	_ =	shalt  }
0x44: {  	_ =	shalt  }
0x45: {  	_ =	shalt  }
0x46: {  	_ =	shalt  }
0x47: {  	_ =	shalt  }
0x48: {  	_ =	shalt  }
0x49: {  	_ =	shalt  }
0x4a: {  	_ =	shalt  }
0x4b: {  	_ =	shalt  }
0x4c: {  	_ =	shalt  }
0x4d: {  	_ =	shalt  }
0x4e: {  	_ =	shalt  }
0x4f: {  	_ =	shalt  }
0x50: {  	_ =	shalt  }
0x51: {  	_ =	shalt  }
0x52: {  	_ =	shalt  }
0x53: {  	_ =	shalt  }
0x54: {  	_ =	shalt  }
0x55: {  	_ =	shalt  }
0x56: {  	_ =	shalt  }
0x57: {  	_ =	shalt  }
0x58: {  	_ =	shalt  }
0x59: {  	_ =	shalt  }
0x5a: {  	_ =	shalt  }
0x5b: {  	_ =	shalt  }
0x5c: {  	_ =	shalt  }
0x5d: {  	_ =	shalt  }
0x5e: {  	_ =	shalt  }
0x5f: {  	_ =	shalt  }
0x60: {  	_ =	shalt  }
0x61: {  	_ =	shalt  }
0x62: {  	_ =	shalt  }
0x63: {  	_ =	shalt  }
0x64: {  	_ =	shalt  }
0x65: {  	_ =	shalt  }
0x66: {  	_ =	shalt  }
0x67: {  	_ =	shalt  }
0x68: {  	_ =	shalt  }
0x69: {  	_ =	shalt  }
0x6a: {  	_ =	shalt  }
0x6b: {  	_ =	shalt  }
0x6c: {  	_ =	shalt  }
0x6d: {  	_ =	shalt  }
0x6e: {  	_ =	shalt  }
0x6f: {  	_ =	shalt  }
0x70: {  	_ =	shalt  }
0x71: {  	_ =	shalt  }
0x72: {  	_ =	shalt  }
0x73: {  	_ =	shalt  }
0x74: {  	_ =	shalt  }
0x75: {  	_ =	shalt  }
0x76: {  	_ =	shalt  }
0x77: {  	_ =	shalt  }
0x78: {  	_ =	shalt  }
0x79: {  	_ =	shalt  }
0x7a: {  	_ =	shalt  }
0x7b: {  	_ =	shalt  }
0x7c: {  	_ =	shalt  }
0x7d: {  	_ =	shalt  }
0x7e: {  	_ =	shalt  }
0x7f: {  	_ =	shalt  }
0x80: {  	_ =	shalt  }
0x81: {  	_ =	shalt  }
0x82: {  	_ =	shalt  }
0x83: {  	_ =	shalt  }
0x84: {  	_ =	shalt  }
0x85: {  	_ =	shalt  }
0x86: {  	_ =	shalt  }
0x87: {  	_ =	shalt  }
.Lfunc_end0:
.L_simem_size_0:
called_computation_lowered:
.L_overlay_start_0:
0x88: {  	s2 =	sld [smem:$0x3FD9]  }
0x89: {  	s3 =	sld [smem:$0x3FFE];
	_ =	sdelay $0x1  }
0x8a: {  	s1 =	srdreg.scid  }
0x8b: {  	s0 =	sand.u32 $0x1, s1  }
0x8c: {  	s18 =	sshll.u32 s0, $0xA;
	s2 =	sadd.s32 s3, s2  }
0x8d: {  	s2 =	sadd.s32 s2, s18  }
0x8e: {  	[smem:$0x3FC7] =	sst s2  }
0x8f: {  	_ = 	snop  }
0x90: {  	s2 =	sld [smem:$0x3FC9]  }
0x91: {  	s19 =	sld [smem:$0x3FD0];
	(tm) =	ssettm $0x1  }
0x92: {  	s4 =	sld [smem:$0x3FFB];
	_ =	sdelay $0x3  }
0x93: {  	_ =	strace s4  }
0x94: {  	s4 =	sld [smem:$0x3FFC];
	_ =	sdelay $0x3  }
0x95: {  	_ =	strace s4  }
0x96: {  	s4 =	sld [smem:$0x3FFD];
	_ =	sdelay $0x3  }
0x97: {  	_ =	strace s4  }
0x98: {  	_ =	strace $0x8FFFFFFF  }
0x99: {  	s20 =	sld [smem:$0x3FDB];
	_ =	sdelay $0x1  }
0x9a: {  	s5 =	simm.s32 $_scs_section_size  }
0x9b: {  	s6 =	simm.s32 $_size__tile_overlayer_lowered;
	s7 =	simm.s32 $_tile_overlayer_lowered  }
0x9c: {  	s23 =	simm.s32 $0x1BFF;
	s22 =	sshll.u32 s7, $0x1;
	s4 =	sadd.s32 s5, s20  }
0x9d: {  	s8 =	simm.s32 $0x0;
	s21 =	sshll.u32 s6, $0x1;
	s6 =	sadd.s32 s22, s4  }
0x9e: {  	[timem:s8], [sflag:s23] =	dma.local [hbm:s6], s21  }
0x9f: {  	_ =	swait.ge [sflag:s23], s21  }
0xa0: {  	s5 =	ssub.s32 $0x0, s21;
	[sflag:s23] =	ssyncset.done $0x0  }
0xa1: {  	[sflag:s23] =	ssyncadd.s32 s5;
	_ =	sdelay $0x1  }
0xa2: {  	s24 =	simm.s32 $0x1B8B  }
0xa3: {  	_ =	swait.ge [sflag:s24], $0x1  }
0xa4: {  	[sflag:s24] =	ssyncset.done $0x0  }
0xa5: {  	s25 =	simm.s32 $0x1B8E;
	[sflag:s24] =	ssyncadd.s32 $0xFFFFFFFF  }
0xa6: {  	s26 =	simm.s32 $execute0_lowered;
	[smem:$0x3FD2] =	sst s25  }
0xa7: {  	s5 =	sshll.u32 s26, $0x1;
	_ =	strace $0x80000046;
	[dreg:$0x1] =	wrdreg $0xFFFFFFFF  }
0xa8: {  	s28 =	simm.s32 $_size_execute0_lowered;
	s4 =	sadd.s32 s4, s5;
	[dreg:$0x0] =	wrdreg $0x0  }
0xa9: {  	s5 =	sshll.u32 s28, $0x1;
	[dreg:$0x2] =	wrdreg s4  }
0xaa: {  	[dreg:$0x3] =	wrdreg s5  }
0xab: {  	[dreg:$0x4] =	wrdreg $0xC0  }
0xac: {  	_ =	task [dreg:s8], $0x5FFFF  }
0xad: {  	[dreg:$0x1] =	wrdreg $0xFFFFFFFF  }
0xae: {  	[dreg:$0x0] =	wrdreg $0x60  }
0xaf: {  	[dreg:$0x2] =	wrdreg s2  }
0xb0: {  	[dreg:$0x3] =	wrdreg s19  }
0xb1: {  	[dreg:$0x4] =	wrdreg $0x9  }
0xb2: {  	_ =	task.clear_ibuf [dreg:s8], $0x5FFFF;
	_ =	strace $0x90000046  }
0xb3: {  	s29 =	simm.s32 $0x9;
	_ =	strace $0x80000048  }
0xb4: {  	_ =	swait.ge [sflag:s29], $0x1  }
0xb5: {  	[sflag:s29] =	ssyncadd.s32 $0xFFFFFFFF  }
0xb6: {  	_ =	strace $0x90000048  }
0xb7: {  	_ =	sfence  }
0xb8: {  	s30 =	sld [smem:$0x0];
	_ =	sdelay $0x2  }
0xb9: {  	s31 =	sshll.u32 s1, $0xD;
	s1 =	sshrl.u32 s1, $0x2  }
0xba: {  	s3 =	sand.u32 $0x4000, s31;
	s1 =	sadd.s32 s1, s30  }
0xbb: {  	s0 =	sor.u32 s3, s0;
	s1 =	sshll.u32 s1, $0x11  }
0xbc: {  	s0 =	sor.u32 s1, s0  }
0xbd: {  	s0 =	sadd.s32 $0x8F2B, s0  }
0xbe: {  	[sflag:s0] =	ssyncadd.remote.s32 $0x1  }
0xbf: {  	_ =	sfence.sel $0xFFFF  }
0xc0: {  	[dreg:$0x0] =	wrdreg $0xFFFFFFFF;
	(pc) =	sbr.abs _section_cstart, $3  }
0xc1: {  	[dreg:$0x1] =	wrdreg $0xFFFFFFFF  }
0xc2: {  	_ =	task.clear_ibuf [dreg:s8], $0x2FFFF;
	_ =	strace $0x9FFFFFFF  }
0xc3: {  	(tm) =	ssettm $0x7FFFFFFF  }
tec
execute0_lowered:
.L_overlay_start_1:
0x0: {  	(tag) =	ssettag $0x1  }
0x1: {  	s1 =	srdreg.scid;
	s4 =	rddreg [dreg:$0x0]  }
0x2: {  	s0 =	stileid.u32;
	s5 =	rddreg [dreg:$0x1];
	s2 =	simm.s32 $0x0  }
0x3: {  	s13 =	simm.s32 $0x3;
	s3 =	sand.u32 $0x1, s1;
	s30 =	sshll.u32 s0, $0x1  }
0x4: {  	s14 =	simm.s32 $0x1;
	s15 =	simm.s32 $0x8000;
	s6 =	sor.u32 s3, s30  }
0x5: {  	s16 =	simm.s32 $0x10000;
	s17 =	simm.s32 $0x2;
	s6 =	smul.u32 $0x7A00, s6  }
0x6: {  	s18 =	simm.s32 $0x0;
	[smem:$0x7FF] =	sst s2;
	s3 =	ssub.s32 $0x2, s3  }
0x7: {  	_ =	strace $0x80000047;
	s7 =	sshrl.u32 s3, $0x1;
	s6 =	smin.u32 s6, $0xEC200  }
0x8: {  	s12 =	ssub.s32 s3, s7;
	s31 =	sshrl.u32 s6, $0x3;
	s3 =	sadd.s32 s5, s6  }
0x9: {  	s12 =	smax.u32 s12, $0x1;
	s4 =	sadd.s32 s4, s31;
	s5 =	sadd.s32 $0x1000, s3  }
0xa: {  	s6 =	sadd.s32 $0x2000, s3;
	s7 =	sadd.s32 $0x3000, s3;
	s8 =	sadd.s32 $0x4000, s3  }
0xb: {  	v0 =	vimm.f32 $0.0e+00;
	s9 =	sadd.s32 $0x5000, s3;
	s10 =	sadd.s32 $0x6000, s3;
	s11 =	sadd.s32 $0x7000, s3  }
.LBB2_1:
0xc: {  	[tilespmem:s2], [sflag:$0x3] =	stream.linear.gather [hbm4b:s4+s2], $0x8000, $0x38;
	[tilespmem:$0x18000] =	vst v63  }
0xd: {  	_ =	swait.ge [sflag:s13], $0x8000  }
0xe: {  	[sflag:s13] =	ssyncset.done $0x0  }
0xf: {  	[sflag:s13] =	ssyncadd.s32 $0xFFFF8000  }
0x10: {  	v1 =	vld [tilespmem:s2+$0x0];
	_ =	sdelay $0x3  }
0x11: {  	s19 =	sand.u32 $0x7C00, s2  }
0x12: {  	s20 =	sand.u32 $0x40, s2;
	s19 =	sor.u32 $0x8000, s19;
	vm0 =	veq.s32 v1, $0x1  }
0x13: {  	p0 =	por $0x0, $0x0;
	s22 =	simm.s32 $0x1;
	s21 =	sor.u32 s20, s19;
	vm1 =	veq.s32 v1, $0x0;
	v2 =	vsel vm0, $0x3F800000, v0  }
0x14: {  	s22 =	simm.s32 @!p0 $0x0;
	vm8 =	veq.s32 v1, $0x2;
	v3 =	vsel vm1, $0x3F800000, v0;
	[tilespmem:s21+$0x80] =	vst v2  }
0x15: {  	s22 =	sshll.u32 s22, $0x6;
	vm9 =	veq.s32 v1, $0x3;
	v2 =	vsel vm8, $0x3F800000, v0;
	[tilespmem:s21+$0x0] =	vst v3  }
0x16: {  	s22 =	sadd.s32 $0x0, s22;
	vm10 =	veq.s32 v1, $0x4;
	v3 =	vsel vm9, $0x3F800000, v0;
	[tilespmem:s21+$0x100] =	vst v2  }
0x17: {  	s26 =	sand.u32 $0xF80, s2;
	s23 =	sor.u32 $0x10, s20;
	s24 =	sor.u32 $0x200, s22;
	v1 =	vsel vm10, $0x3F800000, v0;
	[tilespmem:s21+$0x180] =	vst v3  }
0x18: {  	s25 =	sor.u32 s23, s26;
	[tilespmem:s24+$0x8000] =	vst v1  }
0x19: {  	v1 =	vld [tilespmem:s25+$0x0];
	_ =	sdelay $0x4  }
0x1a: {  	vm11 =	veq.s32 v1, $0x0  }
0x1b: {  	s23 =	sor.u32 s23, s19;
	vm13 =	veq.s32 v1, $0x1;
	v2 =	vsel vm11, $0x3F800000, v0  }
0x1c: {  	vm12 =	veq.s32 v1, $0x2;
	v3 =	vsel vm13, $0x3F800000, v0;
	[tilespmem:s23+$0x0] =	vst v2  }
0x1d: {  	vm14 =	veq.s32 v1, $0x3;
	v2 =	vsel vm12, $0x3F800000, v0;
	[tilespmem:s23+$0x80] =	vst v3  }
0x1e: {  	s24 =	sadd.s32 $0x10, s22;
	vm15 =	veq.s32 v1, $0x4;
	[tilespmem:s23+$0x100] =	vst v2;
	v2 =	vsel vm14, $0x3F800000, v0  }
0x1f: {  	s28 =	sor.u32 $0x20, s20;
	s30 =	sor.u32 $0x200, s24;
	v1 =	vsel vm15, $0x3F800000, v0;
	[tilespmem:s23+$0x180] =	vst v2  }
0x20: {  	s31 =	sor.u32 s28, s26;
	[tilespmem:s30+$0x8000] =	vst v1  }
0x21: {  	v1 =	vld [tilespmem:s31+$0x0];
	_ =	sdelay $0x1  }
0x22: {  	s29 =	sadd.s32 $0x20, s22;
	s21 =	simm.s32 $0x0;
	s25 =	sadd.s32 $0x30, s22  }
0x23: {  	s22 =	simm.s32 $0x40;
	s24 =	simm.s32 $0x0;
	s23 =	simm.s32 $0x40  }
.LBB2_2:
0x24: {  	s21 =	sadd.s32 $0x4, s21;
	s24 =	sadd.s32 $0x200, s24;
	p0 =	por !p0, !p0  }
0x25: {  	p1 =	slt.u32 s21, $0xFC;
	vm0 =	veq.s32 v1, $0x0;
	vm1 =	veq.s32 v1, $0x1;
	vm2 =	veq.s32 v1, $0x2  }
0x26: {  	s28 =	sor.u32 s28, s19;
	v2 =	vsel vm0, $0x3F800000, v0;
	v3 =	vsel vm2, $0x3F800000, v0;
	vm0 =	veq.s32 v1, $0x3  }
0x27: {  	[tilespmem:s28+$0x0] =	vst v2;
	v2 =	vsel vm1, $0x3F800000, v0;
	v4 =	vsel vm0, $0x3F800000, v0;
	vm0 =	veq.s32 v1, $0x4  }
0x28: {  	[tilespmem:s28+$0x100] =	vst v3  }
0x29: {  	v1 =	vsel vm0, $0x3F800000, v0;
	[tilespmem:s28+$0x80] =	vst v2  }
0x2a: {  	s20 =	sor.u32 $0x30, s20;
	[tilespmem:s28+$0x180] =	vst v4;
	s28 =	sor.u32 $0x200, s29  }
0x2b: {  	s26 =	sor.u32 s20, s26;
	[tilespmem:s28+$0x8000] =	vst v1  }
0x2c: {  	v1 =	vld [tilespmem:s26+$0x0];
	_ =	sdelay $0x4  }
0x2d: {  	vm0 =	veq.s32 v1, $0x0;
	vm1 =	veq.s32 v1, $0x1;
	vm2 =	veq.s32 v1, $0x2  }
0x2e: {  	s19 =	sor.u32 s20, s19;
	v2 =	vsel vm0, $0x3F800000, v0;
	v3 =	vsel vm1, $0x3F800000, v0;
	vm0 =	veq.s32 v1, $0x3  }
0x2f: {  	[tilespmem:s19+$0x0] =	vst v2;
	v2 =	vsel vm2, $0x3F800000, v0;
	v4 =	vsel vm0, $0x3F800000, v0;
	vm0 =	veq.s32 v1, $0x4  }
0x30: {  	[tilespmem:s19+$0x180] =	vst v4  }
0x31: {  	[tilespmem:s19+$0x100] =	vst v2  }
0x32: {  	v1 =	vsel vm0, $0x3F800000, v0;
	[tilespmem:s19+$0x80] =	vst v3;
	s19 =	sor.u32 $0x200, s25  }
0x33: {  	[tilespmem:s19+$0x8000] =	vst v1  }
0x34: {  	v1 =	vld [tilespmem:s23+$0x0];
	_ =	sdelay $0x3  }
0x35: {  	s19 =	sand.u32 $0x7C00, s24  }
0x36: {  	s20 =	sand.u32 $0x40, s22;
	s19 =	sor.u32 $0x8000, s19;
	vm0 =	veq.s32 v1, $0x0;
	vm1 =	veq.s32 v1, $0x1;
	vm2 =	veq.s32 v1, $0x2  }
0x37: {  	s28 =	sor.u32 $0x20, s20;
	s26 =	simm.s32 $0x1;
	s25 =	sor.u32 s20, s19;
	v2 =	vsel vm0, $0x3F800000, v0;
	v3 =	vsel vm1, $0x3F800000, v0;
	vm0 =	veq.s32 v1, $0x3  }
0x38: {  	s26 =	simm.s32 @!p0 $0x0;
	[tilespmem:s25+$0x80] =	vst v3;
	v3 =	vsel vm2, $0x3F800000, v0;
	v4 =	vsel vm0, $0x3F800000, v0;
	vm0 =	veq.s32 v1, $0x4  }
0x39: {  	s26 =	sshll.u32 s26, $0x6;
	[tilespmem:s25+$0x0] =	vst v2  }
0x3a: {  	s30 =	sadd.s32 s26, s24;
	s26 =	sand.u32 $0xF80, s22;
	[tilespmem:s25+$0x100] =	vst v3  }
0x3b: {  	s31 =	sor.u32 $0x10, s20;
	s1 =	sadd.s32 $0x10, s30;
	v1 =	vsel vm0, $0x3F800000, v0;
	[tilespmem:s25+$0x180] =	vst v4;
	s25 =	sor.u32 $0x200, s30  }
0x3c: {  	s0 =	sor.u32 s31, s26;
	s29 =	sadd.s32 $0x20, s30;
	[tilespmem:s25+$0x8000] =	vst v1;
	s25 =	sadd.s32 $0x30, s30  }
0x3d: {  	v1 =	vld [tilespmem:s0+$0x0];
	_ =	sdelay $0x4  }
0x3e: {  	vm0 =	veq.s32 v1, $0x0;
	vm1 =	veq.s32 v1, $0x1;
	vm2 =	veq.s32 v1, $0x2  }
0x3f: {  	s0 =	sor.u32 s31, s19;
	v2 =	vsel vm0, $0x3F800000, v0;
	v3 =	vsel vm1, $0x3F800000, v0;
	vm0 =	veq.s32 v1, $0x3  }
0x40: {  	[tilespmem:s0+$0x0] =	vst v2;
	v2 =	vsel vm2, $0x3F800000, v0;
	v4 =	vsel vm0, $0x3F800000, v0;
	vm0 =	veq.s32 v1, $0x4  }
0x41: {  	[tilespmem:s0+$0x100] =	vst v2  }
0x42: {  	[tilespmem:s0+$0x80] =	vst v3  }
0x43: {  	v1 =	vsel vm0, $0x3F800000, v0;
	[tilespmem:s0+$0x180] =	vst v4;
	s0 =	sor.u32 $0x200, s1  }
.Ltmp0:
0x44: {  	[tilespmem:s0+$0x8000] =	vst v1;
	s0 =	sor.u32 s28, s26;
	(pc) =	sbr.rel @p1 .LBB2_2-.Ltmp0, $2  }
0x45: {  	v1 =	vld [tilespmem:s0+$0x0];
	_ =	sdelay $0x2  }
0x46: {  	s22 =	sadd.s32 $0x40, s22;
	s23 =	sadd.s32 $0x40, s23  }
0x47: {  	_ = 	snop  }
0x48: {  	vm0 =	veq.s32 v1, $0x0  }
0x49: {  	s0 =	sor.u32 s28, s19;
	vm1 =	veq.s32 v1, $0x2;
	v2 =	vsel vm0, $0x3F800000, v0  }
0x4a: {  	vm12 =	veq.s32 v1, $0x1;
	v3 =	vsel vm1, $0x3F800000, v0;
	[tilespmem:s0+$0x0] =	vst v2  }
0x4b: {  	vm13 =	veq.s32 v1, $0x3;
	v2 =	vsel vm12, $0x3F800000, v0;
	[tilespmem:s0+$0x100] =	vst v3  }
0x4c: {  	vm14 =	veq.s32 v1, $0x4;
	v3 =	vsel vm13, $0x3F800000, v0;
	[tilespmem:s0+$0x80] =	vst v2  }
0x4d: {  	s22 =	sor.u32 $0x200, s29;
	s1 =	sor.u32 $0x30, s20;
	v1 =	vsel vm14, $0x3F800000, v0;
	[tilespmem:s0+$0x180] =	vst v3  }
0x4e: {  	s23 =	sor.u32 s1, s26;
	[tilespmem:s22+$0x8000] =	vst v1  }
0x4f: {  	v1 =	vld [tilespmem:s23+$0x0];
	_ =	sdelay $0x4  }
0x50: {  	vm15 =	veq.s32 v1, $0x0  }
0x51: {  	s24 =	sor.u32 s1, s19;
	vm5 =	veq.s32 v1, $0x2;
	v2 =	vsel vm15, $0x3F800000, v0  }
0x52: {  	vm4 =	veq.s32 v1, $0x3;
	v3 =	vsel vm5, $0x3F800000, v0;
	[tilespmem:s24+$0x0] =	vst v2  }
0x53: {  	vm6 =	veq.s32 v1, $0x1;
	v2 =	vsel vm4, $0x3F800000, v0;
	[tilespmem:s24+$0x100] =	vst v3  }
0x54: {  	vm7 =	veq.s32 v1, $0x4;
	[tilespmem:s24+$0x180] =	vst v2;
	v2 =	vsel vm6, $0x3F800000, v0  }
0x55: {  	s25 =	sor.u32 $0x200, s25;
	s19 =	simm.s32 $0x0;
	v1 =	vsel vm7, $0x3F800000, v0;
	[tilespmem:s24+$0x80] =	vst v2  }
0x56: {  	s26 =	sand.u32 $0xFC0, s19;
	[tilespmem:s25+$0x8000] =	vst v1  }
0x57: {  	[hbm4b:s3+s19] =	stream.linear.scatter [tilespmem:s15], [sflag:$0x1], $0x8000, $0x38;
	[tilespmem:$0x18000] =	vst v63  }
0x58: {  	v1 =	vld [tilespmem:s26+$0x1000];
	_ =	sdelay $0x3  }
0x59: {  	s28 =	sand.u32 $0x7C00, s19  }
0x5a: {  	s22 =	sor.u32 $0x10000, s28;
	s25 =	sand.u32 $0x40, s19;
	vm8 =	veq.s32 v1, $0x0  }
0x5b: {  	s23 =	sor.u32 $0x10080, s28;
	s29 =	sor.u32 s25, s22;
	vm9 =	veq.s32 v1, $0x1;
	v2 =	vsel vm8, $0x3F800000, v0  }
0x5c: {  	s21 =	sor.u32 $0x10100, s28;
	s30 =	sor.u32 s25, s23;
	vm10 =	veq.s32 v1, $0x2;
	[tilespmem:s29+$0x0] =	vst v2;
	v2 =	vsel vm9, $0x3F800000, v0  }
0x5d: {  	s20 =	sor.u32 $0x10180, s28;
	s31 =	sor.u32 s25, s21;
	vm11 =	veq.s32 v1, $0x3;
	[tilespmem:s30+$0x0] =	vst v2;
	v2 =	vsel vm10, $0x3F800000, v0  }
0x5e: {  	s24 =	sor.u32 $0x10200, s28;
	s1 =	sor.u32 s25, s20;
	vm12 =	veq.s32 v1, $0x4;
	v1 =	vsel vm11, $0x3F800000, v0;
	[tilespmem:s31+$0x0] =	vst v2  }
0x5f: {  	s26 =	sor.u32 s25, s24;
	[tilespmem:s1+$0x0] =	vst v1;
	v1 =	vsel vm12, $0x3F800000, v0  }
0x60: {  	s1 =	simm.s32 $0x1030;
	[tilespmem:s26+$0x0] =	vst v1  }
0x61: {  	v1 =	vld [tilespmem:s1+$0xFFFFFFE0];
	_ =	sdelay $0x4  }
0x62: {  	s0 =	sor.u32 $0x10, s25;
	vm13 =	veq.s32 v1, $0x0  }
0x63: {  	s28 =	sor.u32 s0, s22;
	vm14 =	veq.s32 v1, $0x1;
	v2 =	vsel vm13, $0x3F800000, v0  }
0x64: {  	s29 =	sor.u32 s0, s23;
	vm15 =	veq.s32 v1, $0x2;
	[tilespmem:s28+$0x0] =	vst v2;
	v2 =	vsel vm14, $0x3F800000, v0  }
0x65: {  	s30 =	sor.u32 s0, s21;
	vm4 =	veq.s32 v1, $0x3;
	[tilespmem:s29+$0x0] =	vst v2;
	v2 =	vsel vm15, $0x3F800000, v0  }
0x66: {  	s31 =	sor.u32 s0, s20;
	vm5 =	veq.s32 v1, $0x4;
	v1 =	vsel vm4, $0x3F800000, v0;
	[tilespmem:s30+$0x0] =	vst v2  }
0x67: {  	s0 =	sor.u32 s0, s24;
	[tilespmem:s31+$0x0] =	vst v1;
	v1 =	vsel vm5, $0x3F800000, v0  }
0x68: {  	[tilespmem:s0+$0x0] =	vst v1  }
0x69: {  	v1 =	vld [tilespmem:s1+$0xFFFFFFF0];
	_ =	sdelay $0x4  }
0x6a: {  	s0 =	sor.u32 $0x20, s25;
	vm6 =	veq.s32 v1, $0x0  }
0x6b: {  	s28 =	sor.u32 s0, s22;
	vm7 =	veq.s32 v1, $0x1;
	v2 =	vsel vm6, $0x3F800000, v0  }
0x6c: {  	s29 =	sor.u32 s0, s23;
	vm8 =	veq.s32 v1, $0x2;
	[tilespmem:s28+$0x0] =	vst v2;
	v2 =	vsel vm7, $0x3F800000, v0  }
0x6d: {  	s30 =	sor.u32 s0, s21;
	vm9 =	veq.s32 v1, $0x3;
	[tilespmem:s29+$0x0] =	vst v2;
	v2 =	vsel vm8, $0x3F800000, v0  }
0x6e: {  	s31 =	sor.u32 s0, s20;
	vm10 =	veq.s32 v1, $0x4;
	v1 =	vsel vm9, $0x3F800000, v0;
	[tilespmem:s30+$0x0] =	vst v2  }
0x6f: {  	s0 =	sor.u32 s0, s24;
	[tilespmem:s31+$0x0] =	vst v1;
	v1 =	vsel vm10, $0x3F800000, v0  }
0x70: {  	[tilespmem:s0+$0x0] =	vst v1  }
0x71: {  	v1 =	vld [tilespmem:s1+$0x0];
	_ =	sdelay $0x4  }
0x72: {  	s26 =	sor.u32 $0x30, s25;
	vm11 =	veq.s32 v1, $0x0  }
0x73: {  	s28 =	sor.u32 s26, s22;
	vm12 =	veq.s32 v1, $0x1;
	v2 =	vsel vm11, $0x3F800000, v0  }
0x74: {  	s29 =	sor.u32 s26, s23;
	vm13 =	veq.s32 v1, $0x2;
	[tilespmem:s28+$0x0] =	vst v2;
	v2 =	vsel vm12, $0x3F800000, v0  }
0x75: {  	s30 =	sor.u32 s26, s21;
	vm14 =	veq.s32 v1, $0x3;
	[tilespmem:s29+$0x0] =	vst v2;
	v2 =	vsel vm13, $0x3F800000, v0  }
0x76: {  	s22 =	simm.s32 $0x40;
	s31 =	sor.u32 s26, s20;
	vm15 =	veq.s32 v1, $0x4;
	v1 =	vsel vm14, $0x3F800000, v0;
	[tilespmem:s30+$0x0] =	vst v2  }
0x77: {  	s23 =	sor.u32 s26, s24;
	s21 =	simm.s32 $0x4;
	s20 =	simm.s32 $0x1070;
	[tilespmem:s31+$0x0] =	vst v1;
	v1 =	vsel vm15, $0x3F800000, v0  }
.LBB2_4:
0x78: {  	s21 =	sadd.s32 $0x4, s21;
	s0 =	sand.u32 $0xFC0, s22;
	[tilespmem:s23+$0x0] =	vst v1;
	s19 =	sadd.s32 $0x200, s19  }
0x79: {  	p0 =	slt.u32 s21, $0xFC;
	v1 =	vld [tilespmem:s0+$0x1000];
	_ =	sdelay $0x3  }
0x7a: {  	s28 =	sand.u32 $0x40, s22;
	s0 =	sand.u32 $0x7C00, s19  }
0x7b: {  	s26 =	sor.u32 $0x10000, s0;
	s24 =	sor.u32 $0x10100, s0;
	s23 =	sor.u32 $0x10180, s0;
	vm0 =	veq.s32 v1, $0x0;
	vm1 =	veq.s32 v1, $0x1;
	vm2 =	veq.s32 v1, $0x2  }
0x7c: {  	s29 =	sor.u32 $0x10080, s0;
	s25 =	sor.u32 $0x10200, s0;
	s1 =	sor.u32 s28, s26;
	vm3 =	veq.s32 v1, $0x4;
	v2 =	vsel vm0, $0x3F800000, v0;
	vm0 =	veq.s32 v1, $0x3  }
0x7d: {  	s0 =	sor.u32 s28, s29;
	v1 =	vsel vm1, $0x3F800000, v0;
	[tilespmem:s1+$0x0] =	vst v2;
	s1 =	sor.u32 s28, s24  }
0x7e: {  	[tilespmem:s0+$0x0] =	vst v1;
	v1 =	vsel vm2, $0x3F800000, v0  }
0x7f: {  	s0 =	sor.u32 s28, s23;
	[tilespmem:s1+$0x0] =	vst v1;
	v1 =	vsel vm0, $0x3F800000, v0  }
0x80: {  	[tilespmem:s0+$0x0] =	vst v1;
	v1 =	vsel vm3, $0x3F800000, v0;
	s0 =	sor.u32 s28, s25  }
0x81: {  	[tilespmem:s0+$0x0] =	vst v1  }
0x82: {  	v1 =	vld [tilespmem:s20+$0xFFFFFFE0];
	_ =	sdelay $0x4  }
0x83: {  	s0 =	sor.u32 $0x10, s28;
	vm0 =	veq.s32 v1, $0x0;
	vm1 =	veq.s32 v1, $0x1;
	vm2 =	veq.s32 v1, $0x2  }
0x84: {  	s1 =	sor.u32 s0, s26;
	vm3 =	veq.s32 v1, $0x4;
	v2 =	vsel vm0, $0x3F800000, v0;
	vm0 =	veq.s32 v1, $0x3  }
0x85: {  	v1 =	vsel vm1, $0x3F800000, v0;
	[tilespmem:s1+$0x0] =	vst v2;
	s1 =	sor.u32 s0, s29  }
0x86: {  	[tilespmem:s1+$0x0] =	vst v1;
	v1 =	vsel vm2, $0x3F800000, v0;
	s1 =	sor.u32 s0, s24  }
0x87: {  	[tilespmem:s1+$0x0] =	vst v1;
	v1 =	vsel vm0, $0x3F800000, v0;
	s1 =	sor.u32 s0, s23  }
0x88: {  	s0 =	sor.u32 s0, s25;
	[tilespmem:s1+$0x0] =	vst v1;
	v1 =	vsel vm3, $0x3F800000, v0  }
0x89: {  	[tilespmem:s0+$0x0] =	vst v1  }
0x8a: {  	v1 =	vld [tilespmem:s20+$0xFFFFFFF0];
	_ =	sdelay $0x4  }
0x8b: {  	s0 =	sor.u32 $0x20, s28;
	vm0 =	veq.s32 v1, $0x0;
	vm1 =	veq.s32 v1, $0x1;
	vm2 =	veq.s32 v1, $0x2  }
0x8c: {  	s1 =	sor.u32 s0, s26;
	vm3 =	veq.s32 v1, $0x4;
	v2 =	vsel vm0, $0x3F800000, v0;
	vm0 =	veq.s32 v1, $0x3  }
0x8d: {  	v1 =	vsel vm1, $0x3F800000, v0;
	[tilespmem:s1+$0x0] =	vst v2;
	s1 =	sor.u32 s0, s29  }
0x8e: {  	[tilespmem:s1+$0x0] =	vst v1;
	v1 =	vsel vm2, $0x3F800000, v0;
	s1 =	sor.u32 s0, s24  }
0x8f: {  	[tilespmem:s1+$0x0] =	vst v1;
	v1 =	vsel vm0, $0x3F800000, v0;
	s1 =	sor.u32 s0, s23  }
0x90: {  	s0 =	sor.u32 s0, s25;
	[tilespmem:s1+$0x0] =	vst v1;
	v1 =	vsel vm3, $0x3F800000, v0  }
0x91: {  	[tilespmem:s0+$0x0] =	vst v1  }
0x92: {  	v1 =	vld [tilespmem:s20+$0x0];
	_ =	sdelay $0x4  }
0x93: {  	s0 =	sor.u32 $0x30, s28;
	vm0 =	veq.s32 v1, $0x0;
	vm1 =	veq.s32 v1, $0x1;
	vm2 =	veq.s32 v1, $0x2  }
.Ltmp1:
0x94: {  	s1 =	sor.u32 s0, s26;
	vm3 =	veq.s32 v1, $0x4;
	v2 =	vsel vm0, $0x3F800000, v0;
	vm0 =	veq.s32 v1, $0x3;
	(pc) =	sbr.rel @p0 .LBB2_4-.Ltmp1, $4  }
0x95: {  	v1 =	vsel vm1, $0x3F800000, v0;
	[tilespmem:s1+$0x0] =	vst v2;
	s1 =	sor.u32 s0, s29  }
0x96: {  	[tilespmem:s1+$0x0] =	vst v1;
	v1 =	vsel vm2, $0x3F800000, v0;
	s1 =	sor.u32 s0, s24  }
0x97: {  	[tilespmem:s1+$0x0] =	vst v1;
	v1 =	vsel vm0, $0x3F800000, v0;
	s1 =	sor.u32 s0, s23  }
0x98: {  	s22 =	sadd.s32 $0x40, s22;
	s20 =	sadd.s32 $0x40, s20;
	s23 =	sor.u32 s0, s25;
	[tilespmem:s1+$0x0] =	vst v1;
	v1 =	vsel vm3, $0x3F800000, v0  }
0x99: {  	s0 =	sand.u32 $0xFC0, s22;
	[tilespmem:s23+$0x0] =	vst v1  }
0x9a: {  	v1 =	vld [tilespmem:s0+$0x1000];
	_ =	sdelay $0x2  }
0x9b: {  	s26 =	sadd.s32 $0x200, s19  }
0x9c: {  	s0 =	sand.u32 $0x7C00, s26  }
0x9d: {  	s24 =	sand.u32 $0x40, s22;
	s22 =	sor.u32 $0x10000, s0;
	vm0 =	veq.s32 v1, $0x0  }
0x9e: {  	s23 =	sor.u32 $0x10080, s0;
	s1 =	sor.u32 s24, s22;
	vm1 =	veq.s32 v1, $0x1;
	v2 =	vsel vm0, $0x3F800000, v0  }
0x9f: {  	s19 =	sor.u32 $0x10100, s0;
	s28 =	sor.u32 s24, s23;
	vm12 =	veq.s32 v1, $0x2;
	[tilespmem:s1+$0x0] =	vst v2;
	v2 =	vsel vm1, $0x3F800000, v0  }
0xa0: {  	s21 =	sor.u32 $0x10180, s0;
	s26 =	sor.u32 s24, s19;
	vm13 =	veq.s32 v1, $0x3;
	[tilespmem:s28+$0x0] =	vst v2;
	v2 =	vsel vm12, $0x3F800000, v0  }
0xa1: {  	s25 =	sor.u32 $0x10200, s0;
	s29 =	sor.u32 s24, s21;
	vm14 =	veq.s32 v1, $0x4;
	v1 =	vsel vm13, $0x3F800000, v0;
	[tilespmem:s26+$0x0] =	vst v2  }
0xa2: {  	s30 =	sor.u32 s24, s25;
	[tilespmem:s29+$0x0] =	vst v1;
	v1 =	vsel vm14, $0x3F800000, v0  }
0xa3: {  	[tilespmem:s30+$0x0] =	vst v1  }
0xa4: {  	v1 =	vld [tilespmem:s20+$0xFFFFFFE0];
	_ =	sdelay $0x4  }
0xa5: {  	s31 =	sor.u32 $0x10, s24;
	vm15 =	veq.s32 v1, $0x0  }
0xa6: {  	s26 =	sor.u32 s31, s22;
	vm4 =	veq.s32 v1, $0x1;
	v2 =	vsel vm15, $0x3F800000, v0  }
0xa7: {  	s28 =	sor.u32 s31, s23;
	vm5 =	veq.s32 v1, $0x2;
	[tilespmem:s26+$0x0] =	vst v2;
	v2 =	vsel vm4, $0x3F800000, v0  }
0xa8: {  	s29 =	sor.u32 s31, s19;
	vm6 =	veq.s32 v1, $0x3;
	[tilespmem:s28+$0x0] =	vst v2;
	v2 =	vsel vm5, $0x3F800000, v0  }
0xa9: {  	s30 =	sor.u32 s31, s21;
	vm7 =	veq.s32 v1, $0x4;
	v1 =	vsel vm6, $0x3F800000, v0;
	[tilespmem:s29+$0x0] =	vst v2  }
0xaa: {  	s0 =	sor.u32 s31, s25;
	[tilespmem:s30+$0x0] =	vst v1;
	v1 =	vsel vm7, $0x3F800000, v0  }
0xab: {  	[tilespmem:s0+$0x0] =	vst v1  }
0xac: {  	v1 =	vld [tilespmem:s20+$0xFFFFFFF0];
	_ =	sdelay $0x4  }
0xad: {  	s31 =	sor.u32 $0x20, s24;
	vm8 =	veq.s32 v1, $0x0  }
0xae: {  	s26 =	sor.u32 s31, s22;
	vm9 =	veq.s32 v1, $0x1;
	v2 =	vsel vm8, $0x3F800000, v0  }
0xaf: {  	s28 =	sor.u32 s31, s23;
	vm10 =	veq.s32 v1, $0x2;
	[tilespmem:s26+$0x0] =	vst v2;
	v2 =	vsel vm9, $0x3F800000, v0  }
0xb0: {  	s29 =	sor.u32 s31, s19;
	vm11 =	veq.s32 v1, $0x3;
	[tilespmem:s28+$0x0] =	vst v2;
	v2 =	vsel vm10, $0x3F800000, v0  }
0xb1: {  	s30 =	sor.u32 s31, s21;
	vm12 =	veq.s32 v1, $0x4;
	v1 =	vsel vm11, $0x3F800000, v0;
	[tilespmem:s29+$0x0] =	vst v2  }
0xb2: {  	s0 =	sor.u32 s31, s25;
	[tilespmem:s30+$0x0] =	vst v1;
	v1 =	vsel vm12, $0x3F800000, v0  }
0xb3: {  	[tilespmem:s0+$0x0] =	vst v1  }
0xb4: {  	v1 =	vld [tilespmem:s20+$0x0];
	_ =	sdelay $0x4  }
0xb5: {  	s31 =	sor.u32 $0x30, s24;
	vm13 =	veq.s32 v1, $0x0  }
0xb6: {  	s20 =	sor.u32 s31, s22;
	vm14 =	veq.s32 v1, $0x1;
	v2 =	vsel vm13, $0x3F800000, v0  }
0xb7: {  	s22 =	sor.u32 s31, s23;
	vm15 =	veq.s32 v1, $0x2;
	[tilespmem:s20+$0x0] =	vst v2;
	v2 =	vsel vm14, $0x3F800000, v0  }
0xb8: {  	s23 =	sor.u32 s31, s19;
	vm4 =	veq.s32 v1, $0x3;
	[tilespmem:s22+$0x0] =	vst v2;
	v2 =	vsel vm15, $0x3F800000, v0  }
0xb9: {  	s24 =	sor.u32 s31, s21;
	vm5 =	veq.s32 v1, $0x4;
	v1 =	vsel vm4, $0x3F800000, v0;
	[tilespmem:s23+$0x0] =	vst v2  }
0xba: {  	s0 =	sor.u32 s31, s25;
	[tilespmem:s24+$0x0] =	vst v1;
	v1 =	vsel vm5, $0x3F800000, v0  }
0xbb: {  	s20 =	simm.s32 $0x0;
	[tilespmem:s0+$0x0] =	vst v1  }
0xbc: {  	[hbm4b:s5+s20] =	stream.linear.scatter [tilespmem:s16], [sflag:$0x2], $0x8000, $0x38;
	[tilespmem:$0x18000] =	vst v63  }
0xbd: {  	_ =	swait.ge [sflag:s14], $0x8000  }
0xbe: {  	[sflag:s14] =	ssyncset.done $0x0  }
0xbf: {  	s26 =	sand.u32 $0xFC0, s20;
	[sflag:s14] =	ssyncadd.s32 $0xFFFF8000  }
0xc0: {  	v1 =	vld [tilespmem:s26+$0x2000];
	_ =	sdelay $0x4  }
0xc1: {  	s28 =	sand.u32 $0x40, s20;
	s29 =	sand.u32 $0x7C00, s20;
	vm6 =	veq.s32 v1, $0x3  }
0xc2: {  	p0 =	por $0x0, $0x0;
	s19 =	sor.u32 s28, s29;
	s0 =	simm.s32 $0x1;
	vm7 =	veq.s32 v1, $0x2;
	v2 =	vsel vm6, $0x3F800000, v0  }
0xc3: {  	s0 =	simm.s32 @!p0 $0x0;
	vm9 =	veq.s32 v1, $0x1;
	v3 =	vsel vm7, $0x3F800000, v0;
	[tilespmem:s19+$0x8180] =	vst v2  }
0xc4: {  	s0 =	sshll.u32 s0, $0x6;
	vm8 =	veq.s32 v1, $0x0;
	vm10 =	veq.s32 v1, $0x4;
	v1 =	vsel vm9, $0x3F800000, v0;
	[tilespmem:s19+$0x8100] =	vst v3  }
0xc5: {  	s0 =	sadd.s32 $0x0, s0;
	v2 =	vsel vm8, $0x3F800000, v0;
	[tilespmem:s19+$0x8080] =	vst v1  }
0xc6: {  	s30 =	sor.u32 $0x200, s0;
	[tilespmem:s19+$0x8000] =	vst v2;
	v2 =	vsel vm10, $0x3F800000, v0  }
0xc7: {  	s21 =	simm.s32 $0x2030;
	[tilespmem:s30+$0x8000] =	vst v2  }
0xc8: {  	v1 =	vld [tilespmem:s21+$0xFFFFFFE0];
	_ =	sdelay $0x4  }
0xc9: {  	vm11 =	veq.s32 v1, $0x0  }
0xca: {  	vm13 =	veq.s32 v1, $0x1;
	v2 =	vsel vm11, $0x3F800000, v0  }
0xcb: {  	vm12 =	veq.s32 v1, $0x3;
	v3 =	vsel vm13, $0x3F800000, v0;
	[tilespmem:s19+$0x8010] =	vst v2  }
0xcc: {  	vm14 =	veq.s32 v1, $0x2;
	v2 =	vsel vm12, $0x3F800000, v0;
	[tilespmem:s19+$0x8090] =	vst v3  }
0xcd: {  	s31 =	sadd.s32 $0x10, s0;
	vm15 =	veq.s32 v1, $0x4;
	[tilespmem:s19+$0x8190] =	vst v2;
	v2 =	vsel vm14, $0x3F800000, v0  }
0xce: {  	s1 =	sor.u32 $0x200, s31;
	v1 =	vsel vm15, $0x3F800000, v0;
	[tilespmem:s19+$0x8110] =	vst v2  }
0xcf: {  	[tilespmem:s1+$0x8000] =	vst v1  }
0xd0: {  	v1 =	vld [tilespmem:s21+$0xFFFFFFF0]  }
0xd1: {  	s22 =	simm.s32 $0x0;
	s23 =	simm.s32 $0x40  }
0xd2: {  	s24 =	simm.s32 $0x2070;
	s25 =	sadd.s32 $0x30, s0;
	s26 =	sadd.s32 $0x20, s0  }
.LBB2_6:
0xd3: {  	s22 =	sadd.s32 $0x4, s22;
	s20 =	sadd.s32 $0x200, s20;
	p0 =	por !p0, !p0  }
0xd4: {  	p1 =	slt.u32 s22, $0xFC  }
0xd5: {  	vm0 =	veq.s32 v1, $0x0;
	vm1 =	veq.s32 v1, $0x1;
	vm2 =	veq.s32 v1, $0x2  }
0xd6: {  	v2 =	vsel vm0, $0x3F800000, v0;
	v3 =	vsel vm1, $0x3F800000, v0;
	vm0 =	veq.s32 v1, $0x3  }
0xd7: {  	[tilespmem:s19+$0x8020] =	vst v2;
	v2 =	vsel vm2, $0x3F800000, v0;
	v4 =	vsel vm0, $0x3F800000, v0;
	vm0 =	veq.s32 v1, $0x4  }
0xd8: {  	[tilespmem:s19+$0x81A0] =	vst v4  }
0xd9: {  	v1 =	vsel vm0, $0x3F800000, v0;
	[tilespmem:s19+$0x80A0] =	vst v3  }
0xda: {  	s0 =	sor.u32 $0x200, s26;
	[tilespmem:s19+$0x8120] =	vst v2  }
0xdb: {  	[tilespmem:s0+$0x8000] =	vst v1  }
0xdc: {  	v1 =	vld [tilespmem:s21+$0x0];
	s21 =	smov.u32 s24;
	_ =	sdelay $0x2  }
0xdd: {  	s0 =	sand.u32 $0xFC0, s23;
	_ =	sdelay $0x1  }
0xde: {  	vm0 =	veq.s32 v1, $0x0;
	vm1 =	veq.s32 v1, $0x1;
	vm2 =	veq.s32 v1, $0x2  }
0xdf: {  	v2 =	vsel vm0, $0x3F800000, v0;
	v3 =	vsel vm1, $0x3F800000, v0;
	vm0 =	veq.s32 v1, $0x3  }
0xe0: {  	[tilespmem:s19+$0x8030] =	vst v2;
	v2 =	vsel vm2, $0x3F800000, v0;
	v4 =	vsel vm0, $0x3F800000, v0;
	vm0 =	veq.s32 v1, $0x4  }
0xe1: {  	[tilespmem:s19+$0x81B0] =	vst v4  }
0xe2: {  	[tilespmem:s19+$0x80B0] =	vst v3  }
0xe3: {  	s1 =	sor.u32 $0x200, s25;
	v1 =	vsel vm0, $0x3F800000, v0;
	[tilespmem:s19+$0x8130] =	vst v2  }
0xe4: {  	[tilespmem:s1+$0x8000] =	vst v1  }
0xe5: {  	v1 =	vld [tilespmem:s0+$0x2000];
	_ =	sdelay $0x4  }
0xe6: {  	s1 =	sand.u32 $0x7C00, s20;
	s0 =	sand.u32 $0x40, s23;
	vm0 =	veq.s32 v1, $0x0;
	vm1 =	veq.s32 v1, $0x3;
	vm2 =	veq.s32 v1, $0x4  }
0xe7: {  	s19 =	sor.u32 s0, s1;
	s0 =	simm.s32 $0x1;
	vm3 =	veq.s32 v1, $0x1;
	vm4 =	veq.s32 v1, $0x2;
	v1 =	vsel vm1, $0x3F800000, v0  }
0xe8: {  	s0 =	simm.s32 @!p0 $0x0;
	v2 =	vsel vm0, $0x3F800000, v0;
	v3 =	vsel vm3, $0x3F800000, v0;
	v4 =	vsel vm4, $0x3F800000, v0;
	[tilespmem:s19+$0x8180] =	vst v1  }
0xe9: {  	s0 =	sshll.u32 s0, $0x6;
	v1 =	vsel vm2, $0x3F800000, v0;
	[tilespmem:s19+$0x8100] =	vst v4  }
0xea: {  	s0 =	sadd.s32 s0, s20;
	[tilespmem:s19+$0x8000] =	vst v2  }
0xeb: {  	s1 =	sor.u32 $0x200, s0;
	s28 =	sadd.s32 $0x10, s0;
	s26 =	sadd.s32 $0x20, s0;
	[tilespmem:s19+$0x8080] =	vst v3  }
0xec: {  	s25 =	sadd.s32 $0x30, s0;
	[tilespmem:s1+$0x8000] =	vst v1  }
0xed: {  	v1 =	vld [tilespmem:s24+$0xFFFFFFE0];
	_ =	sdelay $0x4  }
0xee: {  	vm0 =	veq.s32 v1, $0x0;
	vm1 =	veq.s32 v1, $0x1;
	vm2 =	veq.s32 v1, $0x2  }
0xef: {  	v2 =	vsel vm0, $0x3F800000, v0;
	v3 =	vsel vm1, $0x3F800000, v0;
	vm0 =	veq.s32 v1, $0x3  }
0xf0: {  	[tilespmem:s19+$0x8010] =	vst v2;
	v2 =	vsel vm2, $0x3F800000, v0;
	v4 =	vsel vm0, $0x3F800000, v0;
	vm0 =	veq.s32 v1, $0x4  }
0xf1: {  	[tilespmem:s19+$0x8190] =	vst v4  }
0xf2: {  	[tilespmem:s19+$0x8090] =	vst v3  }
.Ltmp2:
0xf3: {  	s0 =	sor.u32 $0x200, s28;
	v1 =	vsel vm0, $0x3F800000, v0;
	[tilespmem:s19+$0x8110] =	vst v2;
	(pc) =	sbr.rel @p1 .LBB2_6-.Ltmp2, $3  }
0xf4: {  	[tilespmem:s0+$0x8000] =	vst v1  }
0xf5: {  	v1 =	vld [tilespmem:s24+$0xFFFFFFF0];
	_ =	sdelay $0x1  }
0xf6: {  	s23 =	sadd.s32 $0x40, s23;
	s24 =	sadd.s32 $0x40, s24  }
0xf7: {  	_ =	sdelay $0x1  }
0xf8: {  	vm0 =	veq.s32 v1, $0x0  }
0xf9: {  	vm1 =	veq.s32 v1, $0x1;
	v2 =	vsel vm0, $0x3F800000, v0  }
0xfa: {  	vm12 =	veq.s32 v1, $0x3;
	v3 =	vsel vm1, $0x3F800000, v0;
	[tilespmem:s19+$0x8020] =	vst v2  }
0xfb: {  	vm13 =	veq.s32 v1, $0x2;
	v2 =	vsel vm12, $0x3F800000, v0;
	[tilespmem:s19+$0x80A0] =	vst v3  }
0xfc: {  	vm14 =	veq.s32 v1, $0x4;
	[tilespmem:s19+$0x81A0] =	vst v2;
	v2 =	vsel vm13, $0x3F800000, v0  }
0xfd: {  	s0 =	sor.u32 $0x200, s26;
	v1 =	vsel vm14, $0x3F800000, v0;
	[tilespmem:s19+$0x8120] =	vst v2  }
0xfe: {  	[tilespmem:s0+$0x8000] =	vst v1  }
0xff: {  	v1 =	vld [tilespmem:s21+$0x0];
	_ =	sdelay $0x4  }
0x100: {  	vm15 =	veq.s32 v1, $0x0  }
0x101: {  	vm5 =	veq.s32 v1, $0x1;
	v2 =	vsel vm15, $0x3F800000, v0  }
0x102: {  	vm4 =	veq.s32 v1, $0x3;
	v3 =	vsel vm5, $0x3F800000, v0;
	[tilespmem:s19+$0x8030] =	vst v2  }
0x103: {  	vm6 =	veq.s32 v1, $0x2;
	v2 =	vsel vm4, $0x3F800000, v0;
	[tilespmem:s19+$0x80B0] =	vst v3  }
0x104: {  	vm7 =	veq.s32 v1, $0x4;
	[tilespmem:s19+$0x81B0] =	vst v2;
	v2 =	vsel vm6, $0x3F800000, v0  }
0x105: {  	s26 =	sor.u32 $0x200, s25;
	v1 =	vsel vm7, $0x3F800000, v0;
	[tilespmem:s19+$0x8130] =	vst v2  }
0x106: {  	s19 =	simm.s32 $0x0;
	[tilespmem:s26+$0x8000] =	vst v1  }
0x107: {  	[hbm4b:s6+s19] =	stream.linear.scatter [tilespmem:s15], [sflag:$0x1], $0x8000, $0x38;
	[tilespmem:$0x18000] =	vst v63  }
0x108: {  	_ =	swait.ge [sflag:s17], $0x8000  }
0x109: {  	[sflag:s17] =	ssyncset.done $0x0  }
0x10a: {  	s28 =	sand.u32 $0xFC0, s19;
	[sflag:s17] =	ssyncadd.s32 $0xFFFF8000  }
0x10b: {  	v1 =	vld [tilespmem:s28+$0x3000];
	_ =	sdelay $0x3  }
0x10c: {  	s29 =	sand.u32 $0x7C00, s19  }
0x10d: {  	s25 =	sand.u32 $0x40, s19;
	s22 =	sor.u32 $0x10000, s29;
	vm8 =	veq.s32 v1, $0x0  }
0x10e: {  	s23 =	sor.u32 $0x10080, s29;
	s1 =	sor.u32 s25, s22;
	vm9 =	veq.s32 v1, $0x1;
	v2 =	vsel vm8, $0x3F800000, v0  }
0x10f: {  	s21 =	sor.u32 $0x10100, s29;
	s30 =	sor.u32 s25, s23;
	vm10 =	veq.s32 v1, $0x2;
	[tilespmem:s1+$0x0] =	vst v2;
	v2 =	vsel vm9, $0x3F800000, v0  }
0x110: {  	s20 =	sor.u32 $0x10180, s29;
	s31 =	sor.u32 s25, s21;
	vm11 =	veq.s32 v1, $0x3;
	[tilespmem:s30+$0x0] =	vst v2;
	v2 =	vsel vm10, $0x3F800000, v0  }
0x111: {  	s24 =	sor.u32 $0x10200, s29;
	vm12 =	veq.s32 v1, $0x4;
	v1 =	vsel vm11, $0x3F800000, v0;
	s1 =	sor.u32 s25, s20;
	[tilespmem:s31+$0x0] =	vst v2  }
0x112: {  	s26 =	sor.u32 s25, s24;
	[tilespmem:s1+$0x0] =	vst v1;
	v1 =	vsel vm12, $0x3F800000, v0  }
0x113: {  	s1 =	simm.s32 $0x3030;
	[tilespmem:s26+$0x0] =	vst v1  }
0x114: {  	v1 =	vld [tilespmem:s1+$0xFFFFFFE0];
	_ =	sdelay $0x4  }
0x115: {  	s0 =	sor.u32 $0x10, s25;
	vm13 =	veq.s32 v1, $0x0  }
0x116: {  	s28 =	sor.u32 s0, s22;
	vm14 =	veq.s32 v1, $0x1;
	v2 =	vsel vm13, $0x3F800000, v0  }
0x117: {  	s29 =	sor.u32 s0, s23;
	vm15 =	veq.s32 v1, $0x2;
	[tilespmem:s28+$0x0] =	vst v2;
	v2 =	vsel vm14, $0x3F800000, v0  }
0x118: {  	s30 =	sor.u32 s0, s21;
	vm4 =	veq.s32 v1, $0x3;
	[tilespmem:s29+$0x0] =	vst v2;
	v2 =	vsel vm15, $0x3F800000, v0  }
0x119: {  	s31 =	sor.u32 s0, s20;
	vm5 =	veq.s32 v1, $0x4;
	v1 =	vsel vm4, $0x3F800000, v0;
	[tilespmem:s30+$0x0] =	vst v2  }
0x11a: {  	s0 =	sor.u32 s0, s24;
	[tilespmem:s31+$0x0] =	vst v1;
	v1 =	vsel vm5, $0x3F800000, v0  }
0x11b: {  	[tilespmem:s0+$0x0] =	vst v1  }
0x11c: {  	v1 =	vld [tilespmem:s1+$0xFFFFFFF0];
	_ =	sdelay $0x4  }
0x11d: {  	s0 =	sor.u32 $0x20, s25;
	vm6 =	veq.s32 v1, $0x0  }
0x11e: {  	s28 =	sor.u32 s0, s22;
	vm7 =	veq.s32 v1, $0x1;
	v2 =	vsel vm6, $0x3F800000, v0  }
0x11f: {  	s29 =	sor.u32 s0, s23;
	vm8 =	veq.s32 v1, $0x2;
	[tilespmem:s28+$0x0] =	vst v2;
	v2 =	vsel vm7, $0x3F800000, v0  }
0x120: {  	s30 =	sor.u32 s0, s21;
	vm9 =	veq.s32 v1, $0x3;
	[tilespmem:s29+$0x0] =	vst v2;
	v2 =	vsel vm8, $0x3F800000, v0  }
0x121: {  	s31 =	sor.u32 s0, s20;
	vm10 =	veq.s32 v1, $0x4;
	v1 =	vsel vm9, $0x3F800000, v0;
	[tilespmem:s30+$0x0] =	vst v2  }
0x122: {  	s0 =	sor.u32 s0, s24;
	[tilespmem:s31+$0x0] =	vst v1;
	v1 =	vsel vm10, $0x3F800000, v0  }
0x123: {  	[tilespmem:s0+$0x0] =	vst v1  }
0x124: {  	v1 =	vld [tilespmem:s1+$0x0];
	_ =	sdelay $0x4  }
0x125: {  	s26 =	sor.u32 $0x30, s25;
	vm11 =	veq.s32 v1, $0x0  }
0x126: {  	s28 =	sor.u32 s26, s22;
	vm12 =	veq.s32 v1, $0x1;
	v2 =	vsel vm11, $0x3F800000, v0  }
0x127: {  	s29 =	sor.u32 s26, s23;
	vm13 =	veq.s32 v1, $0x2;
	[tilespmem:s28+$0x0] =	vst v2;
	v2 =	vsel vm12, $0x3F800000, v0  }
0x128: {  	s30 =	sor.u32 s26, s21;
	vm14 =	veq.s32 v1, $0x3;
	[tilespmem:s29+$0x0] =	vst v2;
	v2 =	vsel vm13, $0x3F800000, v0  }
0x129: {  	s22 =	simm.s32 $0x40;
	s31 =	sor.u32 s26, s20;
	vm15 =	veq.s32 v1, $0x4;
	v1 =	vsel vm14, $0x3F800000, v0;
	[tilespmem:s30+$0x0] =	vst v2  }
0x12a: {  	s23 =	sor.u32 s26, s24;
	s21 =	simm.s32 $0x4;
	s20 =	simm.s32 $0x3070;
	[tilespmem:s31+$0x0] =	vst v1;
	v1 =	vsel vm15, $0x3F800000, v0  }
.LBB2_8:
0x12b: {  	s21 =	sadd.s32 $0x4, s21;
	s0 =	sand.u32 $0xFC0, s22;
	[tilespmem:s23+$0x0] =	vst v1;
	s19 =	sadd.s32 $0x200, s19  }
0x12c: {  	p0 =	slt.u32 s21, $0xFC;
	v1 =	vld [tilespmem:s0+$0x3000];
	_ =	sdelay $0x3  }
0x12d: {  	s28 =	sand.u32 $0x40, s22;
	s0 =	sand.u32 $0x7C00, s19  }
0x12e: {  	s26 =	sor.u32 $0x10000, s0;
	s24 =	sor.u32 $0x10100, s0;
	s23 =	sor.u32 $0x10180, s0;
	vm0 =	veq.s32 v1, $0x0;
	vm1 =	veq.s32 v1, $0x1;
	vm2 =	veq.s32 v1, $0x2  }
0x12f: {  	s29 =	sor.u32 $0x10080, s0;
	s25 =	sor.u32 $0x10200, s0;
	s1 =	sor.u32 s28, s26;
	vm3 =	veq.s32 v1, $0x4;
	v2 =	vsel vm0, $0x3F800000, v0;
	vm0 =	veq.s32 v1, $0x3  }
0x130: {  	s0 =	sor.u32 s28, s29;
	v1 =	vsel vm1, $0x3F800000, v0;
	[tilespmem:s1+$0x0] =	vst v2;
	s1 =	sor.u32 s28, s24  }
0x131: {  	[tilespmem:s0+$0x0] =	vst v1;
	v1 =	vsel vm2, $0x3F800000, v0  }
0x132: {  	s0 =	sor.u32 s28, s23;
	[tilespmem:s1+$0x0] =	vst v1;
	v1 =	vsel vm0, $0x3F800000, v0  }
0x133: {  	[tilespmem:s0+$0x0] =	vst v1;
	v1 =	vsel vm3, $0x3F800000, v0;
	s0 =	sor.u32 s28, s25  }
0x134: {  	[tilespmem:s0+$0x0] =	vst v1  }
0x135: {  	v1 =	vld [tilespmem:s20+$0xFFFFFFE0];
	_ =	sdelay $0x4  }
0x136: {  	s0 =	sor.u32 $0x10, s28;
	vm0 =	veq.s32 v1, $0x0;
	vm1 =	veq.s32 v1, $0x1;
	vm2 =	veq.s32 v1, $0x2  }
0x137: {  	s1 =	sor.u32 s0, s26;
	vm3 =	veq.s32 v1, $0x4;
	v2 =	vsel vm0, $0x3F800000, v0;
	vm0 =	veq.s32 v1, $0x3  }
0x138: {  	v1 =	vsel vm1, $0x3F800000, v0;
	[tilespmem:s1+$0x0] =	vst v2;
	s1 =	sor.u32 s0, s29  }
0x139: {  	[tilespmem:s1+$0x0] =	vst v1;
	v1 =	vsel vm2, $0x3F800000, v0;
	s1 =	sor.u32 s0, s24  }
0x13a: {  	[tilespmem:s1+$0x0] =	vst v1;
	v1 =	vsel vm0, $0x3F800000, v0;
	s1 =	sor.u32 s0, s23  }
0x13b: {  	s0 =	sor.u32 s0, s25;
	[tilespmem:s1+$0x0] =	vst v1;
	v1 =	vsel vm3, $0x3F800000, v0  }
0x13c: {  	[tilespmem:s0+$0x0] =	vst v1  }
0x13d: {  	v1 =	vld [tilespmem:s20+$0xFFFFFFF0];
	_ =	sdelay $0x4  }
0x13e: {  	s0 =	sor.u32 $0x20, s28;
	vm0 =	veq.s32 v1, $0x0;
	vm1 =	veq.s32 v1, $0x1;
	vm2 =	veq.s32 v1, $0x2  }
0x13f: {  	s1 =	sor.u32 s0, s26;
	vm3 =	veq.s32 v1, $0x4;
	v2 =	vsel vm0, $0x3F800000, v0;
	vm0 =	veq.s32 v1, $0x3  }
0x140: {  	v1 =	vsel vm1, $0x3F800000, v0;
	[tilespmem:s1+$0x0] =	vst v2;
	s1 =	sor.u32 s0, s29  }
0x141: {  	[tilespmem:s1+$0x0] =	vst v1;
	v1 =	vsel vm2, $0x3F800000, v0;
	s1 =	sor.u32 s0, s24  }
0x142: {  	[tilespmem:s1+$0x0] =	vst v1;
	v1 =	vsel vm0, $0x3F800000, v0;
	s1 =	sor.u32 s0, s23  }
0x143: {  	s0 =	sor.u32 s0, s25;
	[tilespmem:s1+$0x0] =	vst v1;
	v1 =	vsel vm3, $0x3F800000, v0  }
0x144: {  	[tilespmem:s0+$0x0] =	vst v1  }
0x145: {  	v1 =	vld [tilespmem:s20+$0x0];
	_ =	sdelay $0x4  }
0x146: {  	s0 =	sor.u32 $0x30, s28;
	vm0 =	veq.s32 v1, $0x0;
	vm1 =	veq.s32 v1, $0x1;
	vm2 =	veq.s32 v1, $0x2  }
.Ltmp3:
0x147: {  	s1 =	sor.u32 s0, s26;
	vm3 =	veq.s32 v1, $0x4;
	v2 =	vsel vm0, $0x3F800000, v0;
	vm0 =	veq.s32 v1, $0x3;
	(pc) =	sbr.rel @p0 .LBB2_8-.Ltmp3, $4  }
0x148: {  	v1 =	vsel vm1, $0x3F800000, v0;
	[tilespmem:s1+$0x0] =	vst v2;
	s1 =	sor.u32 s0, s29  }
0x149: {  	[tilespmem:s1+$0x0] =	vst v1;
	v1 =	vsel vm2, $0x3F800000, v0;
	s1 =	sor.u32 s0, s24  }
0x14a: {  	[tilespmem:s1+$0x0] =	vst v1;
	v1 =	vsel vm0, $0x3F800000, v0;
	s1 =	sor.u32 s0, s23  }
0x14b: {  	s22 =	sadd.s32 $0x40, s22;
	s20 =	sadd.s32 $0x40, s20;
	s23 =	sor.u32 s0, s25;
	[tilespmem:s1+$0x0] =	vst v1;
	v1 =	vsel vm3, $0x3F800000, v0  }
0x14c: {  	s0 =	sand.u32 $0xFC0, s22;
	[tilespmem:s23+$0x0] =	vst v1  }
0x14d: {  	v1 =	vld [tilespmem:s0+$0x3000];
	_ =	sdelay $0x2  }
0x14e: {  	s26 =	sadd.s32 $0x200, s19  }
0x14f: {  	s0 =	sand.u32 $0x7C00, s26  }
0x150: {  	s24 =	sand.u32 $0x40, s22;
	s22 =	sor.u32 $0x10000, s0;
	vm0 =	veq.s32 v1, $0x0  }
0x151: {  	s23 =	sor.u32 $0x10080, s0;
	s1 =	sor.u32 s24, s22;
	vm1 =	veq.s32 v1, $0x1;
	v2 =	vsel vm0, $0x3F800000, v0  }
0x152: {  	s19 =	sor.u32 $0x10100, s0;
	s28 =	sor.u32 s24, s23;
	vm12 =	veq.s32 v1, $0x2;
	[tilespmem:s1+$0x0] =	vst v2;
	v2 =	vsel vm1, $0x3F800000, v0  }
0x153: {  	s21 =	sor.u32 $0x10180, s0;
	s26 =	sor.u32 s24, s19;
	vm13 =	veq.s32 v1, $0x3;
	[tilespmem:s28+$0x0] =	vst v2;
	v2 =	vsel vm12, $0x3F800000, v0  }
0x154: {  	s25 =	sor.u32 $0x10200, s0;
	s29 =	sor.u32 s24, s21;
	vm14 =	veq.s32 v1, $0x4;
	v1 =	vsel vm13, $0x3F800000, v0;
	[tilespmem:s26+$0x0] =	vst v2  }
0x155: {  	s30 =	sor.u32 s24, s25;
	[tilespmem:s29+$0x0] =	vst v1;
	v1 =	vsel vm14, $0x3F800000, v0  }
0x156: {  	[tilespmem:s30+$0x0] =	vst v1  }
0x157: {  	v1 =	vld [tilespmem:s20+$0xFFFFFFE0];
	_ =	sdelay $0x4  }
0x158: {  	s31 =	sor.u32 $0x10, s24;
	vm15 =	veq.s32 v1, $0x0  }
0x159: {  	s26 =	sor.u32 s31, s22;
	vm4 =	veq.s32 v1, $0x1;
	v2 =	vsel vm15, $0x3F800000, v0  }
0x15a: {  	s28 =	sor.u32 s31, s23;
	vm5 =	veq.s32 v1, $0x2;
	[tilespmem:s26+$0x0] =	vst v2;
	v2 =	vsel vm4, $0x3F800000, v0  }
0x15b: {  	s29 =	sor.u32 s31, s19;
	vm6 =	veq.s32 v1, $0x3;
	[tilespmem:s28+$0x0] =	vst v2;
	v2 =	vsel vm5, $0x3F800000, v0  }
0x15c: {  	s30 =	sor.u32 s31, s21;
	vm7 =	veq.s32 v1, $0x4;
	v1 =	vsel vm6, $0x3F800000, v0;
	[tilespmem:s29+$0x0] =	vst v2  }
0x15d: {  	s0 =	sor.u32 s31, s25;
	[tilespmem:s30+$0x0] =	vst v1;
	v1 =	vsel vm7, $0x3F800000, v0  }
0x15e: {  	[tilespmem:s0+$0x0] =	vst v1  }
0x15f: {  	v1 =	vld [tilespmem:s20+$0xFFFFFFF0];
	_ =	sdelay $0x4  }
0x160: {  	s31 =	sor.u32 $0x20, s24;
	vm8 =	veq.s32 v1, $0x0  }
0x161: {  	s26 =	sor.u32 s31, s22;
	vm9 =	veq.s32 v1, $0x1;
	v2 =	vsel vm8, $0x3F800000, v0  }
0x162: {  	s28 =	sor.u32 s31, s23;
	vm10 =	veq.s32 v1, $0x2;
	[tilespmem:s26+$0x0] =	vst v2;
	v2 =	vsel vm9, $0x3F800000, v0  }
0x163: {  	s29 =	sor.u32 s31, s19;
	vm11 =	veq.s32 v1, $0x3;
	[tilespmem:s28+$0x0] =	vst v2;
	v2 =	vsel vm10, $0x3F800000, v0  }
0x164: {  	s30 =	sor.u32 s31, s21;
	vm12 =	veq.s32 v1, $0x4;
	v1 =	vsel vm11, $0x3F800000, v0;
	[tilespmem:s29+$0x0] =	vst v2  }
0x165: {  	s0 =	sor.u32 s31, s25;
	[tilespmem:s30+$0x0] =	vst v1;
	v1 =	vsel vm12, $0x3F800000, v0  }
0x166: {  	[tilespmem:s0+$0x0] =	vst v1  }
0x167: {  	v1 =	vld [tilespmem:s20+$0x0];
	_ =	sdelay $0x4  }
0x168: {  	s31 =	sor.u32 $0x30, s24;
	vm13 =	veq.s32 v1, $0x0  }
0x169: {  	s20 =	sor.u32 s31, s22;
	vm14 =	veq.s32 v1, $0x1;
	v2 =	vsel vm13, $0x3F800000, v0  }
0x16a: {  	s22 =	sor.u32 s31, s23;
	vm15 =	veq.s32 v1, $0x2;
	[tilespmem:s20+$0x0] =	vst v2;
	v2 =	vsel vm14, $0x3F800000, v0  }
0x16b: {  	s23 =	sor.u32 s31, s19;
	vm4 =	veq.s32 v1, $0x3;
	[tilespmem:s22+$0x0] =	vst v2;
	v2 =	vsel vm15, $0x3F800000, v0  }
0x16c: {  	s24 =	sor.u32 s31, s21;
	vm5 =	veq.s32 v1, $0x4;
	v1 =	vsel vm4, $0x3F800000, v0;
	[tilespmem:s23+$0x0] =	vst v2  }
0x16d: {  	s0 =	sor.u32 s31, s25;
	[tilespmem:s24+$0x0] =	vst v1;
	v1 =	vsel vm5, $0x3F800000, v0  }
0x16e: {  	s20 =	simm.s32 $0x0;
	[tilespmem:s0+$0x0] =	vst v1  }
0x16f: {  	[hbm4b:s7+s20] =	stream.linear.scatter [tilespmem:s16], [sflag:$0x2], $0x8000, $0x38;
	[tilespmem:$0x18000] =	vst v63  }
0x170: {  	_ =	swait.ge [sflag:s14], $0x8000  }
0x171: {  	[sflag:s14] =	ssyncset.done $0x0  }
0x172: {  	s26 =	sand.u32 $0xFC0, s20;
	[sflag:s14] =	ssyncadd.s32 $0xFFFF8000  }
0x173: {  	v1 =	vld [tilespmem:s26+$0x4000];
	_ =	sdelay $0x4  }
0x174: {  	s28 =	sand.u32 $0x40, s20;
	s29 =	sand.u32 $0x7C00, s20;
	vm6 =	veq.s32 v1, $0x3  }
0x175: {  	p0 =	por $0x0, $0x0;
	s19 =	sor.u32 s28, s29;
	s0 =	simm.s32 $0x1;
	vm7 =	veq.s32 v1, $0x2;
	v2 =	vsel vm6, $0x3F800000, v0  }
0x176: {  	s0 =	simm.s32 @!p0 $0x0;
	vm9 =	veq.s32 v1, $0x0;
	v3 =	vsel vm7, $0x3F800000, v0;
	[tilespmem:s19+$0x8180] =	vst v2  }
0x177: {  	s0 =	sshll.u32 s0, $0x6;
	vm8 =	veq.s32 v1, $0x1;
	vm10 =	veq.s32 v1, $0x4;
	v1 =	vsel vm9, $0x3F800000, v0;
	[tilespmem:s19+$0x8100] =	vst v3  }
0x178: {  	s0 =	sadd.s32 $0x0, s0;
	v2 =	vsel vm8, $0x3F800000, v0;
	[tilespmem:s19+$0x8000] =	vst v1  }
0x179: {  	s30 =	sor.u32 $0x200, s0;
	[tilespmem:s19+$0x8080] =	vst v2;
	v2 =	vsel vm10, $0x3F800000, v0  }
0x17a: {  	s21 =	simm.s32 $0x4030;
	[tilespmem:s30+$0x8000] =	vst v2  }
0x17b: {  	v1 =	vld [tilespmem:s21+$0xFFFFFFE0];
	_ =	sdelay $0x4  }
0x17c: {  	vm11 =	veq.s32 v1, $0x0  }
0x17d: {  	vm13 =	veq.s32 v1, $0x1;
	v2 =	vsel vm11, $0x3F800000, v0  }
0x17e: {  	vm12 =	veq.s32 v1, $0x3;
	v3 =	vsel vm13, $0x3F800000, v0;
	[tilespmem:s19+$0x8010] =	vst v2  }
0x17f: {  	vm14 =	veq.s32 v1, $0x2;
	v2 =	vsel vm12, $0x3F800000, v0;
	[tilespmem:s19+$0x8090] =	vst v3  }
0x180: {  	s31 =	sadd.s32 $0x10, s0;
	vm15 =	veq.s32 v1, $0x4;
	[tilespmem:s19+$0x8190] =	vst v2;
	v2 =	vsel vm14, $0x3F800000, v0  }
0x181: {  	s1 =	sor.u32 $0x200, s31;
	v1 =	vsel vm15, $0x3F800000, v0;
	[tilespmem:s19+$0x8110] =	vst v2  }
0x182: {  	[tilespmem:s1+$0x8000] =	vst v1  }
0x183: {  	v1 =	vld [tilespmem:s21+$0xFFFFFFF0]  }
0x184: {  	s22 =	simm.s32 $0x0;
	s23 =	simm.s32 $0x4070  }
0x185: {  	s24 =	simm.s32 $0x40;
	s25 =	sadd.s32 $0x30, s0;
	s26 =	sadd.s32 $0x20, s0  }
.LBB2_10:
0x186: {  	s22 =	sadd.s32 $0x4, s22;
	p0 =	por !p0, !p0;
	s20 =	sadd.s32 $0x200, s20  }
0x187: {  	p1 =	slt.u32 s22, $0xFC  }
0x188: {  	vm0 =	veq.s32 v1, $0x0;
	vm1 =	veq.s32 v1, $0x1;
	vm2 =	veq.s32 v1, $0x2  }
0x189: {  	v2 =	vsel vm0, $0x3F800000, v0;
	v3 =	vsel vm1, $0x3F800000, v0;
	vm0 =	veq.s32 v1, $0x3  }
0x18a: {  	[tilespmem:s19+$0x8020] =	vst v2;
	v2 =	vsel vm2, $0x3F800000, v0;
	v4 =	vsel vm0, $0x3F800000, v0;
	vm0 =	veq.s32 v1, $0x4  }
0x18b: {  	[tilespmem:s19+$0x81A0] =	vst v4  }
0x18c: {  	v1 =	vsel vm0, $0x3F800000, v0;
	[tilespmem:s19+$0x80A0] =	vst v3  }
0x18d: {  	s0 =	sor.u32 $0x200, s26;
	[tilespmem:s19+$0x8120] =	vst v2  }
0x18e: {  	[tilespmem:s0+$0x8000] =	vst v1  }
0x18f: {  	v1 =	vld [tilespmem:s21+$0x0];
	s21 =	smov.u32 s23;
	_ =	sdelay $0x2  }
0x190: {  	s0 =	sand.u32 $0xFC0, s24;
	_ =	sdelay $0x1  }
0x191: {  	vm0 =	veq.s32 v1, $0x0;
	vm1 =	veq.s32 v1, $0x1;
	vm2 =	veq.s32 v1, $0x2  }
0x192: {  	v2 =	vsel vm0, $0x3F800000, v0;
	v3 =	vsel vm1, $0x3F800000, v0;
	vm0 =	veq.s32 v1, $0x3  }
0x193: {  	[tilespmem:s19+$0x8030] =	vst v2;
	v2 =	vsel vm2, $0x3F800000, v0;
	v4 =	vsel vm0, $0x3F800000, v0;
	vm0 =	veq.s32 v1, $0x4  }
0x194: {  	[tilespmem:s19+$0x81B0] =	vst v4  }
0x195: {  	[tilespmem:s19+$0x80B0] =	vst v3  }
0x196: {  	s1 =	sor.u32 $0x200, s25;
	v1 =	vsel vm0, $0x3F800000, v0;
	[tilespmem:s19+$0x8130] =	vst v2  }
0x197: {  	[tilespmem:s1+$0x8000] =	vst v1  }
0x198: {  	v1 =	vld [tilespmem:s0+$0x4000];
	_ =	sdelay $0x4  }
0x199: {  	s1 =	sand.u32 $0x7C00, s20;
	s0 =	sand.u32 $0x40, s24;
	vm0 =	veq.s32 v1, $0x0;
	vm1 =	veq.s32 v1, $0x3;
	vm2 =	veq.s32 v1, $0x4  }
0x19a: {  	s19 =	sor.u32 s0, s1;
	s0 =	simm.s32 $0x1;
	vm3 =	veq.s32 v1, $0x1;
	vm4 =	veq.s32 v1, $0x2;
	v1 =	vsel vm1, $0x3F800000, v0  }
0x19b: {  	s0 =	simm.s32 @!p0 $0x0;
	v2 =	vsel vm0, $0x3F800000, v0;
	v3 =	vsel vm3, $0x3F800000, v0;
	v4 =	vsel vm4, $0x3F800000, v0;
	[tilespmem:s19+$0x8180] =	vst v1  }
0x19c: {  	s0 =	sshll.u32 s0, $0x6;
	v1 =	vsel vm2, $0x3F800000, v0;
	[tilespmem:s19+$0x8100] =	vst v4  }
0x19d: {  	s0 =	sadd.s32 s0, s20;
	[tilespmem:s19+$0x8080] =	vst v3  }
0x19e: {  	s1 =	sor.u32 $0x200, s0;
	s28 =	sadd.s32 $0x10, s0;
	s26 =	sadd.s32 $0x20, s0;
	[tilespmem:s19+$0x8000] =	vst v2  }
0x19f: {  	s25 =	sadd.s32 $0x30, s0;
	[tilespmem:s1+$0x8000] =	vst v1  }
0x1a0: {  	v1 =	vld [tilespmem:s23+$0xFFFFFFE0];
	_ =	sdelay $0x4  }
0x1a1: {  	vm0 =	veq.s32 v1, $0x0;
	vm1 =	veq.s32 v1, $0x1;
	vm2 =	veq.s32 v1, $0x2  }
0x1a2: {  	v2 =	vsel vm0, $0x3F800000, v0;
	v3 =	vsel vm1, $0x3F800000, v0;
	vm0 =	veq.s32 v1, $0x3  }
0x1a3: {  	[tilespmem:s19+$0x8010] =	vst v2;
	v2 =	vsel vm2, $0x3F800000, v0;
	v4 =	vsel vm0, $0x3F800000, v0;
	vm0 =	veq.s32 v1, $0x4  }
0x1a4: {  	[tilespmem:s19+$0x8190] =	vst v4  }
0x1a5: {  	[tilespmem:s19+$0x8090] =	vst v3  }
.Ltmp4:
0x1a6: {  	s0 =	sor.u32 $0x200, s28;
	v1 =	vsel vm0, $0x3F800000, v0;
	[tilespmem:s19+$0x8110] =	vst v2;
	(pc) =	sbr.rel @p1 .LBB2_10-.Ltmp4, $3  }
0x1a7: {  	[tilespmem:s0+$0x8000] =	vst v1  }
0x1a8: {  	v1 =	vld [tilespmem:s23+$0xFFFFFFF0];
	_ =	sdelay $0x1  }
0x1a9: {  	s24 =	sadd.s32 $0x40, s24;
	s23 =	sadd.s32 $0x40, s23  }
0x1aa: {  	_ =	sdelay $0x1  }
0x1ab: {  	vm0 =	veq.s32 v1, $0x0  }
0x1ac: {  	vm1 =	veq.s32 v1, $0x1;
	v2 =	vsel vm0, $0x3F800000, v0  }
0x1ad: {  	vm12 =	veq.s32 v1, $0x3;
	v3 =	vsel vm1, $0x3F800000, v0;
	[tilespmem:s19+$0x8020] =	vst v2  }
0x1ae: {  	vm13 =	veq.s32 v1, $0x2;
	v2 =	vsel vm12, $0x3F800000, v0;
	[tilespmem:s19+$0x80A0] =	vst v3  }
0x1af: {  	vm14 =	veq.s32 v1, $0x4;
	[tilespmem:s19+$0x81A0] =	vst v2;
	v2 =	vsel vm13, $0x3F800000, v0  }
0x1b0: {  	s0 =	sor.u32 $0x200, s26;
	v1 =	vsel vm14, $0x3F800000, v0;
	[tilespmem:s19+$0x8120] =	vst v2  }
0x1b1: {  	[tilespmem:s0+$0x8000] =	vst v1  }
0x1b2: {  	v1 =	vld [tilespmem:s21+$0x0];
	_ =	sdelay $0x4  }
0x1b3: {  	vm15 =	veq.s32 v1, $0x0  }
0x1b4: {  	vm5 =	veq.s32 v1, $0x1;
	v2 =	vsel vm15, $0x3F800000, v0  }
0x1b5: {  	vm4 =	veq.s32 v1, $0x3;
	v3 =	vsel vm5, $0x3F800000, v0;
	[tilespmem:s19+$0x8030] =	vst v2  }
0x1b6: {  	vm6 =	veq.s32 v1, $0x2;
	v2 =	vsel vm4, $0x3F800000, v0;
	[tilespmem:s19+$0x80B0] =	vst v3  }
0x1b7: {  	vm7 =	veq.s32 v1, $0x4;
	[tilespmem:s19+$0x81B0] =	vst v2;
	v2 =	vsel vm6, $0x3F800000, v0  }
0x1b8: {  	s26 =	sor.u32 $0x200, s25;
	v1 =	vsel vm7, $0x3F800000, v0;
	[tilespmem:s19+$0x8130] =	vst v2  }
0x1b9: {  	s19 =	simm.s32 $0x0;
	[tilespmem:s26+$0x8000] =	vst v1  }
0x1ba: {  	[hbm4b:s8+s19] =	stream.linear.scatter [tilespmem:s15], [sflag:$0x1], $0x8000, $0x38;
	[tilespmem:$0x18000] =	vst v63  }
0x1bb: {  	_ =	swait.ge [sflag:s17], $0x8000  }
0x1bc: {  	[sflag:s17] =	ssyncset.done $0x0  }
0x1bd: {  	s28 =	sand.u32 $0xFC0, s19;
	[sflag:s17] =	ssyncadd.s32 $0xFFFF8000  }
0x1be: {  	v1 =	vld [tilespmem:s28+$0x5000];
	_ =	sdelay $0x3  }
0x1bf: {  	s29 =	sand.u32 $0x7C00, s19  }
0x1c0: {  	s25 =	sand.u32 $0x40, s19;
	s22 =	sor.u32 $0x10000, s29;
	vm8 =	veq.s32 v1, $0x0  }
0x1c1: {  	s23 =	sor.u32 $0x10080, s29;
	s1 =	sor.u32 s25, s22;
	vm9 =	veq.s32 v1, $0x1;
	v2 =	vsel vm8, $0x3F800000, v0  }
0x1c2: {  	s21 =	sor.u32 $0x10100, s29;
	s30 =	sor.u32 s25, s23;
	vm10 =	veq.s32 v1, $0x2;
	[tilespmem:s1+$0x0] =	vst v2;
	v2 =	vsel vm9, $0x3F800000, v0  }
0x1c3: {  	s20 =	sor.u32 $0x10180, s29;
	s31 =	sor.u32 s25, s21;
	vm11 =	veq.s32 v1, $0x3;
	[tilespmem:s30+$0x0] =	vst v2;
	v2 =	vsel vm10, $0x3F800000, v0  }
0x1c4: {  	s24 =	sor.u32 $0x10200, s29;
	vm12 =	veq.s32 v1, $0x4;
	v1 =	vsel vm11, $0x3F800000, v0;
	s1 =	sor.u32 s25, s20;
	[tilespmem:s31+$0x0] =	vst v2  }
0x1c5: {  	s26 =	sor.u32 s25, s24;
	[tilespmem:s1+$0x0] =	vst v1;
	v1 =	vsel vm12, $0x3F800000, v0  }
0x1c6: {  	s1 =	simm.s32 $0x5030;
	[tilespmem:s26+$0x0] =	vst v1  }
0x1c7: {  	v1 =	vld [tilespmem:s1+$0xFFFFFFE0];
	_ =	sdelay $0x4  }
0x1c8: {  	s0 =	sor.u32 $0x10, s25;
	vm13 =	veq.s32 v1, $0x0  }
0x1c9: {  	s28 =	sor.u32 s0, s22;
	vm14 =	veq.s32 v1, $0x1;
	v2 =	vsel vm13, $0x3F800000, v0  }
0x1ca: {  	s29 =	sor.u32 s0, s23;
	vm15 =	veq.s32 v1, $0x2;
	[tilespmem:s28+$0x0] =	vst v2;
	v2 =	vsel vm14, $0x3F800000, v0  }
0x1cb: {  	s30 =	sor.u32 s0, s21;
	vm4 =	veq.s32 v1, $0x3;
	[tilespmem:s29+$0x0] =	vst v2;
	v2 =	vsel vm15, $0x3F800000, v0  }
0x1cc: {  	s31 =	sor.u32 s0, s20;
	vm5 =	veq.s32 v1, $0x4;
	v1 =	vsel vm4, $0x3F800000, v0;
	[tilespmem:s30+$0x0] =	vst v2  }
0x1cd: {  	s0 =	sor.u32 s0, s24;
	[tilespmem:s31+$0x0] =	vst v1;
	v1 =	vsel vm5, $0x3F800000, v0  }
0x1ce: {  	[tilespmem:s0+$0x0] =	vst v1  }
0x1cf: {  	v1 =	vld [tilespmem:s1+$0xFFFFFFF0];
	_ =	sdelay $0x4  }
0x1d0: {  	s0 =	sor.u32 $0x20, s25;
	vm6 =	veq.s32 v1, $0x0  }
0x1d1: {  	s28 =	sor.u32 s0, s22;
	vm7 =	veq.s32 v1, $0x1;
	v2 =	vsel vm6, $0x3F800000, v0  }
0x1d2: {  	s29 =	sor.u32 s0, s23;
	vm8 =	veq.s32 v1, $0x2;
	[tilespmem:s28+$0x0] =	vst v2;
	v2 =	vsel vm7, $0x3F800000, v0  }
0x1d3: {  	s30 =	sor.u32 s0, s21;
	vm9 =	veq.s32 v1, $0x3;
	[tilespmem:s29+$0x0] =	vst v2;
	v2 =	vsel vm8, $0x3F800000, v0  }
0x1d4: {  	s31 =	sor.u32 s0, s20;
	vm10 =	veq.s32 v1, $0x4;
	v1 =	vsel vm9, $0x3F800000, v0;
	[tilespmem:s30+$0x0] =	vst v2  }
0x1d5: {  	s0 =	sor.u32 s0, s24;
	[tilespmem:s31+$0x0] =	vst v1;
	v1 =	vsel vm10, $0x3F800000, v0  }
0x1d6: {  	[tilespmem:s0+$0x0] =	vst v1  }
0x1d7: {  	v1 =	vld [tilespmem:s1+$0x0];
	_ =	sdelay $0x4  }
0x1d8: {  	s26 =	sor.u32 $0x30, s25;
	vm11 =	veq.s32 v1, $0x0  }
0x1d9: {  	s28 =	sor.u32 s26, s22;
	vm12 =	veq.s32 v1, $0x1;
	v2 =	vsel vm11, $0x3F800000, v0  }
0x1da: {  	s29 =	sor.u32 s26, s23;
	vm13 =	veq.s32 v1, $0x2;
	[tilespmem:s28+$0x0] =	vst v2;
	v2 =	vsel vm12, $0x3F800000, v0  }
0x1db: {  	s30 =	sor.u32 s26, s21;
	vm14 =	veq.s32 v1, $0x3;
	[tilespmem:s29+$0x0] =	vst v2;
	v2 =	vsel vm13, $0x3F800000, v0  }
0x1dc: {  	s22 =	simm.s32 $0x40;
	s31 =	sor.u32 s26, s20;
	vm15 =	veq.s32 v1, $0x4;
	v1 =	vsel vm14, $0x3F800000, v0;
	[tilespmem:s30+$0x0] =	vst v2  }
0x1dd: {  	s23 =	sor.u32 s26, s24;
	s21 =	simm.s32 $0x4;
	s20 =	simm.s32 $0x5070;
	[tilespmem:s31+$0x0] =	vst v1;
	v1 =	vsel vm15, $0x3F800000, v0  }
.LBB2_12:
0x1de: {  	s21 =	sadd.s32 $0x4, s21;
	s0 =	sand.u32 $0xFC0, s22;
	[tilespmem:s23+$0x0] =	vst v1;
	s19 =	sadd.s32 $0x200, s19  }
0x1df: {  	p0 =	slt.u32 s21, $0xFC;
	v1 =	vld [tilespmem:s0+$0x5000];
	_ =	sdelay $0x3  }
0x1e0: {  	s28 =	sand.u32 $0x40, s22;
	s0 =	sand.u32 $0x7C00, s19  }
0x1e1: {  	s26 =	sor.u32 $0x10000, s0;
	s24 =	sor.u32 $0x10100, s0;
	s23 =	sor.u32 $0x10180, s0;
	vm0 =	veq.s32 v1, $0x0;
	vm1 =	veq.s32 v1, $0x1;
	vm2 =	veq.s32 v1, $0x2  }
0x1e2: {  	s29 =	sor.u32 $0x10080, s0;
	s25 =	sor.u32 $0x10200, s0;
	s1 =	sor.u32 s28, s26;
	vm3 =	veq.s32 v1, $0x4;
	v2 =	vsel vm0, $0x3F800000, v0;
	vm0 =	veq.s32 v1, $0x3  }
0x1e3: {  	s0 =	sor.u32 s28, s29;
	v1 =	vsel vm1, $0x3F800000, v0;
	[tilespmem:s1+$0x0] =	vst v2;
	s1 =	sor.u32 s28, s24  }
0x1e4: {  	[tilespmem:s0+$0x0] =	vst v1;
	v1 =	vsel vm2, $0x3F800000, v0  }
0x1e5: {  	s0 =	sor.u32 s28, s23;
	[tilespmem:s1+$0x0] =	vst v1;
	v1 =	vsel vm0, $0x3F800000, v0  }
0x1e6: {  	[tilespmem:s0+$0x0] =	vst v1;
	v1 =	vsel vm3, $0x3F800000, v0;
	s0 =	sor.u32 s28, s25  }
0x1e7: {  	[tilespmem:s0+$0x0] =	vst v1  }
0x1e8: {  	v1 =	vld [tilespmem:s20+$0xFFFFFFE0];
	_ =	sdelay $0x4  }
0x1e9: {  	s0 =	sor.u32 $0x10, s28;
	vm0 =	veq.s32 v1, $0x0;
	vm1 =	veq.s32 v1, $0x1;
	vm2 =	veq.s32 v1, $0x2  }
0x1ea: {  	s1 =	sor.u32 s0, s26;
	vm3 =	veq.s32 v1, $0x4;
	v2 =	vsel vm0, $0x3F800000, v0;
	vm0 =	veq.s32 v1, $0x3  }
0x1eb: {  	v1 =	vsel vm1, $0x3F800000, v0;
	[tilespmem:s1+$0x0] =	vst v2;
	s1 =	sor.u32 s0, s29  }
0x1ec: {  	[tilespmem:s1+$0x0] =	vst v1;
	v1 =	vsel vm2, $0x3F800000, v0;
	s1 =	sor.u32 s0, s24  }
0x1ed: {  	[tilespmem:s1+$0x0] =	vst v1;
	v1 =	vsel vm0, $0x3F800000, v0;
	s1 =	sor.u32 s0, s23  }
0x1ee: {  	s0 =	sor.u32 s0, s25;
	[tilespmem:s1+$0x0] =	vst v1;
	v1 =	vsel vm3, $0x3F800000, v0  }
0x1ef: {  	[tilespmem:s0+$0x0] =	vst v1  }
0x1f0: {  	v1 =	vld [tilespmem:s20+$0xFFFFFFF0];
	_ =	sdelay $0x4  }
0x1f1: {  	s0 =	sor.u32 $0x20, s28;
	vm0 =	veq.s32 v1, $0x0;
	vm1 =	veq.s32 v1, $0x1;
	vm2 =	veq.s32 v1, $0x2  }
0x1f2: {  	s1 =	sor.u32 s0, s26;
	vm3 =	veq.s32 v1, $0x4;
	v2 =	vsel vm0, $0x3F800000, v0;
	vm0 =	veq.s32 v1, $0x3  }
0x1f3: {  	v1 =	vsel vm1, $0x3F800000, v0;
	[tilespmem:s1+$0x0] =	vst v2;
	s1 =	sor.u32 s0, s29  }
0x1f4: {  	[tilespmem:s1+$0x0] =	vst v1;
	v1 =	vsel vm2, $0x3F800000, v0;
	s1 =	sor.u32 s0, s24  }
0x1f5: {  	[tilespmem:s1+$0x0] =	vst v1;
	v1 =	vsel vm0, $0x3F800000, v0;
	s1 =	sor.u32 s0, s23  }
0x1f6: {  	s0 =	sor.u32 s0, s25;
	[tilespmem:s1+$0x0] =	vst v1;
	v1 =	vsel vm3, $0x3F800000, v0  }
0x1f7: {  	[tilespmem:s0+$0x0] =	vst v1  }
0x1f8: {  	v1 =	vld [tilespmem:s20+$0x0];
	_ =	sdelay $0x4  }
0x1f9: {  	s0 =	sor.u32 $0x30, s28;
	vm0 =	veq.s32 v1, $0x0;
	vm1 =	veq.s32 v1, $0x1;
	vm2 =	veq.s32 v1, $0x2  }
.Ltmp5:
0x1fa: {  	s1 =	sor.u32 s0, s26;
	vm3 =	veq.s32 v1, $0x4;
	v2 =	vsel vm0, $0x3F800000, v0;
	vm0 =	veq.s32 v1, $0x3;
	(pc) =	sbr.rel @p0 .LBB2_12-.Ltmp5, $4  }
0x1fb: {  	v1 =	vsel vm1, $0x3F800000, v0;
	[tilespmem:s1+$0x0] =	vst v2;
	s1 =	sor.u32 s0, s29  }
0x1fc: {  	[tilespmem:s1+$0x0] =	vst v1;
	v1 =	vsel vm2, $0x3F800000, v0;
	s1 =	sor.u32 s0, s24  }
0x1fd: {  	[tilespmem:s1+$0x0] =	vst v1;
	v1 =	vsel vm0, $0x3F800000, v0;
	s1 =	sor.u32 s0, s23  }
0x1fe: {  	s22 =	sadd.s32 $0x40, s22;
	s20 =	sadd.s32 $0x40, s20;
	s23 =	sor.u32 s0, s25;
	[tilespmem:s1+$0x0] =	vst v1;
	v1 =	vsel vm3, $0x3F800000, v0  }
0x1ff: {  	s0 =	sand.u32 $0xFC0, s22;
	[tilespmem:s23+$0x0] =	vst v1  }
0x200: {  	v1 =	vld [tilespmem:s0+$0x5000];
	_ =	sdelay $0x2  }
0x201: {  	s26 =	sadd.s32 $0x200, s19  }
0x202: {  	s0 =	sand.u32 $0x7C00, s26  }
0x203: {  	s24 =	sand.u32 $0x40, s22;
	s22 =	sor.u32 $0x10000, s0;
	vm0 =	veq.s32 v1, $0x0  }
0x204: {  	s23 =	sor.u32 $0x10080, s0;
	s1 =	sor.u32 s24, s22;
	vm1 =	veq.s32 v1, $0x1;
	v2 =	vsel vm0, $0x3F800000, v0  }
0x205: {  	s19 =	sor.u32 $0x10100, s0;
	s28 =	sor.u32 s24, s23;
	vm12 =	veq.s32 v1, $0x2;
	[tilespmem:s1+$0x0] =	vst v2;
	v2 =	vsel vm1, $0x3F800000, v0  }
0x206: {  	s21 =	sor.u32 $0x10180, s0;
	s26 =	sor.u32 s24, s19;
	vm13 =	veq.s32 v1, $0x3;
	[tilespmem:s28+$0x0] =	vst v2;
	v2 =	vsel vm12, $0x3F800000, v0  }
0x207: {  	s25 =	sor.u32 $0x10200, s0;
	s29 =	sor.u32 s24, s21;
	vm14 =	veq.s32 v1, $0x4;
	v1 =	vsel vm13, $0x3F800000, v0;
	[tilespmem:s26+$0x0] =	vst v2  }
0x208: {  	s30 =	sor.u32 s24, s25;
	[tilespmem:s29+$0x0] =	vst v1;
	v1 =	vsel vm14, $0x3F800000, v0  }
0x209: {  	[tilespmem:s30+$0x0] =	vst v1  }
0x20a: {  	v1 =	vld [tilespmem:s20+$0xFFFFFFE0];
	_ =	sdelay $0x4  }
0x20b: {  	s31 =	sor.u32 $0x10, s24;
	vm15 =	veq.s32 v1, $0x0  }
0x20c: {  	s26 =	sor.u32 s31, s22;
	vm4 =	veq.s32 v1, $0x1;
	v2 =	vsel vm15, $0x3F800000, v0  }
0x20d: {  	s28 =	sor.u32 s31, s23;
	vm5 =	veq.s32 v1, $0x2;
	[tilespmem:s26+$0x0] =	vst v2;
	v2 =	vsel vm4, $0x3F800000, v0  }
0x20e: {  	s29 =	sor.u32 s31, s19;
	vm6 =	veq.s32 v1, $0x3;
	[tilespmem:s28+$0x0] =	vst v2;
	v2 =	vsel vm5, $0x3F800000, v0  }
0x20f: {  	s30 =	sor.u32 s31, s21;
	vm7 =	veq.s32 v1, $0x4;
	v1 =	vsel vm6, $0x3F800000, v0;
	[tilespmem:s29+$0x0] =	vst v2  }
0x210: {  	s0 =	sor.u32 s31, s25;
	[tilespmem:s30+$0x0] =	vst v1;
	v1 =	vsel vm7, $0x3F800000, v0  }
0x211: {  	[tilespmem:s0+$0x0] =	vst v1  }
0x212: {  	v1 =	vld [tilespmem:s20+$0xFFFFFFF0];
	_ =	sdelay $0x4  }
0x213: {  	s31 =	sor.u32 $0x20, s24;
	vm8 =	veq.s32 v1, $0x0  }
0x214: {  	s26 =	sor.u32 s31, s22;
	vm9 =	veq.s32 v1, $0x1;
	v2 =	vsel vm8, $0x3F800000, v0  }
0x215: {  	s28 =	sor.u32 s31, s23;
	vm10 =	veq.s32 v1, $0x2;
	[tilespmem:s26+$0x0] =	vst v2;
	v2 =	vsel vm9, $0x3F800000, v0  }
0x216: {  	s29 =	sor.u32 s31, s19;
	vm11 =	veq.s32 v1, $0x3;
	[tilespmem:s28+$0x0] =	vst v2;
	v2 =	vsel vm10, $0x3F800000, v0  }
0x217: {  	s30 =	sor.u32 s31, s21;
	vm12 =	veq.s32 v1, $0x4;
	v1 =	vsel vm11, $0x3F800000, v0;
	[tilespmem:s29+$0x0] =	vst v2  }
0x218: {  	s0 =	sor.u32 s31, s25;
	[tilespmem:s30+$0x0] =	vst v1;
	v1 =	vsel vm12, $0x3F800000, v0  }
0x219: {  	[tilespmem:s0+$0x0] =	vst v1  }
0x21a: {  	v1 =	vld [tilespmem:s20+$0x0];
	_ =	sdelay $0x4  }
0x21b: {  	s31 =	sor.u32 $0x30, s24;
	vm13 =	veq.s32 v1, $0x0  }
0x21c: {  	s20 =	sor.u32 s31, s22;
	vm14 =	veq.s32 v1, $0x1;
	v2 =	vsel vm13, $0x3F800000, v0  }
0x21d: {  	s22 =	sor.u32 s31, s23;
	vm15 =	veq.s32 v1, $0x2;
	[tilespmem:s20+$0x0] =	vst v2;
	v2 =	vsel vm14, $0x3F800000, v0  }
0x21e: {  	s23 =	sor.u32 s31, s19;
	vm4 =	veq.s32 v1, $0x3;
	[tilespmem:s22+$0x0] =	vst v2;
	v2 =	vsel vm15, $0x3F800000, v0  }
0x21f: {  	s24 =	sor.u32 s31, s21;
	vm5 =	veq.s32 v1, $0x4;
	v1 =	vsel vm4, $0x3F800000, v0;
	[tilespmem:s23+$0x0] =	vst v2  }
0x220: {  	s0 =	sor.u32 s31, s25;
	[tilespmem:s24+$0x0] =	vst v1;
	v1 =	vsel vm5, $0x3F800000, v0  }
0x221: {  	s20 =	simm.s32 $0x0;
	[tilespmem:s0+$0x0] =	vst v1  }
0x222: {  	[hbm4b:s9+s20] =	stream.linear.scatter [tilespmem:s16], [sflag:$0x2], $0x8000, $0x38;
	[tilespmem:$0x18000] =	vst v63  }
0x223: {  	_ =	swait.ge [sflag:s14], $0x8000  }
0x224: {  	[sflag:s14] =	ssyncset.done $0x0  }
0x225: {  	s26 =	sand.u32 $0xFC0, s20;
	[sflag:s14] =	ssyncadd.s32 $0xFFFF8000  }
0x226: {  	v1 =	vld [tilespmem:s26+$0x6000];
	_ =	sdelay $0x4  }
0x227: {  	s28 =	sand.u32 $0x40, s20;
	s29 =	sand.u32 $0x7C00, s20;
	vm6 =	veq.s32 v1, $0x3  }
0x228: {  	p0 =	por $0x0, $0x0;
	s19 =	sor.u32 s28, s29;
	s0 =	simm.s32 $0x1;
	vm7 =	veq.s32 v1, $0x2;
	v2 =	vsel vm6, $0x3F800000, v0  }
0x229: {  	s0 =	simm.s32 @!p0 $0x0;
	vm9 =	veq.s32 v1, $0x0;
	v3 =	vsel vm7, $0x3F800000, v0;
	[tilespmem:s19+$0x8180] =	vst v2  }
0x22a: {  	s0 =	sshll.u32 s0, $0x6;
	vm8 =	veq.s32 v1, $0x1;
	vm10 =	veq.s32 v1, $0x4;
	v1 =	vsel vm9, $0x3F800000, v0;
	[tilespmem:s19+$0x8100] =	vst v3  }
0x22b: {  	s0 =	sadd.s32 $0x0, s0;
	v2 =	vsel vm8, $0x3F800000, v0;
	[tilespmem:s19+$0x8000] =	vst v1  }
0x22c: {  	s30 =	sor.u32 $0x200, s0;
	[tilespmem:s19+$0x8080] =	vst v2;
	v2 =	vsel vm10, $0x3F800000, v0  }
0x22d: {  	s21 =	simm.s32 $0x6030;
	[tilespmem:s30+$0x8000] =	vst v2  }
0x22e: {  	v1 =	vld [tilespmem:s21+$0xFFFFFFE0];
	_ =	sdelay $0x4  }
0x22f: {  	vm11 =	veq.s32 v1, $0x0  }
0x230: {  	vm13 =	veq.s32 v1, $0x1;
	v2 =	vsel vm11, $0x3F800000, v0  }
0x231: {  	vm12 =	veq.s32 v1, $0x3;
	v3 =	vsel vm13, $0x3F800000, v0;
	[tilespmem:s19+$0x8010] =	vst v2  }
0x232: {  	vm14 =	veq.s32 v1, $0x2;
	v2 =	vsel vm12, $0x3F800000, v0;
	[tilespmem:s19+$0x8090] =	vst v3  }
0x233: {  	s31 =	sadd.s32 $0x10, s0;
	vm15 =	veq.s32 v1, $0x4;
	[tilespmem:s19+$0x8190] =	vst v2;
	v2 =	vsel vm14, $0x3F800000, v0  }
0x234: {  	s1 =	sor.u32 $0x200, s31;
	v1 =	vsel vm15, $0x3F800000, v0;
	[tilespmem:s19+$0x8110] =	vst v2  }
0x235: {  	[tilespmem:s1+$0x8000] =	vst v1  }
0x236: {  	v1 =	vld [tilespmem:s21+$0xFFFFFFF0]  }
0x237: {  	s22 =	simm.s32 $0x0;
	s23 =	simm.s32 $0x6070  }
0x238: {  	s24 =	simm.s32 $0x40;
	s25 =	sadd.s32 $0x30, s0;
	s26 =	sadd.s32 $0x20, s0  }
.LBB2_14:
0x239: {  	s22 =	sadd.s32 $0x4, s22;
	p0 =	por !p0, !p0;
	s20 =	sadd.s32 $0x200, s20  }
0x23a: {  	p1 =	slt.u32 s22, $0xFC  }
0x23b: {  	vm0 =	veq.s32 v1, $0x0;
	vm1 =	veq.s32 v1, $0x1;
	vm2 =	veq.s32 v1, $0x2  }
0x23c: {  	v2 =	vsel vm0, $0x3F800000, v0;
	v3 =	vsel vm1, $0x3F800000, v0;
	vm0 =	veq.s32 v1, $0x3  }
0x23d: {  	[tilespmem:s19+$0x8020] =	vst v2;
	v2 =	vsel vm2, $0x3F800000, v0;
	v4 =	vsel vm0, $0x3F800000, v0;
	vm0 =	veq.s32 v1, $0x4  }
0x23e: {  	[tilespmem:s19+$0x81A0] =	vst v4  }
0x23f: {  	v1 =	vsel vm0, $0x3F800000, v0;
	[tilespmem:s19+$0x80A0] =	vst v3  }
0x240: {  	s0 =	sor.u32 $0x200, s26;
	[tilespmem:s19+$0x8120] =	vst v2  }
0x241: {  	[tilespmem:s0+$0x8000] =	vst v1  }
0x242: {  	v1 =	vld [tilespmem:s21+$0x0];
	s21 =	smov.u32 s23;
	_ =	sdelay $0x2  }
0x243: {  	s0 =	sand.u32 $0xFC0, s24;
	_ =	sdelay $0x1  }
0x244: {  	vm0 =	veq.s32 v1, $0x0;
	vm1 =	veq.s32 v1, $0x1;
	vm2 =	veq.s32 v1, $0x2  }
0x245: {  	v2 =	vsel vm0, $0x3F800000, v0;
	v3 =	vsel vm1, $0x3F800000, v0;
	vm0 =	veq.s32 v1, $0x3  }
0x246: {  	[tilespmem:s19+$0x8030] =	vst v2;
	v2 =	vsel vm2, $0x3F800000, v0;
	v4 =	vsel vm0, $0x3F800000, v0;
	vm0 =	veq.s32 v1, $0x4  }
0x247: {  	[tilespmem:s19+$0x81B0] =	vst v4  }
0x248: {  	[tilespmem:s19+$0x80B0] =	vst v3  }
0x249: {  	s1 =	sor.u32 $0x200, s25;
	v1 =	vsel vm0, $0x3F800000, v0;
	[tilespmem:s19+$0x8130] =	vst v2  }
0x24a: {  	[tilespmem:s1+$0x8000] =	vst v1  }
0x24b: {  	v1 =	vld [tilespmem:s0+$0x6000];
	_ =	sdelay $0x4  }
0x24c: {  	s1 =	sand.u32 $0x7C00, s20;
	s0 =	sand.u32 $0x40, s24;
	vm0 =	veq.s32 v1, $0x0;
	vm1 =	veq.s32 v1, $0x3;
	vm2 =	veq.s32 v1, $0x4  }
0x24d: {  	s19 =	sor.u32 s0, s1;
	s0 =	simm.s32 $0x1;
	vm3 =	veq.s32 v1, $0x1;
	vm4 =	veq.s32 v1, $0x2;
	v1 =	vsel vm1, $0x3F800000, v0  }
0x24e: {  	s0 =	simm.s32 @!p0 $0x0;
	v2 =	vsel vm0, $0x3F800000, v0;
	v3 =	vsel vm3, $0x3F800000, v0;
	v4 =	vsel vm4, $0x3F800000, v0;
	[tilespmem:s19+$0x8180] =	vst v1  }
0x24f: {  	s0 =	sshll.u32 s0, $0x6;
	v1 =	vsel vm2, $0x3F800000, v0;
	[tilespmem:s19+$0x8100] =	vst v4  }
0x250: {  	s0 =	sadd.s32 s0, s20;
	[tilespmem:s19+$0x8080] =	vst v3  }
0x251: {  	s1 =	sor.u32 $0x200, s0;
	s28 =	sadd.s32 $0x10, s0;
	s26 =	sadd.s32 $0x20, s0;
	[tilespmem:s19+$0x8000] =	vst v2  }
0x252: {  	s25 =	sadd.s32 $0x30, s0;
	[tilespmem:s1+$0x8000] =	vst v1  }
0x253: {  	v1 =	vld [tilespmem:s23+$0xFFFFFFE0];
	_ =	sdelay $0x4  }
0x254: {  	vm0 =	veq.s32 v1, $0x0;
	vm1 =	veq.s32 v1, $0x1;
	vm2 =	veq.s32 v1, $0x2  }
0x255: {  	v2 =	vsel vm0, $0x3F800000, v0;
	v3 =	vsel vm1, $0x3F800000, v0;
	vm0 =	veq.s32 v1, $0x3  }
0x256: {  	[tilespmem:s19+$0x8010] =	vst v2;
	v2 =	vsel vm2, $0x3F800000, v0;
	v4 =	vsel vm0, $0x3F800000, v0;
	vm0 =	veq.s32 v1, $0x4  }
0x257: {  	[tilespmem:s19+$0x8190] =	vst v4  }
0x258: {  	[tilespmem:s19+$0x8090] =	vst v3  }
.Ltmp6:
0x259: {  	s0 =	sor.u32 $0x200, s28;
	v1 =	vsel vm0, $0x3F800000, v0;
	[tilespmem:s19+$0x8110] =	vst v2;
	(pc) =	sbr.rel @p1 .LBB2_14-.Ltmp6, $3  }
0x25a: {  	[tilespmem:s0+$0x8000] =	vst v1  }
0x25b: {  	v1 =	vld [tilespmem:s23+$0xFFFFFFF0];
	_ =	sdelay $0x1  }
0x25c: {  	s24 =	sadd.s32 $0x40, s24;
	s23 =	sadd.s32 $0x40, s23  }
0x25d: {  	_ =	sdelay $0x1  }
0x25e: {  	vm0 =	veq.s32 v1, $0x0  }
0x25f: {  	vm1 =	veq.s32 v1, $0x1;
	v2 =	vsel vm0, $0x3F800000, v0  }
0x260: {  	vm12 =	veq.s32 v1, $0x3;
	v3 =	vsel vm1, $0x3F800000, v0;
	[tilespmem:s19+$0x8020] =	vst v2  }
0x261: {  	vm13 =	veq.s32 v1, $0x2;
	v2 =	vsel vm12, $0x3F800000, v0;
	[tilespmem:s19+$0x80A0] =	vst v3  }
0x262: {  	vm14 =	veq.s32 v1, $0x4;
	[tilespmem:s19+$0x81A0] =	vst v2;
	v2 =	vsel vm13, $0x3F800000, v0  }
0x263: {  	s0 =	sor.u32 $0x200, s26;
	v1 =	vsel vm14, $0x3F800000, v0;
	[tilespmem:s19+$0x8120] =	vst v2  }
0x264: {  	[tilespmem:s0+$0x8000] =	vst v1  }
0x265: {  	v1 =	vld [tilespmem:s21+$0x0];
	_ =	sdelay $0x4  }
0x266: {  	vm15 =	veq.s32 v1, $0x0  }
0x267: {  	vm5 =	veq.s32 v1, $0x1;
	v2 =	vsel vm15, $0x3F800000, v0  }
0x268: {  	vm4 =	veq.s32 v1, $0x3;
	v3 =	vsel vm5, $0x3F800000, v0;
	[tilespmem:s19+$0x8030] =	vst v2  }
0x269: {  	vm6 =	veq.s32 v1, $0x2;
	v2 =	vsel vm4, $0x3F800000, v0;
	[tilespmem:s19+$0x80B0] =	vst v3  }
0x26a: {  	vm7 =	veq.s32 v1, $0x4;
	[tilespmem:s19+$0x81B0] =	vst v2;
	v2 =	vsel vm6, $0x3F800000, v0  }
0x26b: {  	s26 =	sor.u32 $0x200, s25;
	v1 =	vsel vm7, $0x3F800000, v0;
	[tilespmem:s19+$0x8130] =	vst v2  }
0x26c: {  	s19 =	simm.s32 $0x0;
	[tilespmem:s26+$0x8000] =	vst v1  }
0x26d: {  	[hbm4b:s10+s19] =	stream.linear.scatter [tilespmem:s15], [sflag:$0x1], $0x8000, $0x38;
	[tilespmem:$0x18000] =	vst v63  }
0x26e: {  	_ =	swait.ge [sflag:s17], $0x8000  }
0x26f: {  	[sflag:s17] =	ssyncset.done $0x0  }
0x270: {  	s28 =	sand.u32 $0xFC0, s19;
	[sflag:s17] =	ssyncadd.s32 $0xFFFF8000  }
0x271: {  	v1 =	vld [tilespmem:s28+$0x7000];
	_ =	sdelay $0x3  }
0x272: {  	s29 =	sand.u32 $0x7C00, s19  }
0x273: {  	s25 =	sand.u32 $0x40, s19;
	s22 =	sor.u32 $0x10000, s29;
	vm8 =	veq.s32 v1, $0x0  }
0x274: {  	s23 =	sor.u32 $0x10080, s29;
	s1 =	sor.u32 s25, s22;
	vm9 =	veq.s32 v1, $0x1;
	v2 =	vsel vm8, $0x3F800000, v0  }
0x275: {  	s21 =	sor.u32 $0x10100, s29;
	s30 =	sor.u32 s25, s23;
	vm10 =	veq.s32 v1, $0x2;
	[tilespmem:s1+$0x0] =	vst v2;
	v2 =	vsel vm9, $0x3F800000, v0  }
0x276: {  	s20 =	sor.u32 $0x10180, s29;
	s31 =	sor.u32 s25, s21;
	vm11 =	veq.s32 v1, $0x3;
	[tilespmem:s30+$0x0] =	vst v2;
	v2 =	vsel vm10, $0x3F800000, v0  }
0x277: {  	s24 =	sor.u32 $0x10200, s29;
	vm12 =	veq.s32 v1, $0x4;
	v1 =	vsel vm11, $0x3F800000, v0;
	s1 =	sor.u32 s25, s20;
	[tilespmem:s31+$0x0] =	vst v2  }
0x278: {  	s26 =	sor.u32 s25, s24;
	[tilespmem:s1+$0x0] =	vst v1;
	v1 =	vsel vm12, $0x3F800000, v0  }
0x279: {  	s1 =	simm.s32 $0x7030;
	[tilespmem:s26+$0x0] =	vst v1  }
0x27a: {  	v1 =	vld [tilespmem:s1+$0xFFFFFFE0];
	_ =	sdelay $0x4  }
0x27b: {  	s0 =	sor.u32 $0x10, s25;
	vm13 =	veq.s32 v1, $0x0  }
0x27c: {  	s28 =	sor.u32 s0, s22;
	vm14 =	veq.s32 v1, $0x1;
	v2 =	vsel vm13, $0x3F800000, v0  }
0x27d: {  	s29 =	sor.u32 s0, s23;
	vm15 =	veq.s32 v1, $0x2;
	[tilespmem:s28+$0x0] =	vst v2;
	v2 =	vsel vm14, $0x3F800000, v0  }
0x27e: {  	s30 =	sor.u32 s0, s21;
	vm4 =	veq.s32 v1, $0x3;
	[tilespmem:s29+$0x0] =	vst v2;
	v2 =	vsel vm15, $0x3F800000, v0  }
0x27f: {  	s31 =	sor.u32 s0, s20;
	vm5 =	veq.s32 v1, $0x4;
	v1 =	vsel vm4, $0x3F800000, v0;
	[tilespmem:s30+$0x0] =	vst v2  }
0x280: {  	s0 =	sor.u32 s0, s24;
	[tilespmem:s31+$0x0] =	vst v1;
	v1 =	vsel vm5, $0x3F800000, v0  }
0x281: {  	[tilespmem:s0+$0x0] =	vst v1  }
0x282: {  	v1 =	vld [tilespmem:s1+$0xFFFFFFF0];
	_ =	sdelay $0x4  }
0x283: {  	s0 =	sor.u32 $0x20, s25;
	vm6 =	veq.s32 v1, $0x0  }
0x284: {  	s28 =	sor.u32 s0, s22;
	vm7 =	veq.s32 v1, $0x1;
	v2 =	vsel vm6, $0x3F800000, v0  }
0x285: {  	s29 =	sor.u32 s0, s23;
	vm8 =	veq.s32 v1, $0x2;
	[tilespmem:s28+$0x0] =	vst v2;
	v2 =	vsel vm7, $0x3F800000, v0  }
0x286: {  	s30 =	sor.u32 s0, s21;
	vm9 =	veq.s32 v1, $0x3;
	[tilespmem:s29+$0x0] =	vst v2;
	v2 =	vsel vm8, $0x3F800000, v0  }
0x287: {  	s31 =	sor.u32 s0, s20;
	vm10 =	veq.s32 v1, $0x4;
	v1 =	vsel vm9, $0x3F800000, v0;
	[tilespmem:s30+$0x0] =	vst v2  }
0x288: {  	s0 =	sor.u32 s0, s24;
	[tilespmem:s31+$0x0] =	vst v1;
	v1 =	vsel vm10, $0x3F800000, v0  }
0x289: {  	[tilespmem:s0+$0x0] =	vst v1  }
0x28a: {  	v1 =	vld [tilespmem:s1+$0x0];
	_ =	sdelay $0x4  }
0x28b: {  	s26 =	sor.u32 $0x30, s25;
	vm11 =	veq.s32 v1, $0x0  }
0x28c: {  	s28 =	sor.u32 s26, s22;
	vm12 =	veq.s32 v1, $0x1;
	v2 =	vsel vm11, $0x3F800000, v0  }
0x28d: {  	s29 =	sor.u32 s26, s23;
	vm13 =	veq.s32 v1, $0x2;
	[tilespmem:s28+$0x0] =	vst v2;
	v2 =	vsel vm12, $0x3F800000, v0  }
0x28e: {  	s30 =	sor.u32 s26, s21;
	vm14 =	veq.s32 v1, $0x3;
	[tilespmem:s29+$0x0] =	vst v2;
	v2 =	vsel vm13, $0x3F800000, v0  }
0x28f: {  	s22 =	simm.s32 $0x40;
	s31 =	sor.u32 s26, s20;
	vm15 =	veq.s32 v1, $0x4;
	v1 =	vsel vm14, $0x3F800000, v0;
	[tilespmem:s30+$0x0] =	vst v2  }
0x290: {  	s23 =	sor.u32 s26, s24;
	s21 =	simm.s32 $0x4;
	s20 =	simm.s32 $0x7070;
	[tilespmem:s31+$0x0] =	vst v1;
	v1 =	vsel vm15, $0x3F800000, v0  }
.LBB2_16:
0x291: {  	s21 =	sadd.s32 $0x4, s21;
	s0 =	sand.u32 $0xFC0, s22;
	[tilespmem:s23+$0x0] =	vst v1;
	s19 =	sadd.s32 $0x200, s19  }
0x292: {  	p0 =	slt.u32 s21, $0xFC;
	v1 =	vld [tilespmem:s0+$0x7000];
	_ =	sdelay $0x3  }
0x293: {  	s28 =	sand.u32 $0x40, s22;
	s0 =	sand.u32 $0x7C00, s19  }
0x294: {  	s26 =	sor.u32 $0x10000, s0;
	s24 =	sor.u32 $0x10100, s0;
	s23 =	sor.u32 $0x10180, s0;
	vm0 =	veq.s32 v1, $0x0;
	vm1 =	veq.s32 v1, $0x1;
	vm2 =	veq.s32 v1, $0x2  }
0x295: {  	s29 =	sor.u32 $0x10080, s0;
	s25 =	sor.u32 $0x10200, s0;
	s1 =	sor.u32 s28, s26;
	vm3 =	veq.s32 v1, $0x4;
	v2 =	vsel vm0, $0x3F800000, v0;
	vm0 =	veq.s32 v1, $0x3  }
0x296: {  	s0 =	sor.u32 s28, s29;
	v1 =	vsel vm1, $0x3F800000, v0;
	[tilespmem:s1+$0x0] =	vst v2;
	s1 =	sor.u32 s28, s24  }
0x297: {  	[tilespmem:s0+$0x0] =	vst v1;
	v1 =	vsel vm2, $0x3F800000, v0  }
0x298: {  	s0 =	sor.u32 s28, s23;
	[tilespmem:s1+$0x0] =	vst v1;
	v1 =	vsel vm0, $0x3F800000, v0  }
0x299: {  	[tilespmem:s0+$0x0] =	vst v1;
	v1 =	vsel vm3, $0x3F800000, v0;
	s0 =	sor.u32 s28, s25  }
0x29a: {  	[tilespmem:s0+$0x0] =	vst v1  }
0x29b: {  	v1 =	vld [tilespmem:s20+$0xFFFFFFE0];
	_ =	sdelay $0x4  }
0x29c: {  	s0 =	sor.u32 $0x10, s28;
	vm0 =	veq.s32 v1, $0x0;
	vm1 =	veq.s32 v1, $0x1;
	vm2 =	veq.s32 v1, $0x2  }
0x29d: {  	s1 =	sor.u32 s0, s26;
	vm3 =	veq.s32 v1, $0x4;
	v2 =	vsel vm0, $0x3F800000, v0;
	vm0 =	veq.s32 v1, $0x3  }
0x29e: {  	v1 =	vsel vm1, $0x3F800000, v0;
	[tilespmem:s1+$0x0] =	vst v2;
	s1 =	sor.u32 s0, s29  }
0x29f: {  	[tilespmem:s1+$0x0] =	vst v1;
	v1 =	vsel vm2, $0x3F800000, v0;
	s1 =	sor.u32 s0, s24  }
0x2a0: {  	[tilespmem:s1+$0x0] =	vst v1;
	v1 =	vsel vm0, $0x3F800000, v0;
	s1 =	sor.u32 s0, s23  }
0x2a1: {  	s0 =	sor.u32 s0, s25;
	[tilespmem:s1+$0x0] =	vst v1;
	v1 =	vsel vm3, $0x3F800000, v0  }
0x2a2: {  	[tilespmem:s0+$0x0] =	vst v1  }
0x2a3: {  	v1 =	vld [tilespmem:s20+$0xFFFFFFF0];
	_ =	sdelay $0x4  }
0x2a4: {  	s0 =	sor.u32 $0x20, s28;
	vm0 =	veq.s32 v1, $0x0;
	vm1 =	veq.s32 v1, $0x1;
	vm2 =	veq.s32 v1, $0x2  }
0x2a5: {  	s1 =	sor.u32 s0, s26;
	vm3 =	veq.s32 v1, $0x4;
	v2 =	vsel vm0, $0x3F800000, v0;
	vm0 =	veq.s32 v1, $0x3  }
0x2a6: {  	v1 =	vsel vm1, $0x3F800000, v0;
	[tilespmem:s1+$0x0] =	vst v2;
	s1 =	sor.u32 s0, s29  }
0x2a7: {  	[tilespmem:s1+$0x0] =	vst v1;
	v1 =	vsel vm2, $0x3F800000, v0;
	s1 =	sor.u32 s0, s24  }
0x2a8: {  	[tilespmem:s1+$0x0] =	vst v1;
	v1 =	vsel vm0, $0x3F800000, v0;
	s1 =	sor.u32 s0, s23  }
0x2a9: {  	s0 =	sor.u32 s0, s25;
	[tilespmem:s1+$0x0] =	vst v1;
	v1 =	vsel vm3, $0x3F800000, v0  }
0x2aa: {  	[tilespmem:s0+$0x0] =	vst v1  }
0x2ab: {  	v1 =	vld [tilespmem:s20+$0x0];
	_ =	sdelay $0x4  }
0x2ac: {  	s0 =	sor.u32 $0x30, s28;
	vm0 =	veq.s32 v1, $0x0;
	vm1 =	veq.s32 v1, $0x1;
	vm2 =	veq.s32 v1, $0x2  }
.Ltmp7:
0x2ad: {  	s1 =	sor.u32 s0, s26;
	vm3 =	veq.s32 v1, $0x4;
	v2 =	vsel vm0, $0x3F800000, v0;
	vm0 =	veq.s32 v1, $0x3;
	(pc) =	sbr.rel @p0 .LBB2_16-.Ltmp7, $4  }
0x2ae: {  	v1 =	vsel vm1, $0x3F800000, v0;
	[tilespmem:s1+$0x0] =	vst v2;
	s1 =	sor.u32 s0, s29  }
0x2af: {  	[tilespmem:s1+$0x0] =	vst v1;
	v1 =	vsel vm2, $0x3F800000, v0;
	s1 =	sor.u32 s0, s24  }
0x2b0: {  	[tilespmem:s1+$0x0] =	vst v1;
	v1 =	vsel vm0, $0x3F800000, v0;
	s1 =	sor.u32 s0, s23  }
0x2b1: {  	s22 =	sadd.s32 $0x40, s22;
	s20 =	sadd.s32 $0x40, s20;
	s23 =	sor.u32 s0, s25;
	[tilespmem:s1+$0x0] =	vst v1;
	v1 =	vsel vm3, $0x3F800000, v0  }
0x2b2: {  	s0 =	sand.u32 $0xFC0, s22;
	[tilespmem:s23+$0x0] =	vst v1  }
0x2b3: {  	v1 =	vld [tilespmem:s0+$0x7000];
	_ =	sdelay $0x2  }
0x2b4: {  	s29 =	sadd.s32 $0x200, s19  }
0x2b5: {  	s0 =	sand.u32 $0x7C00, s29  }
0x2b6: {  	s24 =	sand.u32 $0x40, s22;
	s22 =	sor.u32 $0x10000, s0;
	vm0 =	veq.s32 v1, $0x0  }
0x2b7: {  	s23 =	sor.u32 $0x10080, s0;
	s1 =	sor.u32 s24, s22;
	vm1 =	veq.s32 v1, $0x1;
	v2 =	vsel vm0, $0x3F800000, v0  }
0x2b8: {  	s19 =	sor.u32 $0x10100, s0;
	s30 =	sor.u32 s24, s23;
	vm10 =	veq.s32 v1, $0x2;
	[tilespmem:s1+$0x0] =	vst v2;
	v2 =	vsel vm1, $0x3F800000, v0  }
0x2b9: {  	s21 =	sor.u32 $0x10180, s0;
	s26 =	sor.u32 s24, s19;
	vm11 =	veq.s32 v1, $0x3;
	[tilespmem:s30+$0x0] =	vst v2;
	v2 =	vsel vm10, $0x3F800000, v0  }
0x2ba: {  	s25 =	sor.u32 $0x10200, s0;
	s31 =	sor.u32 s24, s21;
	vm12 =	veq.s32 v1, $0x4;
	v1 =	vsel vm11, $0x3F800000, v0;
	[tilespmem:s26+$0x0] =	vst v2  }
0x2bb: {  	s1 =	sor.u32 s24, s25;
	[tilespmem:s31+$0x0] =	vst v1;
	v1 =	vsel vm12, $0x3F800000, v0  }
0x2bc: {  	[tilespmem:s1+$0x0] =	vst v1  }
0x2bd: {  	v1 =	vld [tilespmem:s20+$0xFFFFFFE0];
	_ =	sdelay $0x4  }
0x2be: {  	s26 =	sor.u32 $0x10, s24;
	vm13 =	veq.s32 v1, $0x0  }
0x2bf: {  	s28 =	sor.u32 s26, s22;
	vm14 =	veq.s32 v1, $0x1;
	v2 =	vsel vm13, $0x3F800000, v0  }
0x2c0: {  	s29 =	sor.u32 s26, s23;
	vm15 =	veq.s32 v1, $0x2;
	[tilespmem:s28+$0x0] =	vst v2;
	v2 =	vsel vm14, $0x3F800000, v0  }
0x2c1: {  	s30 =	sor.u32 s26, s19;
	vm4 =	veq.s32 v1, $0x3;
	[tilespmem:s29+$0x0] =	vst v2;
	v2 =	vsel vm15, $0x3F800000, v0  }
0x2c2: {  	s31 =	sor.u32 s26, s21;
	vm5 =	veq.s32 v1, $0x4;
	v1 =	vsel vm4, $0x3F800000, v0;
	[tilespmem:s30+$0x0] =	vst v2  }
0x2c3: {  	s0 =	sor.u32 s26, s25;
	[tilespmem:s31+$0x0] =	vst v1;
	v1 =	vsel vm5, $0x3F800000, v0  }
0x2c4: {  	[tilespmem:s0+$0x0] =	vst v1  }
0x2c5: {  	v1 =	vld [tilespmem:s20+$0xFFFFFFF0];
	_ =	sdelay $0x4  }
0x2c6: {  	s26 =	sor.u32 $0x20, s24;
	vm6 =	veq.s32 v1, $0x0  }
0x2c7: {  	s28 =	sor.u32 s26, s22;
	vm7 =	veq.s32 v1, $0x1;
	v2 =	vsel vm6, $0x3F800000, v0  }
0x2c8: {  	s29 =	sor.u32 s26, s23;
	vm8 =	veq.s32 v1, $0x2;
	[tilespmem:s28+$0x0] =	vst v2;
	v2 =	vsel vm7, $0x3F800000, v0  }
0x2c9: {  	s30 =	sor.u32 s26, s19;
	vm9 =	veq.s32 v1, $0x3;
	[tilespmem:s29+$0x0] =	vst v2;
	v2 =	vsel vm8, $0x3F800000, v0  }
0x2ca: {  	s31 =	sor.u32 s26, s21;
	vm10 =	veq.s32 v1, $0x4;
	v1 =	vsel vm9, $0x3F800000, v0;
	[tilespmem:s30+$0x0] =	vst v2  }
0x2cb: {  	s0 =	sor.u32 s26, s25;
	[tilespmem:s31+$0x0] =	vst v1;
	v1 =	vsel vm10, $0x3F800000, v0  }
0x2cc: {  	[tilespmem:s0+$0x0] =	vst v1  }
0x2cd: {  	v1 =	vld [tilespmem:s20+$0x0];
	_ =	sdelay $0x4  }
0x2ce: {  	s26 =	sor.u32 $0x30, s24;
	vm11 =	veq.s32 v1, $0x0  }
0x2cf: {  	s28 =	sor.u32 s26, s22;
	vm12 =	veq.s32 v1, $0x1;
	v2 =	vsel vm11, $0x3F800000, v0  }
0x2d0: {  	s29 =	sor.u32 s26, s23;
	vm13 =	veq.s32 v1, $0x2;
	[tilespmem:s28+$0x0] =	vst v2;
	v2 =	vsel vm12, $0x3F800000, v0  }
0x2d1: {  	s30 =	sor.u32 s26, s19;
	vm14 =	veq.s32 v1, $0x3;
	[tilespmem:s29+$0x0] =	vst v2;
	v2 =	vsel vm13, $0x3F800000, v0  }
0x2d2: {  	s31 =	sor.u32 s26, s21;
	vm15 =	veq.s32 v1, $0x4;
	v1 =	vsel vm14, $0x3F800000, v0;
	[tilespmem:s30+$0x0] =	vst v2  }
0x2d3: {  	s0 =	sor.u32 s26, s25;
	[tilespmem:s31+$0x0] =	vst v1;
	v1 =	vsel vm15, $0x3F800000, v0  }
0x2d4: {  	s18 =	sadd.s32 $0x1, s18;
	[tilespmem:s0+$0x0] =	vst v1  }
0x2d5: {  	[hbm4b:s11+s2] =	stream.linear.scatter [tilespmem:s16], [sflag:$0x2], $0x8000, $0x38;
	[tilespmem:$0x18000] =	vst v63  }
0x2d6: {  	p0 =	sne.s32 s18, s12;
	_ =	swait.ge [sflag:s14], $0x8000  }
.Ltmp8:
0x2d7: {  	[sflag:s14] =	ssyncset.done $0x0;
	(pc) =	sbr.rel @p0 .LBB2_1-.Ltmp8, $4  }
0x2d8: {  	[sflag:s14] =	ssyncadd.s32 $0xFFFF8000  }
0x2d9: {  	_ =	swait.ge [sflag:s17], $0x8000  }
0x2da: {  	[sflag:s17] =	ssyncset.done $0x0  }
0x2db: {  	[sflag:s17] =	ssyncadd.s32 $0xFFFF8000  }
0x2dc: {  	_ =	sfence.sel $0x180000  }
0x2dd: {  	[bflag:$0x0] =	sbarrier.arrive $0xFFFF  }
0x2de: {  	_ =	strace $0x90000047  }
0x2df: {  	s0 =	stileid.u32;
	[bflag:$0x2] =	sbarrier.arrive $0xFFFF  }
0x2e0: {  	p0 =	sne.s32 s0, $0x0;
	s0 =	rddreg [dreg:$0x2]  }
0x2e1: {  	s0 =	sadd.s32 @!p0 $0x100000, s0  }
0x2e2: {  	[sflag:s0] =	ssyncadd.tile.s32 @!p0 $0x1;
	_ =	shalt  }
.Lfunc_end2:
_tile_overlayer_lowered:
.L_overlay_start_2:
0x2e3: {  	(tag) =	ssettag $0x2  }
0x2e4: {  	s0 =	rddreg [dreg:$0x0];
	s2 =	stileid.u32  }
0x2e5: {  	s1 =	rddreg [dreg:$0x1];
	p0 =	sne.s32 s2, $0x0  }
0x2e6: {  	s3 =	rddreg [dreg:$0x2];
	[bflag:$0x3] =	sbarrier.arrive $0xFFFF;
	s2 =	simm.s32 @!p0 $0x1C03  }
0x2e7: {  	[timem:s3], [sflag:s2] =	dma.local @!p0 [hbm:s0], s1  }
0x2e8: {  	s0 =	simm.s32 @!p0 $0x3  }
0x2e9: {  	_ =	swait.ge @!p0 [sflag:s0], s1  }
0x2ea: {  	s1 =	ssub.s32 @!p0 $0x0, s1;
	[sflag:s0] =	ssyncset.done @!p0 $0x0  }
0x2eb: {  	[sflag:s0] =	ssyncadd.s32 @!p0 s1  }
0x2ec: {  	[bflag:$0x3] =	sbarrier.arrive $0xFFFF  }
0x2ed: {  	_ =	shalt  }

</sc_bundles>
